<compile_context>
chip_gen: v7x
topology: tpu7x:2x2x1
jax: 0.10.2.dev20260603
libtpu: 0.0.44.dev20260713+nightly
codegen_flags: <defaults>
</compile_context>

<pallas_src>
import functools

import jax
import jax.numpy as jnp
from jax import lax
from jax.experimental import pallas as pl
from jax.experimental.pallas import tpu as pltpu
from jax.experimental.pallas import tpu_sc as plsc

N_CORES = 2
N_SUBCORES = 16
LANES = 16
CHUNK = 128
D = 128
DH = 64


def _sc_scatter_layer(n_src2, n_pad, T, W):
    rpt = n_pad // N_SUBCORES
    mesh = plsc.VectorSubcoreMesh(core_axis_name="c", subcore_axis_name="s")

    @functools.partial(
        pl.kernel,
        out_type=jax.ShapeDtypeStruct((N_CORES * n_pad, W), jnp.float32),
        mesh=mesh,
        scratch_types=[
            pltpu.VMEM((2, CHUNK), jnp.int32),
            pltpu.VMEM((2, CHUNK), jnp.int32),
            pltpu.VMEM((2, CHUNK), jnp.int32),
            pltpu.VMEM((2, CHUNK), jnp.int32),
            pltpu.VMEM((CHUNK, W), jnp.float32),
            pltpu.VMEM((CHUNK, W), jnp.float32),
            pltpu.VMEM_SHARED((n_pad, W), jnp.float32),
            pltpu.SemaphoreType.DMA,
            pltpu.SemaphoreType.DMA,
            pltpu.SemaphoreType.DMA,
            pltpu.SemaphoreType.DMA,
            pltpu.SemaphoreType.DMA,
            pltpu.SemaphoreType.DMA,
        ],
        compiler_params=pltpu.CompilerParams(use_tc_tiling_on_sc=False),
    )
    def k(h2_hbm, idx_hbm, zeros_hbm, out_hbm,
          ib0, ib1, ib2, ib3, rows0, rows1, acc_sh,
          semg0, semg1, si0, si1, si2, si3):
        c = lax.axis_index("c")
        s = lax.axis_index("s")
        ibs = (ib0, ib1, ib2, ib3)
        sis = (si0, si1, si2, si3)

        pltpu.sync_copy(idx_hbm.at[c, s, 0], ib0)
        pltpu.sync_copy(idx_hbm.at[c, s, 1], ib1)
        pltpu.sync_copy(idx_hbm.at[c, s, 2], ib2)
        pltpu.sync_copy(idx_hbm.at[c, s, 3], ib3)
        pltpu.sync_copy(zeros_hbm.at[pl.ds(s * rpt, rpt)],
                        acc_sh.at[pl.ds(s * rpt, rpt)])
        plsc.subcore_barrier()

        pltpu.async_copy(h2_hbm.at[ib0.at[0]], rows0, semg0)
        pltpu.async_copy(h2_hbm.at[ib1.at[0]], rows1, semg1)

        def step(i, kk):
            rows, semg = (rows0, semg0) if kk % 2 == 0 else (rows1, semg1)
            ib = ibs[kk]
            pltpu.make_async_copy(h2_hbm.at[ib.at[0]], rows, semg).wait()
            pltpu.sync_copy(rows, acc_sh.at[ib.at[1]], add=True)

            @pl.when(i + 4 < T)
            def _():
                pltpu.async_copy(idx_hbm.at[c, s, i + 4], ib, sis[kk])

            kn = (kk + 2) % 4
            ibn = ibs[kn]

            @pl.when((i + 2 < T) & (i >= 2))
            def _():
                pltpu.make_async_copy(idx_hbm.at[c, s, i + 2], ibn,
                                      sis[kn]).wait()

            @pl.when(i + 2 < T)
            def _():
                pltpu.async_copy(h2_hbm.at[ibn.at[0]], rows, semg)

        def body(g, carry):
            for kk in range(4):
                step(4 * g + kk, kk)
            return carry

        lax.fori_loop(0, T // 4, body, 0)
        plsc.subcore_barrier()

        pltpu.sync_copy(acc_sh.at[pl.ds(s * rpt, rpt)],
                        out_hbm.at[pl.ds(c * n_pad + s * rpt, rpt)])

    return k


def _sc_scatter_deep(n_src2, n_pad, T, W):
    rpt = n_pad // N_SUBCORES
    mesh = plsc.VectorSubcoreMesh(core_axis_name="c", subcore_axis_name="s")

    @functools.partial(
        pl.kernel,
        out_type=jax.ShapeDtypeStruct((N_CORES * n_pad, W), jnp.float32),
        mesh=mesh,
        scratch_types=(
            [pltpu.VMEM((2, CHUNK), jnp.int32)] * 8
            + [pltpu.VMEM((CHUNK, W), jnp.float32)] * 4
            + [pltpu.VMEM_SHARED((n_pad, W), jnp.float32)]
            + [pltpu.SemaphoreType.DMA] * 16
        ),
        compiler_params=pltpu.CompilerParams(use_tc_tiling_on_sc=False),
    )
    def k(h2_hbm, idx_hbm, zeros_hbm, out_hbm, *refs):
        ibs = refs[0:8]
        rows = refs[8:12]
        acc_sh = refs[12]
        semg = refs[13:17]
        sis = refs[17:25]
        sss = refs[25:29]
        c = lax.axis_index("c")
        s = lax.axis_index("s")

        for j in range(6):
            pltpu.sync_copy(idx_hbm.at[c, s, j], ibs[j])
        pltpu.sync_copy(zeros_hbm.at[pl.ds(s * rpt, rpt)],
                        acc_sh.at[pl.ds(s * rpt, rpt)])
        plsc.subcore_barrier()

        pltpu.async_copy(h2_hbm.at[ibs[0].at[0]], rows[0], semg[0])
        pltpu.async_copy(h2_hbm.at[ibs[1].at[0]], rows[1], semg[1])

        def step(m, mm):
            rb = mm % 4
            kk = mm % 8
            ib = ibs[kk]
            pltpu.make_async_copy(h2_hbm.at[ib.at[0]], rows[rb],
                                  semg[rb]).wait()

            @pl.when(m + 2 < T)
            def _():
                pltpu.async_copy(rows[rb], acc_sh.at[ib.at[1]], sss[rb],
                                 add=True)

            @pl.when(m + 2 >= T)
            def _():
                pltpu.sync_copy(rows[rb], acc_sh.at[ib.at[1]], add=True)

            @pl.when(m >= 2)
            def _():
                pltpu.make_async_copy(
                    rows[(rb + 2) % 4],
                    acc_sh.at[ibs[(kk + 6) % 8].at[1]],
                    sss[(rb + 2) % 4]).wait()

            kn = (kk + 2) % 8

            @pl.when((m + 2 < T) & (m >= 4))
            def _():
                pltpu.make_async_copy(idx_hbm.at[c, s, m + 2], ibs[kn],
                                      sis[kn]).wait()

            @pl.when(m + 2 < T)
            def _():
                pltpu.async_copy(h2_hbm.at[ibs[kn].at[0]],
                                 rows[(rb + 2) % 4], semg[(rb + 2) % 4])

            kp = (kk + 6) % 8

            @pl.when(m + 6 < T)
            def _():
                pltpu.async_copy(idx_hbm.at[c, s, m + 6], ibs[kp], sis[kp])

        def body(g, carry):
            for mm in range(8):
                step(8 * g + mm, mm)
            return carry

        lax.fori_loop(0, T // 8, body, 0)
        plsc.subcore_barrier()

        pltpu.sync_copy(acc_sh.at[pl.ds(s * rpt, rpt)],
                        out_hbm.at[pl.ds(c * n_pad + s * rpt, rpt)])

    return k


def _tc_layer(agg2, h, W_rel2, W_root, b2, gamma2, beta2, n_tgt, W,
              rep=1, head=None, R=1000):
    nt = n_tgt // R
    inv_n = 1.0 / n_tgt
    d_out = 40 if head is not None else D

    def body(agg_ref, h_ref, wr_ref, wroot_ref, b_ref, g_ref, be_ref,
             *rest):
        if head is not None:
            w1_ref, b1_ref, w2_ref, bh2_ref, o_ref, zbuf, acc = rest
        else:
            o_ref, zbuf, acc = rest
        p = pl.program_id(0)
        i = pl.program_id(1)

        @pl.when(p == 0)
        def _():
            agg = agg_ref[...]
            a0 = agg[0, 0]
            a1 = agg[1, 0]
            for rr in range(1, rep):
                a0 = a0 + agg[0, rr]
                a1 = a1 + agg[1, rr]
            if W == D:
                zr = jnp.dot(a0 + a1, wr_ref[0],
                             preferred_element_type=jnp.float32)
            else:
                zr = (jnp.dot(a0, wr_ref[0],
                              preferred_element_type=jnp.float32)
                      + jnp.dot(a1, wr_ref[1],
                                preferred_element_type=jnp.float32))
            z = (zr
                 + jnp.dot(h_ref[...], wroot_ref[...],
                           preferred_element_type=jnp.float32)
                 + b_ref[...])
            zbuf[pl.ds(i * R, R), :] = z

            @pl.when(i == 0)
            def _():
                acc[...] = jnp.zeros_like(acc)

            acc[0:1, :] += jnp.sum(z, axis=0, keepdims=True)
            acc[1:2, :] += jnp.sum(z * z, axis=0, keepdims=True)

        @pl.when(p == 1)
        def _():
            mu = acc[0:1, :] * inv_n
            var = acc[1:2, :] * inv_n - mu * mu
            r = lax.rsqrt(var + 1e-5)
            z = zbuf[pl.ds(i * R, R), :]
            hh = jnp.maximum(g_ref[...] * (z - mu) * r + be_ref[...], 0.0)
            if head is not None:
                t = jnp.maximum(
                    jnp.dot(hh, w1_ref[...],
                            preferred_element_type=jnp.float32)
                    + b1_ref[...], 0.0)
                o_ref[...] = (jnp.dot(t, w2_ref[...],
                                      preferred_element_type=jnp.float32)
                              + bh2_ref[...])
            else:
                o_ref[...] = hh

    const = lambda p, i: (0, 0)
    in_specs = [
        pl.BlockSpec((2, rep, R, W), lambda p, i: (0, 0, i * (1 - p), 0)),
        pl.BlockSpec((R, D), lambda p, i: (i * (1 - p), 0)),
        pl.BlockSpec((2, W, D), lambda p, i: (0, 0, 0)),
        pl.BlockSpec((D, D), const),
        pl.BlockSpec((1, D), const),
        pl.BlockSpec((1, D), const),
        pl.BlockSpec((1, D), const),
    ]
    args = [agg2, h, W_rel2, W_root, b2, gamma2, beta2]
    if head is not None:
        lin1_W, lin1_b2, lin2_W, lin2_b2 = head
        in_specs += [
            pl.BlockSpec((D, 64), const),
            pl.BlockSpec((1, 64), const),
            pl.BlockSpec((64, 40), const),
            pl.BlockSpec((1, 40), const),
        ]
        args += [lin1_W, lin1_b2, lin2_W, lin2_b2]

    return pl.pallas_call(
        body,
        grid=(2, nt),
        in_specs=in_specs,
        out_specs=pl.BlockSpec((R, d_out), lambda p, i: (i * p, 0)),
        out_shape=jax.ShapeDtypeStruct((n_tgt, d_out), jnp.float32),
        scratch_shapes=[pltpu.VMEM((n_tgt, D), jnp.float32),
                        pltpu.VMEM((8, D), jnp.float32)],
    )(*args)


def _spread_dummy(pad, n_tgt, n_pad):
    spare = n_pad - n_tgt
    return n_tgt + (jnp.arange(pad, dtype=jnp.int32) % spare)


_LAYERS = [
    dict(E=400000, n_tgt=25000, T=196, n_pad=25088, mode="col"),
    dict(E=160000, n_tgt=10000, T=80, n_pad=10240, mode="col", deep=True),
    dict(E=80000, n_tgt=5000, T=40, n_pad=5120, mode="col", deep=True),
]


def kernel(x, edge_index_0, edge_index_1, edge_index_2,
           W_rel0, W_root0, b0, gamma0, beta0,
           W_rel1, W_root1, b1, gamma1, beta1,
           W_rel2, W_root2, b2, gamma2, beta2,
           lin1_W, lin1_b, lin2_W, lin2_b):
    eis = [edge_index_0, edge_index_1, edge_index_2]
    params = [(W_rel0, W_root0, b0, gamma0, beta0),
              (W_rel1, W_root1, b1, gamma1, beta1),
              (W_rel2, W_root2, b2, gamma2, beta2)]

    h = x
    for li, cfg in enumerate(_LAYERS):
        E, n_tgt, T, n_pad = cfg["E"], cfg["n_tgt"], cfg["T"], cfg["n_pad"]
        rep = cfg.get("rep", 1)
        W_rel, W_root, b, gamma, beta = params[li]
        ei = eis[li]

        src = ei[0][:E].astype(jnp.int32)
        dst = ei[1][:E].astype(jnp.int32)
        if cfg["mode"] == "col":
            E_ptot = N_SUBCORES * T * CHUNK
            pad = E_ptot - E
            src_p = jnp.concatenate([src, jnp.zeros((pad,), jnp.int32)])
            dst_p = jnp.concatenate([dst, _spread_dummy(pad, n_tgt, n_pad)])
            src2 = jnp.stack([2 * src_p, 2 * src_p + 1])
            src2 = src2.reshape(2, N_SUBCORES, T, 1, CHUNK)
            offs = (jnp.arange(N_SUBCORES, dtype=jnp.int32) % rep) * n_pad
            dstr = (dst_p.reshape(N_SUBCORES, T, 1, CHUNK)
                    + offs[:, None, None, None])
            dst4 = jnp.broadcast_to(dstr[None], src2.shape)
            W = DH
            table = h.reshape(-1, DH)
            W_rel2 = W_rel.reshape(2, DH, D)
        else:
            E_ptot = N_CORES * N_SUBCORES * T * CHUNK
            pad = E_ptot - E
            src_p = jnp.concatenate([src, jnp.zeros((pad,), jnp.int32)])
            dst_p = jnp.concatenate([dst, _spread_dummy(pad, n_tgt, n_pad)])
            src2 = src_p.reshape(2, N_SUBCORES, T, 1, CHUNK)
            dst4 = dst_p.reshape(2, N_SUBCORES, T, 1, CHUNK)
            W = D
            table = h
            W_rel2 = jnp.stack([W_rel, W_rel])
        idx = jnp.concatenate([src2, dst4], axis=3)
        zeros = jnp.zeros((rep * n_pad, W), jnp.float32)

        builder = (_sc_scatter_deep if cfg.get("deep")
                   else _sc_scatter_layer)
        agg_flat = builder(table.shape[0], rep * n_pad, T, W)(
            table, idx, zeros)
        agg2 = agg_flat.reshape(N_CORES, rep, n_pad, W)

        head = None
        if li == 2:
            head = (lin1_W, lin1_b.reshape(1, 64), lin2_W,
                    lin2_b.reshape(1, 40))
        h = _tc_layer(agg2, h, W_rel2, W_root, b.reshape(1, D),
                      gamma.reshape(1, D), beta.reshape(1, D), n_tgt, W,
                      rep, head=head)

    return h

# --- scband reference (transcript-rebuilt; emitter-appended) ---
"""Pipeline reference for scband-gcn-50981261804182 (READ-ONLY COPY).

The authoritative reference and input builder live on the scoring server;
editing this copy changes nothing except your own understanding.
"""

import jax, jax.numpy as jnp
import numpy as np

N0, N1, N2, N3 = 50000, 25000, 10000, 5000
D = 128
NUM_CLASSES = 40
E0, E1, E2 = 400000, 160000, 80000


def setup_inputs(seed: int = 0):
    key = jax.random.key(seed)
    ks = jax.random.split(key, 24)
    inp = {}
    inp['x'] = jax.random.normal(ks[0], (N0, D), dtype=jnp.float32)
    inp['edge_index_0'] = jax.random.randint(ks[1], (2, E0), 0, N1)
    inp['edge_index_1'] = jax.random.randint(ks[2], (2, E1), 0, N2)
    inp['edge_index_2'] = jax.random.randint(ks[3], (2, E2), 0, N3)
    s = 0.05
    for i in range(3):
        inp[f'W_rel{i}'] = jax.random.normal(ks[4 + 2 * i], (D, D), dtype=jnp.float32) * s
        inp[f'W_root{i}'] = jax.random.normal(ks[5 + 2 * i], (D, D), dtype=jnp.float32) * s
        inp[f'b{i}'] = jnp.zeros((D,), dtype=jnp.float32)
        inp[f'gamma{i}'] = jnp.ones((D,), dtype=jnp.float32)
        inp[f'beta{i}'] = jnp.zeros((D,), dtype=jnp.float32)
    inp['lin1_W'] = jax.random.normal(ks[12], (D, 64), dtype=jnp.float32) * s
    inp['lin1_b'] = jnp.zeros((64,), dtype=jnp.float32)
    inp['lin2_W'] = jax.random.normal(ks[13], (64, NUM_CLASSES), dtype=jnp.float32) * s
    inp['lin2_b'] = jnp.zeros((NUM_CLASSES,), dtype=jnp.float32)
    return inp


def _graph_conv(x_src, x_tgt, ei, W_rel, W_root, b, n_tgt):
    # PyG GraphConv (aggr='add') on a bipartite (x_src, x_tgt) pair:
    # out[dst] = (sum_{(src,dst) in E} x_src[src]) @ W_rel + b + x_tgt @ W_root
    msg = x_src[ei[0]]
    agg = jnp.zeros((n_tgt, x_src.shape[1]), dtype=x_src.dtype).at[ei[1]].add(msg)
    return agg @ W_rel + b + x_tgt @ W_root


def _bn(h, gamma, beta):
    mu = h.mean(axis=0)
    var = h.var(axis=0)
    return gamma * (h - mu) / jnp.sqrt(var + 1e-5) + beta


def reference(x, edge_index_0, edge_index_1, edge_index_2,
              W_rel0, W_root0, b0, gamma0, beta0,
              W_rel1, W_root1, b1, gamma1, beta1,
              W_rel2, W_root2, b2, gamma2, beta2,
              lin1_W, lin1_b, lin2_W, lin2_b):
    sizes = [N1, N2, N3]
    eis = [edge_index_0, edge_index_1, edge_index_2]
    params = [(W_rel0, W_root0, b0, gamma0, beta0),
              (W_rel1, W_root1, b1, gamma1, beta1),
              (W_rel2, W_root2, b2, gamma2, beta2)]
    h = x
    for i in range(3):
        n_tgt = sizes[i]
        W_rel, W_root, b, gamma, beta = params[i]
        h_tgt = h[:n_tgt]
        h = _graph_conv(h, h_tgt, eis[i], W_rel, W_root, b, n_tgt)
        h = _bn(h, gamma, beta)
        h = jax.nn.relu(h)
        # dropout p=0.2 is identity in eval mode
    h = jax.nn.relu(h @ lin1_W + lin1_b)
    return h @ lin2_W + lin2_b

if __name__ == "__main__":
    import jax
    _d = setup_inputs()
    print(jax.jit(kernel)(*tuple(_d.values())))

</pallas_src>

<mosaic_0001>
#map = affine_map<(d0, d1) -> (0, 0)>
#map1 = affine_map<(d0, d1) -> (0, 0, 0, 0, 0)>
module attributes {stable_mosaic.version = 14 : i64} {
  func.func @k(%arg0: i32, %arg1: i32, %arg2: memref<50000x64xf32, #tpu.memory_space<hbm>>, %arg3: memref<2x16x80x2x128xi32, #tpu.memory_space<hbm>>, %arg4: memref<10240x64xf32, #tpu.memory_space<hbm>>, %arg5: memref<20480x64xf32, #tpu.memory_space<hbm>>, %arg6: memref<2x128xi32, #tpu.memory_space<vmem>>, %arg7: memref<2x128xi32, #tpu.memory_space<vmem>>, %arg8: memref<2x128xi32, #tpu.memory_space<vmem>>, %arg9: memref<2x128xi32, #tpu.memory_space<vmem>>, %arg10: memref<2x128xi32, #tpu.memory_space<vmem>>, %arg11: memref<2x128xi32, #tpu.memory_space<vmem>>, %arg12: memref<2x128xi32, #tpu.memory_space<vmem>>, %arg13: memref<2x128xi32, #tpu.memory_space<vmem>>, %arg14: memref<128x64xf32, #tpu.memory_space<vmem>>, %arg15: memref<128x64xf32, #tpu.memory_space<vmem>>, %arg16: memref<128x64xf32, #tpu.memory_space<vmem>>, %arg17: memref<128x64xf32, #tpu.memory_space<vmem>>, %arg18: memref<10240x64xf32, #tpu.memory_space<vmem_shared>>, %arg19: memref<!tpu.dma_semaphore, #tpu.memory_space<semaphore_mem>>, %arg20: memref<!tpu.dma_semaphore, #tpu.memory_space<semaphore_mem>>, %arg21: memref<!tpu.dma_semaphore, #tpu.memory_space<semaphore_mem>>, %arg22: memref<!tpu.dma_semaphore, #tpu.memory_space<semaphore_mem>>, %arg23: memref<!tpu.dma_semaphore, #tpu.memory_space<semaphore_mem>>, %arg24: memref<!tpu.dma_semaphore, #tpu.memory_space<semaphore_mem>>, %arg25: memref<!tpu.dma_semaphore, #tpu.memory_space<semaphore_mem>>, %arg26: memref<!tpu.dma_semaphore, #tpu.memory_space<semaphore_mem>>, %arg27: memref<!tpu.dma_semaphore, #tpu.memory_space<semaphore_mem>>, %arg28: memref<!tpu.dma_semaphore, #tpu.memory_space<semaphore_mem>>, %arg29: memref<!tpu.dma_semaphore, #tpu.memory_space<semaphore_mem>>, %arg30: memref<!tpu.dma_semaphore, #tpu.memory_space<semaphore_mem>>, %arg31: memref<!tpu.dma_semaphore, #tpu.memory_space<semaphore_mem>>, %arg32: memref<!tpu.dma_semaphore, #tpu.memory_space<semaphore_mem>>, %arg33: memref<!tpu.dma_semaphore, #tpu.memory_space<semaphore_mem>>, %arg34: memref<!tpu.dma_semaphore, #tpu.memory_space<semaphore_mem>>) attributes {dimension_semantics = [#tpu.dimension_semantics<core_parallel>, #tpu.dimension_semantics<subcore_parallel>], iteration_bounds = array<i64: 2, 16>, scalar_prefetch = 0 : i64, scratch_operands = 29 : i64, tpu.core_type = #tpu.core_type<sc_vector_subcore>, window_params = [{transform_indices = #map}, {transform_indices = #map1}, {transform_indices = #map}, {transform_indices = #map}]} {
    %run_scoped3A = arith.constant 0 : i32
    "tpu.region"() ({
      %run_scoped3A_33 = tpu.sem_alloc : memref<!tpu.dma_semaphore, #tpu.memory_space<semaphore_mem>>
      %dma_start3A_34 = arith.constant 0 : i32
      %dma_start3A_35 = arith.constant 0 : i32
      %dma_start3A_36 = tpu.memref_slice %arg3[%arg0, %arg1, %run_scoped3A, %dma_start3A_34, %dma_start3A_35] : memref<2x16x80x2x128xi32, #tpu.memory_space<hbm>> -> memref<1x1x1x2x128xi32, #tpu.memory_space<hbm>>
      %dma_start3A_37 = tpu.memref_squeeze %dma_start3A_36 : memref<1x1x1x2x128xi32, #tpu.memory_space<hbm>> -> memref<2x128xi32, #tpu.memory_space<hbm>>
      %dma_start3A_38 = arith.constant 0 : i32
      %dma_start3A_39 = arith.constant 0 : i32
      %dma_start3A_40 = tpu.memref_slice %arg3[%arg0, %arg1, %run_scoped3A, %dma_start3A_38, %dma_start3A_39] : memref<2x16x80x2x128xi32, #tpu.memory_space<hbm>> -> memref<1x1x1x2x128xi32, #tpu.memory_space<hbm>>
      %dma_start3A_41 = tpu.memref_squeeze %dma_start3A_40 : memref<1x1x1x2x128xi32, #tpu.memory_space<hbm>> -> memref<2x128xi32, #tpu.memory_space<hbm>>
      tpu.enqueue_dma source(%dma_start3A_41 : memref<2x128xi32, #tpu.memory_space<hbm>>) target(%arg6 : memref<2x128xi32, #tpu.memory_space<vmem>>) target_semaphore(%run_scoped3A_33 : memref<!tpu.dma_semaphore, #tpu.memory_space<semaphore_mem>>)
      %dma_wait3A = arith.constant 0 : i32
      %dma_wait3A_42 = arith.constant 0 : i32
      %dma_wait3A_43 = tpu.memref_slice %arg3[%arg0, %arg1, %run_scoped3A, %dma_wait3A, %dma_wait3A_42] : memref<2x16x80x2x128xi32, #tpu.memory_space<hbm>> -> memref<1x1x1x2x128xi32, #tpu.memory_space<hbm>>
      %dma_wait3A_44 = tpu.memref_squeeze %dma_wait3A_43 : memref<1x1x1x2x128xi32, #tpu.memory_space<hbm>> -> memref<2x128xi32, #tpu.memory_space<hbm>>
      %dma_wait3A_45 = arith.constant 0 : i32
      %dma_wait3A_46 = arith.constant 0 : i32
      %dma_wait3A_47 = tpu.memref_slice %arg3[%arg0, %arg1, %run_scoped3A, %dma_wait3A_45, %dma_wait3A_46] : memref<2x16x80x2x128xi32, #tpu.memory_space<hbm>> -> memref<1x1x1x2x128xi32, #tpu.memory_space<hbm>>
      %dma_wait3A_48 = tpu.memref_squeeze %dma_wait3A_47 : memref<1x1x1x2x128xi32, #tpu.memory_space<hbm>> -> memref<2x128xi32, #tpu.memory_space<hbm>>
      tpu.wait_dma2 semaphore(%run_scoped3A_33 : memref<!tpu.dma_semaphore, #tpu.memory_space<semaphore_mem>>) src(%dma_wait3A_48 : memref<2x128xi32, #tpu.memory_space<hbm>>) dst(%arg6 : memref<2x128xi32, #tpu.memory_space<vmem>>)
      tpu.yield
    }) : () -> ()
    %run_scoped3A_0 = arith.constant 1 : i32
    "tpu.region"() ({
      %run_scoped3A_33 = tpu.sem_alloc : memref<!tpu.dma_semaphore, #tpu.memory_space<semaphore_mem>>
      %dma_start3A_34 = arith.constant 0 : i32
      %dma_start3A_35 = arith.constant 0 : i32
      %dma_start3A_36 = tpu.memref_slice %arg3[%arg0, %arg1, %run_scoped3A_0, %dma_start3A_34, %dma_start3A_35] : memref<2x16x80x2x128xi32, #tpu.memory_space<hbm>> -> memref<1x1x1x2x128xi32, #tpu.memory_space<hbm>>
      %dma_start3A_37 = tpu.memref_squeeze %dma_start3A_36 : memref<1x1x1x2x128xi32, #tpu.memory_space<hbm>> -> memref<2x128xi32, #tpu.memory_space<hbm>>
      %dma_start3A_38 = arith.constant 0 : i32
      %dma_start3A_39 = arith.constant 0 : i32
      %dma_start3A_40 = tpu.memref_slice %arg3[%arg0, %arg1, %run_scoped3A_0, %dma_start3A_38, %dma_start3A_39] : memref<2x16x80x2x128xi32, #tpu.memory_space<hbm>> -> memref<1x1x1x2x128xi32, #tpu.memory_space<hbm>>
      %dma_start3A_41 = tpu.memref_squeeze %dma_start3A_40 : memref<1x1x1x2x128xi32, #tpu.memory_space<hbm>> -> memref<2x128xi32, #tpu.memory_space<hbm>>
      tpu.enqueue_dma source(%dma_start3A_41 : memref<2x128xi32, #tpu.memory_space<hbm>>) target(%arg7 : memref<2x128xi32, #tpu.memory_space<vmem>>) target_semaphore(%run_scoped3A_33 : memref<!tpu.dma_semaphore, #tpu.memory_space<semaphore_mem>>)
      %dma_wait3A = arith.constant 0 : i32
      %dma_wait3A_42 = arith.constant 0 : i32
      %dma_wait3A_43 = tpu.memref_slice %arg3[%arg0, %arg1, %run_scoped3A_0, %dma_wait3A, %dma_wait3A_42] : memref<2x16x80x2x128xi32, #tpu.memory_space<hbm>> -> memref<1x1x1x2x128xi32, #tpu.memory_space<hbm>>
      %dma_wait3A_44 = tpu.memref_squeeze %dma_wait3A_43 : memref<1x1x1x2x128xi32, #tpu.memory_space<hbm>> -> memref<2x128xi32, #tpu.memory_space<hbm>>
      %dma_wait3A_45 = arith.constant 0 : i32
      %dma_wait3A_46 = arith.constant 0 : i32
      %dma_wait3A_47 = tpu.memref_slice %arg3[%arg0, %arg1, %run_scoped3A_0, %dma_wait3A_45, %dma_wait3A_46] : memref<2x16x80x2x128xi32, #tpu.memory_space<hbm>> -> memref<1x1x1x2x128xi32, #tpu.memory_space<hbm>>
      %dma_wait3A_48 = tpu.memref_squeeze %dma_wait3A_47 : memref<1x1x1x2x128xi32, #tpu.memory_space<hbm>> -> memref<2x128xi32, #tpu.memory_space<hbm>>
      tpu.wait_dma2 semaphore(%run_scoped3A_33 : memref<!tpu.dma_semaphore, #tpu.memory_space<semaphore_mem>>) src(%dma_wait3A_48 : memref<2x128xi32, #tpu.memory_space<hbm>>) dst(%arg7 : memref<2x128xi32, #tpu.memory_space<vmem>>)
      tpu.yield
    }) : () -> ()
    %run_scoped3A_1 = arith.constant 2 : i32
    "tpu.region"() ({
      %run_scoped3A_33 = tpu.sem_alloc : memref<!tpu.dma_semaphore, #tpu.memory_space<semaphore_mem>>
      %dma_start3A_34 = arith.constant 0 : i32
      %dma_start3A_35 = arith.constant 0 : i32
      %dma_start3A_36 = tpu.memref_slice %arg3[%arg0, %arg1, %run_scoped3A_1, %dma_start3A_34, %dma_start3A_35] : memref<2x16x80x2x128xi32, #tpu.memory_space<hbm>> -> memref<1x1x1x2x128xi32, #tpu.memory_space<hbm>>
      %dma_start3A_37 = tpu.memref_squeeze %dma_start3A_36 : memref<1x1x1x2x128xi32, #tpu.memory_space<hbm>> -> memref<2x128xi32, #tpu.memory_space<hbm>>
      %dma_start3A_38 = arith.constant 0 : i32
      %dma_start3A_39 = arith.constant 0 : i32
      %dma_start3A_40 = tpu.memref_slice %arg3[%arg0, %arg1, %run_scoped3A_1, %dma_start3A_38, %dma_start3A_39] : memref<2x16x80x2x128xi32, #tpu.memory_space<hbm>> -> memref<1x1x1x2x128xi32, #tpu.memory_space<hbm>>
      %dma_start3A_41 = tpu.memref_squeeze %dma_start3A_40 : memref<1x1x1x2x128xi32, #tpu.memory_space<hbm>> -> memref<2x128xi32, #tpu.memory_space<hbm>>
      tpu.enqueue_dma source(%dma_start3A_41 : memref<2x128xi32, #tpu.memory_space<hbm>>) target(%arg8 : memref<2x128xi32, #tpu.memory_space<vmem>>) target_semaphore(%run_scoped3A_33 : memref<!tpu.dma_semaphore, #tpu.memory_space<semaphore_mem>>)
      %dma_wait3A = arith.constant 0 : i32
      %dma_wait3A_42 = arith.constant 0 : i32
      %dma_wait3A_43 = tpu.memref_slice %arg3[%arg0, %arg1, %run_scoped3A_1, %dma_wait3A, %dma_wait3A_42] : memref<2x16x80x2x128xi32, #tpu.memory_space<hbm>> -> memref<1x1x1x2x128xi32, #tpu.memory_space<hbm>>
      %dma_wait3A_44 = tpu.memref_squeeze %dma_wait3A_43 : memref<1x1x1x2x128xi32, #tpu.memory_space<hbm>> -> memref<2x128xi32, #tpu.memory_space<hbm>>
      %dma_wait3A_45 = arith.constant 0 : i32
      %dma_wait3A_46 = arith.constant 0 : i32
      %dma_wait3A_47 = tpu.memref_slice %arg3[%arg0, %arg1, %run_scoped3A_1, %dma_wait3A_45, %dma_wait3A_46] : memref<2x16x80x2x128xi32, #tpu.memory_space<hbm>> -> memref<1x1x1x2x128xi32, #tpu.memory_space<hbm>>
      %dma_wait3A_48 = tpu.memref_squeeze %dma_wait3A_47 : memref<1x1x1x2x128xi32, #tpu.memory_space<hbm>> -> memref<2x128xi32, #tpu.memory_space<hbm>>
      tpu.wait_dma2 semaphore(%run_scoped3A_33 : memref<!tpu.dma_semaphore, #tpu.memory_space<semaphore_mem>>) src(%dma_wait3A_48 : memref<2x128xi32, #tpu.memory_space<hbm>>) dst(%arg8 : memref<2x128xi32, #tpu.memory_space<vmem>>)
      tpu.yield
    }) : () -> ()
    %run_scoped3A_2 = arith.constant 3 : i32
    "tpu.region"() ({
      %run_scoped3A_33 = tpu.sem_alloc : memref<!tpu.dma_semaphore, #tpu.memory_space<semaphore_mem>>
      %dma_start3A_34 = arith.constant 0 : i32
      %dma_start3A_35 = arith.constant 0 : i32
      %dma_start3A_36 = tpu.memref_slice %arg3[%arg0, %arg1, %run_scoped3A_2, %dma_start3A_34, %dma_start3A_35] : memref<2x16x80x2x128xi32, #tpu.memory_space<hbm>> -> memref<1x1x1x2x128xi32, #tpu.memory_space<hbm>>
      %dma_start3A_37 = tpu.memref_squeeze %dma_start3A_36 : memref<1x1x1x2x128xi32, #tpu.memory_space<hbm>> -> memref<2x128xi32, #tpu.memory_space<hbm>>
      %dma_start3A_38 = arith.constant 0 : i32
      %dma_start3A_39 = arith.constant 0 : i32
      %dma_start3A_40 = tpu.memref_slice %arg3[%arg0, %arg1, %run_scoped3A_2, %dma_start3A_38, %dma_start3A_39] : memref<2x16x80x2x128xi32, #tpu.memory_space<hbm>> -> memref<1x1x1x2x128xi32, #tpu.memory_space<hbm>>
      %dma_start3A_41 = tpu.memref_squeeze %dma_start3A_40 : memref<1x1x1x2x128xi32, #tpu.memory_space<hbm>> -> memref<2x128xi32, #tpu.memory_space<hbm>>
      tpu.enqueue_dma source(%dma_start3A_41 : memref<2x128xi32, #tpu.memory_space<hbm>>) target(%arg9 : memref<2x128xi32, #tpu.memory_space<vmem>>) target_semaphore(%run_scoped3A_33 : memref<!tpu.dma_semaphore, #tpu.memory_space<semaphore_mem>>)
      %dma_wait3A = arith.constant 0 : i32
      %dma_wait3A_42 = arith.constant 0 : i32
      %dma_wait3A_43 = tpu.memref_slice %arg3[%arg0, %arg1, %run_scoped3A_2, %dma_wait3A, %dma_wait3A_42] : memref<2x16x80x2x128xi32, #tpu.memory_space<hbm>> -> memref<1x1x1x2x128xi32, #tpu.memory_space<hbm>>
      %dma_wait3A_44 = tpu.memref_squeeze %dma_wait3A_43 : memref<1x1x1x2x128xi32, #tpu.memory_space<hbm>> -> memref<2x128xi32, #tpu.memory_space<hbm>>
      %dma_wait3A_45 = arith.constant 0 : i32
      %dma_wait3A_46 = arith.constant 0 : i32
      %dma_wait3A_47 = tpu.memref_slice %arg3[%arg0, %arg1, %run_scoped3A_2, %dma_wait3A_45, %dma_wait3A_46] : memref<2x16x80x2x128xi32, #tpu.memory_space<hbm>> -> memref<1x1x1x2x128xi32, #tpu.memory_space<hbm>>
      %dma_wait3A_48 = tpu.memref_squeeze %dma_wait3A_47 : memref<1x1x1x2x128xi32, #tpu.memory_space<hbm>> -> memref<2x128xi32, #tpu.memory_space<hbm>>
      tpu.wait_dma2 semaphore(%run_scoped3A_33 : memref<!tpu.dma_semaphore, #tpu.memory_space<semaphore_mem>>) src(%dma_wait3A_48 : memref<2x128xi32, #tpu.memory_space<hbm>>) dst(%arg9 : memref<2x128xi32, #tpu.memory_space<vmem>>)
      tpu.yield
    }) : () -> ()
    %run_scoped3A_3 = arith.constant 4 : i32
    "tpu.region"() ({
      %run_scoped3A_33 = tpu.sem_alloc : memref<!tpu.dma_semaphore, #tpu.memory_space<semaphore_mem>>
      %dma_start3A_34 = arith.constant 0 : i32
      %dma_start3A_35 = arith.constant 0 : i32
      %dma_start3A_36 = tpu.memref_slice %arg3[%arg0, %arg1, %run_scoped3A_3, %dma_start3A_34, %dma_start3A_35] : memref<2x16x80x2x128xi32, #tpu.memory_space<hbm>> -> memref<1x1x1x2x128xi32, #tpu.memory_space<hbm>>
      %dma_start3A_37 = tpu.memref_squeeze %dma_start3A_36 : memref<1x1x1x2x128xi32, #tpu.memory_space<hbm>> -> memref<2x128xi32, #tpu.memory_space<hbm>>
      %dma_start3A_38 = arith.constant 0 : i32
      %dma_start3A_39 = arith.constant 0 : i32
      %dma_start3A_40 = tpu.memref_slice %arg3[%arg0, %arg1, %run_scoped3A_3, %dma_start3A_38, %dma_start3A_39] : memref<2x16x80x2x128xi32, #tpu.memory_space<hbm>> -> memref<1x1x1x2x128xi32, #tpu.memory_space<hbm>>
      %dma_start3A_41 = tpu.memref_squeeze %dma_start3A_40 : memref<1x1x1x2x128xi32, #tpu.memory_space<hbm>> -> memref<2x128xi32, #tpu.memory_space<hbm>>
      tpu.enqueue_dma source(%dma_start3A_41 : memref<2x128xi32, #tpu.memory_space<hbm>>) target(%arg10 : memref<2x128xi32, #tpu.memory_space<vmem>>) target_semaphore(%run_scoped3A_33 : memref<!tpu.dma_semaphore, #tpu.memory_space<semaphore_mem>>)
      %dma_wait3A = arith.constant 0 : i32
      %dma_wait3A_42 = arith.constant 0 : i32
      %dma_wait3A_43 = tpu.memref_slice %arg3[%arg0, %arg1, %run_scoped3A_3, %dma_wait3A, %dma_wait3A_42] : memref<2x16x80x2x128xi32, #tpu.memory_space<hbm>> -> memref<1x1x1x2x128xi32, #tpu.memory_space<hbm>>
      %dma_wait3A_44 = tpu.memref_squeeze %dma_wait3A_43 : memref<1x1x1x2x128xi32, #tpu.memory_space<hbm>> -> memref<2x128xi32, #tpu.memory_space<hbm>>
      %dma_wait3A_45 = arith.constant 0 : i32
      %dma_wait3A_46 = arith.constant 0 : i32
      %dma_wait3A_47 = tpu.memref_slice %arg3[%arg0, %arg1, %run_scoped3A_3, %dma_wait3A_45, %dma_wait3A_46] : memref<2x16x80x2x128xi32, #tpu.memory_space<hbm>> -> memref<1x1x1x2x128xi32, #tpu.memory_space<hbm>>
      %dma_wait3A_48 = tpu.memref_squeeze %dma_wait3A_47 : memref<1x1x1x2x128xi32, #tpu.memory_space<hbm>> -> memref<2x128xi32, #tpu.memory_space<hbm>>
      tpu.wait_dma2 semaphore(%run_scoped3A_33 : memref<!tpu.dma_semaphore, #tpu.memory_space<semaphore_mem>>) src(%dma_wait3A_48 : memref<2x128xi32, #tpu.memory_space<hbm>>) dst(%arg10 : memref<2x128xi32, #tpu.memory_space<vmem>>)
      tpu.yield
    }) : () -> ()
    %run_scoped3A_4 = arith.constant 5 : i32
    "tpu.region"() ({
      %run_scoped3A_33 = tpu.sem_alloc : memref<!tpu.dma_semaphore, #tpu.memory_space<semaphore_mem>>
      %dma_start3A_34 = arith.constant 0 : i32
      %dma_start3A_35 = arith.constant 0 : i32
      %dma_start3A_36 = tpu.memref_slice %arg3[%arg0, %arg1, %run_scoped3A_4, %dma_start3A_34, %dma_start3A_35] : memref<2x16x80x2x128xi32, #tpu.memory_space<hbm>> -> memref<1x1x1x2x128xi32, #tpu.memory_space<hbm>>
      %dma_start3A_37 = tpu.memref_squeeze %dma_start3A_36 : memref<1x1x1x2x128xi32, #tpu.memory_space<hbm>> -> memref<2x128xi32, #tpu.memory_space<hbm>>
      %dma_start3A_38 = arith.constant 0 : i32
      %dma_start3A_39 = arith.constant 0 : i32
      %dma_start3A_40 = tpu.memref_slice %arg3[%arg0, %arg1, %run_scoped3A_4, %dma_start3A_38, %dma_start3A_39] : memref<2x16x80x2x128xi32, #tpu.memory_space<hbm>> -> memref<1x1x1x2x128xi32, #tpu.memory_space<hbm>>
      %dma_start3A_41 = tpu.memref_squeeze %dma_start3A_40 : memref<1x1x1x2x128xi32, #tpu.memory_space<hbm>> -> memref<2x128xi32, #tpu.memory_space<hbm>>
      tpu.enqueue_dma source(%dma_start3A_41 : memref<2x128xi32, #tpu.memory_space<hbm>>) target(%arg11 : memref<2x128xi32, #tpu.memory_space<vmem>>) target_semaphore(%run_scoped3A_33 : memref<!tpu.dma_semaphore, #tpu.memory_space<semaphore_mem>>)
      %dma_wait3A = arith.constant 0 : i32
      %dma_wait3A_42 = arith.constant 0 : i32
      %dma_wait3A_43 = tpu.memref_slice %arg3[%arg0, %arg1, %run_scoped3A_4, %dma_wait3A, %dma_wait3A_42] : memref<2x16x80x2x128xi32, #tpu.memory_space<hbm>> -> memref<1x1x1x2x128xi32, #tpu.memory_space<hbm>>
      %dma_wait3A_44 = tpu.memref_squeeze %dma_wait3A_43 : memref<1x1x1x2x128xi32, #tpu.memory_space<hbm>> -> memref<2x128xi32, #tpu.memory_space<hbm>>
      %dma_wait3A_45 = arith.constant 0 : i32
      %dma_wait3A_46 = arith.constant 0 : i32
      %dma_wait3A_47 = tpu.memref_slice %arg3[%arg0, %arg1, %run_scoped3A_4, %dma_wait3A_45, %dma_wait3A_46] : memref<2x16x80x2x128xi32, #tpu.memory_space<hbm>> -> memref<1x1x1x2x128xi32, #tpu.memory_space<hbm>>
      %dma_wait3A_48 = tpu.memref_squeeze %dma_wait3A_47 : memref<1x1x1x2x128xi32, #tpu.memory_space<hbm>> -> memref<2x128xi32, #tpu.memory_space<hbm>>
      tpu.wait_dma2 semaphore(%run_scoped3A_33 : memref<!tpu.dma_semaphore, #tpu.memory_space<semaphore_mem>>) src(%dma_wait3A_48 : memref<2x128xi32, #tpu.memory_space<hbm>>) dst(%arg11 : memref<2x128xi32, #tpu.memory_space<vmem>>)
      tpu.yield
    }) : () -> ()
    %mul3A = arith.constant 640 : i32
    %mul3A_5 = arith.muli %arg1, %mul3A : i32
    %mul3A_6 = arith.constant 640 : i32
    %mul3A_7 = arith.muli %arg1, %mul3A_6 : i32
    "tpu.region"() ({
      %run_scoped3A_33 = tpu.sem_alloc : memref<!tpu.dma_semaphore, #tpu.memory_space<semaphore_mem>>
      %dma_start3A_34 = arith.constant 0 : i32
      %dma_start3A_35 = tpu.memref_slice %arg18[%mul3A_7, %dma_start3A_34] : memref<10240x64xf32, #tpu.memory_space<vmem_shared>> -> memref<640x64xf32, #tpu.memory_space<vmem_shared>>
      %dma_start3A_36 = arith.constant 0 : i32
      %dma_start3A_37 = tpu.memref_slice %arg4[%mul3A_5, %dma_start3A_36] : memref<10240x64xf32, #tpu.memory_space<hbm>> -> memref<640x64xf32, #tpu.memory_space<hbm>>
      tpu.enqueue_dma source(%dma_start3A_37 : memref<640x64xf32, #tpu.memory_space<hbm>>) target(%dma_start3A_35 : memref<640x64xf32, #tpu.memory_space<vmem_shared>>) target_semaphore(%run_scoped3A_33 : memref<!tpu.dma_semaphore, #tpu.memory_space<semaphore_mem>>)
      %dma_wait3A = arith.constant 0 : i32
      %dma_wait3A_38 = tpu.memref_slice %arg18[%mul3A_7, %dma_wait3A] : memref<10240x64xf32, #tpu.memory_space<vmem_shared>> -> memref<640x64xf32, #tpu.memory_space<vmem_shared>>
      %dma_wait3A_39 = arith.constant 0 : i32
      %dma_wait3A_40 = tpu.memref_slice %arg4[%mul3A_5, %dma_wait3A_39] : memref<10240x64xf32, #tpu.memory_space<hbm>> -> memref<640x64xf32, #tpu.memory_space<hbm>>
      tpu.wait_dma2 semaphore(%run_scoped3A_33 : memref<!tpu.dma_semaphore, #tpu.memory_space<semaphore_mem>>) src(%dma_wait3A_40 : memref<640x64xf32, #tpu.memory_space<hbm>>) dst(%dma_wait3A_38 : memref<640x64xf32, #tpu.memory_space<vmem_shared>>)
      tpu.yield
    }) : () -> ()
    %barrier3A = arith.constant 0 : index
    tpu.barrier barrier_id(%barrier3A)
    %dma_start3A = arith.constant 0 : i32
    %dma_start3A_8 = arith.constant 0 : i32
    %dma_start3A_9 = tpu.memref_slice %arg6[%dma_start3A, %dma_start3A_8] : memref<2x128xi32, #tpu.memory_space<vmem>> -> memref<1x128xi32, #tpu.memory_space<vmem>>
    %dma_start3A_10 = tpu.memref_squeeze %dma_start3A_9 : memref<1x128xi32, #tpu.memory_space<vmem>> -> memref<128xi32, #tpu.memory_space<vmem>>
    %dma_start3A_11 = arith.constant 0 : i32
    %dma_start3A_12 = arith.constant 0 : i32
    %dma_start3A_13 = tpu.memref_slice %arg2[%dma_start3A_11, %dma_start3A_12] : memref<50000x64xf32, #tpu.memory_space<hbm>> -> memref<50000x64xf32, #tpu.memory_space<hbm>>
    tpu.enqueue_indirect_dma source(%dma_start3A_13 : memref<50000x64xf32, #tpu.memory_space<hbm>>) target(%arg14 : memref<128x64xf32, #tpu.memory_space<vmem>>) offsets(%dma_start3A_10 : memref<128xi32, #tpu.memory_space<vmem>>) semaphore(%arg19 : memref<!tpu.dma_semaphore, #tpu.memory_space<semaphore_mem>>)
    %dma_start3A_14 = arith.constant 0 : i32
    %dma_start3A_15 = arith.constant 0 : i32
    %dma_start3A_16 = tpu.memref_slice %arg7[%dma_start3A_14, %dma_start3A_15] : memref<2x128xi32, #tpu.memory_space<vmem>> -> memref<1x128xi32, #tpu.memory_space<vmem>>
    %dma_start3A_17 = tpu.memref_squeeze %dma_start3A_16 : memref<1x128xi32, #tpu.memory_space<vmem>> -> memref<128xi32, #tpu.memory_space<vmem>>
    %dma_start3A_18 = arith.constant 0 : i32
    %dma_start3A_19 = arith.constant 0 : i32
    %dma_start3A_20 = tpu.memref_slice %arg2[%dma_start3A_18, %dma_start3A_19] : memref<50000x64xf32, #tpu.memory_space<hbm>> -> memref<50000x64xf32, #tpu.memory_space<hbm>>
    tpu.enqueue_indirect_dma source(%dma_start3A_20 : memref<50000x64xf32, #tpu.memory_space<hbm>>) target(%arg15 : memref<128x64xf32, #tpu.memory_space<vmem>>) offsets(%dma_start3A_17 : memref<128xi32, #tpu.memory_space<vmem>>) semaphore(%arg20 : memref<!tpu.dma_semaphore, #tpu.memory_space<semaphore_mem>>)
    %scan3A = arith.constant 0 : i32
    %scan3A_21 = arith.constant 0 : i32
    %scan3A_22 = arith.constant 10 : i32
    %scan3A_23 = arith.addi %scan3A_21, %scan3A_22 : i32
    %scan3A_24 = arith.constant 1 : i32
    scf.for %scan3A_33 = %scan3A_21 to %scan3A_23 step %scan3A_24  : i32 {
      %mul3A_34 = arith.constant 8 : i32
      %mul3A_35 = arith.muli %mul3A_34, %scan3A_33 : i32
      %add3A_36 = arith.constant 0 : i32
      %add3A_37 = arith.addi %mul3A_35, %add3A_36 : i32
      %dma_wait3A = arith.constant 0 : i32
      %dma_wait3A_38 = arith.constant 0 : i32
      %dma_wait3A_39 = tpu.memref_slice %arg6[%dma_wait3A, %dma_wait3A_38] : memref<2x128xi32, #tpu.memory_space<vmem>> -> memref<1x128xi32, #tpu.memory_space<vmem>>
      %dma_wait3A_40 = tpu.memref_squeeze %dma_wait3A_39 : memref<1x128xi32, #tpu.memory_space<vmem>> -> memref<128xi32, #tpu.memory_space<vmem>>
      %dma_wait3A_41 = arith.constant 0 : i32
      %dma_wait3A_42 = arith.constant 0 : i32
      %dma_wait3A_43 = tpu.memref_slice %arg2[%dma_wait3A_41, %dma_wait3A_42] : memref<50000x64xf32, #tpu.memory_space<hbm>> -> memref<50000x64xf32, #tpu.memory_space<hbm>>
      tpu.wait_indirect_dma semaphore(%arg19 : memref<!tpu.dma_semaphore, #tpu.memory_space<semaphore_mem>>) src(%dma_wait3A_43 : memref<50000x64xf32, #tpu.memory_space<hbm>>) dst(%arg14 : memref<128x64xf32, #tpu.memory_space<vmem>>)
      %add3A_44 = arith.constant 2 : i32
      %add3A_45 = arith.addi %add3A_37, %add3A_44 : i32
      %lt3A = arith.constant 80 : i32
      %lt3A_46 = arith.cmpi slt, %add3A_45, %lt3A : i32
      %convert_element_type3A = arith.extui %lt3A_46 : i1 to i32
      %cond3A = arith.constant 0 : i32
      %cond3A_47 = arith.cmpi ne, %convert_element_type3A, %cond3A : i32
      scf.if %cond3A_47 {
        %dma_start3A_460 = arith.constant 1 : i32
        %dma_start3A_461 = arith.constant 0 : i32
        %dma_start3A_462 = tpu.memref_slice %arg6[%dma_start3A_460, %dma_start3A_461] : memref<2x128xi32, #tpu.memory_space<vmem>> -> memref<1x128xi32, #tpu.memory_space<vmem>>
        %dma_start3A_463 = tpu.memref_squeeze %dma_start3A_462 : memref<1x128xi32, #tpu.memory_space<vmem>> -> memref<128xi32, #tpu.memory_space<vmem>>
        %dma_start3A_464 = arith.constant 0 : i32
        %dma_start3A_465 = arith.constant 0 : i32
        %dma_start3A_466 = tpu.memref_slice %arg18[%dma_start3A_464, %dma_start3A_465] : memref<10240x64xf32, #tpu.memory_space<vmem_shared>> -> memref<10240x64xf32, #tpu.memory_space<vmem_shared>>
        tpu.enqueue_indirect_dma source(%arg14 : memref<128x64xf32, #tpu.memory_space<vmem>>) target(%dma_start3A_466 : memref<10240x64xf32, #tpu.memory_space<vmem_shared>>) offsets(%dma_start3A_463 : memref<128xi32, #tpu.memory_space<vmem>>) semaphore(%arg31 : memref<!tpu.dma_semaphore, #tpu.memory_space<semaphore_mem>>) {add = true}
      } else {
      }
      %add3A_48 = arith.constant 2 : i32
      %add3A_49 = arith.addi %add3A_37, %add3A_48 : i32
      %ge3A = arith.constant 80 : i32
      %ge3A_50 = arith.cmpi sge, %add3A_49, %ge3A : i32
      %convert_element_type3A_51 = arith.extui %ge3A_50 : i1 to i32
      %cond3A_52 = arith.constant 0 : i32
      %cond3A_53 = arith.cmpi ne, %convert_element_type3A_51, %cond3A_52 : i32
      scf.if %cond3A_53 {
        %run_scoped3A_460 = arith.constant 1 : i32
        "tpu.region"() ({
          %run_scoped3A_461 = tpu.sem_alloc : memref<!tpu.dma_semaphore, #tpu.memory_space<semaphore_mem>>
          %dma_start3A_462 = arith.constant 0 : i32
          %dma_start3A_463 = tpu.memref_slice %arg6[%run_scoped3A_460, %dma_start3A_462] : memref<2x128xi32, #tpu.memory_space<vmem>> -> memref<1x128xi32, #tpu.memory_space<vmem>>
          %dma_start3A_464 = tpu.memref_squeeze %dma_start3A_463 : memref<1x128xi32, #tpu.memory_space<vmem>> -> memref<128xi32, #tpu.memory_space<vmem>>
          %dma_start3A_465 = arith.constant 0 : i32
          %dma_start3A_466 = arith.constant 0 : i32
          %dma_start3A_467 = tpu.memref_slice %arg18[%dma_start3A_465, %dma_start3A_466] : memref<10240x64xf32, #tpu.memory_space<vmem_shared>> -> memref<10240x64xf32, #tpu.memory_space<vmem_shared>>
          tpu.enqueue_indirect_dma source(%arg14 : memref<128x64xf32, #tpu.memory_space<vmem>>) target(%dma_start3A_467 : memref<10240x64xf32, #tpu.memory_space<vmem_shared>>) offsets(%dma_start3A_464 : memref<128xi32, #tpu.memory_space<vmem>>) semaphore(%run_scoped3A_461 : memref<!tpu.dma_semaphore, #tpu.memory_space<semaphore_mem>>) {add = true}
          %dma_wait3A_468 = arith.constant 0 : i32
          %dma_wait3A_469 = tpu.memref_slice %arg6[%run_scoped3A_460, %dma_wait3A_468] : memref<2x128xi32, #tpu.memory_space<vmem>> -> memref<1x128xi32, #tpu.memory_space<vmem>>
          %dma_wait3A_470 = tpu.memref_squeeze %dma_wait3A_469 : memref<1x128xi32, #tpu.memory_space<vmem>> -> memref<128xi32, #tpu.memory_space<vmem>>
          %dma_wait3A_471 = arith.constant 0 : i32
          %dma_wait3A_472 = arith.constant 0 : i32
          %dma_wait3A_473 = tpu.memref_slice %arg18[%dma_wait3A_471, %dma_wait3A_472] : memref<10240x64xf32, #tpu.memory_space<vmem_shared>> -> memref<10240x64xf32, #tpu.memory_space<vmem_shared>>
          tpu.wait_indirect_dma semaphore(%run_scoped3A_461 : memref<!tpu.dma_semaphore, #tpu.memory_space<semaphore_mem>>) src(%arg14 : memref<128x64xf32, #tpu.memory_space<vmem>>) dst(%dma_wait3A_473 : memref<10240x64xf32, #tpu.memory_space<vmem_shared>>)
          tpu.yield
        }) : () -> ()
      } else {
      }
      %ge3A_54 = arith.constant 2 : i32
      %ge3A_55 = arith.cmpi sge, %add3A_37, %ge3A_54 : i32
      %convert_element_type3A_56 = arith.extui %ge3A_55 : i1 to i32
      %cond3A_57 = arith.constant 0 : i32
      %cond3A_58 = arith.cmpi ne, %convert_element_type3A_56, %cond3A_57 : i32
      scf.if %cond3A_58 {
        %dma_wait3A_460 = arith.constant 1 : i32
        %dma_wait3A_461 = arith.constant 0 : i32
        %dma_wait3A_462 = tpu.memref_slice %arg12[%dma_wait3A_460, %dma_wait3A_461] : memref<2x128xi32, #tpu.memory_space<vmem>> -> memref<1x128xi32, #tpu.memory_space<vmem>>
        %dma_wait3A_463 = tpu.memref_squeeze %dma_wait3A_462 : memref<1x128xi32, #tpu.memory_space<vmem>> -> memref<128xi32, #tpu.memory_space<vmem>>
        %dma_wait3A_464 = arith.constant 0 : i32
        %dma_wait3A_465 = arith.constant 0 : i32
        %dma_wait3A_466 = tpu.memref_slice %arg18[%dma_wait3A_464, %dma_wait3A_465] : memref<10240x64xf32, #tpu.memory_space<vmem_shared>> -> memref<10240x64xf32, #tpu.memory_space<vmem_shared>>
        tpu.wait_indirect_dma semaphore(%arg33 : memref<!tpu.dma_semaphore, #tpu.memory_space<semaphore_mem>>) src(%arg16 : memref<128x64xf32, #tpu.memory_space<vmem>>) dst(%dma_wait3A_466 : memref<10240x64xf32, #tpu.memory_space<vmem_shared>>)
      } else {
      }
      %add3A_59 = arith.constant 2 : i32
      %add3A_60 = arith.addi %add3A_37, %add3A_59 : i32
      %lt3A_61 = arith.constant 80 : i32
      %lt3A_62 = arith.cmpi slt, %add3A_60, %lt3A_61 : i32
      %ge3A_63 = arith.constant 4 : i32
      %ge3A_64 = arith.cmpi sge, %add3A_37, %ge3A_63 : i32
      %and3A = arith.andi %lt3A_62, %ge3A_64 : i1
      %convert_element_type3A_65 = arith.extui %and3A : i1 to i32
      %cond3A_66 = arith.constant 0 : i32
      %cond3A_67 = arith.cmpi ne, %convert_element_type3A_65, %cond3A_66 : i32
      scf.if %cond3A_67 {
        %add3A_460 = arith.constant 2 : i32
        %add3A_461 = arith.addi %add3A_37, %add3A_460 : i32
        %dma_wait3A_462 = arith.constant 0 : i32
        %dma_wait3A_463 = arith.constant 0 : i32
        %dma_wait3A_464 = tpu.memref_slice %arg3[%arg0, %arg1, %add3A_461, %dma_wait3A_462, %dma_wait3A_463] : memref<2x16x80x2x128xi32, #tpu.memory_space<hbm>> -> memref<1x1x1x2x128xi32, #tpu.memory_space<hbm>>
        %dma_wait3A_465 = tpu.memref_squeeze %dma_wait3A_464 : memref<1x1x1x2x128xi32, #tpu.memory_space<hbm>> -> memref<2x128xi32, #tpu.memory_space<hbm>>
        %dma_wait3A_466 = arith.constant 0 : i32
        %dma_wait3A_467 = arith.constant 0 : i32
        %dma_wait3A_468 = tpu.memref_slice %arg3[%arg0, %arg1, %add3A_461, %dma_wait3A_466, %dma_wait3A_467] : memref<2x16x80x2x128xi32, #tpu.memory_space<hbm>> -> memref<1x1x1x2x128xi32, #tpu.memory_space<hbm>>
        %dma_wait3A_469 = tpu.memref_squeeze %dma_wait3A_468 : memref<1x1x1x2x128xi32, #tpu.memory_space<hbm>> -> memref<2x128xi32, #tpu.memory_space<hbm>>
        tpu.wait_dma2 semaphore(%arg25 : memref<!tpu.dma_semaphore, #tpu.memory_space<semaphore_mem>>) src(%dma_wait3A_469 : memref<2x128xi32, #tpu.memory_space<hbm>>) dst(%arg8 : memref<2x128xi32, #tpu.memory_space<vmem>>)
      } else {
      }
      %add3A_68 = arith.constant 2 : i32
      %add3A_69 = arith.addi %add3A_37, %add3A_68 : i32
      %lt3A_70 = arith.constant 80 : i32
      %lt3A_71 = arith.cmpi slt, %add3A_69, %lt3A_70 : i32
      %convert_element_type3A_72 = arith.extui %lt3A_71 : i1 to i32
      %cond3A_73 = arith.constant 0 : i32
      %cond3A_74 = arith.cmpi ne, %convert_element_type3A_72, %cond3A_73 : i32
      scf.if %cond3A_74 {
        %dma_start3A_460 = arith.constant 0 : i32
        %dma_start3A_461 = arith.constant 0 : i32
        %dma_start3A_462 = tpu.memref_slice %arg8[%dma_start3A_460, %dma_start3A_461] : memref<2x128xi32, #tpu.memory_space<vmem>> -> memref<1x128xi32, #tpu.memory_space<vmem>>
        %dma_start3A_463 = tpu.memref_squeeze %dma_start3A_462 : memref<1x128xi32, #tpu.memory_space<vmem>> -> memref<128xi32, #tpu.memory_space<vmem>>
        %dma_start3A_464 = arith.constant 0 : i32
        %dma_start3A_465 = arith.constant 0 : i32
        %dma_start3A_466 = tpu.memref_slice %arg2[%dma_start3A_464, %dma_start3A_465] : memref<50000x64xf32, #tpu.memory_space<hbm>> -> memref<50000x64xf32, #tpu.memory_space<hbm>>
        tpu.enqueue_indirect_dma source(%dma_start3A_466 : memref<50000x64xf32, #tpu.memory_space<hbm>>) target(%arg16 : memref<128x64xf32, #tpu.memory_space<vmem>>) offsets(%dma_start3A_463 : memref<128xi32, #tpu.memory_space<vmem>>) semaphore(%arg21 : memref<!tpu.dma_semaphore, #tpu.memory_space<semaphore_mem>>)
      } else {
      }
      %add3A_75 = arith.constant 6 : i32
      %add3A_76 = arith.addi %add3A_37, %add3A_75 : i32
      %lt3A_77 = arith.constant 80 : i32
      %lt3A_78 = arith.cmpi slt, %add3A_76, %lt3A_77 : i32
      %convert_element_type3A_79 = arith.extui %lt3A_78 : i1 to i32
      %cond3A_80 = arith.constant 0 : i32
      %cond3A_81 = arith.cmpi ne, %convert_element_type3A_79, %cond3A_80 : i32
      scf.if %cond3A_81 {
        %add3A_460 = arith.constant 6 : i32
        %add3A_461 = arith.addi %add3A_37, %add3A_460 : i32
        %dma_start3A_462 = arith.constant 0 : i32
        %dma_start3A_463 = arith.constant 0 : i32
        %dma_start3A_464 = tpu.memref_slice %arg3[%arg0, %arg1, %add3A_461, %dma_start3A_462, %dma_start3A_463] : memref<2x16x80x2x128xi32, #tpu.memory_space<hbm>> -> memref<1x1x1x2x128xi32, #tpu.memory_space<hbm>>
        %dma_start3A_465 = tpu.memref_squeeze %dma_start3A_464 : memref<1x1x1x2x128xi32, #tpu.memory_space<hbm>> -> memref<2x128xi32, #tpu.memory_space<hbm>>
        %dma_start3A_466 = arith.constant 0 : i32
        %dma_start3A_467 = arith.constant 0 : i32
        %dma_start3A_468 = tpu.memref_slice %arg3[%arg0, %arg1, %add3A_461, %dma_start3A_466, %dma_start3A_467] : memref<2x16x80x2x128xi32, #tpu.memory_space<hbm>> -> memref<1x1x1x2x128xi32, #tpu.memory_space<hbm>>
        %dma_start3A_469 = tpu.memref_squeeze %dma_start3A_468 : memref<1x1x1x2x128xi32, #tpu.memory_space<hbm>> -> memref<2x128xi32, #tpu.memory_space<hbm>>
        tpu.enqueue_dma source(%dma_start3A_469 : memref<2x128xi32, #tpu.memory_space<hbm>>) target(%arg12 : memref<2x128xi32, #tpu.memory_space<vmem>>) target_semaphore(%arg29 : memref<!tpu.dma_semaphore, #tpu.memory_space<semaphore_mem>>)
      } else {
      }
      %mul3A_82 = arith.constant 8 : i32
      %mul3A_83 = arith.muli %mul3A_82, %scan3A_33 : i32
      %add3A_84 = arith.constant 1 : i32
      %add3A_85 = arith.addi %mul3A_83, %add3A_84 : i32
      %dma_wait3A_86 = arith.constant 0 : i32
      %dma_wait3A_87 = arith.constant 0 : i32
      %dma_wait3A_88 = tpu.memref_slice %arg7[%dma_wait3A_86, %dma_wait3A_87] : memref<2x128xi32, #tpu.memory_space<vmem>> -> memref<1x128xi32, #tpu.memory_space<vmem>>
      %dma_wait3A_89 = tpu.memref_squeeze %dma_wait3A_88 : memref<1x128xi32, #tpu.memory_space<vmem>> -> memref<128xi32, #tpu.memory_space<vmem>>
      %dma_wait3A_90 = arith.constant 0 : i32
      %dma_wait3A_91 = arith.constant 0 : i32
      %dma_wait3A_92 = tpu.memref_slice %arg2[%dma_wait3A_90, %dma_wait3A_91] : memref<50000x64xf32, #tpu.memory_space<hbm>> -> memref<50000x64xf32, #tpu.memory_space<hbm>>
      tpu.wait_indirect_dma semaphore(%arg20 : memref<!tpu.dma_semaphore, #tpu.memory_space<semaphore_mem>>) src(%dma_wait3A_92 : memref<50000x64xf32, #tpu.memory_space<hbm>>) dst(%arg15 : memref<128x64xf32, #tpu.memory_space<vmem>>)
      %add3A_93 = arith.constant 2 : i32
      %add3A_94 = arith.addi %add3A_85, %add3A_93 : i32
      %lt3A_95 = arith.constant 80 : i32
      %lt3A_96 = arith.cmpi slt, %add3A_94, %lt3A_95 : i32
      %convert_element_type3A_97 = arith.extui %lt3A_96 : i1 to i32
      %cond3A_98 = arith.constant 0 : i32
      %cond3A_99 = arith.cmpi ne, %convert_element_type3A_97, %cond3A_98 : i32
      scf.if %cond3A_99 {
        %dma_start3A_460 = arith.constant 1 : i32
        %dma_start3A_461 = arith.constant 0 : i32
        %dma_start3A_462 = tpu.memref_slice %arg7[%dma_start3A_460, %dma_start3A_461] : memref<2x128xi32, #tpu.memory_space<vmem>> -> memref<1x128xi32, #tpu.memory_space<vmem>>
        %dma_start3A_463 = tpu.memref_squeeze %dma_start3A_462 : memref<1x128xi32, #tpu.memory_space<vmem>> -> memref<128xi32, #tpu.memory_space<vmem>>
        %dma_start3A_464 = arith.constant 0 : i32
        %dma_start3A_465 = arith.constant 0 : i32
        %dma_start3A_466 = tpu.memref_slice %arg18[%dma_start3A_464, %dma_start3A_465] : memref<10240x64xf32, #tpu.memory_space<vmem_shared>> -> memref<10240x64xf32, #tpu.memory_space<vmem_shared>>
        tpu.enqueue_indirect_dma source(%arg15 : memref<128x64xf32, #tpu.memory_space<vmem>>) target(%dma_start3A_466 : memref<10240x64xf32, #tpu.memory_space<vmem_shared>>) offsets(%dma_start3A_463 : memref<128xi32, #tpu.memory_space<vmem>>) semaphore(%arg32 : memref<!tpu.dma_semaphore, #tpu.memory_space<semaphore_mem>>) {add = true}
      } else {
      }
      %add3A_100 = arith.constant 2 : i32
      %add3A_101 = arith.addi %add3A_85, %add3A_100 : i32
      %ge3A_102 = arith.constant 80 : i32
      %ge3A_103 = arith.cmpi sge, %add3A_101, %ge3A_102 : i32
      %convert_element_type3A_104 = arith.extui %ge3A_103 : i1 to i32
      %cond3A_105 = arith.constant 0 : i32
      %cond3A_106 = arith.cmpi ne, %convert_element_type3A_104, %cond3A_105 : i32
      scf.if %cond3A_106 {
        %run_scoped3A_460 = arith.constant 1 : i32
        "tpu.region"() ({
          %run_scoped3A_461 = tpu.sem_alloc : memref<!tpu.dma_semaphore, #tpu.memory_space<semaphore_mem>>
          %dma_start3A_462 = arith.constant 0 : i32
          %dma_start3A_463 = tpu.memref_slice %arg7[%run_scoped3A_460, %dma_start3A_462] : memref<2x128xi32, #tpu.memory_space<vmem>> -> memref<1x128xi32, #tpu.memory_space<vmem>>
          %dma_start3A_464 = tpu.memref_squeeze %dma_start3A_463 : memref<1x128xi32, #tpu.memory_space<vmem>> -> memref<128xi32, #tpu.memory_space<vmem>>
          %dma_start3A_465 = arith.constant 0 : i32
          %dma_start3A_466 = arith.constant 0 : i32
          %dma_start3A_467 = tpu.memref_slice %arg18[%dma_start3A_465, %dma_start3A_466] : memref<10240x64xf32, #tpu.memory_space<vmem_shared>> -> memref<10240x64xf32, #tpu.memory_space<vmem_shared>>
          tpu.enqueue_indirect_dma source(%arg15 : memref<128x64xf32, #tpu.memory_space<vmem>>) target(%dma_start3A_467 : memref<10240x64xf32, #tpu.memory_space<vmem_shared>>) offsets(%dma_start3A_464 : memref<128xi32, #tpu.memory_space<vmem>>) semaphore(%run_scoped3A_461 : memref<!tpu.dma_semaphore, #tpu.memory_space<semaphore_mem>>) {add = true}
          %dma_wait3A_468 = arith.constant 0 : i32
          %dma_wait3A_469 = tpu.memref_slice %arg7[%run_scoped3A_460, %dma_wait3A_468] : memref<2x128xi32, #tpu.memory_space<vmem>> -> memref<1x128xi32, #tpu.memory_space<vmem>>
          %dma_wait3A_470 = tpu.memref_squeeze %dma_wait3A_469 : memref<1x128xi32, #tpu.memory_space<vmem>> -> memref<128xi32, #tpu.memory_space<vmem>>
          %dma_wait3A_471 = arith.constant 0 : i32
          %dma_wait3A_472 = arith.constant 0 : i32
          %dma_wait3A_473 = tpu.memref_slice %arg18[%dma_wait3A_471, %dma_wait3A_472] : memref<10240x64xf32, #tpu.memory_space<vmem_shared>> -> memref<10240x64xf32, #tpu.memory_space<vmem_shared>>
          tpu.wait_indirect_dma semaphore(%run_scoped3A_461 : memref<!tpu.dma_semaphore, #tpu.memory_space<semaphore_mem>>) src(%arg15 : memref<128x64xf32, #tpu.memory_space<vmem>>) dst(%dma_wait3A_473 : memref<10240x64xf32, #tpu.memory_space<vmem_shared>>)
          tpu.yield
        }) : () -> ()
      } else {
      }
      %ge3A_107 = arith.constant 2 : i32
      %ge3A_108 = arith.cmpi sge, %add3A_85, %ge3A_107 : i32
      %convert_element_type3A_109 = arith.extui %ge3A_108 : i1 to i32
      %cond3A_110 = arith.constant 0 : i32
      %cond3A_111 = arith.cmpi ne, %convert_element_type3A_109, %cond3A_110 : i32
      scf.if %cond3A_111 {
        %dma_wait3A_460 = arith.constant 1 : i32
        %dma_wait3A_461 = arith.constant 0 : i32
        %dma_wait3A_462 = tpu.memref_slice %arg13[%dma_wait3A_460, %dma_wait3A_461] : memref<2x128xi32, #tpu.memory_space<vmem>> -> memref<1x128xi32, #tpu.memory_space<vmem>>
        %dma_wait3A_463 = tpu.memref_squeeze %dma_wait3A_462 : memref<1x128xi32, #tpu.memory_space<vmem>> -> memref<128xi32, #tpu.memory_space<vmem>>
        %dma_wait3A_464 = arith.constant 0 : i32
        %dma_wait3A_465 = arith.constant 0 : i32
        %dma_wait3A_466 = tpu.memref_slice %arg18[%dma_wait3A_464, %dma_wait3A_465] : memref<10240x64xf32, #tpu.memory_space<vmem_shared>> -> memref<10240x64xf32, #tpu.memory_space<vmem_shared>>
        tpu.wait_indirect_dma semaphore(%arg34 : memref<!tpu.dma_semaphore, #tpu.memory_space<semaphore_mem>>) src(%arg17 : memref<128x64xf32, #tpu.memory_space<vmem>>) dst(%dma_wait3A_466 : memref<10240x64xf32, #tpu.memory_space<vmem_shared>>)
      } else {
      }
      %add3A_112 = arith.constant 2 : i32
      %add3A_113 = arith.addi %add3A_85, %add3A_112 : i32
      %lt3A_114 = arith.constant 80 : i32
      %lt3A_115 = arith.cmpi slt, %add3A_113, %lt3A_114 : i32
      %ge3A_116 = arith.constant 4 : i32
      %ge3A_117 = arith.cmpi sge, %add3A_85, %ge3A_116 : i32
      %and3A_118 = arith.andi %lt3A_115, %ge3A_117 : i1
      %convert_element_type3A_119 = arith.extui %and3A_118 : i1 to i32
      %cond3A_120 = arith.constant 0 : i32
      %cond3A_121 = arith.cmpi ne, %convert_element_type3A_119, %cond3A_120 : i32
      scf.if %cond3A_121 {
        %add3A_460 = arith.constant 2 : i32
        %add3A_461 = arith.addi %add3A_85, %add3A_460 : i32
        %dma_wait3A_462 = arith.constant 0 : i32
        %dma_wait3A_463 = arith.constant 0 : i32
        %dma_wait3A_464 = tpu.memref_slice %arg3[%arg0, %arg1, %add3A_461, %dma_wait3A_462, %dma_wait3A_463] : memref<2x16x80x2x128xi32, #tpu.memory_space<hbm>> -> memref<1x1x1x2x128xi32, #tpu.memory_space<hbm>>
        %dma_wait3A_465 = tpu.memref_squeeze %dma_wait3A_464 : memref<1x1x1x2x128xi32, #tpu.memory_space<hbm>> -> memref<2x128xi32, #tpu.memory_space<hbm>>
        %dma_wait3A_466 = arith.constant 0 : i32
        %dma_wait3A_467 = arith.constant 0 : i32
        %dma_wait3A_468 = tpu.memref_slice %arg3[%arg0, %arg1, %add3A_461, %dma_wait3A_466, %dma_wait3A_467] : memref<2x16x80x2x128xi32, #tpu.memory_space<hbm>> -> memref<1x1x1x2x128xi32, #tpu.memory_space<hbm>>
        %dma_wait3A_469 = tpu.memref_squeeze %dma_wait3A_468 : memref<1x1x1x2x128xi32, #tpu.memory_space<hbm>> -> memref<2x128xi32, #tpu.memory_space<hbm>>
        tpu.wait_dma2 semaphore(%arg26 : memref<!tpu.dma_semaphore, #tpu.memory_space<semaphore_mem>>) src(%dma_wait3A_469 : memref<2x128xi32, #tpu.memory_space<hbm>>) dst(%arg9 : memref<2x128xi32, #tpu.memory_space<vmem>>)
      } else {
      }
      %add3A_122 = arith.constant 2 : i32
      %add3A_123 = arith.addi %add3A_85, %add3A_122 : i32
      %lt3A_124 = arith.constant 80 : i32
      %lt3A_125 = arith.cmpi slt, %add3A_123, %lt3A_124 : i32
      %convert_element_type3A_126 = arith.extui %lt3A_125 : i1 to i32
      %cond3A_127 = arith.constant 0 : i32
      %cond3A_128 = arith.cmpi ne, %convert_element_type3A_126, %cond3A_127 : i32
      scf.if %cond3A_128 {
        %dma_start3A_460 = arith.constant 0 : i32
        %dma_start3A_461 = arith.constant 0 : i32
        %dma_start3A_462 = tpu.memref_slice %arg9[%dma_start3A_460, %dma_start3A_461] : memref<2x128xi32, #tpu.memory_space<vmem>> -> memref<1x128xi32, #tpu.memory_space<vmem>>
        %dma_start3A_463 = tpu.memref_squeeze %dma_start3A_462 : memref<1x128xi32, #tpu.memory_space<vmem>> -> memref<128xi32, #tpu.memory_space<vmem>>
        %dma_start3A_464 = arith.constant 0 : i32
        %dma_start3A_465 = arith.constant 0 : i32
        %dma_start3A_466 = tpu.memref_slice %arg2[%dma_start3A_464, %dma_start3A_465] : memref<50000x64xf32, #tpu.memory_space<hbm>> -> memref<50000x64xf32, #tpu.memory_space<hbm>>
        tpu.enqueue_indirect_dma source(%dma_start3A_466 : memref<50000x64xf32, #tpu.memory_space<hbm>>) target(%arg17 : memref<128x64xf32, #tpu.memory_space<vmem>>) offsets(%dma_start3A_463 : memref<128xi32, #tpu.memory_space<vmem>>) semaphore(%arg22 : memref<!tpu.dma_semaphore, #tpu.memory_space<semaphore_mem>>)
      } else {
      }
      %add3A_129 = arith.constant 6 : i32
      %add3A_130 = arith.addi %add3A_85, %add3A_129 : i32
      %lt3A_131 = arith.constant 80 : i32
      %lt3A_132 = arith.cmpi slt, %add3A_130, %lt3A_131 : i32
      %convert_element_type3A_133 = arith.extui %lt3A_132 : i1 to i32
      %cond3A_134 = arith.constant 0 : i32
      %cond3A_135 = arith.cmpi ne, %convert_element_type3A_133, %cond3A_134 : i32
      scf.if %cond3A_135 {
        %add3A_460 = arith.constant 6 : i32
        %add3A_461 = arith.addi %add3A_85, %add3A_460 : i32
        %dma_start3A_462 = arith.constant 0 : i32
        %dma_start3A_463 = arith.constant 0 : i32
        %dma_start3A_464 = tpu.memref_slice %arg3[%arg0, %arg1, %add3A_461, %dma_start3A_462, %dma_start3A_463] : memref<2x16x80x2x128xi32, #tpu.memory_space<hbm>> -> memref<1x1x1x2x128xi32, #tpu.memory_space<hbm>>
        %dma_start3A_465 = tpu.memref_squeeze %dma_start3A_464 : memref<1x1x1x2x128xi32, #tpu.memory_space<hbm>> -> memref<2x128xi32, #tpu.memory_space<hbm>>
        %dma_start3A_466 = arith.constant 0 : i32
        %dma_start3A_467 = arith.constant 0 : i32
        %dma_start3A_468 = tpu.memref_slice %arg3[%arg0, %arg1, %add3A_461, %dma_start3A_466, %dma_start3A_467] : memref<2x16x80x2x128xi32, #tpu.memory_space<hbm>> -> memref<1x1x1x2x128xi32, #tpu.memory_space<hbm>>
        %dma_start3A_469 = tpu.memref_squeeze %dma_start3A_468 : memref<1x1x1x2x128xi32, #tpu.memory_space<hbm>> -> memref<2x128xi32, #tpu.memory_space<hbm>>
        tpu.enqueue_dma source(%dma_start3A_469 : memref<2x128xi32, #tpu.memory_space<hbm>>) target(%arg13 : memref<2x128xi32, #tpu.memory_space<vmem>>) target_semaphore(%arg30 : memref<!tpu.dma_semaphore, #tpu.memory_space<semaphore_mem>>)
      } else {
      }
      %mul3A_136 = arith.constant 8 : i32
      %mul3A_137 = arith.muli %mul3A_136, %scan3A_33 : i32
      %add3A_138 = arith.constant 2 : i32
      %add3A_139 = arith.addi %mul3A_137, %add3A_138 : i32
      %dma_wait3A_140 = arith.constant 0 : i32
      %dma_wait3A_141 = arith.constant 0 : i32
      %dma_wait3A_142 = tpu.memref_slice %arg8[%dma_wait3A_140, %dma_wait3A_141] : memref<2x128xi32, #tpu.memory_space<vmem>> -> memref<1x128xi32, #tpu.memory_space<vmem>>
      %dma_wait3A_143 = tpu.memref_squeeze %dma_wait3A_142 : memref<1x128xi32, #tpu.memory_space<vmem>> -> memref<128xi32, #tpu.memory_space<vmem>>
      %dma_wait3A_144 = arith.constant 0 : i32
      %dma_wait3A_145 = arith.constant 0 : i32
      %dma_wait3A_146 = tpu.memref_slice %arg2[%dma_wait3A_144, %dma_wait3A_145] : memref<50000x64xf32, #tpu.memory_space<hbm>> -> memref<50000x64xf32, #tpu.memory_space<hbm>>
      tpu.wait_indirect_dma semaphore(%arg21 : memref<!tpu.dma_semaphore, #tpu.memory_space<semaphore_mem>>) src(%dma_wait3A_146 : memref<50000x64xf32, #tpu.memory_space<hbm>>) dst(%arg16 : memref<128x64xf32, #tpu.memory_space<vmem>>)
      %add3A_147 = arith.constant 2 : i32
      %add3A_148 = arith.addi %add3A_139, %add3A_147 : i32
      %lt3A_149 = arith.constant 80 : i32
      %lt3A_150 = arith.cmpi slt, %add3A_148, %lt3A_149 : i32
      %convert_element_type3A_151 = arith.extui %lt3A_150 : i1 to i32
      %cond3A_152 = arith.constant 0 : i32
      %cond3A_153 = arith.cmpi ne, %convert_element_type3A_151, %cond3A_152 : i32
      scf.if %cond3A_153 {
        %dma_start3A_460 = arith.constant 1 : i32
        %dma_start3A_461 = arith.constant 0 : i32
        %dma_start3A_462 = tpu.memref_slice %arg8[%dma_start3A_460, %dma_start3A_461] : memref<2x128xi32, #tpu.memory_space<vmem>> -> memref<1x128xi32, #tpu.memory_space<vmem>>
        %dma_start3A_463 = tpu.memref_squeeze %dma_start3A_462 : memref<1x128xi32, #tpu.memory_space<vmem>> -> memref<128xi32, #tpu.memory_space<vmem>>
        %dma_start3A_464 = arith.constant 0 : i32
        %dma_start3A_465 = arith.constant 0 : i32
        %dma_start3A_466 = tpu.memref_slice %arg18[%dma_start3A_464, %dma_start3A_465] : memref<10240x64xf32, #tpu.memory_space<vmem_shared>> -> memref<10240x64xf32, #tpu.memory_space<vmem_shared>>
        tpu.enqueue_indirect_dma source(%arg16 : memref<128x64xf32, #tpu.memory_space<vmem>>) target(%dma_start3A_466 : memref<10240x64xf32, #tpu.memory_space<vmem_shared>>) offsets(%dma_start3A_463 : memref<128xi32, #tpu.memory_space<vmem>>) semaphore(%arg33 : memref<!tpu.dma_semaphore, #tpu.memory_space<semaphore_mem>>) {add = true}
      } else {
      }
      %add3A_154 = arith.constant 2 : i32
      %add3A_155 = arith.addi %add3A_139, %add3A_154 : i32
      %ge3A_156 = arith.constant 80 : i32
      %ge3A_157 = arith.cmpi sge, %add3A_155, %ge3A_156 : i32
      %convert_element_type3A_158 = arith.extui %ge3A_157 : i1 to i32
      %cond3A_159 = arith.constant 0 : i32
      %cond3A_160 = arith.cmpi ne, %convert_element_type3A_158, %cond3A_159 : i32
      scf.if %cond3A_160 {
        %run_scoped3A_460 = arith.constant 1 : i32
        "tpu.region"() ({
          %run_scoped3A_461 = tpu.sem_alloc : memref<!tpu.dma_semaphore, #tpu.memory_space<semaphore_mem>>
          %dma_start3A_462 = arith.constant 0 : i32
          %dma_start3A_463 = tpu.memref_slice %arg8[%run_scoped3A_460, %dma_start3A_462] : memref<2x128xi32, #tpu.memory_space<vmem>> -> memref<1x128xi32, #tpu.memory_space<vmem>>
          %dma_start3A_464 = tpu.memref_squeeze %dma_start3A_463 : memref<1x128xi32, #tpu.memory_space<vmem>> -> memref<128xi32, #tpu.memory_space<vmem>>
          %dma_start3A_465 = arith.constant 0 : i32
          %dma_start3A_466 = arith.constant 0 : i32
          %dma_start3A_467 = tpu.memref_slice %arg18[%dma_start3A_465, %dma_start3A_466] : memref<10240x64xf32, #tpu.memory_space<vmem_shared>> -> memref<10240x64xf32, #tpu.memory_space<vmem_shared>>
          tpu.enqueue_indirect_dma source(%arg16 : memref<128x64xf32, #tpu.memory_space<vmem>>) target(%dma_start3A_467 : memref<10240x64xf32, #tpu.memory_space<vmem_shared>>) offsets(%dma_start3A_464 : memref<128xi32, #tpu.memory_space<vmem>>) semaphore(%run_scoped3A_461 : memref<!tpu.dma_semaphore, #tpu.memory_space<semaphore_mem>>) {add = true}
          %dma_wait3A_468 = arith.constant 0 : i32
          %dma_wait3A_469 = tpu.memref_slice %arg8[%run_scoped3A_460, %dma_wait3A_468] : memref<2x128xi32, #tpu.memory_space<vmem>> -> memref<1x128xi32, #tpu.memory_space<vmem>>
          %dma_wait3A_470 = tpu.memref_squeeze %dma_wait3A_469 : memref<1x128xi32, #tpu.memory_space<vmem>> -> memref<128xi32, #tpu.memory_space<vmem>>
          %dma_wait3A_471 = arith.constant 0 : i32
          %dma_wait3A_472 = arith.constant 0 : i32
          %dma_wait3A_473 = tpu.memref_slice %arg18[%dma_wait3A_471, %dma_wait3A_472] : memref<10240x64xf32, #tpu.memory_space<vmem_shared>> -> memref<10240x64xf32, #tpu.memory_space<vmem_shared>>
          tpu.wait_indirect_dma semaphore(%run_scoped3A_461 : memref<!tpu.dma_semaphore, #tpu.memory_space<semaphore_mem>>) src(%arg16 : memref<128x64xf32, #tpu.memory_space<vmem>>) dst(%dma_wait3A_473 : memref<10240x64xf32, #tpu.memory_space<vmem_shared>>)
          tpu.yield
        }) : () -> ()
      } else {
      }
      %ge3A_161 = arith.constant 2 : i32
      %ge3A_162 = arith.cmpi sge, %add3A_139, %ge3A_161 : i32
      %convert_element_type3A_163 = arith.extui %ge3A_162 : i1 to i32
      %cond3A_164 = arith.constant 0 : i32
      %cond3A_165 = arith.cmpi ne, %convert_element_type3A_163, %cond3A_164 : i32
      scf.if %cond3A_165 {
        %dma_wait3A_460 = arith.constant 1 : i32
        %dma_wait3A_461 = arith.constant 0 : i32
        %dma_wait3A_462 = tpu.memref_slice %arg6[%dma_wait3A_460, %dma_wait3A_461] : memref<2x128xi32, #tpu.memory_space<vmem>> -> memref<1x128xi32, #tpu.memory_space<vmem>>
        %dma_wait3A_463 = tpu.memref_squeeze %dma_wait3A_462 : memref<1x128xi32, #tpu.memory_space<vmem>> -> memref<128xi32, #tpu.memory_space<vmem>>
        %dma_wait3A_464 = arith.constant 0 : i32
        %dma_wait3A_465 = arith.constant 0 : i32
        %dma_wait3A_466 = tpu.memref_slice %arg18[%dma_wait3A_464, %dma_wait3A_465] : memref<10240x64xf32, #tpu.memory_space<vmem_shared>> -> memref<10240x64xf32, #tpu.memory_space<vmem_shared>>
        tpu.wait_indirect_dma semaphore(%arg31 : memref<!tpu.dma_semaphore, #tpu.memory_space<semaphore_mem>>) src(%arg14 : memref<128x64xf32, #tpu.memory_space<vmem>>) dst(%dma_wait3A_466 : memref<10240x64xf32, #tpu.memory_space<vmem_shared>>)
      } else {
      }
      %add3A_166 = arith.constant 2 : i32
      %add3A_167 = arith.addi %add3A_139, %add3A_166 : i32
      %lt3A_168 = arith.constant 80 : i32
      %lt3A_169 = arith.cmpi slt, %add3A_167, %lt3A_168 : i32
      %ge3A_170 = arith.constant 4 : i32
      %ge3A_171 = arith.cmpi sge, %add3A_139, %ge3A_170 : i32
      %and3A_172 = arith.andi %lt3A_169, %ge3A_171 : i1
      %convert_element_type3A_173 = arith.extui %and3A_172 : i1 to i32
      %cond3A_174 = arith.constant 0 : i32
      %cond3A_175 = arith.cmpi ne, %convert_element_type3A_173, %cond3A_174 : i32
      scf.if %cond3A_175 {
        %add3A_460 = arith.constant 2 : i32
        %add3A_461 = arith.addi %add3A_139, %add3A_460 : i32
        %dma_wait3A_462 = arith.constant 0 : i32
        %dma_wait3A_463 = arith.constant 0 : i32
        %dma_wait3A_464 = tpu.memref_slice %arg3[%arg0, %arg1, %add3A_461, %dma_wait3A_462, %dma_wait3A_463] : memref<2x16x80x2x128xi32, #tpu.memory_space<hbm>> -> memref<1x1x1x2x128xi32, #tpu.memory_space<hbm>>
        %dma_wait3A_465 = tpu.memref_squeeze %dma_wait3A_464 : memref<1x1x1x2x128xi32, #tpu.memory_space<hbm>> -> memref<2x128xi32, #tpu.memory_space<hbm>>
        %dma_wait3A_466 = arith.constant 0 : i32
        %dma_wait3A_467 = arith.constant 0 : i32
        %dma_wait3A_468 = tpu.memref_slice %arg3[%arg0, %arg1, %add3A_461, %dma_wait3A_466, %dma_wait3A_467] : memref<2x16x80x2x128xi32, #tpu.memory_space<hbm>> -> memref<1x1x1x2x128xi32, #tpu.memory_space<hbm>>
        %dma_wait3A_469 = tpu.memref_squeeze %dma_wait3A_468 : memref<1x1x1x2x128xi32, #tpu.memory_space<hbm>> -> memref<2x128xi32, #tpu.memory_space<hbm>>
        tpu.wait_dma2 semaphore(%arg27 : memref<!tpu.dma_semaphore, #tpu.memory_space<semaphore_mem>>) src(%dma_wait3A_469 : memref<2x128xi32, #tpu.memory_space<hbm>>) dst(%arg10 : memref<2x128xi32, #tpu.memory_space<vmem>>)
      } else {
      }
      %add3A_176 = arith.constant 2 : i32
      %add3A_177 = arith.addi %add3A_139, %add3A_176 : i32
      %lt3A_178 = arith.constant 80 : i32
      %lt3A_179 = arith.cmpi slt, %add3A_177, %lt3A_178 : i32
      %convert_element_type3A_180 = arith.extui %lt3A_179 : i1 to i32
      %cond3A_181 = arith.constant 0 : i32
      %cond3A_182 = arith.cmpi ne, %convert_element_type3A_180, %cond3A_181 : i32
      scf.if %cond3A_182 {
        %dma_start3A_460 = arith.constant 0 : i32
        %dma_start3A_461 = arith.constant 0 : i32
        %dma_start3A_462 = tpu.memref_slice %arg10[%dma_start3A_460, %dma_start3A_461] : memref<2x128xi32, #tpu.memory_space<vmem>> -> memref<1x128xi32, #tpu.memory_space<vmem>>
        %dma_start3A_463 = tpu.memref_squeeze %dma_start3A_462 : memref<1x128xi32, #tpu.memory_space<vmem>> -> memref<128xi32, #tpu.memory_space<vmem>>
        %dma_start3A_464 = arith.constant 0 : i32
        %dma_start3A_465 = arith.constant 0 : i32
        %dma_start3A_466 = tpu.memref_slice %arg2[%dma_start3A_464, %dma_start3A_465] : memref<50000x64xf32, #tpu.memory_space<hbm>> -> memref<50000x64xf32, #tpu.memory_space<hbm>>
        tpu.enqueue_indirect_dma source(%dma_start3A_466 : memref<50000x64xf32, #tpu.memory_space<hbm>>) target(%arg14 : memref<128x64xf32, #tpu.memory_space<vmem>>) offsets(%dma_start3A_463 : memref<128xi32, #tpu.memory_space<vmem>>) semaphore(%arg19 : memref<!tpu.dma_semaphore, #tpu.memory_space<semaphore_mem>>)
      } else {
      }
      %add3A_183 = arith.constant 6 : i32
      %add3A_184 = arith.addi %add3A_139, %add3A_183 : i32
      %lt3A_185 = arith.constant 80 : i32
      %lt3A_186 = arith.cmpi slt, %add3A_184, %lt3A_185 : i32
      %convert_element_type3A_187 = arith.extui %lt3A_186 : i1 to i32
      %cond3A_188 = arith.constant 0 : i32
      %cond3A_189 = arith.cmpi ne, %convert_element_type3A_187, %cond3A_188 : i32
      scf.if %cond3A_189 {
        %add3A_460 = arith.constant 6 : i32
        %add3A_461 = arith.addi %add3A_139, %add3A_460 : i32
        %dma_start3A_462 = arith.constant 0 : i32
        %dma_start3A_463 = arith.constant 0 : i32
        %dma_start3A_464 = tpu.memref_slice %arg3[%arg0, %arg1, %add3A_461, %dma_start3A_462, %dma_start3A_463] : memref<2x16x80x2x128xi32, #tpu.memory_space<hbm>> -> memref<1x1x1x2x128xi32, #tpu.memory_space<hbm>>
        %dma_start3A_465 = tpu.memref_squeeze %dma_start3A_464 : memref<1x1x1x2x128xi32, #tpu.memory_space<hbm>> -> memref<2x128xi32, #tpu.memory_space<hbm>>
        %dma_start3A_466 = arith.constant 0 : i32
        %dma_start3A_467 = arith.constant 0 : i32
        %dma_start3A_468 = tpu.memref_slice %arg3[%arg0, %arg1, %add3A_461, %dma_start3A_466, %dma_start3A_467] : memref<2x16x80x2x128xi32, #tpu.memory_space<hbm>> -> memref<1x1x1x2x128xi32, #tpu.memory_space<hbm>>
        %dma_start3A_469 = tpu.memref_squeeze %dma_start3A_468 : memref<1x1x1x2x128xi32, #tpu.memory_space<hbm>> -> memref<2x128xi32, #tpu.memory_space<hbm>>
        tpu.enqueue_dma source(%dma_start3A_469 : memref<2x128xi32, #tpu.memory_space<hbm>>) target(%arg6 : memref<2x128xi32, #tpu.memory_space<vmem>>) target_semaphore(%arg23 : memref<!tpu.dma_semaphore, #tpu.memory_space<semaphore_mem>>)
      } else {
      }
      %mul3A_190 = arith.constant 8 : i32
      %mul3A_191 = arith.muli %mul3A_190, %scan3A_33 : i32
      %add3A_192 = arith.constant 3 : i32
      %add3A_193 = arith.addi %mul3A_191, %add3A_192 : i32
      %dma_wait3A_194 = arith.constant 0 : i32
      %dma_wait3A_195 = arith.constant 0 : i32
      %dma_wait3A_196 = tpu.memref_slice %arg9[%dma_wait3A_194, %dma_wait3A_195] : memref<2x128xi32, #tpu.memory_space<vmem>> -> memref<1x128xi32, #tpu.memory_space<vmem>>
      %dma_wait3A_197 = tpu.memref_squeeze %dma_wait3A_196 : memref<1x128xi32, #tpu.memory_space<vmem>> -> memref<128xi32, #tpu.memory_space<vmem>>
      %dma_wait3A_198 = arith.constant 0 : i32
      %dma_wait3A_199 = arith.constant 0 : i32
      %dma_wait3A_200 = tpu.memref_slice %arg2[%dma_wait3A_198, %dma_wait3A_199] : memref<50000x64xf32, #tpu.memory_space<hbm>> -> memref<50000x64xf32, #tpu.memory_space<hbm>>
      tpu.wait_indirect_dma semaphore(%arg22 : memref<!tpu.dma_semaphore, #tpu.memory_space<semaphore_mem>>) src(%dma_wait3A_200 : memref<50000x64xf32, #tpu.memory_space<hbm>>) dst(%arg17 : memref<128x64xf32, #tpu.memory_space<vmem>>)
      %add3A_201 = arith.constant 2 : i32
      %add3A_202 = arith.addi %add3A_193, %add3A_201 : i32
      %lt3A_203 = arith.constant 80 : i32
      %lt3A_204 = arith.cmpi slt, %add3A_202, %lt3A_203 : i32
      %convert_element_type3A_205 = arith.extui %lt3A_204 : i1 to i32
      %cond3A_206 = arith.constant 0 : i32
      %cond3A_207 = arith.cmpi ne, %convert_element_type3A_205, %cond3A_206 : i32
      scf.if %cond3A_207 {
        %dma_start3A_460 = arith.constant 1 : i32
        %dma_start3A_461 = arith.constant 0 : i32
        %dma_start3A_462 = tpu.memref_slice %arg9[%dma_start3A_460, %dma_start3A_461] : memref<2x128xi32, #tpu.memory_space<vmem>> -> memref<1x128xi32, #tpu.memory_space<vmem>>
        %dma_start3A_463 = tpu.memref_squeeze %dma_start3A_462 : memref<1x128xi32, #tpu.memory_space<vmem>> -> memref<128xi32, #tpu.memory_space<vmem>>
        %dma_start3A_464 = arith.constant 0 : i32
        %dma_start3A_465 = arith.constant 0 : i32
        %dma_start3A_466 = tpu.memref_slice %arg18[%dma_start3A_464, %dma_start3A_465] : memref<10240x64xf32, #tpu.memory_space<vmem_shared>> -> memref<10240x64xf32, #tpu.memory_space<vmem_shared>>
        tpu.enqueue_indirect_dma source(%arg17 : memref<128x64xf32, #tpu.memory_space<vmem>>) target(%dma_start3A_466 : memref<10240x64xf32, #tpu.memory_space<vmem_shared>>) offsets(%dma_start3A_463 : memref<128xi32, #tpu.memory_space<vmem>>) semaphore(%arg34 : memref<!tpu.dma_semaphore, #tpu.memory_space<semaphore_mem>>) {add = true}
      } else {
      }
      %add3A_208 = arith.constant 2 : i32
      %add3A_209 = arith.addi %add3A_193, %add3A_208 : i32
      %ge3A_210 = arith.constant 80 : i32
      %ge3A_211 = arith.cmpi sge, %add3A_209, %ge3A_210 : i32
      %convert_element_type3A_212 = arith.extui %ge3A_211 : i1 to i32
      %cond3A_213 = arith.constant 0 : i32
      %cond3A_214 = arith.cmpi ne, %convert_element_type3A_212, %cond3A_213 : i32
      scf.if %cond3A_214 {
        %run_scoped3A_460 = arith.constant 1 : i32
        "tpu.region"() ({
          %run_scoped3A_461 = tpu.sem_alloc : memref<!tpu.dma_semaphore, #tpu.memory_space<semaphore_mem>>
          %dma_start3A_462 = arith.constant 0 : i32
          %dma_start3A_463 = tpu.memref_slice %arg9[%run_scoped3A_460, %dma_start3A_462] : memref<2x128xi32, #tpu.memory_space<vmem>> -> memref<1x128xi32, #tpu.memory_space<vmem>>
          %dma_start3A_464 = tpu.memref_squeeze %dma_start3A_463 : memref<1x128xi32, #tpu.memory_space<vmem>> -> memref<128xi32, #tpu.memory_space<vmem>>
          %dma_start3A_465 = arith.constant 0 : i32
          %dma_start3A_466 = arith.constant 0 : i32
          %dma_start3A_467 = tpu.memref_slice %arg18[%dma_start3A_465, %dma_start3A_466] : memref<10240x64xf32, #tpu.memory_space<vmem_shared>> -> memref<10240x64xf32, #tpu.memory_space<vmem_shared>>
          tpu.enqueue_indirect_dma source(%arg17 : memref<128x64xf32, #tpu.memory_space<vmem>>) target(%dma_start3A_467 : memref<10240x64xf32, #tpu.memory_space<vmem_shared>>) offsets(%dma_start3A_464 : memref<128xi32, #tpu.memory_space<vmem>>) semaphore(%run_scoped3A_461 : memref<!tpu.dma_semaphore, #tpu.memory_space<semaphore_mem>>) {add = true}
          %dma_wait3A_468 = arith.constant 0 : i32
          %dma_wait3A_469 = tpu.memref_slice %arg9[%run_scoped3A_460, %dma_wait3A_468] : memref<2x128xi32, #tpu.memory_space<vmem>> -> memref<1x128xi32, #tpu.memory_space<vmem>>
          %dma_wait3A_470 = tpu.memref_squeeze %dma_wait3A_469 : memref<1x128xi32, #tpu.memory_space<vmem>> -> memref<128xi32, #tpu.memory_space<vmem>>
          %dma_wait3A_471 = arith.constant 0 : i32
          %dma_wait3A_472 = arith.constant 0 : i32
          %dma_wait3A_473 = tpu.memref_slice %arg18[%dma_wait3A_471, %dma_wait3A_472] : memref<10240x64xf32, #tpu.memory_space<vmem_shared>> -> memref<10240x64xf32, #tpu.memory_space<vmem_shared>>
          tpu.wait_indirect_dma semaphore(%run_scoped3A_461 : memref<!tpu.dma_semaphore, #tpu.memory_space<semaphore_mem>>) src(%arg17 : memref<128x64xf32, #tpu.memory_space<vmem>>) dst(%dma_wait3A_473 : memref<10240x64xf32, #tpu.memory_space<vmem_shared>>)
          tpu.yield
        }) : () -> ()
      } else {
      }
      %ge3A_215 = arith.constant 2 : i32
      %ge3A_216 = arith.cmpi sge, %add3A_193, %ge3A_215 : i32
      %convert_element_type3A_217 = arith.extui %ge3A_216 : i1 to i32
      %cond3A_218 = arith.constant 0 : i32
      %cond3A_219 = arith.cmpi ne, %convert_element_type3A_217, %cond3A_218 : i32
      scf.if %cond3A_219 {
        %dma_wait3A_460 = arith.constant 1 : i32
        %dma_wait3A_461 = arith.constant 0 : i32
        %dma_wait3A_462 = tpu.memref_slice %arg7[%dma_wait3A_460, %dma_wait3A_461] : memref<2x128xi32, #tpu.memory_space<vmem>> -> memref<1x128xi32, #tpu.memory_space<vmem>>
        %dma_wait3A_463 = tpu.memref_squeeze %dma_wait3A_462 : memref<1x128xi32, #tpu.memory_space<vmem>> -> memref<128xi32, #tpu.memory_space<vmem>>
        %dma_wait3A_464 = arith.constant 0 : i32
        %dma_wait3A_465 = arith.constant 0 : i32
        %dma_wait3A_466 = tpu.memref_slice %arg18[%dma_wait3A_464, %dma_wait3A_465] : memref<10240x64xf32, #tpu.memory_space<vmem_shared>> -> memref<10240x64xf32, #tpu.memory_space<vmem_shared>>
        tpu.wait_indirect_dma semaphore(%arg32 : memref<!tpu.dma_semaphore, #tpu.memory_space<semaphore_mem>>) src(%arg15 : memref<128x64xf32, #tpu.memory_space<vmem>>) dst(%dma_wait3A_466 : memref<10240x64xf32, #tpu.memory_space<vmem_shared>>)
      } else {
      }
      %add3A_220 = arith.constant 2 : i32
      %add3A_221 = arith.addi %add3A_193, %add3A_220 : i32
      %lt3A_222 = arith.constant 80 : i32
      %lt3A_223 = arith.cmpi slt, %add3A_221, %lt3A_222 : i32
      %ge3A_224 = arith.constant 4 : i32
      %ge3A_225 = arith.cmpi sge, %add3A_193, %ge3A_224 : i32
      %and3A_226 = arith.andi %lt3A_223, %ge3A_225 : i1
      %convert_element_type3A_227 = arith.extui %and3A_226 : i1 to i32
      %cond3A_228 = arith.constant 0 : i32
      %cond3A_229 = arith.cmpi ne, %convert_element_type3A_227, %cond3A_228 : i32
      scf.if %cond3A_229 {
        %add3A_460 = arith.constant 2 : i32
        %add3A_461 = arith.addi %add3A_193, %add3A_460 : i32
        %dma_wait3A_462 = arith.constant 0 : i32
        %dma_wait3A_463 = arith.constant 0 : i32
        %dma_wait3A_464 = tpu.memref_slice %arg3[%arg0, %arg1, %add3A_461, %dma_wait3A_462, %dma_wait3A_463] : memref<2x16x80x2x128xi32, #tpu.memory_space<hbm>> -> memref<1x1x1x2x128xi32, #tpu.memory_space<hbm>>
        %dma_wait3A_465 = tpu.memref_squeeze %dma_wait3A_464 : memref<1x1x1x2x128xi32, #tpu.memory_space<hbm>> -> memref<2x128xi32, #tpu.memory_space<hbm>>
        %dma_wait3A_466 = arith.constant 0 : i32
        %dma_wait3A_467 = arith.constant 0 : i32
        %dma_wait3A_468 = tpu.memref_slice %arg3[%arg0, %arg1, %add3A_461, %dma_wait3A_466, %dma_wait3A_467] : memref<2x16x80x2x128xi32, #tpu.memory_space<hbm>> -> memref<1x1x1x2x128xi32, #tpu.memory_space<hbm>>
        %dma_wait3A_469 = tpu.memref_squeeze %dma_wait3A_468 : memref<1x1x1x2x128xi32, #tpu.memory_space<hbm>> -> memref<2x128xi32, #tpu.memory_space<hbm>>
        tpu.wait_dma2 semaphore(%arg28 : memref<!tpu.dma_semaphore, #tpu.memory_space<semaphore_mem>>) src(%dma_wait3A_469 : memref<2x128xi32, #tpu.memory_space<hbm>>) dst(%arg11 : memref<2x128xi32, #tpu.memory_space<vmem>>)
      } else {
      }
      %add3A_230 = arith.constant 2 : i32
      %add3A_231 = arith.addi %add3A_193, %add3A_230 : i32
      %lt3A_232 = arith.constant 80 : i32
      %lt3A_233 = arith.cmpi slt, %add3A_231, %lt3A_232 : i32
      %convert_element_type3A_234 = arith.extui %lt3A_233 : i1 to i32
      %cond3A_235 = arith.constant 0 : i32
      %cond3A_236 = arith.cmpi ne, %convert_element_type3A_234, %cond3A_235 : i32
      scf.if %cond3A_236 {
        %dma_start3A_460 = arith.constant 0 : i32
        %dma_start3A_461 = arith.constant 0 : i32
        %dma_start3A_462 = tpu.memref_slice %arg11[%dma_start3A_460, %dma_start3A_461] : memref<2x128xi32, #tpu.memory_space<vmem>> -> memref<1x128xi32, #tpu.memory_space<vmem>>
        %dma_start3A_463 = tpu.memref_squeeze %dma_start3A_462 : memref<1x128xi32, #tpu.memory_space<vmem>> -> memref<128xi32, #tpu.memory_space<vmem>>
        %dma_start3A_464 = arith.constant 0 : i32
        %dma_start3A_465 = arith.constant 0 : i32
        %dma_start3A_466 = tpu.memref_slice %arg2[%dma_start3A_464, %dma_start3A_465] : memref<50000x64xf32, #tpu.memory_space<hbm>> -> memref<50000x64xf32, #tpu.memory_space<hbm>>
        tpu.enqueue_indirect_dma source(%dma_start3A_466 : memref<50000x64xf32, #tpu.memory_space<hbm>>) target(%arg15 : memref<128x64xf32, #tpu.memory_space<vmem>>) offsets(%dma_start3A_463 : memref<128xi32, #tpu.memory_space<vmem>>) semaphore(%arg20 : memref<!tpu.dma_semaphore, #tpu.memory_space<semaphore_mem>>)
      } else {
      }
      %add3A_237 = arith.constant 6 : i32
      %add3A_238 = arith.addi %add3A_193, %add3A_237 : i32
      %lt3A_239 = arith.constant 80 : i32
      %lt3A_240 = arith.cmpi slt, %add3A_238, %lt3A_239 : i32
      %convert_element_type3A_241 = arith.extui %lt3A_240 : i1 to i32
      %cond3A_242 = arith.constant 0 : i32
      %cond3A_243 = arith.cmpi ne, %convert_element_type3A_241, %cond3A_242 : i32
      scf.if %cond3A_243 {
        %add3A_460 = arith.constant 6 : i32
        %add3A_461 = arith.addi %add3A_193, %add3A_460 : i32
        %dma_start3A_462 = arith.constant 0 : i32
        %dma_start3A_463 = arith.constant 0 : i32
        %dma_start3A_464 = tpu.memref_slice %arg3[%arg0, %arg1, %add3A_461, %dma_start3A_462, %dma_start3A_463] : memref<2x16x80x2x128xi32, #tpu.memory_space<hbm>> -> memref<1x1x1x2x128xi32, #tpu.memory_space<hbm>>
        %dma_start3A_465 = tpu.memref_squeeze %dma_start3A_464 : memref<1x1x1x2x128xi32, #tpu.memory_space<hbm>> -> memref<2x128xi32, #tpu.memory_space<hbm>>
        %dma_start3A_466 = arith.constant 0 : i32
        %dma_start3A_467 = arith.constant 0 : i32
        %dma_start3A_468 = tpu.memref_slice %arg3[%arg0, %arg1, %add3A_461, %dma_start3A_466, %dma_start3A_467] : memref<2x16x80x2x128xi32, #tpu.memory_space<hbm>> -> memref<1x1x1x2x128xi32, #tpu.memory_space<hbm>>
        %dma_start3A_469 = tpu.memref_squeeze %dma_start3A_468 : memref<1x1x1x2x128xi32, #tpu.memory_space<hbm>> -> memref<2x128xi32, #tpu.memory_space<hbm>>
        tpu.enqueue_dma source(%dma_start3A_469 : memref<2x128xi32, #tpu.memory_space<hbm>>) target(%arg7 : memref<2x128xi32, #tpu.memory_space<vmem>>) target_semaphore(%arg24 : memref<!tpu.dma_semaphore, #tpu.memory_space<semaphore_mem>>)
      } else {
      }
      %mul3A_244 = arith.constant 8 : i32
      %mul3A_245 = arith.muli %mul3A_244, %scan3A_33 : i32
      %add3A_246 = arith.constant 4 : i32
      %add3A_247 = arith.addi %mul3A_245, %add3A_246 : i32
      %dma_wait3A_248 = arith.constant 0 : i32
      %dma_wait3A_249 = arith.constant 0 : i32
      %dma_wait3A_250 = tpu.memref_slice %arg10[%dma_wait3A_248, %dma_wait3A_249] : memref<2x128xi32, #tpu.memory_space<vmem>> -> memref<1x128xi32, #tpu.memory_space<vmem>>
      %dma_wait3A_251 = tpu.memref_squeeze %dma_wait3A_250 : memref<1x128xi32, #tpu.memory_space<vmem>> -> memref<128xi32, #tpu.memory_space<vmem>>
      %dma_wait3A_252 = arith.constant 0 : i32
      %dma_wait3A_253 = arith.constant 0 : i32
      %dma_wait3A_254 = tpu.memref_slice %arg2[%dma_wait3A_252, %dma_wait3A_253] : memref<50000x64xf32, #tpu.memory_space<hbm>> -> memref<50000x64xf32, #tpu.memory_space<hbm>>
      tpu.wait_indirect_dma semaphore(%arg19 : memref<!tpu.dma_semaphore, #tpu.memory_space<semaphore_mem>>) src(%dma_wait3A_254 : memref<50000x64xf32, #tpu.memory_space<hbm>>) dst(%arg14 : memref<128x64xf32, #tpu.memory_space<vmem>>)
      %add3A_255 = arith.constant 2 : i32
      %add3A_256 = arith.addi %add3A_247, %add3A_255 : i32
      %lt3A_257 = arith.constant 80 : i32
      %lt3A_258 = arith.cmpi slt, %add3A_256, %lt3A_257 : i32
      %convert_element_type3A_259 = arith.extui %lt3A_258 : i1 to i32
      %cond3A_260 = arith.constant 0 : i32
      %cond3A_261 = arith.cmpi ne, %convert_element_type3A_259, %cond3A_260 : i32
      scf.if %cond3A_261 {
        %dma_start3A_460 = arith.constant 1 : i32
        %dma_start3A_461 = arith.constant 0 : i32
        %dma_start3A_462 = tpu.memref_slice %arg10[%dma_start3A_460, %dma_start3A_461] : memref<2x128xi32, #tpu.memory_space<vmem>> -> memref<1x128xi32, #tpu.memory_space<vmem>>
        %dma_start3A_463 = tpu.memref_squeeze %dma_start3A_462 : memref<1x128xi32, #tpu.memory_space<vmem>> -> memref<128xi32, #tpu.memory_space<vmem>>
        %dma_start3A_464 = arith.constant 0 : i32
        %dma_start3A_465 = arith.constant 0 : i32
        %dma_start3A_466 = tpu.memref_slice %arg18[%dma_start3A_464, %dma_start3A_465] : memref<10240x64xf32, #tpu.memory_space<vmem_shared>> -> memref<10240x64xf32, #tpu.memory_space<vmem_shared>>
        tpu.enqueue_indirect_dma source(%arg14 : memref<128x64xf32, #tpu.memory_space<vmem>>) target(%dma_start3A_466 : memref<10240x64xf32, #tpu.memory_space<vmem_shared>>) offsets(%dma_start3A_463 : memref<128xi32, #tpu.memory_space<vmem>>) semaphore(%arg31 : memref<!tpu.dma_semaphore, #tpu.memory_space<semaphore_mem>>) {add = true}
      } else {
      }
      %add3A_262 = arith.constant 2 : i32
      %add3A_263 = arith.addi %add3A_247, %add3A_262 : i32
      %ge3A_264 = arith.constant 80 : i32
      %ge3A_265 = arith.cmpi sge, %add3A_263, %ge3A_264 : i32
      %convert_element_type3A_266 = arith.extui %ge3A_265 : i1 to i32
      %cond3A_267 = arith.constant 0 : i32
      %cond3A_268 = arith.cmpi ne, %convert_element_type3A_266, %cond3A_267 : i32
      scf.if %cond3A_268 {
        %run_scoped3A_460 = arith.constant 1 : i32
        "tpu.region"() ({
          %run_scoped3A_461 = tpu.sem_alloc : memref<!tpu.dma_semaphore, #tpu.memory_space<semaphore_mem>>
          %dma_start3A_462 = arith.constant 0 : i32
          %dma_start3A_463 = tpu.memref_slice %arg10[%run_scoped3A_460, %dma_start3A_462] : memref<2x128xi32, #tpu.memory_space<vmem>> -> memref<1x128xi32, #tpu.memory_space<vmem>>
          %dma_start3A_464 = tpu.memref_squeeze %dma_start3A_463 : memref<1x128xi32, #tpu.memory_space<vmem>> -> memref<128xi32, #tpu.memory_space<vmem>>
          %dma_start3A_465 = arith.constant 0 : i32
          %dma_start3A_466 = arith.constant 0 : i32
          %dma_start3A_467 = tpu.memref_slice %arg18[%dma_start3A_465, %dma_start3A_466] : memref<10240x64xf32, #tpu.memory_space<vmem_shared>> -> memref<10240x64xf32, #tpu.memory_space<vmem_shared>>
          tpu.enqueue_indirect_dma source(%arg14 : memref<128x64xf32, #tpu.memory_space<vmem>>) target(%dma_start3A_467 : memref<10240x64xf32, #tpu.memory_space<vmem_shared>>) offsets(%dma_start3A_464 : memref<128xi32, #tpu.memory_space<vmem>>) semaphore(%run_scoped3A_461 : memref<!tpu.dma_semaphore, #tpu.memory_space<semaphore_mem>>) {add = true}
          %dma_wait3A_468 = arith.constant 0 : i32
          %dma_wait3A_469 = tpu.memref_slice %arg10[%run_scoped3A_460, %dma_wait3A_468] : memref<2x128xi32, #tpu.memory_space<vmem>> -> memref<1x128xi32, #tpu.memory_space<vmem>>
          %dma_wait3A_470 = tpu.memref_squeeze %dma_wait3A_469 : memref<1x128xi32, #tpu.memory_space<vmem>> -> memref<128xi32, #tpu.memory_space<vmem>>
          %dma_wait3A_471 = arith.constant 0 : i32
          %dma_wait3A_472 = arith.constant 0 : i32
          %dma_wait3A_473 = tpu.memref_slice %arg18[%dma_wait3A_471, %dma_wait3A_472] : memref<10240x64xf32, #tpu.memory_space<vmem_shared>> -> memref<10240x64xf32, #tpu.memory_space<vmem_shared>>
          tpu.wait_indirect_dma semaphore(%run_scoped3A_461 : memref<!tpu.dma_semaphore, #tpu.memory_space<semaphore_mem>>) src(%arg14 : memref<128x64xf32, #tpu.memory_space<vmem>>) dst(%dma_wait3A_473 : memref<10240x64xf32, #tpu.memory_space<vmem_shared>>)
          tpu.yield
        }) : () -> ()
      } else {
      }
      %ge3A_269 = arith.constant 2 : i32
      %ge3A_270 = arith.cmpi sge, %add3A_247, %ge3A_269 : i32
      %convert_element_type3A_271 = arith.extui %ge3A_270 : i1 to i32
      %cond3A_272 = arith.constant 0 : i32
      %cond3A_273 = arith.cmpi ne, %convert_element_type3A_271, %cond3A_272 : i32
      scf.if %cond3A_273 {
        %dma_wait3A_460 = arith.constant 1 : i32
        %dma_wait3A_461 = arith.constant 0 : i32
        %dma_wait3A_462 = tpu.memref_slice %arg8[%dma_wait3A_460, %dma_wait3A_461] : memref<2x128xi32, #tpu.memory_space<vmem>> -> memref<1x128xi32, #tpu.memory_space<vmem>>
        %dma_wait3A_463 = tpu.memref_squeeze %dma_wait3A_462 : memref<1x128xi32, #tpu.memory_space<vmem>> -> memref<128xi32, #tpu.memory_space<vmem>>
        %dma_wait3A_464 = arith.constant 0 : i32
        %dma_wait3A_465 = arith.constant 0 : i32
        %dma_wait3A_466 = tpu.memref_slice %arg18[%dma_wait3A_464, %dma_wait3A_465] : memref<10240x64xf32, #tpu.memory_space<vmem_shared>> -> memref<10240x64xf32, #tpu.memory_space<vmem_shared>>
        tpu.wait_indirect_dma semaphore(%arg33 : memref<!tpu.dma_semaphore, #tpu.memory_space<semaphore_mem>>) src(%arg16 : memref<128x64xf32, #tpu.memory_space<vmem>>) dst(%dma_wait3A_466 : memref<10240x64xf32, #tpu.memory_space<vmem_shared>>)
      } else {
      }
      %add3A_274 = arith.constant 2 : i32
      %add3A_275 = arith.addi %add3A_247, %add3A_274 : i32
      %lt3A_276 = arith.constant 80 : i32
      %lt3A_277 = arith.cmpi slt, %add3A_275, %lt3A_276 : i32
      %ge3A_278 = arith.constant 4 : i32
      %ge3A_279 = arith.cmpi sge, %add3A_247, %ge3A_278 : i32
      %and3A_280 = arith.andi %lt3A_277, %ge3A_279 : i1
      %convert_element_type3A_281 = arith.extui %and3A_280 : i1 to i32
      %cond3A_282 = arith.constant 0 : i32
      %cond3A_283 = arith.cmpi ne, %convert_element_type3A_281, %cond3A_282 : i32
      scf.if %cond3A_283 {
        %add3A_460 = arith.constant 2 : i32
        %add3A_461 = arith.addi %add3A_247, %add3A_460 : i32
        %dma_wait3A_462 = arith.constant 0 : i32
        %dma_wait3A_463 = arith.constant 0 : i32
        %dma_wait3A_464 = tpu.memref_slice %arg3[%arg0, %arg1, %add3A_461, %dma_wait3A_462, %dma_wait3A_463] : memref<2x16x80x2x128xi32, #tpu.memory_space<hbm>> -> memref<1x1x1x2x128xi32, #tpu.memory_space<hbm>>
        %dma_wait3A_465 = tpu.memref_squeeze %dma_wait3A_464 : memref<1x1x1x2x128xi32, #tpu.memory_space<hbm>> -> memref<2x128xi32, #tpu.memory_space<hbm>>
        %dma_wait3A_466 = arith.constant 0 : i32
        %dma_wait3A_467 = arith.constant 0 : i32
        %dma_wait3A_468 = tpu.memref_slice %arg3[%arg0, %arg1, %add3A_461, %dma_wait3A_466, %dma_wait3A_467] : memref<2x16x80x2x128xi32, #tpu.memory_space<hbm>> -> memref<1x1x1x2x128xi32, #tpu.memory_space<hbm>>
        %dma_wait3A_469 = tpu.memref_squeeze %dma_wait3A_468 : memref<1x1x1x2x128xi32, #tpu.memory_space<hbm>> -> memref<2x128xi32, #tpu.memory_space<hbm>>
        tpu.wait_dma2 semaphore(%arg29 : memref<!tpu.dma_semaphore, #tpu.memory_space<semaphore_mem>>) src(%dma_wait3A_469 : memref<2x128xi32, #tpu.memory_space<hbm>>) dst(%arg12 : memref<2x128xi32, #tpu.memory_space<vmem>>)
      } else {
      }
      %add3A_284 = arith.constant 2 : i32
      %add3A_285 = arith.addi %add3A_247, %add3A_284 : i32
      %lt3A_286 = arith.constant 80 : i32
      %lt3A_287 = arith.cmpi slt, %add3A_285, %lt3A_286 : i32
      %convert_element_type3A_288 = arith.extui %lt3A_287 : i1 to i32
      %cond3A_289 = arith.constant 0 : i32
      %cond3A_290 = arith.cmpi ne, %convert_element_type3A_288, %cond3A_289 : i32
      scf.if %cond3A_290 {
        %dma_start3A_460 = arith.constant 0 : i32
        %dma_start3A_461 = arith.constant 0 : i32
        %dma_start3A_462 = tpu.memref_slice %arg12[%dma_start3A_460, %dma_start3A_461] : memref<2x128xi32, #tpu.memory_space<vmem>> -> memref<1x128xi32, #tpu.memory_space<vmem>>
        %dma_start3A_463 = tpu.memref_squeeze %dma_start3A_462 : memref<1x128xi32, #tpu.memory_space<vmem>> -> memref<128xi32, #tpu.memory_space<vmem>>
        %dma_start3A_464 = arith.constant 0 : i32
        %dma_start3A_465 = arith.constant 0 : i32
        %dma_start3A_466 = tpu.memref_slice %arg2[%dma_start3A_464, %dma_start3A_465] : memref<50000x64xf32, #tpu.memory_space<hbm>> -> memref<50000x64xf32, #tpu.memory_space<hbm>>
        tpu.enqueue_indirect_dma source(%dma_start3A_466 : memref<50000x64xf32, #tpu.memory_space<hbm>>) target(%arg16 : memref<128x64xf32, #tpu.memory_space<vmem>>) offsets(%dma_start3A_463 : memref<128xi32, #tpu.memory_space<vmem>>) semaphore(%arg21 : memref<!tpu.dma_semaphore, #tpu.memory_space<semaphore_mem>>)
      } else {
      }
      %add3A_291 = arith.constant 6 : i32
      %add3A_292 = arith.addi %add3A_247, %add3A_291 : i32
      %lt3A_293 = arith.constant 80 : i32
      %lt3A_294 = arith.cmpi slt, %add3A_292, %lt3A_293 : i32
      %convert_element_type3A_295 = arith.extui %lt3A_294 : i1 to i32
      %cond3A_296 = arith.constant 0 : i32
      %cond3A_297 = arith.cmpi ne, %convert_element_type3A_295, %cond3A_296 : i32
      scf.if %cond3A_297 {
        %add3A_460 = arith.constant 6 : i32
        %add3A_461 = arith.addi %add3A_247, %add3A_460 : i32
        %dma_start3A_462 = arith.constant 0 : i32
        %dma_start3A_463 = arith.constant 0 : i32
        %dma_start3A_464 = tpu.memref_slice %arg3[%arg0, %arg1, %add3A_461, %dma_start3A_462, %dma_start3A_463] : memref<2x16x80x2x128xi32, #tpu.memory_space<hbm>> -> memref<1x1x1x2x128xi32, #tpu.memory_space<hbm>>
        %dma_start3A_465 = tpu.memref_squeeze %dma_start3A_464 : memref<1x1x1x2x128xi32, #tpu.memory_space<hbm>> -> memref<2x128xi32, #tpu.memory_space<hbm>>
        %dma_start3A_466 = arith.constant 0 : i32
        %dma_start3A_467 = arith.constant 0 : i32
        %dma_start3A_468 = tpu.memref_slice %arg3[%arg0, %arg1, %add3A_461, %dma_start3A_466, %dma_start3A_467] : memref<2x16x80x2x128xi32, #tpu.memory_space<hbm>> -> memref<1x1x1x2x128xi32, #tpu.memory_space<hbm>>
        %dma_start3A_469 = tpu.memref_squeeze %dma_start3A_468 : memref<1x1x1x2x128xi32, #tpu.memory_space<hbm>> -> memref<2x128xi32, #tpu.memory_space<hbm>>
        tpu.enqueue_dma source(%dma_start3A_469 : memref<2x128xi32, #tpu.memory_space<hbm>>) target(%arg8 : memref<2x128xi32, #tpu.memory_space<vmem>>) target_semaphore(%arg25 : memref<!tpu.dma_semaphore, #tpu.memory_space<semaphore_mem>>)
      } else {
      }
      %mul3A_298 = arith.constant 8 : i32
      %mul3A_299 = arith.muli %mul3A_298, %scan3A_33 : i32
      %add3A_300 = arith.constant 5 : i32
      %add3A_301 = arith.addi %mul3A_299, %add3A_300 : i32
      %dma_wait3A_302 = arith.constant 0 : i32
      %dma_wait3A_303 = arith.constant 0 : i32
      %dma_wait3A_304 = tpu.memref_slice %arg11[%dma_wait3A_302, %dma_wait3A_303] : memref<2x128xi32, #tpu.memory_space<vmem>> -> memref<1x128xi32, #tpu.memory_space<vmem>>
      %dma_wait3A_305 = tpu.memref_squeeze %dma_wait3A_304 : memref<1x128xi32, #tpu.memory_space<vmem>> -> memref<128xi32, #tpu.memory_space<vmem>>
      %dma_wait3A_306 = arith.constant 0 : i32
      %dma_wait3A_307 = arith.constant 0 : i32
      %dma_wait3A_308 = tpu.memref_slice %arg2[%dma_wait3A_306, %dma_wait3A_307] : memref<50000x64xf32, #tpu.memory_space<hbm>> -> memref<50000x64xf32, #tpu.memory_space<hbm>>
      tpu.wait_indirect_dma semaphore(%arg20 : memref<!tpu.dma_semaphore, #tpu.memory_space<semaphore_mem>>) src(%dma_wait3A_308 : memref<50000x64xf32, #tpu.memory_space<hbm>>) dst(%arg15 : memref<128x64xf32, #tpu.memory_space<vmem>>)
      %add3A_309 = arith.constant 2 : i32
      %add3A_310 = arith.addi %add3A_301, %add3A_309 : i32
      %lt3A_311 = arith.constant 80 : i32
      %lt3A_312 = arith.cmpi slt, %add3A_310, %lt3A_311 : i32
      %convert_element_type3A_313 = arith.extui %lt3A_312 : i1 to i32
      %cond3A_314 = arith.constant 0 : i32
      %cond3A_315 = arith.cmpi ne, %convert_element_type3A_313, %cond3A_314 : i32
      scf.if %cond3A_315 {
        %dma_start3A_460 = arith.constant 1 : i32
        %dma_start3A_461 = arith.constant 0 : i32
        %dma_start3A_462 = tpu.memref_slice %arg11[%dma_start3A_460, %dma_start3A_461] : memref<2x128xi32, #tpu.memory_space<vmem>> -> memref<1x128xi32, #tpu.memory_space<vmem>>
        %dma_start3A_463 = tpu.memref_squeeze %dma_start3A_462 : memref<1x128xi32, #tpu.memory_space<vmem>> -> memref<128xi32, #tpu.memory_space<vmem>>
        %dma_start3A_464 = arith.constant 0 : i32
        %dma_start3A_465 = arith.constant 0 : i32
        %dma_start3A_466 = tpu.memref_slice %arg18[%dma_start3A_464, %dma_start3A_465] : memref<10240x64xf32, #tpu.memory_space<vmem_shared>> -> memref<10240x64xf32, #tpu.memory_space<vmem_shared>>
        tpu.enqueue_indirect_dma source(%arg15 : memref<128x64xf32, #tpu.memory_space<vmem>>) target(%dma_start3A_466 : memref<10240x64xf32, #tpu.memory_space<vmem_shared>>) offsets(%dma_start3A_463 : memref<128xi32, #tpu.memory_space<vmem>>) semaphore(%arg32 : memref<!tpu.dma_semaphore, #tpu.memory_space<semaphore_mem>>) {add = true}
      } else {
      }
      %add3A_316 = arith.constant 2 : i32
      %add3A_317 = arith.addi %add3A_301, %add3A_316 : i32
      %ge3A_318 = arith.constant 80 : i32
      %ge3A_319 = arith.cmpi sge, %add3A_317, %ge3A_318 : i32
      %convert_element_type3A_320 = arith.extui %ge3A_319 : i1 to i32
      %cond3A_321 = arith.constant 0 : i32
      %cond3A_322 = arith.cmpi ne, %convert_element_type3A_320, %cond3A_321 : i32
      scf.if %cond3A_322 {
        %run_scoped3A_460 = arith.constant 1 : i32
        "tpu.region"() ({
          %run_scoped3A_461 = tpu.sem_alloc : memref<!tpu.dma_semaphore, #tpu.memory_space<semaphore_mem>>
          %dma_start3A_462 = arith.constant 0 : i32
          %dma_start3A_463 = tpu.memref_slice %arg11[%run_scoped3A_460, %dma_start3A_462] : memref<2x128xi32, #tpu.memory_space<vmem>> -> memref<1x128xi32, #tpu.memory_space<vmem>>
          %dma_start3A_464 = tpu.memref_squeeze %dma_start3A_463 : memref<1x128xi32, #tpu.memory_space<vmem>> -> memref<128xi32, #tpu.memory_space<vmem>>
          %dma_start3A_465 = arith.constant 0 : i32
          %dma_start3A_466 = arith.constant 0 : i32
          %dma_start3A_467 = tpu.memref_slice %arg18[%dma_start3A_465, %dma_start3A_466] : memref<10240x64xf32, #tpu.memory_space<vmem_shared>> -> memref<10240x64xf32, #tpu.memory_space<vmem_shared>>
          tpu.enqueue_indirect_dma source(%arg15 : memref<128x64xf32, #tpu.memory_space<vmem>>) target(%dma_start3A_467 : memref<10240x64xf32, #tpu.memory_space<vmem_shared>>) offsets(%dma_start3A_464 : memref<128xi32, #tpu.memory_space<vmem>>) semaphore(%run_scoped3A_461 : memref<!tpu.dma_semaphore, #tpu.memory_space<semaphore_mem>>) {add = true}
          %dma_wait3A_468 = arith.constant 0 : i32
          %dma_wait3A_469 = tpu.memref_slice %arg11[%run_scoped3A_460, %dma_wait3A_468] : memref<2x128xi32, #tpu.memory_space<vmem>> -> memref<1x128xi32, #tpu.memory_space<vmem>>
          %dma_wait3A_470 = tpu.memref_squeeze %dma_wait3A_469 : memref<1x128xi32, #tpu.memory_space<vmem>> -> memref<128xi32, #tpu.memory_space<vmem>>
          %dma_wait3A_471 = arith.constant 0 : i32
          %dma_wait3A_472 = arith.constant 0 : i32
          %dma_wait3A_473 = tpu.memref_slice %arg18[%dma_wait3A_471, %dma_wait3A_472] : memref<10240x64xf32, #tpu.memory_space<vmem_shared>> -> memref<10240x64xf32, #tpu.memory_space<vmem_shared>>
          tpu.wait_indirect_dma semaphore(%run_scoped3A_461 : memref<!tpu.dma_semaphore, #tpu.memory_space<semaphore_mem>>) src(%arg15 : memref<128x64xf32, #tpu.memory_space<vmem>>) dst(%dma_wait3A_473 : memref<10240x64xf32, #tpu.memory_space<vmem_shared>>)
          tpu.yield
        }) : () -> ()
      } else {
      }
      %ge3A_323 = arith.constant 2 : i32
      %ge3A_324 = arith.cmpi sge, %add3A_301, %ge3A_323 : i32
      %convert_element_type3A_325 = arith.extui %ge3A_324 : i1 to i32
      %cond3A_326 = arith.constant 0 : i32
      %cond3A_327 = arith.cmpi ne, %convert_element_type3A_325, %cond3A_326 : i32
      scf.if %cond3A_327 {
        %dma_wait3A_460 = arith.constant 1 : i32
        %dma_wait3A_461 = arith.constant 0 : i32
        %dma_wait3A_462 = tpu.memref_slice %arg9[%dma_wait3A_460, %dma_wait3A_461] : memref<2x128xi32, #tpu.memory_space<vmem>> -> memref<1x128xi32, #tpu.memory_space<vmem>>
        %dma_wait3A_463 = tpu.memref_squeeze %dma_wait3A_462 : memref<1x128xi32, #tpu.memory_space<vmem>> -> memref<128xi32, #tpu.memory_space<vmem>>
        %dma_wait3A_464 = arith.constant 0 : i32
        %dma_wait3A_465 = arith.constant 0 : i32
        %dma_wait3A_466 = tpu.memref_slice %arg18[%dma_wait3A_464, %dma_wait3A_465] : memref<10240x64xf32, #tpu.memory_space<vmem_shared>> -> memref<10240x64xf32, #tpu.memory_space<vmem_shared>>
        tpu.wait_indirect_dma semaphore(%arg34 : memref<!tpu.dma_semaphore, #tpu.memory_space<semaphore_mem>>) src(%arg17 : memref<128x64xf32, #tpu.memory_space<vmem>>) dst(%dma_wait3A_466 : memref<10240x64xf32, #tpu.memory_space<vmem_shared>>)
      } else {
      }
      %add3A_328 = arith.constant 2 : i32
      %add3A_329 = arith.addi %add3A_301, %add3A_328 : i32
      %lt3A_330 = arith.constant 80 : i32
      %lt3A_331 = arith.cmpi slt, %add3A_329, %lt3A_330 : i32
      %ge3A_332 = arith.constant 4 : i32
      %ge3A_333 = arith.cmpi sge, %add3A_301, %ge3A_332 : i32
      %and3A_334 = arith.andi %lt3A_331, %ge3A_333 : i1
      %convert_element_type3A_335 = arith.extui %and3A_334 : i1 to i32
      %cond3A_336 = arith.constant 0 : i32
      %cond3A_337 = arith.cmpi ne, %convert_element_type3A_335, %cond3A_336 : i32
      scf.if %cond3A_337 {
        %add3A_460 = arith.constant 2 : i32
        %add3A_461 = arith.addi %add3A_301, %add3A_460 : i32
        %dma_wait3A_462 = arith.constant 0 : i32
        %dma_wait3A_463 = arith.constant 0 : i32
        %dma_wait3A_464 = tpu.memref_slice %arg3[%arg0, %arg1, %add3A_461, %dma_wait3A_462, %dma_wait3A_463] : memref<2x16x80x2x128xi32, #tpu.memory_space<hbm>> -> memref<1x1x1x2x128xi32, #tpu.memory_space<hbm>>
        %dma_wait3A_465 = tpu.memref_squeeze %dma_wait3A_464 : memref<1x1x1x2x128xi32, #tpu.memory_space<hbm>> -> memref<2x128xi32, #tpu.memory_space<hbm>>
        %dma_wait3A_466 = arith.constant 0 : i32
        %dma_wait3A_467 = arith.constant 0 : i32
        %dma_wait3A_468 = tpu.memref_slice %arg3[%arg0, %arg1, %add3A_461, %dma_wait3A_466, %dma_wait3A_467] : memref<2x16x80x2x128xi32, #tpu.memory_space<hbm>> -> memref<1x1x1x2x128xi32, #tpu.memory_space<hbm>>
        %dma_wait3A_469 = tpu.memref_squeeze %dma_wait3A_468 : memref<1x1x1x2x128xi32, #tpu.memory_space<hbm>> -> memref<2x128xi32, #tpu.memory_space<hbm>>
        tpu.wait_dma2 semaphore(%arg30 : memref<!tpu.dma_semaphore, #tpu.memory_space<semaphore_mem>>) src(%dma_wait3A_469 : memref<2x128xi32, #tpu.memory_space<hbm>>) dst(%arg13 : memref<2x128xi32, #tpu.memory_space<vmem>>)
      } else {
      }
      %add3A_338 = arith.constant 2 : i32
      %add3A_339 = arith.addi %add3A_301, %add3A_338 : i32
      %lt3A_340 = arith.constant 80 : i32
      %lt3A_341 = arith.cmpi slt, %add3A_339, %lt3A_340 : i32
      %convert_element_type3A_342 = arith.extui %lt3A_341 : i1 to i32
      %cond3A_343 = arith.constant 0 : i32
      %cond3A_344 = arith.cmpi ne, %convert_element_type3A_342, %cond3A_343 : i32
      scf.if %cond3A_344 {
        %dma_start3A_460 = arith.constant 0 : i32
        %dma_start3A_461 = arith.constant 0 : i32
        %dma_start3A_462 = tpu.memref_slice %arg13[%dma_start3A_460, %dma_start3A_461] : memref<2x128xi32, #tpu.memory_space<vmem>> -> memref<1x128xi32, #tpu.memory_space<vmem>>
        %dma_start3A_463 = tpu.memref_squeeze %dma_start3A_462 : memref<1x128xi32, #tpu.memory_space<vmem>> -> memref<128xi32, #tpu.memory_space<vmem>>
        %dma_start3A_464 = arith.constant 0 : i32
        %dma_start3A_465 = arith.constant 0 : i32
        %dma_start3A_466 = tpu.memref_slice %arg2[%dma_start3A_464, %dma_start3A_465] : memref<50000x64xf32, #tpu.memory_space<hbm>> -> memref<50000x64xf32, #tpu.memory_space<hbm>>
        tpu.enqueue_indirect_dma source(%dma_start3A_466 : memref<50000x64xf32, #tpu.memory_space<hbm>>) target(%arg17 : memref<128x64xf32, #tpu.memory_space<vmem>>) offsets(%dma_start3A_463 : memref<128xi32, #tpu.memory_space<vmem>>) semaphore(%arg22 : memref<!tpu.dma_semaphore, #tpu.memory_space<semaphore_mem>>)
      } else {
      }
      %add3A_345 = arith.constant 6 : i32
      %add3A_346 = arith.addi %add3A_301, %add3A_345 : i32
      %lt3A_347 = arith.constant 80 : i32
      %lt3A_348 = arith.cmpi slt, %add3A_346, %lt3A_347 : i32
      %convert_element_type3A_349 = arith.extui %lt3A_348 : i1 to i32
      %cond3A_350 = arith.constant 0 : i32
      %cond3A_351 = arith.cmpi ne, %convert_element_type3A_349, %cond3A_350 : i32
      scf.if %cond3A_351 {
        %add3A_460 = arith.constant 6 : i32
        %add3A_461 = arith.addi %add3A_301, %add3A_460 : i32
        %dma_start3A_462 = arith.constant 0 : i32
        %dma_start3A_463 = arith.constant 0 : i32
        %dma_start3A_464 = tpu.memref_slice %arg3[%arg0, %arg1, %add3A_461, %dma_start3A_462, %dma_start3A_463] : memref<2x16x80x2x128xi32, #tpu.memory_space<hbm>> -> memref<1x1x1x2x128xi32, #tpu.memory_space<hbm>>
        %dma_start3A_465 = tpu.memref_squeeze %dma_start3A_464 : memref<1x1x1x2x128xi32, #tpu.memory_space<hbm>> -> memref<2x128xi32, #tpu.memory_space<hbm>>
        %dma_start3A_466 = arith.constant 0 : i32
        %dma_start3A_467 = arith.constant 0 : i32
        %dma_start3A_468 = tpu.memref_slice %arg3[%arg0, %arg1, %add3A_461, %dma_start3A_466, %dma_start3A_467] : memref<2x16x80x2x128xi32, #tpu.memory_space<hbm>> -> memref<1x1x1x2x128xi32, #tpu.memory_space<hbm>>
        %dma_start3A_469 = tpu.memref_squeeze %dma_start3A_468 : memref<1x1x1x2x128xi32, #tpu.memory_space<hbm>> -> memref<2x128xi32, #tpu.memory_space<hbm>>
        tpu.enqueue_dma source(%dma_start3A_469 : memref<2x128xi32, #tpu.memory_space<hbm>>) target(%arg9 : memref<2x128xi32, #tpu.memory_space<vmem>>) target_semaphore(%arg26 : memref<!tpu.dma_semaphore, #tpu.memory_space<semaphore_mem>>)
      } else {
      }
      %mul3A_352 = arith.constant 8 : i32
      %mul3A_353 = arith.muli %mul3A_352, %scan3A_33 : i32
      %add3A_354 = arith.constant 6 : i32
      %add3A_355 = arith.addi %mul3A_353, %add3A_354 : i32
      %dma_wait3A_356 = arith.constant 0 : i32
      %dma_wait3A_357 = arith.constant 0 : i32
      %dma_wait3A_358 = tpu.memref_slice %arg12[%dma_wait3A_356, %dma_wait3A_357] : memref<2x128xi32, #tpu.memory_space<vmem>> -> memref<1x128xi32, #tpu.memory_space<vmem>>
      %dma_wait3A_359 = tpu.memref_squeeze %dma_wait3A_358 : memref<1x128xi32, #tpu.memory_space<vmem>> -> memref<128xi32, #tpu.memory_space<vmem>>
      %dma_wait3A_360 = arith.constant 0 : i32
      %dma_wait3A_361 = arith.constant 0 : i32
      %dma_wait3A_362 = tpu.memref_slice %arg2[%dma_wait3A_360, %dma_wait3A_361] : memref<50000x64xf32, #tpu.memory_space<hbm>> -> memref<50000x64xf32, #tpu.memory_space<hbm>>
      tpu.wait_indirect_dma semaphore(%arg21 : memref<!tpu.dma_semaphore, #tpu.memory_space<semaphore_mem>>) src(%dma_wait3A_362 : memref<50000x64xf32, #tpu.memory_space<hbm>>) dst(%arg16 : memref<128x64xf32, #tpu.memory_space<vmem>>)
      %add3A_363 = arith.constant 2 : i32
      %add3A_364 = arith.addi %add3A_355, %add3A_363 : i32
      %lt3A_365 = arith.constant 80 : i32
      %lt3A_366 = arith.cmpi slt, %add3A_364, %lt3A_365 : i32
      %convert_element_type3A_367 = arith.extui %lt3A_366 : i1 to i32
      %cond3A_368 = arith.constant 0 : i32
      %cond3A_369 = arith.cmpi ne, %convert_element_type3A_367, %cond3A_368 : i32
      scf.if %cond3A_369 {
        %dma_start3A_460 = arith.constant 1 : i32
        %dma_start3A_461 = arith.constant 0 : i32
        %dma_start3A_462 = tpu.memref_slice %arg12[%dma_start3A_460, %dma_start3A_461] : memref<2x128xi32, #tpu.memory_space<vmem>> -> memref<1x128xi32, #tpu.memory_space<vmem>>
        %dma_start3A_463 = tpu.memref_squeeze %dma_start3A_462 : memref<1x128xi32, #tpu.memory_space<vmem>> -> memref<128xi32, #tpu.memory_space<vmem>>
        %dma_start3A_464 = arith.constant 0 : i32
        %dma_start3A_465 = arith.constant 0 : i32
        %dma_start3A_466 = tpu.memref_slice %arg18[%dma_start3A_464, %dma_start3A_465] : memref<10240x64xf32, #tpu.memory_space<vmem_shared>> -> memref<10240x64xf32, #tpu.memory_space<vmem_shared>>
        tpu.enqueue_indirect_dma source(%arg16 : memref<128x64xf32, #tpu.memory_space<vmem>>) target(%dma_start3A_466 : memref<10240x64xf32, #tpu.memory_space<vmem_shared>>) offsets(%dma_start3A_463 : memref<128xi32, #tpu.memory_space<vmem>>) semaphore(%arg33 : memref<!tpu.dma_semaphore, #tpu.memory_space<semaphore_mem>>) {add = true}
      } else {
      }
      %add3A_370 = arith.constant 2 : i32
      %add3A_371 = arith.addi %add3A_355, %add3A_370 : i32
      %ge3A_372 = arith.constant 80 : i32
      %ge3A_373 = arith.cmpi sge, %add3A_371, %ge3A_372 : i32
      %convert_element_type3A_374 = arith.extui %ge3A_373 : i1 to i32
      %cond3A_375 = arith.constant 0 : i32
      %cond3A_376 = arith.cmpi ne, %convert_element_type3A_374, %cond3A_375 : i32
      scf.if %cond3A_376 {
        %run_scoped3A_460 = arith.constant 1 : i32
        "tpu.region"() ({
          %run_scoped3A_461 = tpu.sem_alloc : memref<!tpu.dma_semaphore, #tpu.memory_space<semaphore_mem>>
          %dma_start3A_462 = arith.constant 0 : i32
          %dma_start3A_463 = tpu.memref_slice %arg12[%run_scoped3A_460, %dma_start3A_462] : memref<2x128xi32, #tpu.memory_space<vmem>> -> memref<1x128xi32, #tpu.memory_space<vmem>>
          %dma_start3A_464 = tpu.memref_squeeze %dma_start3A_463 : memref<1x128xi32, #tpu.memory_space<vmem>> -> memref<128xi32, #tpu.memory_space<vmem>>
          %dma_start3A_465 = arith.constant 0 : i32
          %dma_start3A_466 = arith.constant 0 : i32
          %dma_start3A_467 = tpu.memref_slice %arg18[%dma_start3A_465, %dma_start3A_466] : memref<10240x64xf32, #tpu.memory_space<vmem_shared>> -> memref<10240x64xf32, #tpu.memory_space<vmem_shared>>
          tpu.enqueue_indirect_dma source(%arg16 : memref<128x64xf32, #tpu.memory_space<vmem>>) target(%dma_start3A_467 : memref<10240x64xf32, #tpu.memory_space<vmem_shared>>) offsets(%dma_start3A_464 : memref<128xi32, #tpu.memory_space<vmem>>) semaphore(%run_scoped3A_461 : memref<!tpu.dma_semaphore, #tpu.memory_space<semaphore_mem>>) {add = true}
          %dma_wait3A_468 = arith.constant 0 : i32
          %dma_wait3A_469 = tpu.memref_slice %arg12[%run_scoped3A_460, %dma_wait3A_468] : memref<2x128xi32, #tpu.memory_space<vmem>> -> memref<1x128xi32, #tpu.memory_space<vmem>>
          %dma_wait3A_470 = tpu.memref_squeeze %dma_wait3A_469 : memref<1x128xi32, #tpu.memory_space<vmem>> -> memref<128xi32, #tpu.memory_space<vmem>>
          %dma_wait3A_471 = arith.constant 0 : i32
          %dma_wait3A_472 = arith.constant 0 : i32
          %dma_wait3A_473 = tpu.memref_slice %arg18[%dma_wait3A_471, %dma_wait3A_472] : memref<10240x64xf32, #tpu.memory_space<vmem_shared>> -> memref<10240x64xf32, #tpu.memory_space<vmem_shared>>
          tpu.wait_indirect_dma semaphore(%run_scoped3A_461 : memref<!tpu.dma_semaphore, #tpu.memory_space<semaphore_mem>>) src(%arg16 : memref<128x64xf32, #tpu.memory_space<vmem>>) dst(%dma_wait3A_473 : memref<10240x64xf32, #tpu.memory_space<vmem_shared>>)
          tpu.yield
        }) : () -> ()
      } else {
      }
      %ge3A_377 = arith.constant 2 : i32
      %ge3A_378 = arith.cmpi sge, %add3A_355, %ge3A_377 : i32
      %convert_element_type3A_379 = arith.extui %ge3A_378 : i1 to i32
      %cond3A_380 = arith.constant 0 : i32
      %cond3A_381 = arith.cmpi ne, %convert_element_type3A_379, %cond3A_380 : i32
      scf.if %cond3A_381 {
        %dma_wait3A_460 = arith.constant 1 : i32
        %dma_wait3A_461 = arith.constant 0 : i32
        %dma_wait3A_462 = tpu.memref_slice %arg10[%dma_wait3A_460, %dma_wait3A_461] : memref<2x128xi32, #tpu.memory_space<vmem>> -> memref<1x128xi32, #tpu.memory_space<vmem>>
        %dma_wait3A_463 = tpu.memref_squeeze %dma_wait3A_462 : memref<1x128xi32, #tpu.memory_space<vmem>> -> memref<128xi32, #tpu.memory_space<vmem>>
        %dma_wait3A_464 = arith.constant 0 : i32
        %dma_wait3A_465 = arith.constant 0 : i32
        %dma_wait3A_466 = tpu.memref_slice %arg18[%dma_wait3A_464, %dma_wait3A_465] : memref<10240x64xf32, #tpu.memory_space<vmem_shared>> -> memref<10240x64xf32, #tpu.memory_space<vmem_shared>>
        tpu.wait_indirect_dma semaphore(%arg31 : memref<!tpu.dma_semaphore, #tpu.memory_space<semaphore_mem>>) src(%arg14 : memref<128x64xf32, #tpu.memory_space<vmem>>) dst(%dma_wait3A_466 : memref<10240x64xf32, #tpu.memory_space<vmem_shared>>)
      } else {
      }
      %add3A_382 = arith.constant 2 : i32
      %add3A_383 = arith.addi %add3A_355, %add3A_382 : i32
      %lt3A_384 = arith.constant 80 : i32
      %lt3A_385 = arith.cmpi slt, %add3A_383, %lt3A_384 : i32
      %ge3A_386 = arith.constant 4 : i32
      %ge3A_387 = arith.cmpi sge, %add3A_355, %ge3A_386 : i32
      %and3A_388 = arith.andi %lt3A_385, %ge3A_387 : i1
      %convert_element_type3A_389 = arith.extui %and3A_388 : i1 to i32
      %cond3A_390 = arith.constant 0 : i32
      %cond3A_391 = arith.cmpi ne, %convert_element_type3A_389, %cond3A_390 : i32
      scf.if %cond3A_391 {
        %add3A_460 = arith.constant 2 : i32
        %add3A_461 = arith.addi %add3A_355, %add3A_460 : i32
        %dma_wait3A_462 = arith.constant 0 : i32
        %dma_wait3A_463 = arith.constant 0 : i32
        %dma_wait3A_464 = tpu.memref_slice %arg3[%arg0, %arg1, %add3A_461, %dma_wait3A_462, %dma_wait3A_463] : memref<2x16x80x2x128xi32, #tpu.memory_space<hbm>> -> memref<1x1x1x2x128xi32, #tpu.memory_space<hbm>>
        %dma_wait3A_465 = tpu.memref_squeeze %dma_wait3A_464 : memref<1x1x1x2x128xi32, #tpu.memory_space<hbm>> -> memref<2x128xi32, #tpu.memory_space<hbm>>
        %dma_wait3A_466 = arith.constant 0 : i32
        %dma_wait3A_467 = arith.constant 0 : i32
        %dma_wait3A_468 = tpu.memref_slice %arg3[%arg0, %arg1, %add3A_461, %dma_wait3A_466, %dma_wait3A_467] : memref<2x16x80x2x128xi32, #tpu.memory_space<hbm>> -> memref<1x1x1x2x128xi32, #tpu.memory_space<hbm>>
        %dma_wait3A_469 = tpu.memref_squeeze %dma_wait3A_468 : memref<1x1x1x2x128xi32, #tpu.memory_space<hbm>> -> memref<2x128xi32, #tpu.memory_space<hbm>>
        tpu.wait_dma2 semaphore(%arg23 : memref<!tpu.dma_semaphore, #tpu.memory_space<semaphore_mem>>) src(%dma_wait3A_469 : memref<2x128xi32, #tpu.memory_space<hbm>>) dst(%arg6 : memref<2x128xi32, #tpu.memory_space<vmem>>)
      } else {
      }
      %add3A_392 = arith.constant 2 : i32
      %add3A_393 = arith.addi %add3A_355, %add3A_392 : i32
      %lt3A_394 = arith.constant 80 : i32
      %lt3A_395 = arith.cmpi slt, %add3A_393, %lt3A_394 : i32
      %convert_element_type3A_396 = arith.extui %lt3A_395 : i1 to i32
      %cond3A_397 = arith.constant 0 : i32
      %cond3A_398 = arith.cmpi ne, %convert_element_type3A_396, %cond3A_397 : i32
      scf.if %cond3A_398 {
        %dma_start3A_460 = arith.constant 0 : i32
        %dma_start3A_461 = arith.constant 0 : i32
        %dma_start3A_462 = tpu.memref_slice %arg6[%dma_start3A_460, %dma_start3A_461] : memref<2x128xi32, #tpu.memory_space<vmem>> -> memref<1x128xi32, #tpu.memory_space<vmem>>
        %dma_start3A_463 = tpu.memref_squeeze %dma_start3A_462 : memref<1x128xi32, #tpu.memory_space<vmem>> -> memref<128xi32, #tpu.memory_space<vmem>>
        %dma_start3A_464 = arith.constant 0 : i32
        %dma_start3A_465 = arith.constant 0 : i32
        %dma_start3A_466 = tpu.memref_slice %arg2[%dma_start3A_464, %dma_start3A_465] : memref<50000x64xf32, #tpu.memory_space<hbm>> -> memref<50000x64xf32, #tpu.memory_space<hbm>>
        tpu.enqueue_indirect_dma source(%dma_start3A_466 : memref<50000x64xf32, #tpu.memory_space<hbm>>) target(%arg14 : memref<128x64xf32, #tpu.memory_space<vmem>>) offsets(%dma_start3A_463 : memref<128xi32, #tpu.memory_space<vmem>>) semaphore(%arg19 : memref<!tpu.dma_semaphore, #tpu.memory_space<semaphore_mem>>)
      } else {
      }
      %add3A_399 = arith.constant 6 : i32
      %add3A_400 = arith.addi %add3A_355, %add3A_399 : i32
      %lt3A_401 = arith.constant 80 : i32
      %lt3A_402 = arith.cmpi slt, %add3A_400, %lt3A_401 : i32
      %convert_element_type3A_403 = arith.extui %lt3A_402 : i1 to i32
      %cond3A_404 = arith.constant 0 : i32
      %cond3A_405 = arith.cmpi ne, %convert_element_type3A_403, %cond3A_404 : i32
      scf.if %cond3A_405 {
        %add3A_460 = arith.constant 6 : i32
        %add3A_461 = arith.addi %add3A_355, %add3A_460 : i32
        %dma_start3A_462 = arith.constant 0 : i32
        %dma_start3A_463 = arith.constant 0 : i32
        %dma_start3A_464 = tpu.memref_slice %arg3[%arg0, %arg1, %add3A_461, %dma_start3A_462, %dma_start3A_463] : memref<2x16x80x2x128xi32, #tpu.memory_space<hbm>> -> memref<1x1x1x2x128xi32, #tpu.memory_space<hbm>>
        %dma_start3A_465 = tpu.memref_squeeze %dma_start3A_464 : memref<1x1x1x2x128xi32, #tpu.memory_space<hbm>> -> memref<2x128xi32, #tpu.memory_space<hbm>>
        %dma_start3A_466 = arith.constant 0 : i32
        %dma_start3A_467 = arith.constant 0 : i32
        %dma_start3A_468 = tpu.memref_slice %arg3[%arg0, %arg1, %add3A_461, %dma_start3A_466, %dma_start3A_467] : memref<2x16x80x2x128xi32, #tpu.memory_space<hbm>> -> memref<1x1x1x2x128xi32, #tpu.memory_space<hbm>>
        %dma_start3A_469 = tpu.memref_squeeze %dma_start3A_468 : memref<1x1x1x2x128xi32, #tpu.memory_space<hbm>> -> memref<2x128xi32, #tpu.memory_space<hbm>>
        tpu.enqueue_dma source(%dma_start3A_469 : memref<2x128xi32, #tpu.memory_space<hbm>>) target(%arg10 : memref<2x128xi32, #tpu.memory_space<vmem>>) target_semaphore(%arg27 : memref<!tpu.dma_semaphore, #tpu.memory_space<semaphore_mem>>)
      } else {
      }
      %mul3A_406 = arith.constant 8 : i32
      %mul3A_407 = arith.muli %mul3A_406, %scan3A_33 : i32
      %add3A_408 = arith.constant 7 : i32
      %add3A_409 = arith.addi %mul3A_407, %add3A_408 : i32
      %dma_wait3A_410 = arith.constant 0 : i32
      %dma_wait3A_411 = arith.constant 0 : i32
      %dma_wait3A_412 = tpu.memref_slice %arg13[%dma_wait3A_410, %dma_wait3A_411] : memref<2x128xi32, #tpu.memory_space<vmem>> -> memref<1x128xi32, #tpu.memory_space<vmem>>
      %dma_wait3A_413 = tpu.memref_squeeze %dma_wait3A_412 : memref<1x128xi32, #tpu.memory_space<vmem>> -> memref<128xi32, #tpu.memory_space<vmem>>
      %dma_wait3A_414 = arith.constant 0 : i32
      %dma_wait3A_415 = arith.constant 0 : i32
      %dma_wait3A_416 = tpu.memref_slice %arg2[%dma_wait3A_414, %dma_wait3A_415] : memref<50000x64xf32, #tpu.memory_space<hbm>> -> memref<50000x64xf32, #tpu.memory_space<hbm>>
      tpu.wait_indirect_dma semaphore(%arg22 : memref<!tpu.dma_semaphore, #tpu.memory_space<semaphore_mem>>) src(%dma_wait3A_416 : memref<50000x64xf32, #tpu.memory_space<hbm>>) dst(%arg17 : memref<128x64xf32, #tpu.memory_space<vmem>>)
      %add3A_417 = arith.constant 2 : i32
      %add3A_418 = arith.addi %add3A_409, %add3A_417 : i32
      %lt3A_419 = arith.constant 80 : i32
      %lt3A_420 = arith.cmpi slt, %add3A_418, %lt3A_419 : i32
      %convert_element_type3A_421 = arith.extui %lt3A_420 : i1 to i32
      %cond3A_422 = arith.constant 0 : i32
      %cond3A_423 = arith.cmpi ne, %convert_element_type3A_421, %cond3A_422 : i32
      scf.if %cond3A_423 {
        %dma_start3A_460 = arith.constant 1 : i32
        %dma_start3A_461 = arith.constant 0 : i32
        %dma_start3A_462 = tpu.memref_slice %arg13[%dma_start3A_460, %dma_start3A_461] : memref<2x128xi32, #tpu.memory_space<vmem>> -> memref<1x128xi32, #tpu.memory_space<vmem>>
        %dma_start3A_463 = tpu.memref_squeeze %dma_start3A_462 : memref<1x128xi32, #tpu.memory_space<vmem>> -> memref<128xi32, #tpu.memory_space<vmem>>
        %dma_start3A_464 = arith.constant 0 : i32
        %dma_start3A_465 = arith.constant 0 : i32
        %dma_start3A_466 = tpu.memref_slice %arg18[%dma_start3A_464, %dma_start3A_465] : memref<10240x64xf32, #tpu.memory_space<vmem_shared>> -> memref<10240x64xf32, #tpu.memory_space<vmem_shared>>
        tpu.enqueue_indirect_dma source(%arg17 : memref<128x64xf32, #tpu.memory_space<vmem>>) target(%dma_start3A_466 : memref<10240x64xf32, #tpu.memory_space<vmem_shared>>) offsets(%dma_start3A_463 : memref<128xi32, #tpu.memory_space<vmem>>) semaphore(%arg34 : memref<!tpu.dma_semaphore, #tpu.memory_space<semaphore_mem>>) {add = true}
      } else {
      }
      %add3A_424 = arith.constant 2 : i32
      %add3A_425 = arith.addi %add3A_409, %add3A_424 : i32
      %ge3A_426 = arith.constant 80 : i32
      %ge3A_427 = arith.cmpi sge, %add3A_425, %ge3A_426 : i32
      %convert_element_type3A_428 = arith.extui %ge3A_427 : i1 to i32
      %cond3A_429 = arith.constant 0 : i32
      %cond3A_430 = arith.cmpi ne, %convert_element_type3A_428, %cond3A_429 : i32
      scf.if %cond3A_430 {
        %run_scoped3A_460 = arith.constant 1 : i32
        "tpu.region"() ({
          %run_scoped3A_461 = tpu.sem_alloc : memref<!tpu.dma_semaphore, #tpu.memory_space<semaphore_mem>>
          %dma_start3A_462 = arith.constant 0 : i32
          %dma_start3A_463 = tpu.memref_slice %arg13[%run_scoped3A_460, %dma_start3A_462] : memref<2x128xi32, #tpu.memory_space<vmem>> -> memref<1x128xi32, #tpu.memory_space<vmem>>
          %dma_start3A_464 = tpu.memref_squeeze %dma_start3A_463 : memref<1x128xi32, #tpu.memory_space<vmem>> -> memref<128xi32, #tpu.memory_space<vmem>>
          %dma_start3A_465 = arith.constant 0 : i32
          %dma_start3A_466 = arith.constant 0 : i32
          %dma_start3A_467 = tpu.memref_slice %arg18[%dma_start3A_465, %dma_start3A_466] : memref<10240x64xf32, #tpu.memory_space<vmem_shared>> -> memref<10240x64xf32, #tpu.memory_space<vmem_shared>>
          tpu.enqueue_indirect_dma source(%arg17 : memref<128x64xf32, #tpu.memory_space<vmem>>) target(%dma_start3A_467 : memref<10240x64xf32, #tpu.memory_space<vmem_shared>>) offsets(%dma_start3A_464 : memref<128xi32, #tpu.memory_space<vmem>>) semaphore(%run_scoped3A_461 : memref<!tpu.dma_semaphore, #tpu.memory_space<semaphore_mem>>) {add = true}
          %dma_wait3A_468 = arith.constant 0 : i32
          %dma_wait3A_469 = tpu.memref_slice %arg13[%run_scoped3A_460, %dma_wait3A_468] : memref<2x128xi32, #tpu.memory_space<vmem>> -> memref<1x128xi32, #tpu.memory_space<vmem>>
          %dma_wait3A_470 = tpu.memref_squeeze %dma_wait3A_469 : memref<1x128xi32, #tpu.memory_space<vmem>> -> memref<128xi32, #tpu.memory_space<vmem>>
          %dma_wait3A_471 = arith.constant 0 : i32
          %dma_wait3A_472 = arith.constant 0 : i32
          %dma_wait3A_473 = tpu.memref_slice %arg18[%dma_wait3A_471, %dma_wait3A_472] : memref<10240x64xf32, #tpu.memory_space<vmem_shared>> -> memref<10240x64xf32, #tpu.memory_space<vmem_shared>>
          tpu.wait_indirect_dma semaphore(%run_scoped3A_461 : memref<!tpu.dma_semaphore, #tpu.memory_space<semaphore_mem>>) src(%arg17 : memref<128x64xf32, #tpu.memory_space<vmem>>) dst(%dma_wait3A_473 : memref<10240x64xf32, #tpu.memory_space<vmem_shared>>)
          tpu.yield
        }) : () -> ()
      } else {
      }
      %ge3A_431 = arith.constant 2 : i32
      %ge3A_432 = arith.cmpi sge, %add3A_409, %ge3A_431 : i32
      %convert_element_type3A_433 = arith.extui %ge3A_432 : i1 to i32
      %cond3A_434 = arith.constant 0 : i32
      %cond3A_435 = arith.cmpi ne, %convert_element_type3A_433, %cond3A_434 : i32
      scf.if %cond3A_435 {
        %dma_wait3A_460 = arith.constant 1 : i32
        %dma_wait3A_461 = arith.constant 0 : i32
        %dma_wait3A_462 = tpu.memref_slice %arg11[%dma_wait3A_460, %dma_wait3A_461] : memref<2x128xi32, #tpu.memory_space<vmem>> -> memref<1x128xi32, #tpu.memory_space<vmem>>
        %dma_wait3A_463 = tpu.memref_squeeze %dma_wait3A_462 : memref<1x128xi32, #tpu.memory_space<vmem>> -> memref<128xi32, #tpu.memory_space<vmem>>
        %dma_wait3A_464 = arith.constant 0 : i32
        %dma_wait3A_465 = arith.constant 0 : i32
        %dma_wait3A_466 = tpu.memref_slice %arg18[%dma_wait3A_464, %dma_wait3A_465] : memref<10240x64xf32, #tpu.memory_space<vmem_shared>> -> memref<10240x64xf32, #tpu.memory_space<vmem_shared>>
        tpu.wait_indirect_dma semaphore(%arg32 : memref<!tpu.dma_semaphore, #tpu.memory_space<semaphore_mem>>) src(%arg15 : memref<128x64xf32, #tpu.memory_space<vmem>>) dst(%dma_wait3A_466 : memref<10240x64xf32, #tpu.memory_space<vmem_shared>>)
      } else {
      }
      %add3A_436 = arith.constant 2 : i32
      %add3A_437 = arith.addi %add3A_409, %add3A_436 : i32
      %lt3A_438 = arith.constant 80 : i32
      %lt3A_439 = arith.cmpi slt, %add3A_437, %lt3A_438 : i32
      %ge3A_440 = arith.constant 4 : i32
      %ge3A_441 = arith.cmpi sge, %add3A_409, %ge3A_440 : i32
      %and3A_442 = arith.andi %lt3A_439, %ge3A_441 : i1
      %convert_element_type3A_443 = arith.extui %and3A_442 : i1 to i32
      %cond3A_444 = arith.constant 0 : i32
      %cond3A_445 = arith.cmpi ne, %convert_element_type3A_443, %cond3A_444 : i32
      scf.if %cond3A_445 {
        %add3A_460 = arith.constant 2 : i32
        %add3A_461 = arith.addi %add3A_409, %add3A_460 : i32
        %dma_wait3A_462 = arith.constant 0 : i32
        %dma_wait3A_463 = arith.constant 0 : i32
        %dma_wait3A_464 = tpu.memref_slice %arg3[%arg0, %arg1, %add3A_461, %dma_wait3A_462, %dma_wait3A_463] : memref<2x16x80x2x128xi32, #tpu.memory_space<hbm>> -> memref<1x1x1x2x128xi32, #tpu.memory_space<hbm>>
        %dma_wait3A_465 = tpu.memref_squeeze %dma_wait3A_464 : memref<1x1x1x2x128xi32, #tpu.memory_space<hbm>> -> memref<2x128xi32, #tpu.memory_space<hbm>>
        %dma_wait3A_466 = arith.constant 0 : i32
        %dma_wait3A_467 = arith.constant 0 : i32
        %dma_wait3A_468 = tpu.memref_slice %arg3[%arg0, %arg1, %add3A_461, %dma_wait3A_466, %dma_wait3A_467] : memref<2x16x80x2x128xi32, #tpu.memory_space<hbm>> -> memref<1x1x1x2x128xi32, #tpu.memory_space<hbm>>
        %dma_wait3A_469 = tpu.memref_squeeze %dma_wait3A_468 : memref<1x1x1x2x128xi32, #tpu.memory_space<hbm>> -> memref<2x128xi32, #tpu.memory_space<hbm>>
        tpu.wait_dma2 semaphore(%arg24 : memref<!tpu.dma_semaphore, #tpu.memory_space<semaphore_mem>>) src(%dma_wait3A_469 : memref<2x128xi32, #tpu.memory_space<hbm>>) dst(%arg7 : memref<2x128xi32, #tpu.memory_space<vmem>>)
      } else {
      }
      %add3A_446 = arith.constant 2 : i32
      %add3A_447 = arith.addi %add3A_409, %add3A_446 : i32
      %lt3A_448 = arith.constant 80 : i32
      %lt3A_449 = arith.cmpi slt, %add3A_447, %lt3A_448 : i32
      %convert_element_type3A_450 = arith.extui %lt3A_449 : i1 to i32
      %cond3A_451 = arith.constant 0 : i32
      %cond3A_452 = arith.cmpi ne, %convert_element_type3A_450, %cond3A_451 : i32
      scf.if %cond3A_452 {
        %dma_start3A_460 = arith.constant 0 : i32
        %dma_start3A_461 = arith.constant 0 : i32
        %dma_start3A_462 = tpu.memref_slice %arg7[%dma_start3A_460, %dma_start3A_461] : memref<2x128xi32, #tpu.memory_space<vmem>> -> memref<1x128xi32, #tpu.memory_space<vmem>>
        %dma_start3A_463 = tpu.memref_squeeze %dma_start3A_462 : memref<1x128xi32, #tpu.memory_space<vmem>> -> memref<128xi32, #tpu.memory_space<vmem>>
        %dma_start3A_464 = arith.constant 0 : i32
        %dma_start3A_465 = arith.constant 0 : i32
        %dma_start3A_466 = tpu.memref_slice %arg2[%dma_start3A_464, %dma_start3A_465] : memref<50000x64xf32, #tpu.memory_space<hbm>> -> memref<50000x64xf32, #tpu.memory_space<hbm>>
        tpu.enqueue_indirect_dma source(%dma_start3A_466 : memref<50000x64xf32, #tpu.memory_space<hbm>>) target(%arg15 : memref<128x64xf32, #tpu.memory_space<vmem>>) offsets(%dma_start3A_463 : memref<128xi32, #tpu.memory_space<vmem>>) semaphore(%arg20 : memref<!tpu.dma_semaphore, #tpu.memory_space<semaphore_mem>>)
      } else {
      }
      %add3A_453 = arith.constant 6 : i32
      %add3A_454 = arith.addi %add3A_409, %add3A_453 : i32
      %lt3A_455 = arith.constant 80 : i32
      %lt3A_456 = arith.cmpi slt, %add3A_454, %lt3A_455 : i32
      %convert_element_type3A_457 = arith.extui %lt3A_456 : i1 to i32
      %cond3A_458 = arith.constant 0 : i32
      %cond3A_459 = arith.cmpi ne, %convert_element_type3A_457, %cond3A_458 : i32
      scf.if %cond3A_459 {
        %add3A_460 = arith.constant 6 : i32
        %add3A_461 = arith.addi %add3A_409, %add3A_460 : i32
        %dma_start3A_462 = arith.constant 0 : i32
        %dma_start3A_463 = arith.constant 0 : i32
        %dma_start3A_464 = tpu.memref_slice %arg3[%arg0, %arg1, %add3A_461, %dma_start3A_462, %dma_start3A_463] : memref<2x16x80x2x128xi32, #tpu.memory_space<hbm>> -> memref<1x1x1x2x128xi32, #tpu.memory_space<hbm>>
        %dma_start3A_465 = tpu.memref_squeeze %dma_start3A_464 : memref<1x1x1x2x128xi32, #tpu.memory_space<hbm>> -> memref<2x128xi32, #tpu.memory_space<hbm>>
        %dma_start3A_466 = arith.constant 0 : i32
        %dma_start3A_467 = arith.constant 0 : i32
        %dma_start3A_468 = tpu.memref_slice %arg3[%arg0, %arg1, %add3A_461, %dma_start3A_466, %dma_start3A_467] : memref<2x16x80x2x128xi32, #tpu.memory_space<hbm>> -> memref<1x1x1x2x128xi32, #tpu.memory_space<hbm>>
        %dma_start3A_469 = tpu.memref_squeeze %dma_start3A_468 : memref<1x1x1x2x128xi32, #tpu.memory_space<hbm>> -> memref<2x128xi32, #tpu.memory_space<hbm>>
        tpu.enqueue_dma source(%dma_start3A_469 : memref<2x128xi32, #tpu.memory_space<hbm>>) target(%arg11 : memref<2x128xi32, #tpu.memory_space<vmem>>) target_semaphore(%arg28 : memref<!tpu.dma_semaphore, #tpu.memory_space<semaphore_mem>>)
      } else {
      }
    }
    %scan3A_25 = arith.constant 10 : i32
    %barrier3A_26 = arith.constant 0 : index
    tpu.barrier barrier_id(%barrier3A_26)
    %mul3A_27 = arith.constant 640 : i32
    %mul3A_28 = arith.muli %arg1, %mul3A_27 : i32
    %mul3A_29 = arith.constant 10240 : i32
    %mul3A_30 = arith.muli %arg0, %mul3A_29 : i32
    %mul3A_31 = arith.constant 640 : i32
    %mul3A_32 = arith.muli %arg1, %mul3A_31 : i32
    %add3A = arith.addi %mul3A_30, %mul3A_32 : i32
    "tpu.region"() ({
      %run_scoped3A_33 = tpu.sem_alloc : memref<!tpu.dma_semaphore, #tpu.memory_space<semaphore_mem>>
      %dma_start3A_34 = arith.constant 0 : i32
      %dma_start3A_35 = tpu.memref_slice %arg5[%add3A, %dma_start3A_34] : memref<20480x64xf32, #tpu.memory_space<hbm>> -> memref<640x64xf32, #tpu.memory_space<hbm>>
      %dma_start3A_36 = arith.constant 0 : i32
      %dma_start3A_37 = tpu.memref_slice %arg18[%mul3A_28, %dma_start3A_36] : memref<10240x64xf32, #tpu.memory_space<vmem_shared>> -> memref<640x64xf32, #tpu.memory_space<vmem_shared>>
      tpu.enqueue_dma source(%dma_start3A_37 : memref<640x64xf32, #tpu.memory_space<vmem_shared>>) target(%dma_start3A_35 : memref<640x64xf32, #tpu.memory_space<hbm>>) target_semaphore(%run_scoped3A_33 : memref<!tpu.dma_semaphore, #tpu.memory_space<semaphore_mem>>)
      %dma_wait3A = arith.constant 0 : i32
      %dma_wait3A_38 = tpu.memref_slice %arg5[%add3A, %dma_wait3A] : memref<20480x64xf32, #tpu.memory_space<hbm>> -> memref<640x64xf32, #tpu.memory_space<hbm>>
      %dma_wait3A_39 = arith.constant 0 : i32
      %dma_wait3A_40 = tpu.memref_slice %arg18[%mul3A_28, %dma_wait3A_39] : memref<10240x64xf32, #tpu.memory_space<vmem_shared>> -> memref<640x64xf32, #tpu.memory_space<vmem_shared>>
      tpu.wait_dma2 semaphore(%run_scoped3A_33 : memref<!tpu.dma_semaphore, #tpu.memory_space<semaphore_mem>>) src(%dma_wait3A_40 : memref<640x64xf32, #tpu.memory_space<vmem_shared>>) dst(%dma_wait3A_38 : memref<640x64xf32, #tpu.memory_space<hbm>>)
      tpu.yield
    }) : () -> ()
    return
  }
}

#map = affine_map<(d0, d1) -> (0, 0)>
#map1 = affine_map<(d0, d1) -> (0, 0, 0, 0, 0)>
module attributes {stable_mosaic.version = 14 : i64} {
  func.func @k(%arg0: i32, %arg1: i32, %arg2: memref<100000x64xf32, #tpu.memory_space<hbm>>, %arg3: memref<2x16x196x2x128xi32, #tpu.memory_space<hbm>>, %arg4: memref<25088x64xf32, #tpu.memory_space<hbm>>, %arg5: memref<50176x64xf32, #tpu.memory_space<hbm>>, %arg6: memref<2x128xi32, #tpu.memory_space<vmem>>, %arg7: memref<2x128xi32, #tpu.memory_space<vmem>>, %arg8: memref<2x128xi32, #tpu.memory_space<vmem>>, %arg9: memref<2x128xi32, #tpu.memory_space<vmem>>, %arg10: memref<128x64xf32, #tpu.memory_space<vmem>>, %arg11: memref<128x64xf32, #tpu.memory_space<vmem>>, %arg12: memref<25088x64xf32, #tpu.memory_space<vmem_shared>>, %arg13: memref<!tpu.dma_semaphore, #tpu.memory_space<semaphore_mem>>, %arg14: memref<!tpu.dma_semaphore, #tpu.memory_space<semaphore_mem>>, %arg15: memref<!tpu.dma_semaphore, #tpu.memory_space<semaphore_mem>>, %arg16: memref<!tpu.dma_semaphore, #tpu.memory_space<semaphore_mem>>, %arg17: memref<!tpu.dma_semaphore, #tpu.memory_space<semaphore_mem>>, %arg18: memref<!tpu.dma_semaphore, #tpu.memory_space<semaphore_mem>>) attributes {dimension_semantics = [#tpu.dimension_semantics<core_parallel>, #tpu.dimension_semantics<subcore_parallel>], iteration_bounds = array<i64: 2, 16>, scalar_prefetch = 0 : i64, scratch_operands = 13 : i64, tpu.core_type = #tpu.core_type<sc_vector_subcore>, window_params = [{transform_indices = #map}, {transform_indices = #map1}, {transform_indices = #map}, {transform_indices = #map}]} {
    %run_scoped3A = arith.constant 0 : i32
    "tpu.region"() ({
      %run_scoped3A_31 = tpu.sem_alloc : memref<!tpu.dma_semaphore, #tpu.memory_space<semaphore_mem>>
      %dma_start3A_32 = arith.constant 0 : i32
      %dma_start3A_33 = arith.constant 0 : i32
      %dma_start3A_34 = tpu.memref_slice %arg3[%arg0, %arg1, %run_scoped3A, %dma_start3A_32, %dma_start3A_33] : memref<2x16x196x2x128xi32, #tpu.memory_space<hbm>> -> memref<1x1x1x2x128xi32, #tpu.memory_space<hbm>>
      %dma_start3A_35 = tpu.memref_squeeze %dma_start3A_34 : memref<1x1x1x2x128xi32, #tpu.memory_space<hbm>> -> memref<2x128xi32, #tpu.memory_space<hbm>>
      %dma_start3A_36 = arith.constant 0 : i32
      %dma_start3A_37 = arith.constant 0 : i32
      %dma_start3A_38 = tpu.memref_slice %arg3[%arg0, %arg1, %run_scoped3A, %dma_start3A_36, %dma_start3A_37] : memref<2x16x196x2x128xi32, #tpu.memory_space<hbm>> -> memref<1x1x1x2x128xi32, #tpu.memory_space<hbm>>
      %dma_start3A_39 = tpu.memref_squeeze %dma_start3A_38 : memref<1x1x1x2x128xi32, #tpu.memory_space<hbm>> -> memref<2x128xi32, #tpu.memory_space<hbm>>
      tpu.enqueue_dma source(%dma_start3A_39 : memref<2x128xi32, #tpu.memory_space<hbm>>) target(%arg6 : memref<2x128xi32, #tpu.memory_space<vmem>>) target_semaphore(%run_scoped3A_31 : memref<!tpu.dma_semaphore, #tpu.memory_space<semaphore_mem>>)
      %dma_wait3A = arith.constant 0 : i32
      %dma_wait3A_40 = arith.constant 0 : i32
      %dma_wait3A_41 = tpu.memref_slice %arg3[%arg0, %arg1, %run_scoped3A, %dma_wait3A, %dma_wait3A_40] : memref<2x16x196x2x128xi32, #tpu.memory_space<hbm>> -> memref<1x1x1x2x128xi32, #tpu.memory_space<hbm>>
      %dma_wait3A_42 = tpu.memref_squeeze %dma_wait3A_41 : memref<1x1x1x2x128xi32, #tpu.memory_space<hbm>> -> memref<2x128xi32, #tpu.memory_space<hbm>>
      %dma_wait3A_43 = arith.constant 0 : i32
      %dma_wait3A_44 = arith.constant 0 : i32
      %dma_wait3A_45 = tpu.memref_slice %arg3[%arg0, %arg1, %run_scoped3A, %dma_wait3A_43, %dma_wait3A_44] : memref<2x16x196x2x128xi32, #tpu.memory_space<hbm>> -> memref<1x1x1x2x128xi32, #tpu.memory_space<hbm>>
      %dma_wait3A_46 = tpu.memref_squeeze %dma_wait3A_45 : memref<1x1x1x2x128xi32, #tpu.memory_space<hbm>> -> memref<2x128xi32, #tpu.memory_space<hbm>>
      tpu.wait_dma2 semaphore(%run_scoped3A_31 : memref<!tpu.dma_semaphore, #tpu.memory_space<semaphore_mem>>) src(%dma_wait3A_46 : memref<2x128xi32, #tpu.memory_space<hbm>>) dst(%arg6 : memref<2x128xi32, #tpu.memory_space<vmem>>)
      tpu.yield
    }) : () -> ()
    %run_scoped3A_0 = arith.constant 1 : i32
    "tpu.region"() ({
      %run_scoped3A_31 = tpu.sem_alloc : memref<!tpu.dma_semaphore, #tpu.memory_space<semaphore_mem>>
      %dma_start3A_32 = arith.constant 0 : i32
      %dma_start3A_33 = arith.constant 0 : i32
      %dma_start3A_34 = tpu.memref_slice %arg3[%arg0, %arg1, %run_scoped3A_0, %dma_start3A_32, %dma_start3A_33] : memref<2x16x196x2x128xi32, #tpu.memory_space<hbm>> -> memref<1x1x1x2x128xi32, #tpu.memory_space<hbm>>
      %dma_start3A_35 = tpu.memref_squeeze %dma_start3A_34 : memref<1x1x1x2x128xi32, #tpu.memory_space<hbm>> -> memref<2x128xi32, #tpu.memory_space<hbm>>
      %dma_start3A_36 = arith.constant 0 : i32
      %dma_start3A_37 = arith.constant 0 : i32
      %dma_start3A_38 = tpu.memref_slice %arg3[%arg0, %arg1, %run_scoped3A_0, %dma_start3A_36, %dma_start3A_37] : memref<2x16x196x2x128xi32, #tpu.memory_space<hbm>> -> memref<1x1x1x2x128xi32, #tpu.memory_space<hbm>>
      %dma_start3A_39 = tpu.memref_squeeze %dma_start3A_38 : memref<1x1x1x2x128xi32, #tpu.memory_space<hbm>> -> memref<2x128xi32, #tpu.memory_space<hbm>>
      tpu.enqueue_dma source(%dma_start3A_39 : memref<2x128xi32, #tpu.memory_space<hbm>>) target(%arg7 : memref<2x128xi32, #tpu.memory_space<vmem>>) target_semaphore(%run_scoped3A_31 : memref<!tpu.dma_semaphore, #tpu.memory_space<semaphore_mem>>)
      %dma_wait3A = arith.constant 0 : i32
      %dma_wait3A_40 = arith.constant 0 : i32
      %dma_wait3A_41 = tpu.memref_slice %arg3[%arg0, %arg1, %run_scoped3A_0, %dma_wait3A, %dma_wait3A_40] : memref<2x16x196x2x128xi32, #tpu.memory_space<hbm>> -> memref<1x1x1x2x128xi32, #tpu.memory_space<hbm>>
      %dma_wait3A_42 = tpu.memref_squeeze %dma_wait3A_41 : memref<1x1x1x2x128xi32, #tpu.memory_space<hbm>> -> memref<2x128xi32, #tpu.memory_space<hbm>>
      %dma_wait3A_43 = arith.constant 0 : i32
      %dma_wait3A_44 = arith.constant 0 : i32
      %dma_wait3A_45 = tpu.memref_slice %arg3[%arg0, %arg1, %run_scoped3A_0, %dma_wait3A_43, %dma_wait3A_44] : memref<2x16x196x2x128xi32, #tpu.memory_space<hbm>> -> memref<1x1x1x2x128xi32, #tpu.memory_space<hbm>>
      %dma_wait3A_46 = tpu.memref_squeeze %dma_wait3A_45 : memref<1x1x1x2x128xi32, #tpu.memory_space<hbm>> -> memref<2x128xi32, #tpu.memory_space<hbm>>
      tpu.wait_dma2 semaphore(%run_scoped3A_31 : memref<!tpu.dma_semaphore, #tpu.memory_space<semaphore_mem>>) src(%dma_wait3A_46 : memref<2x128xi32, #tpu.memory_space<hbm>>) dst(%arg7 : memref<2x128xi32, #tpu.memory_space<vmem>>)
      tpu.yield
    }) : () -> ()
    %run_scoped3A_1 = arith.constant 2 : i32
    "tpu.region"() ({
      %run_scoped3A_31 = tpu.sem_alloc : memref<!tpu.dma_semaphore, #tpu.memory_space<semaphore_mem>>
      %dma_start3A_32 = arith.constant 0 : i32
      %dma_start3A_33 = arith.constant 0 : i32
      %dma_start3A_34 = tpu.memref_slice %arg3[%arg0, %arg1, %run_scoped3A_1, %dma_start3A_32, %dma_start3A_33] : memref<2x16x196x2x128xi32, #tpu.memory_space<hbm>> -> memref<1x1x1x2x128xi32, #tpu.memory_space<hbm>>
      %dma_start3A_35 = tpu.memref_squeeze %dma_start3A_34 : memref<1x1x1x2x128xi32, #tpu.memory_space<hbm>> -> memref<2x128xi32, #tpu.memory_space<hbm>>
      %dma_start3A_36 = arith.constant 0 : i32
      %dma_start3A_37 = arith.constant 0 : i32
      %dma_start3A_38 = tpu.memref_slice %arg3[%arg0, %arg1, %run_scoped3A_1, %dma_start3A_36, %dma_start3A_37] : memref<2x16x196x2x128xi32, #tpu.memory_space<hbm>> -> memref<1x1x1x2x128xi32, #tpu.memory_space<hbm>>
      %dma_start3A_39 = tpu.memref_squeeze %dma_start3A_38 : memref<1x1x1x2x128xi32, #tpu.memory_space<hbm>> -> memref<2x128xi32, #tpu.memory_space<hbm>>
      tpu.enqueue_dma source(%dma_start3A_39 : memref<2x128xi32, #tpu.memory_space<hbm>>) target(%arg8 : memref<2x128xi32, #tpu.memory_space<vmem>>) target_semaphore(%run_scoped3A_31 : memref<!tpu.dma_semaphore, #tpu.memory_space<semaphore_mem>>)
      %dma_wait3A = arith.constant 0 : i32
      %dma_wait3A_40 = arith.constant 0 : i32
      %dma_wait3A_41 = tpu.memref_slice %arg3[%arg0, %arg1, %run_scoped3A_1, %dma_wait3A, %dma_wait3A_40] : memref<2x16x196x2x128xi32, #tpu.memory_space<hbm>> -> memref<1x1x1x2x128xi32, #tpu.memory_space<hbm>>
      %dma_wait3A_42 = tpu.memref_squeeze %dma_wait3A_41 : memref<1x1x1x2x128xi32, #tpu.memory_space<hbm>> -> memref<2x128xi32, #tpu.memory_space<hbm>>
      %dma_wait3A_43 = arith.constant 0 : i32
      %dma_wait3A_44 = arith.constant 0 : i32
      %dma_wait3A_45 = tpu.memref_slice %arg3[%arg0, %arg1, %run_scoped3A_1, %dma_wait3A_43, %dma_wait3A_44] : memref<2x16x196x2x128xi32, #tpu.memory_space<hbm>> -> memref<1x1x1x2x128xi32, #tpu.memory_space<hbm>>
      %dma_wait3A_46 = tpu.memref_squeeze %dma_wait3A_45 : memref<1x1x1x2x128xi32, #tpu.memory_space<hbm>> -> memref<2x128xi32, #tpu.memory_space<hbm>>
      tpu.wait_dma2 semaphore(%run_scoped3A_31 : memref<!tpu.dma_semaphore, #tpu.memory_space<semaphore_mem>>) src(%dma_wait3A_46 : memref<2x128xi32, #tpu.memory_space<hbm>>) dst(%arg8 : memref<2x128xi32, #tpu.memory_space<vmem>>)
      tpu.yield
    }) : () -> ()
    %run_scoped3A_2 = arith.constant 3 : i32
    "tpu.region"() ({
      %run_scoped3A_31 = tpu.sem_alloc : memref<!tpu.dma_semaphore, #tpu.memory_space<semaphore_mem>>
      %dma_start3A_32 = arith.constant 0 : i32
      %dma_start3A_33 = arith.constant 0 : i32
      %dma_start3A_34 = tpu.memref_slice %arg3[%arg0, %arg1, %run_scoped3A_2, %dma_start3A_32, %dma_start3A_33] : memref<2x16x196x2x128xi32, #tpu.memory_space<hbm>> -> memref<1x1x1x2x128xi32, #tpu.memory_space<hbm>>
      %dma_start3A_35 = tpu.memref_squeeze %dma_start3A_34 : memref<1x1x1x2x128xi32, #tpu.memory_space<hbm>> -> memref<2x128xi32, #tpu.memory_space<hbm>>
      %dma_start3A_36 = arith.constant 0 : i32
      %dma_start3A_37 = arith.constant 0 : i32
      %dma_start3A_38 = tpu.memref_slice %arg3[%arg0, %arg1, %run_scoped3A_2, %dma_start3A_36, %dma_start3A_37] : memref<2x16x196x2x128xi32, #tpu.memory_space<hbm>> -> memref<1x1x1x2x128xi32, #tpu.memory_space<hbm>>
      %dma_start3A_39 = tpu.memref_squeeze %dma_start3A_38 : memref<1x1x1x2x128xi32, #tpu.memory_space<hbm>> -> memref<2x128xi32, #tpu.memory_space<hbm>>
      tpu.enqueue_dma source(%dma_start3A_39 : memref<2x128xi32, #tpu.memory_space<hbm>>) target(%arg9 : memref<2x128xi32, #tpu.memory_space<vmem>>) target_semaphore(%run_scoped3A_31 : memref<!tpu.dma_semaphore, #tpu.memory_space<semaphore_mem>>)
      %dma_wait3A = arith.constant 0 : i32
      %dma_wait3A_40 = arith.constant 0 : i32
      %dma_wait3A_41 = tpu.memref_slice %arg3[%arg0, %arg1, %run_scoped3A_2, %dma_wait3A, %dma_wait3A_40] : memref<2x16x196x2x128xi32, #tpu.memory_space<hbm>> -> memref<1x1x1x2x128xi32, #tpu.memory_space<hbm>>
      %dma_wait3A_42 = tpu.memref_squeeze %dma_wait3A_41 : memref<1x1x1x2x128xi32, #tpu.memory_space<hbm>> -> memref<2x128xi32, #tpu.memory_space<hbm>>
      %dma_wait3A_43 = arith.constant 0 : i32
      %dma_wait3A_44 = arith.constant 0 : i32
      %dma_wait3A_45 = tpu.memref_slice %arg3[%arg0, %arg1, %run_scoped3A_2, %dma_wait3A_43, %dma_wait3A_44] : memref<2x16x196x2x128xi32, #tpu.memory_space<hbm>> -> memref<1x1x1x2x128xi32, #tpu.memory_space<hbm>>
      %dma_wait3A_46 = tpu.memref_squeeze %dma_wait3A_45 : memref<1x1x1x2x128xi32, #tpu.memory_space<hbm>> -> memref<2x128xi32, #tpu.memory_space<hbm>>
      tpu.wait_dma2 semaphore(%run_scoped3A_31 : memref<!tpu.dma_semaphore, #tpu.memory_space<semaphore_mem>>) src(%dma_wait3A_46 : memref<2x128xi32, #tpu.memory_space<hbm>>) dst(%arg9 : memref<2x128xi32, #tpu.memory_space<vmem>>)
      tpu.yield
    }) : () -> ()
    %mul3A = arith.constant 1568 : i32
    %mul3A_3 = arith.muli %arg1, %mul3A : i32
    %mul3A_4 = arith.constant 1568 : i32
    %mul3A_5 = arith.muli %arg1, %mul3A_4 : i32
    "tpu.region"() ({
      %run_scoped3A_31 = tpu.sem_alloc : memref<!tpu.dma_semaphore, #tpu.memory_space<semaphore_mem>>
      %dma_start3A_32 = arith.constant 0 : i32
      %dma_start3A_33 = tpu.memref_slice %arg12[%mul3A_5, %dma_start3A_32] : memref<25088x64xf32, #tpu.memory_space<vmem_shared>> -> memref<1568x64xf32, #tpu.memory_space<vmem_shared>>
      %dma_start3A_34 = arith.constant 0 : i32
      %dma_start3A_35 = tpu.memref_slice %arg4[%mul3A_3, %dma_start3A_34] : memref<25088x64xf32, #tpu.memory_space<hbm>> -> memref<1568x64xf32, #tpu.memory_space<hbm>>
      tpu.enqueue_dma source(%dma_start3A_35 : memref<1568x64xf32, #tpu.memory_space<hbm>>) target(%dma_start3A_33 : memref<1568x64xf32, #tpu.memory_space<vmem_shared>>) target_semaphore(%run_scoped3A_31 : memref<!tpu.dma_semaphore, #tpu.memory_space<semaphore_mem>>)
      %dma_wait3A = arith.constant 0 : i32
      %dma_wait3A_36 = tpu.memref_slice %arg12[%mul3A_5, %dma_wait3A] : memref<25088x64xf32, #tpu.memory_space<vmem_shared>> -> memref<1568x64xf32, #tpu.memory_space<vmem_shared>>
      %dma_wait3A_37 = arith.constant 0 : i32
      %dma_wait3A_38 = tpu.memref_slice %arg4[%mul3A_3, %dma_wait3A_37] : memref<25088x64xf32, #tpu.memory_space<hbm>> -> memref<1568x64xf32, #tpu.memory_space<hbm>>
      tpu.wait_dma2 semaphore(%run_scoped3A_31 : memref<!tpu.dma_semaphore, #tpu.memory_space<semaphore_mem>>) src(%dma_wait3A_38 : memref<1568x64xf32, #tpu.memory_space<hbm>>) dst(%dma_wait3A_36 : memref<1568x64xf32, #tpu.memory_space<vmem_shared>>)
      tpu.yield
    }) : () -> ()
    %barrier3A = arith.constant 0 : index
    tpu.barrier barrier_id(%barrier3A)
    %dma_start3A = arith.constant 0 : i32
    %dma_start3A_6 = arith.constant 0 : i32
    %dma_start3A_7 = tpu.memref_slice %arg6[%dma_start3A, %dma_start3A_6] : memref<2x128xi32, #tpu.memory_space<vmem>> -> memref<1x128xi32, #tpu.memory_space<vmem>>
    %dma_start3A_8 = tpu.memref_squeeze %dma_start3A_7 : memref<1x128xi32, #tpu.memory_space<vmem>> -> memref<128xi32, #tpu.memory_space<vmem>>
    %dma_start3A_9 = arith.constant 0 : i32
    %dma_start3A_10 = arith.constant 0 : i32
    %dma_start3A_11 = tpu.memref_slice %arg2[%dma_start3A_9, %dma_start3A_10] : memref<100000x64xf32, #tpu.memory_space<hbm>> -> memref<100000x64xf32, #tpu.memory_space<hbm>>
    tpu.enqueue_indirect_dma source(%dma_start3A_11 : memref<100000x64xf32, #tpu.memory_space<hbm>>) target(%arg10 : memref<128x64xf32, #tpu.memory_space<vmem>>) offsets(%dma_start3A_8 : memref<128xi32, #tpu.memory_space<vmem>>) semaphore(%arg13 : memref<!tpu.dma_semaphore, #tpu.memory_space<semaphore_mem>>)
    %dma_start3A_12 = arith.constant 0 : i32
    %dma_start3A_13 = arith.constant 0 : i32
    %dma_start3A_14 = tpu.memref_slice %arg7[%dma_start3A_12, %dma_start3A_13] : memref<2x128xi32, #tpu.memory_space<vmem>> -> memref<1x128xi32, #tpu.memory_space<vmem>>
    %dma_start3A_15 = tpu.memref_squeeze %dma_start3A_14 : memref<1x128xi32, #tpu.memory_space<vmem>> -> memref<128xi32, #tpu.memory_space<vmem>>
    %dma_start3A_16 = arith.constant 0 : i32
    %dma_start3A_17 = arith.constant 0 : i32
    %dma_start3A_18 = tpu.memref_slice %arg2[%dma_start3A_16, %dma_start3A_17] : memref<100000x64xf32, #tpu.memory_space<hbm>> -> memref<100000x64xf32, #tpu.memory_space<hbm>>
    tpu.enqueue_indirect_dma source(%dma_start3A_18 : memref<100000x64xf32, #tpu.memory_space<hbm>>) target(%arg11 : memref<128x64xf32, #tpu.memory_space<vmem>>) offsets(%dma_start3A_15 : memref<128xi32, #tpu.memory_space<vmem>>) semaphore(%arg14 : memref<!tpu.dma_semaphore, #tpu.memory_space<semaphore_mem>>)
    %scan3A = arith.constant 0 : i32
    %scan3A_19 = arith.constant 0 : i32
    %scan3A_20 = arith.constant 49 : i32
    %scan3A_21 = arith.addi %scan3A_19, %scan3A_20 : i32
    %scan3A_22 = arith.constant 1 : i32
    scf.for %scan3A_31 = %scan3A_19 to %scan3A_21 step %scan3A_22  : i32 {
      %mul3A_32 = arith.constant 4 : i32
      %mul3A_33 = arith.muli %mul3A_32, %scan3A_31 : i32
      %add3A_34 = arith.constant 0 : i32
      %add3A_35 = arith.addi %mul3A_33, %add3A_34 : i32
      %dma_wait3A = arith.constant 0 : i32
      %dma_wait3A_36 = arith.constant 0 : i32
      %dma_wait3A_37 = tpu.memref_slice %arg6[%dma_wait3A, %dma_wait3A_36] : memref<2x128xi32, #tpu.memory_space<vmem>> -> memref<1x128xi32, #tpu.memory_space<vmem>>
      %dma_wait3A_38 = tpu.memref_squeeze %dma_wait3A_37 : memref<1x128xi32, #tpu.memory_space<vmem>> -> memref<128xi32, #tpu.memory_space<vmem>>
      %dma_wait3A_39 = arith.constant 0 : i32
      %dma_wait3A_40 = arith.constant 0 : i32
      %dma_wait3A_41 = tpu.memref_slice %arg2[%dma_wait3A_39, %dma_wait3A_40] : memref<100000x64xf32, #tpu.memory_space<hbm>> -> memref<100000x64xf32, #tpu.memory_space<hbm>>
      tpu.wait_indirect_dma semaphore(%arg13 : memref<!tpu.dma_semaphore, #tpu.memory_space<semaphore_mem>>) src(%dma_wait3A_41 : memref<100000x64xf32, #tpu.memory_space<hbm>>) dst(%arg10 : memref<128x64xf32, #tpu.memory_space<vmem>>)
      %run_scoped3A_42 = arith.constant 1 : i32
      "tpu.region"() ({
        %run_scoped3A_170 = tpu.sem_alloc : memref<!tpu.dma_semaphore, #tpu.memory_space<semaphore_mem>>
        %dma_start3A_171 = arith.constant 0 : i32
        %dma_start3A_172 = tpu.memref_slice %arg6[%run_scoped3A_42, %dma_start3A_171] : memref<2x128xi32, #tpu.memory_space<vmem>> -> memref<1x128xi32, #tpu.memory_space<vmem>>
        %dma_start3A_173 = tpu.memref_squeeze %dma_start3A_172 : memref<1x128xi32, #tpu.memory_space<vmem>> -> memref<128xi32, #tpu.memory_space<vmem>>
        %dma_start3A_174 = arith.constant 0 : i32
        %dma_start3A_175 = arith.constant 0 : i32
        %dma_start3A_176 = tpu.memref_slice %arg12[%dma_start3A_174, %dma_start3A_175] : memref<25088x64xf32, #tpu.memory_space<vmem_shared>> -> memref<25088x64xf32, #tpu.memory_space<vmem_shared>>
        tpu.enqueue_indirect_dma source(%arg10 : memref<128x64xf32, #tpu.memory_space<vmem>>) target(%dma_start3A_176 : memref<25088x64xf32, #tpu.memory_space<vmem_shared>>) offsets(%dma_start3A_173 : memref<128xi32, #tpu.memory_space<vmem>>) semaphore(%run_scoped3A_170 : memref<!tpu.dma_semaphore, #tpu.memory_space<semaphore_mem>>) {add = true}
        %dma_wait3A_177 = arith.constant 0 : i32
        %dma_wait3A_178 = tpu.memref_slice %arg6[%run_scoped3A_42, %dma_wait3A_177] : memref<2x128xi32, #tpu.memory_space<vmem>> -> memref<1x128xi32, #tpu.memory_space<vmem>>
        %dma_wait3A_179 = tpu.memref_squeeze %dma_wait3A_178 : memref<1x128xi32, #tpu.memory_space<vmem>> -> memref<128xi32, #tpu.memory_space<vmem>>
        %dma_wait3A_180 = arith.constant 0 : i32
        %dma_wait3A_181 = arith.constant 0 : i32
        %dma_wait3A_182 = tpu.memref_slice %arg12[%dma_wait3A_180, %dma_wait3A_181] : memref<25088x64xf32, #tpu.memory_space<vmem_shared>> -> memref<25088x64xf32, #tpu.memory_space<vmem_shared>>
        tpu.wait_indirect_dma semaphore(%run_scoped3A_170 : memref<!tpu.dma_semaphore, #tpu.memory_space<semaphore_mem>>) src(%arg10 : memref<128x64xf32, #tpu.memory_space<vmem>>) dst(%dma_wait3A_182 : memref<25088x64xf32, #tpu.memory_space<vmem_shared>>)
        tpu.yield
      }) : () -> ()
      %add3A_43 = arith.constant 4 : i32
      %add3A_44 = arith.addi %add3A_35, %add3A_43 : i32
      %lt3A = arith.constant 196 : i32
      %lt3A_45 = arith.cmpi slt, %add3A_44, %lt3A : i32
      %convert_element_type3A = arith.extui %lt3A_45 : i1 to i32
      %cond3A = arith.constant 0 : i32
      %cond3A_46 = arith.cmpi ne, %convert_element_type3A, %cond3A : i32
      scf.if %cond3A_46 {
        %add3A_170 = arith.constant 4 : i32
        %add3A_171 = arith.addi %add3A_35, %add3A_170 : i32
        %dma_start3A_172 = arith.constant 0 : i32
        %dma_start3A_173 = arith.constant 0 : i32
        %dma_start3A_174 = tpu.memref_slice %arg3[%arg0, %arg1, %add3A_171, %dma_start3A_172, %dma_start3A_173] : memref<2x16x196x2x128xi32, #tpu.memory_space<hbm>> -> memref<1x1x1x2x128xi32, #tpu.memory_space<hbm>>
        %dma_start3A_175 = tpu.memref_squeeze %dma_start3A_174 : memref<1x1x1x2x128xi32, #tpu.memory_space<hbm>> -> memref<2x128xi32, #tpu.memory_space<hbm>>
        %dma_start3A_176 = arith.constant 0 : i32
        %dma_start3A_177 = arith.constant 0 : i32
        %dma_start3A_178 = tpu.memref_slice %arg3[%arg0, %arg1, %add3A_171, %dma_start3A_176, %dma_start3A_177] : memref<2x16x196x2x128xi32, #tpu.memory_space<hbm>> -> memref<1x1x1x2x128xi32, #tpu.memory_space<hbm>>
        %dma_start3A_179 = tpu.memref_squeeze %dma_start3A_178 : memref<1x1x1x2x128xi32, #tpu.memory_space<hbm>> -> memref<2x128xi32, #tpu.memory_space<hbm>>
        tpu.enqueue_dma source(%dma_start3A_179 : memref<2x128xi32, #tpu.memory_space<hbm>>) target(%arg6 : memref<2x128xi32, #tpu.memory_space<vmem>>) target_semaphore(%arg15 : memref<!tpu.dma_semaphore, #tpu.memory_space<semaphore_mem>>)
      } else {
      }
      %add3A_47 = arith.constant 2 : i32
      %add3A_48 = arith.addi %add3A_35, %add3A_47 : i32
      %lt3A_49 = arith.constant 196 : i32
      %lt3A_50 = arith.cmpi slt, %add3A_48, %lt3A_49 : i32
      %ge3A = arith.constant 2 : i32
      %ge3A_51 = arith.cmpi sge, %add3A_35, %ge3A : i32
      %and3A = arith.andi %lt3A_50, %ge3A_51 : i1
      %convert_element_type3A_52 = arith.extui %and3A : i1 to i32
      %cond3A_53 = arith.constant 0 : i32
      %cond3A_54 = arith.cmpi ne, %convert_element_type3A_52, %cond3A_53 : i32
      scf.if %cond3A_54 {
        %add3A_170 = arith.constant 2 : i32
        %add3A_171 = arith.addi %add3A_35, %add3A_170 : i32
        %dma_wait3A_172 = arith.constant 0 : i32
        %dma_wait3A_173 = arith.constant 0 : i32
        %dma_wait3A_174 = tpu.memref_slice %arg3[%arg0, %arg1, %add3A_171, %dma_wait3A_172, %dma_wait3A_173] : memref<2x16x196x2x128xi32, #tpu.memory_space<hbm>> -> memref<1x1x1x2x128xi32, #tpu.memory_space<hbm>>
        %dma_wait3A_175 = tpu.memref_squeeze %dma_wait3A_174 : memref<1x1x1x2x128xi32, #tpu.memory_space<hbm>> -> memref<2x128xi32, #tpu.memory_space<hbm>>
        %dma_wait3A_176 = arith.constant 0 : i32
        %dma_wait3A_177 = arith.constant 0 : i32
        %dma_wait3A_178 = tpu.memref_slice %arg3[%arg0, %arg1, %add3A_171, %dma_wait3A_176, %dma_wait3A_177] : memref<2x16x196x2x128xi32, #tpu.memory_space<hbm>> -> memref<1x1x1x2x128xi32, #tpu.memory_space<hbm>>
        %dma_wait3A_179 = tpu.memref_squeeze %dma_wait3A_178 : memref<1x1x1x2x128xi32, #tpu.memory_space<hbm>> -> memref<2x128xi32, #tpu.memory_space<hbm>>
        tpu.wait_dma2 semaphore(%arg17 : memref<!tpu.dma_semaphore, #tpu.memory_space<semaphore_mem>>) src(%dma_wait3A_179 : memref<2x128xi32, #tpu.memory_space<hbm>>) dst(%arg8 : memref<2x128xi32, #tpu.memory_space<vmem>>)
      } else {
      }
      %add3A_55 = arith.constant 2 : i32
      %add3A_56 = arith.addi %add3A_35, %add3A_55 : i32
      %lt3A_57 = arith.constant 196 : i32
      %lt3A_58 = arith.cmpi slt, %add3A_56, %lt3A_57 : i32
      %convert_element_type3A_59 = arith.extui %lt3A_58 : i1 to i32
      %cond3A_60 = arith.constant 0 : i32
      %cond3A_61 = arith.cmpi ne, %convert_element_type3A_59, %cond3A_60 : i32
      scf.if %cond3A_61 {
        %dma_start3A_170 = arith.constant 0 : i32
        %dma_start3A_171 = arith.constant 0 : i32
        %dma_start3A_172 = tpu.memref_slice %arg8[%dma_start3A_170, %dma_start3A_171] : memref<2x128xi32, #tpu.memory_space<vmem>> -> memref<1x128xi32, #tpu.memory_space<vmem>>
        %dma_start3A_173 = tpu.memref_squeeze %dma_start3A_172 : memref<1x128xi32, #tpu.memory_space<vmem>> -> memref<128xi32, #tpu.memory_space<vmem>>
        %dma_start3A_174 = arith.constant 0 : i32
        %dma_start3A_175 = arith.constant 0 : i32
        %dma_start3A_176 = tpu.memref_slice %arg2[%dma_start3A_174, %dma_start3A_175] : memref<100000x64xf32, #tpu.memory_space<hbm>> -> memref<100000x64xf32, #tpu.memory_space<hbm>>
        tpu.enqueue_indirect_dma source(%dma_start3A_176 : memref<100000x64xf32, #tpu.memory_space<hbm>>) target(%arg10 : memref<128x64xf32, #tpu.memory_space<vmem>>) offsets(%dma_start3A_173 : memref<128xi32, #tpu.memory_space<vmem>>) semaphore(%arg13 : memref<!tpu.dma_semaphore, #tpu.memory_space<semaphore_mem>>)
      } else {
      }
      %mul3A_62 = arith.constant 4 : i32
      %mul3A_63 = arith.muli %mul3A_62, %scan3A_31 : i32
      %add3A_64 = arith.constant 1 : i32
      %add3A_65 = arith.addi %mul3A_63, %add3A_64 : i32
      %dma_wait3A_66 = arith.constant 0 : i32
      %dma_wait3A_67 = arith.constant 0 : i32
      %dma_wait3A_68 = tpu.memref_slice %arg7[%dma_wait3A_66, %dma_wait3A_67] : memref<2x128xi32, #tpu.memory_space<vmem>> -> memref<1x128xi32, #tpu.memory_space<vmem>>
      %dma_wait3A_69 = tpu.memref_squeeze %dma_wait3A_68 : memref<1x128xi32, #tpu.memory_space<vmem>> -> memref<128xi32, #tpu.memory_space<vmem>>
      %dma_wait3A_70 = arith.constant 0 : i32
      %dma_wait3A_71 = arith.constant 0 : i32
      %dma_wait3A_72 = tpu.memref_slice %arg2[%dma_wait3A_70, %dma_wait3A_71] : memref<100000x64xf32, #tpu.memory_space<hbm>> -> memref<100000x64xf32, #tpu.memory_space<hbm>>
      tpu.wait_indirect_dma semaphore(%arg14 : memref<!tpu.dma_semaphore, #tpu.memory_space<semaphore_mem>>) src(%dma_wait3A_72 : memref<100000x64xf32, #tpu.memory_space<hbm>>) dst(%arg11 : memref<128x64xf32, #tpu.memory_space<vmem>>)
      %run_scoped3A_73 = arith.constant 1 : i32
      "tpu.region"() ({
        %run_scoped3A_170 = tpu.sem_alloc : memref<!tpu.dma_semaphore, #tpu.memory_space<semaphore_mem>>
        %dma_start3A_171 = arith.constant 0 : i32
        %dma_start3A_172 = tpu.memref_slice %arg7[%run_scoped3A_73, %dma_start3A_171] : memref<2x128xi32, #tpu.memory_space<vmem>> -> memref<1x128xi32, #tpu.memory_space<vmem>>
        %dma_start3A_173 = tpu.memref_squeeze %dma_start3A_172 : memref<1x128xi32, #tpu.memory_space<vmem>> -> memref<128xi32, #tpu.memory_space<vmem>>
        %dma_start3A_174 = arith.constant 0 : i32
        %dma_start3A_175 = arith.constant 0 : i32
        %dma_start3A_176 = tpu.memref_slice %arg12[%dma_start3A_174, %dma_start3A_175] : memref<25088x64xf32, #tpu.memory_space<vmem_shared>> -> memref<25088x64xf32, #tpu.memory_space<vmem_shared>>
        tpu.enqueue_indirect_dma source(%arg11 : memref<128x64xf32, #tpu.memory_space<vmem>>) target(%dma_start3A_176 : memref<25088x64xf32, #tpu.memory_space<vmem_shared>>) offsets(%dma_start3A_173 : memref<128xi32, #tpu.memory_space<vmem>>) semaphore(%run_scoped3A_170 : memref<!tpu.dma_semaphore, #tpu.memory_space<semaphore_mem>>) {add = true}
        %dma_wait3A_177 = arith.constant 0 : i32
        %dma_wait3A_178 = tpu.memref_slice %arg7[%run_scoped3A_73, %dma_wait3A_177] : memref<2x128xi32, #tpu.memory_space<vmem>> -> memref<1x128xi32, #tpu.memory_space<vmem>>
        %dma_wait3A_179 = tpu.memref_squeeze %dma_wait3A_178 : memref<1x128xi32, #tpu.memory_space<vmem>> -> memref<128xi32, #tpu.memory_space<vmem>>
        %dma_wait3A_180 = arith.constant 0 : i32
        %dma_wait3A_181 = arith.constant 0 : i32
        %dma_wait3A_182 = tpu.memref_slice %arg12[%dma_wait3A_180, %dma_wait3A_181] : memref<25088x64xf32, #tpu.memory_space<vmem_shared>> -> memref<25088x64xf32, #tpu.memory_space<vmem_shared>>
        tpu.wait_indirect_dma semaphore(%run_scoped3A_170 : memref<!tpu.dma_semaphore, #tpu.memory_space<semaphore_mem>>) src(%arg11 : memref<128x64xf32, #tpu.memory_space<vmem>>) dst(%dma_wait3A_182 : memref<25088x64xf32, #tpu.memory_space<vmem_shared>>)
        tpu.yield
      }) : () -> ()
      %add3A_74 = arith.constant 4 : i32
      %add3A_75 = arith.addi %add3A_65, %add3A_74 : i32
      %lt3A_76 = arith.constant 196 : i32
      %lt3A_77 = arith.cmpi slt, %add3A_75, %lt3A_76 : i32
      %convert_element_type3A_78 = arith.extui %lt3A_77 : i1 to i32
      %cond3A_79 = arith.constant 0 : i32
      %cond3A_80 = arith.cmpi ne, %convert_element_type3A_78, %cond3A_79 : i32
      scf.if %cond3A_80 {
        %add3A_170 = arith.constant 4 : i32
        %add3A_171 = arith.addi %add3A_65, %add3A_170 : i32
        %dma_start3A_172 = arith.constant 0 : i32
        %dma_start3A_173 = arith.constant 0 : i32
        %dma_start3A_174 = tpu.memref_slice %arg3[%arg0, %arg1, %add3A_171, %dma_start3A_172, %dma_start3A_173] : memref<2x16x196x2x128xi32, #tpu.memory_space<hbm>> -> memref<1x1x1x2x128xi32, #tpu.memory_space<hbm>>
        %dma_start3A_175 = tpu.memref_squeeze %dma_start3A_174 : memref<1x1x1x2x128xi32, #tpu.memory_space<hbm>> -> memref<2x128xi32, #tpu.memory_space<hbm>>
        %dma_start3A_176 = arith.constant 0 : i32
        %dma_start3A_177 = arith.constant 0 : i32
        %dma_start3A_178 = tpu.memref_slice %arg3[%arg0, %arg1, %add3A_171, %dma_start3A_176, %dma_start3A_177] : memref<2x16x196x2x128xi32, #tpu.memory_space<hbm>> -> memref<1x1x1x2x128xi32, #tpu.memory_space<hbm>>
        %dma_start3A_179 = tpu.memref_squeeze %dma_start3A_178 : memref<1x1x1x2x128xi32, #tpu.memory_space<hbm>> -> memref<2x128xi32, #tpu.memory_space<hbm>>
        tpu.enqueue_dma source(%dma_start3A_179 : memref<2x128xi32, #tpu.memory_space<hbm>>) target(%arg7 : memref<2x128xi32, #tpu.memory_space<vmem>>) target_semaphore(%arg16 : memref<!tpu.dma_semaphore, #tpu.memory_space<semaphore_mem>>)
      } else {
      }
      %add3A_81 = arith.constant 2 : i32
      %add3A_82 = arith.addi %add3A_65, %add3A_81 : i32
      %lt3A_83 = arith.constant 196 : i32
      %lt3A_84 = arith.cmpi slt, %add3A_82, %lt3A_83 : i32
      %ge3A_85 = arith.constant 2 : i32
      %ge3A_86 = arith.cmpi sge, %add3A_65, %ge3A_85 : i32
      %and3A_87 = arith.andi %lt3A_84, %ge3A_86 : i1
      %convert_element_type3A_88 = arith.extui %and3A_87 : i1 to i32
      %cond3A_89 = arith.constant 0 : i32
      %cond3A_90 = arith.cmpi ne, %convert_element_type3A_88, %cond3A_89 : i32
      scf.if %cond3A_90 {
        %add3A_170 = arith.constant 2 : i32
        %add3A_171 = arith.addi %add3A_65, %add3A_170 : i32
        %dma_wait3A_172 = arith.constant 0 : i32
        %dma_wait3A_173 = arith.constant 0 : i32
        %dma_wait3A_174 = tpu.memref_slice %arg3[%arg0, %arg1, %add3A_171, %dma_wait3A_172, %dma_wait3A_173] : memref<2x16x196x2x128xi32, #tpu.memory_space<hbm>> -> memref<1x1x1x2x128xi32, #tpu.memory_space<hbm>>
        %dma_wait3A_175 = tpu.memref_squeeze %dma_wait3A_174 : memref<1x1x1x2x128xi32, #tpu.memory_space<hbm>> -> memref<2x128xi32, #tpu.memory_space<hbm>>
        %dma_wait3A_176 = arith.constant 0 : i32
        %dma_wait3A_177 = arith.constant 0 : i32
        %dma_wait3A_178 = tpu.memref_slice %arg3[%arg0, %arg1, %add3A_171, %dma_wait3A_176, %dma_wait3A_177] : memref<2x16x196x2x128xi32, #tpu.memory_space<hbm>> -> memref<1x1x1x2x128xi32, #tpu.memory_space<hbm>>
        %dma_wait3A_179 = tpu.memref_squeeze %dma_wait3A_178 : memref<1x1x1x2x128xi32, #tpu.memory_space<hbm>> -> memref<2x128xi32, #tpu.memory_space<hbm>>
        tpu.wait_dma2 semaphore(%arg18 : memref<!tpu.dma_semaphore, #tpu.memory_space<semaphore_mem>>) src(%dma_wait3A_179 : memref<2x128xi32, #tpu.memory_space<hbm>>) dst(%arg9 : memref<2x128xi32, #tpu.memory_space<vmem>>)
      } else {
      }
      %add3A_91 = arith.constant 2 : i32
      %add3A_92 = arith.addi %add3A_65, %add3A_91 : i32
      %lt3A_93 = arith.constant 196 : i32
      %lt3A_94 = arith.cmpi slt, %add3A_92, %lt3A_93 : i32
      %convert_element_type3A_95 = arith.extui %lt3A_94 : i1 to i32
      %cond3A_96 = arith.constant 0 : i32
      %cond3A_97 = arith.cmpi ne, %convert_element_type3A_95, %cond3A_96 : i32
      scf.if %cond3A_97 {
        %dma_start3A_170 = arith.constant 0 : i32
        %dma_start3A_171 = arith.constant 0 : i32
        %dma_start3A_172 = tpu.memref_slice %arg9[%dma_start3A_170, %dma_start3A_171] : memref<2x128xi32, #tpu.memory_space<vmem>> -> memref<1x128xi32, #tpu.memory_space<vmem>>
        %dma_start3A_173 = tpu.memref_squeeze %dma_start3A_172 : memref<1x128xi32, #tpu.memory_space<vmem>> -> memref<128xi32, #tpu.memory_space<vmem>>
        %dma_start3A_174 = arith.constant 0 : i32
        %dma_start3A_175 = arith.constant 0 : i32
        %dma_start3A_176 = tpu.memref_slice %arg2[%dma_start3A_174, %dma_start3A_175] : memref<100000x64xf32, #tpu.memory_space<hbm>> -> memref<100000x64xf32, #tpu.memory_space<hbm>>
        tpu.enqueue_indirect_dma source(%dma_start3A_176 : memref<100000x64xf32, #tpu.memory_space<hbm>>) target(%arg11 : memref<128x64xf32, #tpu.memory_space<vmem>>) offsets(%dma_start3A_173 : memref<128xi32, #tpu.memory_space<vmem>>) semaphore(%arg14 : memref<!tpu.dma_semaphore, #tpu.memory_space<semaphore_mem>>)
      } else {
      }
      %mul3A_98 = arith.constant 4 : i32
      %mul3A_99 = arith.muli %mul3A_98, %scan3A_31 : i32
      %add3A_100 = arith.constant 2 : i32
      %add3A_101 = arith.addi %mul3A_99, %add3A_100 : i32
      %dma_wait3A_102 = arith.constant 0 : i32
      %dma_wait3A_103 = arith.constant 0 : i32
      %dma_wait3A_104 = tpu.memref_slice %arg8[%dma_wait3A_102, %dma_wait3A_103] : memref<2x128xi32, #tpu.memory_space<vmem>> -> memref<1x128xi32, #tpu.memory_space<vmem>>
      %dma_wait3A_105 = tpu.memref_squeeze %dma_wait3A_104 : memref<1x128xi32, #tpu.memory_space<vmem>> -> memref<128xi32, #tpu.memory_space<vmem>>
      %dma_wait3A_106 = arith.constant 0 : i32
      %dma_wait3A_107 = arith.constant 0 : i32
      %dma_wait3A_108 = tpu.memref_slice %arg2[%dma_wait3A_106, %dma_wait3A_107] : memref<100000x64xf32, #tpu.memory_space<hbm>> -> memref<100000x64xf32, #tpu.memory_space<hbm>>
      tpu.wait_indirect_dma semaphore(%arg13 : memref<!tpu.dma_semaphore, #tpu.memory_space<semaphore_mem>>) src(%dma_wait3A_108 : memref<100000x64xf32, #tpu.memory_space<hbm>>) dst(%arg10 : memref<128x64xf32, #tpu.memory_space<vmem>>)
      %run_scoped3A_109 = arith.constant 1 : i32
      "tpu.region"() ({
        %run_scoped3A_170 = tpu.sem_alloc : memref<!tpu.dma_semaphore, #tpu.memory_space<semaphore_mem>>
        %dma_start3A_171 = arith.constant 0 : i32
        %dma_start3A_172 = tpu.memref_slice %arg8[%run_scoped3A_109, %dma_start3A_171] : memref<2x128xi32, #tpu.memory_space<vmem>> -> memref<1x128xi32, #tpu.memory_space<vmem>>
        %dma_start3A_173 = tpu.memref_squeeze %dma_start3A_172 : memref<1x128xi32, #tpu.memory_space<vmem>> -> memref<128xi32, #tpu.memory_space<vmem>>
        %dma_start3A_174 = arith.constant 0 : i32
        %dma_start3A_175 = arith.constant 0 : i32
        %dma_start3A_176 = tpu.memref_slice %arg12[%dma_start3A_174, %dma_start3A_175] : memref<25088x64xf32, #tpu.memory_space<vmem_shared>> -> memref<25088x64xf32, #tpu.memory_space<vmem_shared>>
        tpu.enqueue_indirect_dma source(%arg10 : memref<128x64xf32, #tpu.memory_space<vmem>>) target(%dma_start3A_176 : memref<25088x64xf32, #tpu.memory_space<vmem_shared>>) offsets(%dma_start3A_173 : memref<128xi32, #tpu.memory_space<vmem>>) semaphore(%run_scoped3A_170 : memref<!tpu.dma_semaphore, #tpu.memory_space<semaphore_mem>>) {add = true}
        %dma_wait3A_177 = arith.constant 0 : i32
        %dma_wait3A_178 = tpu.memref_slice %arg8[%run_scoped3A_109, %dma_wait3A_177] : memref<2x128xi32, #tpu.memory_space<vmem>> -> memref<1x128xi32, #tpu.memory_space<vmem>>
        %dma_wait3A_179 = tpu.memref_squeeze %dma_wait3A_178 : memref<1x128xi32, #tpu.memory_space<vmem>> -> memref<128xi32, #tpu.memory_space<vmem>>
        %dma_wait3A_180 = arith.constant 0 : i32
        %dma_wait3A_181 = arith.constant 0 : i32
        %dma_wait3A_182 = tpu.memref_slice %arg12[%dma_wait3A_180, %dma_wait3A_181] : memref<25088x64xf32, #tpu.memory_space<vmem_shared>> -> memref<25088x64xf32, #tpu.memory_space<vmem_shared>>
        tpu.wait_indirect_dma semaphore(%run_scoped3A_170 : memref<!tpu.dma_semaphore, #tpu.memory_space<semaphore_mem>>) src(%arg10 : memref<128x64xf32, #tpu.memory_space<vmem>>) dst(%dma_wait3A_182 : memref<25088x64xf32, #tpu.memory_space<vmem_shared>>)
        tpu.yield
      }) : () -> ()
      %add3A_110 = arith.constant 4 : i32
      %add3A_111 = arith.addi %add3A_101, %add3A_110 : i32
      %lt3A_112 = arith.constant 196 : i32
      %lt3A_113 = arith.cmpi slt, %add3A_111, %lt3A_112 : i32
      %convert_element_type3A_114 = arith.extui %lt3A_113 : i1 to i32
      %cond3A_115 = arith.constant 0 : i32
      %cond3A_116 = arith.cmpi ne, %convert_element_type3A_114, %cond3A_115 : i32
      scf.if %cond3A_116 {
        %add3A_170 = arith.constant 4 : i32
        %add3A_171 = arith.addi %add3A_101, %add3A_170 : i32
        %dma_start3A_172 = arith.constant 0 : i32
        %dma_start3A_173 = arith.constant 0 : i32
        %dma_start3A_174 = tpu.memref_slice %arg3[%arg0, %arg1, %add3A_171, %dma_start3A_172, %dma_start3A_173] : memref<2x16x196x2x128xi32, #tpu.memory_space<hbm>> -> memref<1x1x1x2x128xi32, #tpu.memory_space<hbm>>
        %dma_start3A_175 = tpu.memref_squeeze %dma_start3A_174 : memref<1x1x1x2x128xi32, #tpu.memory_space<hbm>> -> memref<2x128xi32, #tpu.memory_space<hbm>>
        %dma_start3A_176 = arith.constant 0 : i32
        %dma_start3A_177 = arith.constant 0 : i32
        %dma_start3A_178 = tpu.memref_slice %arg3[%arg0, %arg1, %add3A_171, %dma_start3A_176, %dma_start3A_177] : memref<2x16x196x2x128xi32, #tpu.memory_space<hbm>> -> memref<1x1x1x2x128xi32, #tpu.memory_space<hbm>>
        %dma_start3A_179 = tpu.memref_squeeze %dma_start3A_178 : memref<1x1x1x2x128xi32, #tpu.memory_space<hbm>> -> memref<2x128xi32, #tpu.memory_space<hbm>>
        tpu.enqueue_dma source(%dma_start3A_179 : memref<2x128xi32, #tpu.memory_space<hbm>>) target(%arg8 : memref<2x128xi32, #tpu.memory_space<vmem>>) target_semaphore(%arg17 : memref<!tpu.dma_semaphore, #tpu.memory_space<semaphore_mem>>)
      } else {
      }
      %add3A_117 = arith.constant 2 : i32
      %add3A_118 = arith.addi %add3A_101, %add3A_117 : i32
      %lt3A_119 = arith.constant 196 : i32
      %lt3A_120 = arith.cmpi slt, %add3A_118, %lt3A_119 : i32
      %ge3A_121 = arith.constant 2 : i32
      %ge3A_122 = arith.cmpi sge, %add3A_101, %ge3A_121 : i32
      %and3A_123 = arith.andi %lt3A_120, %ge3A_122 : i1
      %convert_element_type3A_124 = arith.extui %and3A_123 : i1 to i32
      %cond3A_125 = arith.constant 0 : i32
      %cond3A_126 = arith.cmpi ne, %convert_element_type3A_124, %cond3A_125 : i32
      scf.if %cond3A_126 {
        %add3A_170 = arith.constant 2 : i32
        %add3A_171 = arith.addi %add3A_101, %add3A_170 : i32
        %dma_wait3A_172 = arith.constant 0 : i32
        %dma_wait3A_173 = arith.constant 0 : i32
        %dma_wait3A_174 = tpu.memref_slice %arg3[%arg0, %arg1, %add3A_171, %dma_wait3A_172, %dma_wait3A_173] : memref<2x16x196x2x128xi32, #tpu.memory_space<hbm>> -> memref<1x1x1x2x128xi32, #tpu.memory_space<hbm>>
        %dma_wait3A_175 = tpu.memref_squeeze %dma_wait3A_174 : memref<1x1x1x2x128xi32, #tpu.memory_space<hbm>> -> memref<2x128xi32, #tpu.memory_space<hbm>>
        %dma_wait3A_176 = arith.constant 0 : i32
        %dma_wait3A_177 = arith.constant 0 : i32
        %dma_wait3A_178 = tpu.memref_slice %arg3[%arg0, %arg1, %add3A_171, %dma_wait3A_176, %dma_wait3A_177] : memref<2x16x196x2x128xi32, #tpu.memory_space<hbm>> -> memref<1x1x1x2x128xi32, #tpu.memory_space<hbm>>
        %dma_wait3A_179 = tpu.memref_squeeze %dma_wait3A_178 : memref<1x1x1x2x128xi32, #tpu.memory_space<hbm>> -> memref<2x128xi32, #tpu.memory_space<hbm>>
        tpu.wait_dma2 semaphore(%arg15 : memref<!tpu.dma_semaphore, #tpu.memory_space<semaphore_mem>>) src(%dma_wait3A_179 : memref<2x128xi32, #tpu.memory_space<hbm>>) dst(%arg6 : memref<2x128xi32, #tpu.memory_space<vmem>>)
      } else {
      }
      %add3A_127 = arith.constant 2 : i32
      %add3A_128 = arith.addi %add3A_101, %add3A_127 : i32
      %lt3A_129 = arith.constant 196 : i32
      %lt3A_130 = arith.cmpi slt, %add3A_128, %lt3A_129 : i32
      %convert_element_type3A_131 = arith.extui %lt3A_130 : i1 to i32
      %cond3A_132 = arith.constant 0 : i32
      %cond3A_133 = arith.cmpi ne, %convert_element_type3A_131, %cond3A_132 : i32
      scf.if %cond3A_133 {
        %dma_start3A_170 = arith.constant 0 : i32
        %dma_start3A_171 = arith.constant 0 : i32
        %dma_start3A_172 = tpu.memref_slice %arg6[%dma_start3A_170, %dma_start3A_171] : memref<2x128xi32, #tpu.memory_space<vmem>> -> memref<1x128xi32, #tpu.memory_space<vmem>>
        %dma_start3A_173 = tpu.memref_squeeze %dma_start3A_172 : memref<1x128xi32, #tpu.memory_space<vmem>> -> memref<128xi32, #tpu.memory_space<vmem>>
        %dma_start3A_174 = arith.constant 0 : i32
        %dma_start3A_175 = arith.constant 0 : i32
        %dma_start3A_176 = tpu.memref_slice %arg2[%dma_start3A_174, %dma_start3A_175] : memref<100000x64xf32, #tpu.memory_space<hbm>> -> memref<100000x64xf32, #tpu.memory_space<hbm>>
        tpu.enqueue_indirect_dma source(%dma_start3A_176 : memref<100000x64xf32, #tpu.memory_space<hbm>>) target(%arg10 : memref<128x64xf32, #tpu.memory_space<vmem>>) offsets(%dma_start3A_173 : memref<128xi32, #tpu.memory_space<vmem>>) semaphore(%arg13 : memref<!tpu.dma_semaphore, #tpu.memory_space<semaphore_mem>>)
      } else {
      }
      %mul3A_134 = arith.constant 4 : i32
      %mul3A_135 = arith.muli %mul3A_134, %scan3A_31 : i32
      %add3A_136 = arith.constant 3 : i32
      %add3A_137 = arith.addi %mul3A_135, %add3A_136 : i32
      %dma_wait3A_138 = arith.constant 0 : i32
      %dma_wait3A_139 = arith.constant 0 : i32
      %dma_wait3A_140 = tpu.memref_slice %arg9[%dma_wait3A_138, %dma_wait3A_139] : memref<2x128xi32, #tpu.memory_space<vmem>> -> memref<1x128xi32, #tpu.memory_space<vmem>>
      %dma_wait3A_141 = tpu.memref_squeeze %dma_wait3A_140 : memref<1x128xi32, #tpu.memory_space<vmem>> -> memref<128xi32, #tpu.memory_space<vmem>>
      %dma_wait3A_142 = arith.constant 0 : i32
      %dma_wait3A_143 = arith.constant 0 : i32
      %dma_wait3A_144 = tpu.memref_slice %arg2[%dma_wait3A_142, %dma_wait3A_143] : memref<100000x64xf32, #tpu.memory_space<hbm>> -> memref<100000x64xf32, #tpu.memory_space<hbm>>
      tpu.wait_indirect_dma semaphore(%arg14 : memref<!tpu.dma_semaphore, #tpu.memory_space<semaphore_mem>>) src(%dma_wait3A_144 : memref<100000x64xf32, #tpu.memory_space<hbm>>) dst(%arg11 : memref<128x64xf32, #tpu.memory_space<vmem>>)
      %run_scoped3A_145 = arith.constant 1 : i32
      "tpu.region"() ({
        %run_scoped3A_170 = tpu.sem_alloc : memref<!tpu.dma_semaphore, #tpu.memory_space<semaphore_mem>>
        %dma_start3A_171 = arith.constant 0 : i32
        %dma_start3A_172 = tpu.memref_slice %arg9[%run_scoped3A_145, %dma_start3A_171] : memref<2x128xi32, #tpu.memory_space<vmem>> -> memref<1x128xi32, #tpu.memory_space<vmem>>
        %dma_start3A_173 = tpu.memref_squeeze %dma_start3A_172 : memref<1x128xi32, #tpu.memory_space<vmem>> -> memref<128xi32, #tpu.memory_space<vmem>>
        %dma_start3A_174 = arith.constant 0 : i32
        %dma_start3A_175 = arith.constant 0 : i32
        %dma_start3A_176 = tpu.memref_slice %arg12[%dma_start3A_174, %dma_start3A_175] : memref<25088x64xf32, #tpu.memory_space<vmem_shared>> -> memref<25088x64xf32, #tpu.memory_space<vmem_shared>>
        tpu.enqueue_indirect_dma source(%arg11 : memref<128x64xf32, #tpu.memory_space<vmem>>) target(%dma_start3A_176 : memref<25088x64xf32, #tpu.memory_space<vmem_shared>>) offsets(%dma_start3A_173 : memref<128xi32, #tpu.memory_space<vmem>>) semaphore(%run_scoped3A_170 : memref<!tpu.dma_semaphore, #tpu.memory_space<semaphore_mem>>) {add = true}
        %dma_wait3A_177 = arith.constant 0 : i32
        %dma_wait3A_178 = tpu.memref_slice %arg9[%run_scoped3A_145, %dma_wait3A_177] : memref<2x128xi32, #tpu.memory_space<vmem>> -> memref<1x128xi32, #tpu.memory_space<vmem>>
        %dma_wait3A_179 = tpu.memref_squeeze %dma_wait3A_178 : memref<1x128xi32, #tpu.memory_space<vmem>> -> memref<128xi32, #tpu.memory_space<vmem>>
        %dma_wait3A_180 = arith.constant 0 : i32
        %dma_wait3A_181 = arith.constant 0 : i32
        %dma_wait3A_182 = tpu.memref_slice %arg12[%dma_wait3A_180, %dma_wait3A_181] : memref<25088x64xf32, #tpu.memory_space<vmem_shared>> -> memref<25088x64xf32, #tpu.memory_space<vmem_shared>>
        tpu.wait_indirect_dma semaphore(%run_scoped3A_170 : memref<!tpu.dma_semaphore, #tpu.memory_space<semaphore_mem>>) src(%arg11 : memref<128x64xf32, #tpu.memory_space<vmem>>) dst(%dma_wait3A_182 : memref<25088x64xf32, #tpu.memory_space<vmem_shared>>)
        tpu.yield
      }) : () -> ()
      %add3A_146 = arith.constant 4 : i32
      %add3A_147 = arith.addi %add3A_137, %add3A_146 : i32
      %lt3A_148 = arith.constant 196 : i32
      %lt3A_149 = arith.cmpi slt, %add3A_147, %lt3A_148 : i32
      %convert_element_type3A_150 = arith.extui %lt3A_149 : i1 to i32
      %cond3A_151 = arith.constant 0 : i32
      %cond3A_152 = arith.cmpi ne, %convert_element_type3A_150, %cond3A_151 : i32
      scf.if %cond3A_152 {
        %add3A_170 = arith.constant 4 : i32
        %add3A_171 = arith.addi %add3A_137, %add3A_170 : i32
        %dma_start3A_172 = arith.constant 0 : i32
        %dma_start3A_173 = arith.constant 0 : i32
        %dma_start3A_174 = tpu.memref_slice %arg3[%arg0, %arg1, %add3A_171, %dma_start3A_172, %dma_start3A_173] : memref<2x16x196x2x128xi32, #tpu.memory_space<hbm>> -> memref<1x1x1x2x128xi32, #tpu.memory_space<hbm>>
        %dma_start3A_175 = tpu.memref_squeeze %dma_start3A_174 : memref<1x1x1x2x128xi32, #tpu.memory_space<hbm>> -> memref<2x128xi32, #tpu.memory_space<hbm>>
        %dma_start3A_176 = arith.constant 0 : i32
        %dma_start3A_177 = arith.constant 0 : i32
        %dma_start3A_178 = tpu.memref_slice %arg3[%arg0, %arg1, %add3A_171, %dma_start3A_176, %dma_start3A_177] : memref<2x16x196x2x128xi32, #tpu.memory_space<hbm>> -> memref<1x1x1x2x128xi32, #tpu.memory_space<hbm>>
        %dma_start3A_179 = tpu.memref_squeeze %dma_start3A_178 : memref<1x1x1x2x128xi32, #tpu.memory_space<hbm>> -> memref<2x128xi32, #tpu.memory_space<hbm>>
        tpu.enqueue_dma source(%dma_start3A_179 : memref<2x128xi32, #tpu.memory_space<hbm>>) target(%arg9 : memref<2x128xi32, #tpu.memory_space<vmem>>) target_semaphore(%arg18 : memref<!tpu.dma_semaphore, #tpu.memory_space<semaphore_mem>>)
      } else {
      }
      %add3A_153 = arith.constant 2 : i32
      %add3A_154 = arith.addi %add3A_137, %add3A_153 : i32
      %lt3A_155 = arith.constant 196 : i32
      %lt3A_156 = arith.cmpi slt, %add3A_154, %lt3A_155 : i32
      %ge3A_157 = arith.constant 2 : i32
      %ge3A_158 = arith.cmpi sge, %add3A_137, %ge3A_157 : i32
      %and3A_159 = arith.andi %lt3A_156, %ge3A_158 : i1
      %convert_element_type3A_160 = arith.extui %and3A_159 : i1 to i32
      %cond3A_161 = arith.constant 0 : i32
      %cond3A_162 = arith.cmpi ne, %convert_element_type3A_160, %cond3A_161 : i32
      scf.if %cond3A_162 {
        %add3A_170 = arith.constant 2 : i32
        %add3A_171 = arith.addi %add3A_137, %add3A_170 : i32
        %dma_wait3A_172 = arith.constant 0 : i32
        %dma_wait3A_173 = arith.constant 0 : i32
        %dma_wait3A_174 = tpu.memref_slice %arg3[%arg0, %arg1, %add3A_171, %dma_wait3A_172, %dma_wait3A_173] : memref<2x16x196x2x128xi32, #tpu.memory_space<hbm>> -> memref<1x1x1x2x128xi32, #tpu.memory_space<hbm>>
        %dma_wait3A_175 = tpu.memref_squeeze %dma_wait3A_174 : memref<1x1x1x2x128xi32, #tpu.memory_space<hbm>> -> memref<2x128xi32, #tpu.memory_space<hbm>>
        %dma_wait3A_176 = arith.constant 0 : i32
        %dma_wait3A_177 = arith.constant 0 : i32
        %dma_wait3A_178 = tpu.memref_slice %arg3[%arg0, %arg1, %add3A_171, %dma_wait3A_176, %dma_wait3A_177] : memref<2x16x196x2x128xi32, #tpu.memory_space<hbm>> -> memref<1x1x1x2x128xi32, #tpu.memory_space<hbm>>
        %dma_wait3A_179 = tpu.memref_squeeze %dma_wait3A_178 : memref<1x1x1x2x128xi32, #tpu.memory_space<hbm>> -> memref<2x128xi32, #tpu.memory_space<hbm>>
        tpu.wait_dma2 semaphore(%arg16 : memref<!tpu.dma_semaphore, #tpu.memory_space<semaphore_mem>>) src(%dma_wait3A_179 : memref<2x128xi32, #tpu.memory_space<hbm>>) dst(%arg7 : memref<2x128xi32, #tpu.memory_space<vmem>>)
      } else {
      }
      %add3A_163 = arith.constant 2 : i32
      %add3A_164 = arith.addi %add3A_137, %add3A_163 : i32
      %lt3A_165 = arith.constant 196 : i32
      %lt3A_166 = arith.cmpi slt, %add3A_164, %lt3A_165 : i32
      %convert_element_type3A_167 = arith.extui %lt3A_166 : i1 to i32
      %cond3A_168 = arith.constant 0 : i32
      %cond3A_169 = arith.cmpi ne, %convert_element_type3A_167, %cond3A_168 : i32
      scf.if %cond3A_169 {
        %dma_start3A_170 = arith.constant 0 : i32
        %dma_start3A_171 = arith.constant 0 : i32
        %dma_start3A_172 = tpu.memref_slice %arg7[%dma_start3A_170, %dma_start3A_171] : memref<2x128xi32, #tpu.memory_space<vmem>> -> memref<1x128xi32, #tpu.memory_space<vmem>>
        %dma_start3A_173 = tpu.memref_squeeze %dma_start3A_172 : memref<1x128xi32, #tpu.memory_space<vmem>> -> memref<128xi32, #tpu.memory_space<vmem>>
        %dma_start3A_174 = arith.constant 0 : i32
        %dma_start3A_175 = arith.constant 0 : i32
        %dma_start3A_176 = tpu.memref_slice %arg2[%dma_start3A_174, %dma_start3A_175] : memref<100000x64xf32, #tpu.memory_space<hbm>> -> memref<100000x64xf32, #tpu.memory_space<hbm>>
        tpu.enqueue_indirect_dma source(%dma_start3A_176 : memref<100000x64xf32, #tpu.memory_space<hbm>>) target(%arg11 : memref<128x64xf32, #tpu.memory_space<vmem>>) offsets(%dma_start3A_173 : memref<128xi32, #tpu.memory_space<vmem>>) semaphore(%arg14 : memref<!tpu.dma_semaphore, #tpu.memory_space<semaphore_mem>>)
      } else {
      }
    }
    %scan3A_23 = arith.constant 49 : i32
    %barrier3A_24 = arith.constant 0 : index
    tpu.barrier barrier_id(%barrier3A_24)
    %mul3A_25 = arith.constant 1568 : i32
    %mul3A_26 = arith.muli %arg1, %mul3A_25 : i32
    %mul3A_27 = arith.constant 25088 : i32
    %mul3A_28 = arith.muli %arg0, %mul3A_27 : i32
    %mul3A_29 = arith.constant 1568 : i32
    %mul3A_30 = arith.muli %arg1, %mul3A_29 : i32
    %add3A = arith.addi %mul3A_28, %mul3A_30 : i32
    "tpu.region"() ({
      %run_scoped3A_31 = tpu.sem_alloc : memref<!tpu.dma_semaphore, #tpu.memory_space<semaphore_mem>>
      %dma_start3A_32 = arith.constant 0 : i32
      %dma_start3A_33 = tpu.memref_slice %arg5[%add3A, %dma_start3A_32] : memref<50176x64xf32, #tpu.memory_space<hbm>> -> memref<1568x64xf32, #tpu.memory_space<hbm>>
      %dma_start3A_34 = arith.constant 0 : i32
      %dma_start3A_35 = tpu.memref_slice %arg12[%mul3A_26, %dma_start3A_34] : memref<25088x64xf32, #tpu.memory_space<vmem_shared>> -> memref<1568x64xf32, #tpu.memory_space<vmem_shared>>
      tpu.enqueue_dma source(%dma_start3A_35 : memref<1568x64xf32, #tpu.memory_space<vmem_shared>>) target(%dma_start3A_33 : memref<1568x64xf32, #tpu.memory_space<hbm>>) target_semaphore(%run_scoped3A_31 : memref<!tpu.dma_semaphore, #tpu.memory_space<semaphore_mem>>)
      %dma_wait3A = arith.constant 0 : i32
      %dma_wait3A_36 = tpu.memref_slice %arg5[%add3A, %dma_wait3A] : memref<50176x64xf32, #tpu.memory_space<hbm>> -> memref<1568x64xf32, #tpu.memory_space<hbm>>
      %dma_wait3A_37 = arith.constant 0 : i32
      %dma_wait3A_38 = tpu.memref_slice %arg12[%mul3A_26, %dma_wait3A_37] : memref<25088x64xf32, #tpu.memory_space<vmem_shared>> -> memref<1568x64xf32, #tpu.memory_space<vmem_shared>>
      tpu.wait_dma2 semaphore(%run_scoped3A_31 : memref<!tpu.dma_semaphore, #tpu.memory_space<semaphore_mem>>) src(%dma_wait3A_38 : memref<1568x64xf32, #tpu.memory_space<vmem_shared>>) dst(%dma_wait3A_36 : memref<1568x64xf32, #tpu.memory_space<hbm>>)
      tpu.yield
    }) : () -> ()
    return
  }
}

#map = affine_map<(d0, d1) -> (0, 0)>
#map1 = affine_map<(d0, d1) -> (0, 0, 0, 0, 0)>
module attributes {stable_mosaic.version = 14 : i64} {
  func.func @k(%arg0: i32, %arg1: i32, %arg2: memref<20000x64xf32, #tpu.memory_space<hbm>>, %arg3: memref<2x16x40x2x128xi32, #tpu.memory_space<hbm>>, %arg4: memref<5120x64xf32, #tpu.memory_space<hbm>>, %arg5: memref<10240x64xf32, #tpu.memory_space<hbm>>, %arg6: memref<2x128xi32, #tpu.memory_space<vmem>>, %arg7: memref<2x128xi32, #tpu.memory_space<vmem>>, %arg8: memref<2x128xi32, #tpu.memory_space<vmem>>, %arg9: memref<2x128xi32, #tpu.memory_space<vmem>>, %arg10: memref<2x128xi32, #tpu.memory_space<vmem>>, %arg11: memref<2x128xi32, #tpu.memory_space<vmem>>, %arg12: memref<2x128xi32, #tpu.memory_space<vmem>>, %arg13: memref<2x128xi32, #tpu.memory_space<vmem>>, %arg14: memref<128x64xf32, #tpu.memory_space<vmem>>, %arg15: memref<128x64xf32, #tpu.memory_space<vmem>>, %arg16: memref<128x64xf32, #tpu.memory_space<vmem>>, %arg17: memref<128x64xf32, #tpu.memory_space<vmem>>, %arg18: memref<5120x64xf32, #tpu.memory_space<vmem_shared>>, %arg19: memref<!tpu.dma_semaphore, #tpu.memory_space<semaphore_mem>>, %arg20: memref<!tpu.dma_semaphore, #tpu.memory_space<semaphore_mem>>, %arg21: memref<!tpu.dma_semaphore, #tpu.memory_space<semaphore_mem>>, %arg22: memref<!tpu.dma_semaphore, #tpu.memory_space<semaphore_mem>>, %arg23: memref<!tpu.dma_semaphore, #tpu.memory_space<semaphore_mem>>, %arg24: memref<!tpu.dma_semaphore, #tpu.memory_space<semaphore_mem>>, %arg25: memref<!tpu.dma_semaphore, #tpu.memory_space<semaphore_mem>>, %arg26: memref<!tpu.dma_semaphore, #tpu.memory_space<semaphore_mem>>, %arg27: memref<!tpu.dma_semaphore, #tpu.memory_space<semaphore_mem>>, %arg28: memref<!tpu.dma_semaphore, #tpu.memory_space<semaphore_mem>>, %arg29: memref<!tpu.dma_semaphore, #tpu.memory_space<semaphore_mem>>, %arg30: memref<!tpu.dma_semaphore, #tpu.memory_space<semaphore_mem>>, %arg31: memref<!tpu.dma_semaphore, #tpu.memory_space<semaphore_mem>>, %arg32: memref<!tpu.dma_semaphore, #tpu.memory_space<semaphore_mem>>, %arg33: memref<!tpu.dma_semaphore, #tpu.memory_space<semaphore_mem>>, %arg34: memref<!tpu.dma_semaphore, #tpu.memory_space<semaphore_mem>>) attributes {dimension_semantics = [#tpu.dimension_semantics<core_parallel>, #tpu.dimension_semantics<subcore_parallel>], iteration_bounds = array<i64: 2, 16>, scalar_prefetch = 0 : i64, scratch_operands = 29 : i64, tpu.core_type = #tpu.core_type<sc_vector_subcore>, window_params = [{transform_indices = #map}, {transform_indices = #map1}, {transform_indices = #map}, {transform_indices = #map}]} {
    %run_scoped3A = arith.constant 0 : i32
    "tpu.region"() ({
      %run_scoped3A_33 = tpu.sem_alloc : memref<!tpu.dma_semaphore, #tpu.memory_space<semaphore_mem>>
      %dma_start3A_34 = arith.constant 0 : i32
      %dma_start3A_35 = arith.constant 0 : i32
      %dma_start3A_36 = tpu.memref_slice %arg3[%arg0, %arg1, %run_scoped3A, %dma_start3A_34, %dma_start3A_35] : memref<2x16x40x2x128xi32, #tpu.memory_space<hbm>> -> memref<1x1x1x2x128xi32, #tpu.memory_space<hbm>>
      %dma_start3A_37 = tpu.memref_squeeze %dma_start3A_36 : memref<1x1x1x2x128xi32, #tpu.memory_space<hbm>> -> memref<2x128xi32, #tpu.memory_space<hbm>>
      %dma_start3A_38 = arith.constant 0 : i32
      %dma_start3A_39 = arith.constant 0 : i32
      %dma_start3A_40 = tpu.memref_slice %arg3[%arg0, %arg1, %run_scoped3A, %dma_start3A_38, %dma_start3A_39] : memref<2x16x40x2x128xi32, #tpu.memory_space<hbm>> -> memref<1x1x1x2x128xi32, #tpu.memory_space<hbm>>
      %dma_start3A_41 = tpu.memref_squeeze %dma_start3A_40 : memref<1x1x1x2x128xi32, #tpu.memory_space<hbm>> -> memref<2x128xi32, #tpu.memory_space<hbm>>
      tpu.enqueue_dma source(%dma_start3A_41 : memref<2x128xi32, #tpu.memory_space<hbm>>) target(%arg6 : memref<2x128xi32, #tpu.memory_space<vmem>>) target_semaphore(%run_scoped3A_33 : memref<!tpu.dma_semaphore, #tpu.memory_space<semaphore_mem>>)
      %dma_wait3A = arith.constant 0 : i32
      %dma_wait3A_42 = arith.constant 0 : i32
      %dma_wait3A_43 = tpu.memref_slice %arg3[%arg0, %arg1, %run_scoped3A, %dma_wait3A, %dma_wait3A_42] : memref<2x16x40x2x128xi32, #tpu.memory_space<hbm>> -> memref<1x1x1x2x128xi32, #tpu.memory_space<hbm>>
      %dma_wait3A_44 = tpu.memref_squeeze %dma_wait3A_43 : memref<1x1x1x2x128xi32, #tpu.memory_space<hbm>> -> memref<2x128xi32, #tpu.memory_space<hbm>>
      %dma_wait3A_45 = arith.constant 0 : i32
      %dma_wait3A_46 = arith.constant 0 : i32
      %dma_wait3A_47 = tpu.memref_slice %arg3[%arg0, %arg1, %run_scoped3A, %dma_wait3A_45, %dma_wait3A_46] : memref<2x16x40x2x128xi32, #tpu.memory_space<hbm>> -> memref<1x1x1x2x128xi32, #tpu.memory_space<hbm>>
      %dma_wait3A_48 = tpu.memref_squeeze %dma_wait3A_47 : memref<1x1x1x2x128xi32, #tpu.memory_space<hbm>> -> memref<2x128xi32, #tpu.memory_space<hbm>>
      tpu.wait_dma2 semaphore(%run_scoped3A_33 : memref<!tpu.dma_semaphore, #tpu.memory_space<semaphore_mem>>) src(%dma_wait3A_48 : memref<2x128xi32, #tpu.memory_space<hbm>>) dst(%arg6 : memref<2x128xi32, #tpu.memory_space<vmem>>)
      tpu.yield
    }) : () -> ()
    %run_scoped3A_0 = arith.constant 1 : i32
    "tpu.region"() ({
      %run_scoped3A_33 = tpu.sem_alloc : memref<!tpu.dma_semaphore, #tpu.memory_space<semaphore_mem>>
      %dma_start3A_34 = arith.constant 0 : i32
      %dma_start3A_35 = arith.constant 0 : i32
      %dma_start3A_36 = tpu.memref_slice %arg3[%arg0, %arg1, %run_scoped3A_0, %dma_start3A_34, %dma_start3A_35] : memref<2x16x40x2x128xi32, #tpu.memory_space<hbm>> -> memref<1x1x1x2x128xi32, #tpu.memory_space<hbm>>
      %dma_start3A_37 = tpu.memref_squeeze %dma_start3A_36 : memref<1x1x1x2x128xi32, #tpu.memory_space<hbm>> -> memref<2x128xi32, #tpu.memory_space<hbm>>
      %dma_start3A_38 = arith.constant 0 : i32
      %dma_start3A_39 = arith.constant 0 : i32
      %dma_start3A_40 = tpu.memref_slice %arg3[%arg0, %arg1, %run_scoped3A_0, %dma_start3A_38, %dma_start3A_39] : memref<2x16x40x2x128xi32, #tpu.memory_space<hbm>> -> memref<1x1x1x2x128xi32, #tpu.memory_space<hbm>>
      %dma_start3A_41 = tpu.memref_squeeze %dma_start3A_40 : memref<1x1x1x2x128xi32, #tpu.memory_space<hbm>> -> memref<2x128xi32, #tpu.memory_space<hbm>>
      tpu.enqueue_dma source(%dma_start3A_41 : memref<2x128xi32, #tpu.memory_space<hbm>>) target(%arg7 : memref<2x128xi32, #tpu.memory_space<vmem>>) target_semaphore(%run_scoped3A_33 : memref<!tpu.dma_semaphore, #tpu.memory_space<semaphore_mem>>)
      %dma_wait3A = arith.constant 0 : i32
      %dma_wait3A_42 = arith.constant 0 : i32
      %dma_wait3A_43 = tpu.memref_slice %arg3[%arg0, %arg1, %run_scoped3A_0, %dma_wait3A, %dma_wait3A_42] : memref<2x16x40x2x128xi32, #tpu.memory_space<hbm>> -> memref<1x1x1x2x128xi32, #tpu.memory_space<hbm>>
      %dma_wait3A_44 = tpu.memref_squeeze %dma_wait3A_43 : memref<1x1x1x2x128xi32, #tpu.memory_space<hbm>> -> memref<2x128xi32, #tpu.memory_space<hbm>>
      %dma_wait3A_45 = arith.constant 0 : i32
      %dma_wait3A_46 = arith.constant 0 : i32
      %dma_wait3A_47 = tpu.memref_slice %arg3[%arg0, %arg1, %run_scoped3A_0, %dma_wait3A_45, %dma_wait3A_46] : memref<2x16x40x2x128xi32, #tpu.memory_space<hbm>> -> memref<1x1x1x2x128xi32, #tpu.memory_space<hbm>>
      %dma_wait3A_48 = tpu.memref_squeeze %dma_wait3A_47 : memref<1x1x1x2x128xi32, #tpu.memory_space<hbm>> -> memref<2x128xi32, #tpu.memory_space<hbm>>
      tpu.wait_dma2 semaphore(%run_scoped3A_33 : memref<!tpu.dma_semaphore, #tpu.memory_space<semaphore_mem>>) src(%dma_wait3A_48 : memref<2x128xi32, #tpu.memory_space<hbm>>) dst(%arg7 : memref<2x128xi32, #tpu.memory_space<vmem>>)
      tpu.yield
    }) : () -> ()
    %run_scoped3A_1 = arith.constant 2 : i32
    "tpu.region"() ({
      %run_scoped3A_33 = tpu.sem_alloc : memref<!tpu.dma_semaphore, #tpu.memory_space<semaphore_mem>>
      %dma_start3A_34 = arith.constant 0 : i32
      %dma_start3A_35 = arith.constant 0 : i32
      %dma_start3A_36 = tpu.memref_slice %arg3[%arg0, %arg1, %run_scoped3A_1, %dma_start3A_34, %dma_start3A_35] : memref<2x16x40x2x128xi32, #tpu.memory_space<hbm>> -> memref<1x1x1x2x128xi32, #tpu.memory_space<hbm>>
      %dma_start3A_37 = tpu.memref_squeeze %dma_start3A_36 : memref<1x1x1x2x128xi32, #tpu.memory_space<hbm>> -> memref<2x128xi32, #tpu.memory_space<hbm>>
      %dma_start3A_38 = arith.constant 0 : i32
      %dma_start3A_39 = arith.constant 0 : i32
      %dma_start3A_40 = tpu.memref_slice %arg3[%arg0, %arg1, %run_scoped3A_1, %dma_start3A_38, %dma_start3A_39] : memref<2x16x40x2x128xi32, #tpu.memory_space<hbm>> -> memref<1x1x1x2x128xi32, #tpu.memory_space<hbm>>
      %dma_start3A_41 = tpu.memref_squeeze %dma_start3A_40 : memref<1x1x1x2x128xi32, #tpu.memory_space<hbm>> -> memref<2x128xi32, #tpu.memory_space<hbm>>
      tpu.enqueue_dma source(%dma_start3A_41 : memref<2x128xi32, #tpu.memory_space<hbm>>) target(%arg8 : memref<2x128xi32, #tpu.memory_space<vmem>>) target_semaphore(%run_scoped3A_33 : memref<!tpu.dma_semaphore, #tpu.memory_space<semaphore_mem>>)
      %dma_wait3A = arith.constant 0 : i32
      %dma_wait3A_42 = arith.constant 0 : i32
      %dma_wait3A_43 = tpu.memref_slice %arg3[%arg0, %arg1, %run_scoped3A_1, %dma_wait3A, %dma_wait3A_42] : memref<2x16x40x2x128xi32, #tpu.memory_space<hbm>> -> memref<1x1x1x2x128xi32, #tpu.memory_space<hbm>>
      %dma_wait3A_44 = tpu.memref_squeeze %dma_wait3A_43 : memref<1x1x1x2x128xi32, #tpu.memory_space<hbm>> -> memref<2x128xi32, #tpu.memory_space<hbm>>
      %dma_wait3A_45 = arith.constant 0 : i32
      %dma_wait3A_46 = arith.constant 0 : i32
      %dma_wait3A_47 = tpu.memref_slice %arg3[%arg0, %arg1, %run_scoped3A_1, %dma_wait3A_45, %dma_wait3A_46] : memref<2x16x40x2x128xi32, #tpu.memory_space<hbm>> -> memref<1x1x1x2x128xi32, #tpu.memory_space<hbm>>
      %dma_wait3A_48 = tpu.memref_squeeze %dma_wait3A_47 : memref<1x1x1x2x128xi32, #tpu.memory_space<hbm>> -> memref<2x128xi32, #tpu.memory_space<hbm>>
      tpu.wait_dma2 semaphore(%run_scoped3A_33 : memref<!tpu.dma_semaphore, #tpu.memory_space<semaphore_mem>>) src(%dma_wait3A_48 : memref<2x128xi32, #tpu.memory_space<hbm>>) dst(%arg8 : memref<2x128xi32, #tpu.memory_space<vmem>>)
      tpu.yield
    }) : () -> ()
    %run_scoped3A_2 = arith.constant 3 : i32
    "tpu.region"() ({
      %run_scoped3A_33 = tpu.sem_alloc : memref<!tpu.dma_semaphore, #tpu.memory_space<semaphore_mem>>
      %dma_start3A_34 = arith.constant 0 : i32
      %dma_start3A_35 = arith.constant 0 : i32
      %dma_start3A_36 = tpu.memref_slice %arg3[%arg0, %arg1, %run_scoped3A_2, %dma_start3A_34, %dma_start3A_35] : memref<2x16x40x2x128xi32, #tpu.memory_space<hbm>> -> memref<1x1x1x2x128xi32, #tpu.memory_space<hbm>>
      %dma_start3A_37 = tpu.memref_squeeze %dma_start3A_36 : memref<1x1x1x2x128xi32, #tpu.memory_space<hbm>> -> memref<2x128xi32, #tpu.memory_space<hbm>>
      %dma_start3A_38 = arith.constant 0 : i32
      %dma_start3A_39 = arith.constant 0 : i32
      %dma_start3A_40 = tpu.memref_slice %arg3[%arg0, %arg1, %run_scoped3A_2, %dma_start3A_38, %dma_start3A_39] : memref<2x16x40x2x128xi32, #tpu.memory_space<hbm>> -> memref<1x1x1x2x128xi32, #tpu.memory_space<hbm>>
      %dma_start3A_41 = tpu.memref_squeeze %dma_start3A_40 : memref<1x1x1x2x128xi32, #tpu.memory_space<hbm>> -> memref<2x128xi32, #tpu.memory_space<hbm>>
      tpu.enqueue_dma source(%dma_start3A_41 : memref<2x128xi32, #tpu.memory_space<hbm>>) target(%arg9 : memref<2x128xi32, #tpu.memory_space<vmem>>) target_semaphore(%run_scoped3A_33 : memref<!tpu.dma_semaphore, #tpu.memory_space<semaphore_mem>>)
      %dma_wait3A = arith.constant 0 : i32
      %dma_wait3A_42 = arith.constant 0 : i32
      %dma_wait3A_43 = tpu.memref_slice %arg3[%arg0, %arg1, %run_scoped3A_2, %dma_wait3A, %dma_wait3A_42] : memref<2x16x40x2x128xi32, #tpu.memory_space<hbm>> -> memref<1x1x1x2x128xi32, #tpu.memory_space<hbm>>
      %dma_wait3A_44 = tpu.memref_squeeze %dma_wait3A_43 : memref<1x1x1x2x128xi32, #tpu.memory_space<hbm>> -> memref<2x128xi32, #tpu.memory_space<hbm>>
      %dma_wait3A_45 = arith.constant 0 : i32
      %dma_wait3A_46 = arith.constant 0 : i32
      %dma_wait3A_47 = tpu.memref_slice %arg3[%arg0, %arg1, %run_scoped3A_2, %dma_wait3A_45, %dma_wait3A_46] : memref<2x16x40x2x128xi32, #tpu.memory_space<hbm>> -> memref<1x1x1x2x128xi32, #tpu.memory_space<hbm>>
      %dma_wait3A_48 = tpu.memref_squeeze %dma_wait3A_47 : memref<1x1x1x2x128xi32, #tpu.memory_space<hbm>> -> memref<2x128xi32, #tpu.memory_space<hbm>>
      tpu.wait_dma2 semaphore(%run_scoped3A_33 : memref<!tpu.dma_semaphore, #tpu.memory_space<semaphore_mem>>) src(%dma_wait3A_48 : memref<2x128xi32, #tpu.memory_space<hbm>>) dst(%arg9 : memref<2x128xi32, #tpu.memory_space<vmem>>)
      tpu.yield
    }) : () -> ()
    %run_scoped3A_3 = arith.constant 4 : i32
    "tpu.region"() ({
      %run_scoped3A_33 = tpu.sem_alloc : memref<!tpu.dma_semaphore, #tpu.memory_space<semaphore_mem>>
      %dma_start3A_34 = arith.constant 0 : i32
      %dma_start3A_35 = arith.constant 0 : i32
      %dma_start3A_36 = tpu.memref_slice %arg3[%arg0, %arg1, %run_scoped3A_3, %dma_start3A_34, %dma_start3A_35] : memref<2x16x40x2x128xi32, #tpu.memory_space<hbm>> -> memref<1x1x1x2x128xi32, #tpu.memory_space<hbm>>
      %dma_start3A_37 = tpu.memref_squeeze %dma_start3A_36 : memref<1x1x1x2x128xi32, #tpu.memory_space<hbm>> -> memref<2x128xi32, #tpu.memory_space<hbm>>
      %dma_start3A_38 = arith.constant 0 : i32
      %dma_start3A_39 = arith.constant 0 : i32
      %dma_start3A_40 = tpu.memref_slice %arg3[%arg0, %arg1, %run_scoped3A_3, %dma_start3A_38, %dma_start3A_39] : memref<2x16x40x2x128xi32, #tpu.memory_space<hbm>> -> memref<1x1x1x2x128xi32, #tpu.memory_space<hbm>>
      %dma_start3A_41 = tpu.memref_squeeze %dma_start3A_40 : memref<1x1x1x2x128xi32, #tpu.memory_space<hbm>> -> memref<2x128xi32, #tpu.memory_space<hbm>>
      tpu.enqueue_dma source(%dma_start3A_41 : memref<2x128xi32, #tpu.memory_space<hbm>>) target(%arg10 : memref<2x128xi32, #tpu.memory_space<vmem>>) target_semaphore(%run_scoped3A_33 : memref<!tpu.dma_semaphore, #tpu.memory_space<semaphore_mem>>)
      %dma_wait3A = arith.constant 0 : i32
      %dma_wait3A_42 = arith.constant 0 : i32
      %dma_wait3A_43 = tpu.memref_slice %arg3[%arg0, %arg1, %run_scoped3A_3, %dma_wait3A, %dma_wait3A_42] : memref<2x16x40x2x128xi32, #tpu.memory_space<hbm>> -> memref<1x1x1x2x128xi32, #tpu.memory_space<hbm>>
      %dma_wait3A_44 = tpu.memref_squeeze %dma_wait3A_43 : memref<1x1x1x2x128xi32, #tpu.memory_space<hbm>> -> memref<2x128xi32, #tpu.memory_space<hbm>>
      %dma_wait3A_45 = arith.constant 0 : i32
      %dma_wait3A_46 = arith.constant 0 : i32
      %dma_wait3A_47 = tpu.memref_slice %arg3[%arg0, %arg1, %run_scoped3A_3, %dma_wait3A_45, %dma_wait3A_46] : memref<2x16x40x2x128xi32, #tpu.memory_space<hbm>> -> memref<1x1x1x2x128xi32, #tpu.memory_space<hbm>>
      %dma_wait3A_48 = tpu.memref_squeeze %dma_wait3A_47 : memref<1x1x1x2x128xi32, #tpu.memory_space<hbm>> -> memref<2x128xi32, #tpu.memory_space<hbm>>
      tpu.wait_dma2 semaphore(%run_scoped3A_33 : memref<!tpu.dma_semaphore, #tpu.memory_space<semaphore_mem>>) src(%dma_wait3A_48 : memref<2x128xi32, #tpu.memory_space<hbm>>) dst(%arg10 : memref<2x128xi32, #tpu.memory_space<vmem>>)
      tpu.yield
    }) : () -> ()
    %run_scoped3A_4 = arith.constant 5 : i32
    "tpu.region"() ({
      %run_scoped3A_33 = tpu.sem_alloc : memref<!tpu.dma_semaphore, #tpu.memory_space<semaphore_mem>>
      %dma_start3A_34 = arith.constant 0 : i32
      %dma_start3A_35 = arith.constant 0 : i32
      %dma_start3A_36 = tpu.memref_slice %arg3[%arg0, %arg1, %run_scoped3A_4, %dma_start3A_34, %dma_start3A_35] : memref<2x16x40x2x128xi32, #tpu.memory_space<hbm>> -> memref<1x1x1x2x128xi32, #tpu.memory_space<hbm>>
      %dma_start3A_37 = tpu.memref_squeeze %dma_start3A_36 : memref<1x1x1x2x128xi32, #tpu.memory_space<hbm>> -> memref<2x128xi32, #tpu.memory_space<hbm>>
      %dma_start3A_38 = arith.constant 0 : i32
      %dma_start3A_39 = arith.constant 0 : i32
      %dma_start3A_40 = tpu.memref_slice %arg3[%arg0, %arg1, %run_scoped3A_4, %dma_start3A_38, %dma_start3A_39] : memref<2x16x40x2x128xi32, #tpu.memory_space<hbm>> -> memref<1x1x1x2x128xi32, #tpu.memory_space<hbm>>
      %dma_start3A_41 = tpu.memref_squeeze %dma_start3A_40 : memref<1x1x1x2x128xi32, #tpu.memory_space<hbm>> -> memref<2x128xi32, #tpu.memory_space<hbm>>
      tpu.enqueue_dma source(%dma_start3A_41 : memref<2x128xi32, #tpu.memory_space<hbm>>) target(%arg11 : memref<2x128xi32, #tpu.memory_space<vmem>>) target_semaphore(%run_scoped3A_33 : memref<!tpu.dma_semaphore, #tpu.memory_space<semaphore_mem>>)
      %dma_wait3A = arith.constant 0 : i32
      %dma_wait3A_42 = arith.constant 0 : i32
      %dma_wait3A_43 = tpu.memref_slice %arg3[%arg0, %arg1, %run_scoped3A_4, %dma_wait3A, %dma_wait3A_42] : memref<2x16x40x2x128xi32, #tpu.memory_space<hbm>> -> memref<1x1x1x2x128xi32, #tpu.memory_space<hbm>>
      %dma_wait3A_44 = tpu.memref_squeeze %dma_wait3A_43 : memref<1x1x1x2x128xi32, #tpu.memory_space<hbm>> -> memref<2x128xi32, #tpu.memory_space<hbm>>
      %dma_wait3A_45 = arith.constant 0 : i32
      %dma_wait3A_46 = arith.constant 0 : i32
      %dma_wait3A_47 = tpu.memref_slice %arg3[%arg0, %arg1, %run_scoped3A_4, %dma_wait3A_45, %dma_wait3A_46] : memref<2x16x40x2x128xi32, #tpu.memory_space<hbm>> -> memref<1x1x1x2x128xi32, #tpu.memory_space<hbm>>
      %dma_wait3A_48 = tpu.memref_squeeze %dma_wait3A_47 : memref<1x1x1x2x128xi32, #tpu.memory_space<hbm>> -> memref<2x128xi32, #tpu.memory_space<hbm>>
      tpu.wait_dma2 semaphore(%run_scoped3A_33 : memref<!tpu.dma_semaphore, #tpu.memory_space<semaphore_mem>>) src(%dma_wait3A_48 : memref<2x128xi32, #tpu.memory_space<hbm>>) dst(%arg11 : memref<2x128xi32, #tpu.memory_space<vmem>>)
      tpu.yield
    }) : () -> ()
    %mul3A = arith.constant 320 : i32
    %mul3A_5 = arith.muli %arg1, %mul3A : i32
    %mul3A_6 = arith.constant 320 : i32
    %mul3A_7 = arith.muli %arg1, %mul3A_6 : i32
    "tpu.region"() ({
      %run_scoped3A_33 = tpu.sem_alloc : memref<!tpu.dma_semaphore, #tpu.memory_space<semaphore_mem>>
      %dma_start3A_34 = arith.constant 0 : i32
      %dma_start3A_35 = tpu.memref_slice %arg18[%mul3A_7, %dma_start3A_34] : memref<5120x64xf32, #tpu.memory_space<vmem_shared>> -> memref<320x64xf32, #tpu.memory_space<vmem_shared>>
      %dma_start3A_36 = arith.constant 0 : i32
      %dma_start3A_37 = tpu.memref_slice %arg4[%mul3A_5, %dma_start3A_36] : memref<5120x64xf32, #tpu.memory_space<hbm>> -> memref<320x64xf32, #tpu.memory_space<hbm>>
      tpu.enqueue_dma source(%dma_start3A_37 : memref<320x64xf32, #tpu.memory_space<hbm>>) target(%dma_start3A_35 : memref<320x64xf32, #tpu.memory_space<vmem_shared>>) target_semaphore(%run_scoped3A_33 : memref<!tpu.dma_semaphore, #tpu.memory_space<semaphore_mem>>)
      %dma_wait3A = arith.constant 0 : i32
      %dma_wait3A_38 = tpu.memref_slice %arg18[%mul3A_7, %dma_wait3A] : memref<5120x64xf32, #tpu.memory_space<vmem_shared>> -> memref<320x64xf32, #tpu.memory_space<vmem_shared>>
      %dma_wait3A_39 = arith.constant 0 : i32
      %dma_wait3A_40 = tpu.memref_slice %arg4[%mul3A_5, %dma_wait3A_39] : memref<5120x64xf32, #tpu.memory_space<hbm>> -> memref<320x64xf32, #tpu.memory_space<hbm>>
      tpu.wait_dma2 semaphore(%run_scoped3A_33 : memref<!tpu.dma_semaphore, #tpu.memory_space<semaphore_mem>>) src(%dma_wait3A_40 : memref<320x64xf32, #tpu.memory_space<hbm>>) dst(%dma_wait3A_38 : memref<320x64xf32, #tpu.memory_space<vmem_shared>>)
      tpu.yield
    }) : () -> ()
    %barrier3A = arith.constant 0 : index
    tpu.barrier barrier_id(%barrier3A)
    %dma_start3A = arith.constant 0 : i32
    %dma_start3A_8 = arith.constant 0 : i32
    %dma_start3A_9 = tpu.memref_slice %arg6[%dma_start3A, %dma_start3A_8] : memref<2x128xi32, #tpu.memory_space<vmem>> -> memref<1x128xi32, #tpu.memory_space<vmem>>
    %dma_start3A_10 = tpu.memref_squeeze %dma_start3A_9 : memref<1x128xi32, #tpu.memory_space<vmem>> -> memref<128xi32, #tpu.memory_space<vmem>>
    %dma_start3A_11 = arith.constant 0 : i32
    %dma_start3A_12 = arith.constant 0 : i32
    %dma_start3A_13 = tpu.memref_slice %arg2[%dma_start3A_11, %dma_start3A_12] : memref<20000x64xf32, #tpu.memory_space<hbm>> -> memref<20000x64xf32, #tpu.memory_space<hbm>>
    tpu.enqueue_indirect_dma source(%dma_start3A_13 : memref<20000x64xf32, #tpu.memory_space<hbm>>) target(%arg14 : memref<128x64xf32, #tpu.memory_space<vmem>>) offsets(%dma_start3A_10 : memref<128xi32, #tpu.memory_space<vmem>>) semaphore(%arg19 : memref<!tpu.dma_semaphore, #tpu.memory_space<semaphore_mem>>)
    %dma_start3A_14 = arith.constant 0 : i32
    %dma_start3A_15 = arith.constant 0 : i32
    %dma_start3A_16 = tpu.memref_slice %arg7[%dma_start3A_14, %dma_start3A_15] : memref<2x128xi32, #tpu.memory_space<vmem>> -> memref<1x128xi32, #tpu.memory_space<vmem>>
    %dma_start3A_17 = tpu.memref_squeeze %dma_start3A_16 : memref<1x128xi32, #tpu.memory_space<vmem>> -> memref<128xi32, #tpu.memory_space<vmem>>
    %dma_start3A_18 = arith.constant 0 : i32
    %dma_start3A_19 = arith.constant 0 : i32
    %dma_start3A_20 = tpu.memref_slice %arg2[%dma_start3A_18, %dma_start3A_19] : memref<20000x64xf32, #tpu.memory_space<hbm>> -> memref<20000x64xf32, #tpu.memory_space<hbm>>
    tpu.enqueue_indirect_dma source(%dma_start3A_20 : memref<20000x64xf32, #tpu.memory_space<hbm>>) target(%arg15 : memref<128x64xf32, #tpu.memory_space<vmem>>) offsets(%dma_start3A_17 : memref<128xi32, #tpu.memory_space<vmem>>) semaphore(%arg20 : memref<!tpu.dma_semaphore, #tpu.memory_space<semaphore_mem>>)
    %scan3A = arith.constant 0 : i32
    %scan3A_21 = arith.constant 0 : i32
    %scan3A_22 = arith.constant 5 : i32
    %scan3A_23 = arith.addi %scan3A_21, %scan3A_22 : i32
    %scan3A_24 = arith.constant 1 : i32
    scf.for %scan3A_33 = %scan3A_21 to %scan3A_23 step %scan3A_24  : i32 {
      %mul3A_34 = arith.constant 8 : i32
      %mul3A_35 = arith.muli %mul3A_34, %scan3A_33 : i32
      %add3A_36 = arith.constant 0 : i32
      %add3A_37 = arith.addi %mul3A_35, %add3A_36 : i32
      %dma_wait3A = arith.constant 0 : i32
      %dma_wait3A_38 = arith.constant 0 : i32
      %dma_wait3A_39 = tpu.memref_slice %arg6[%dma_wait3A, %dma_wait3A_38] : memref<2x128xi32, #tpu.memory_space<vmem>> -> memref<1x128xi32, #tpu.memory_space<vmem>>
      %dma_wait3A_40 = tpu.memref_squeeze %dma_wait3A_39 : memref<1x128xi32, #tpu.memory_space<vmem>> -> memref<128xi32, #tpu.memory_space<vmem>>
      %dma_wait3A_41 = arith.constant 0 : i32
      %dma_wait3A_42 = arith.constant 0 : i32
      %dma_wait3A_43 = tpu.memref_slice %arg2[%dma_wait3A_41, %dma_wait3A_42] : memref<20000x64xf32, #tpu.memory_space<hbm>> -> memref<20000x64xf32, #tpu.memory_space<hbm>>
      tpu.wait_indirect_dma semaphore(%arg19 : memref<!tpu.dma_semaphore, #tpu.memory_space<semaphore_mem>>) src(%dma_wait3A_43 : memref<20000x64xf32, #tpu.memory_space<hbm>>) dst(%arg14 : memref<128x64xf32, #tpu.memory_space<vmem>>)
      %add3A_44 = arith.constant 2 : i32
      %add3A_45 = arith.addi %add3A_37, %add3A_44 : i32
      %lt3A = arith.constant 40 : i32
      %lt3A_46 = arith.cmpi slt, %add3A_45, %lt3A : i32
      %convert_element_type3A = arith.extui %lt3A_46 : i1 to i32
      %cond3A = arith.constant 0 : i32
      %cond3A_47 = arith.cmpi ne, %convert_element_type3A, %cond3A : i32
      scf.if %cond3A_47 {
        %dma_start3A_460 = arith.constant 1 : i32
        %dma_start3A_461 = arith.constant 0 : i32
        %dma_start3A_462 = tpu.memref_slice %arg6[%dma_start3A_460, %dma_start3A_461] : memref<2x128xi32, #tpu.memory_space<vmem>> -> memref<1x128xi32, #tpu.memory_space<vmem>>
        %dma_start3A_463 = tpu.memref_squeeze %dma_start3A_462 : memref<1x128xi32, #tpu.memory_space<vmem>> -> memref<128xi32, #tpu.memory_space<vmem>>
        %dma_start3A_464 = arith.constant 0 : i32
        %dma_start3A_465 = arith.constant 0 : i32
        %dma_start3A_466 = tpu.memref_slice %arg18[%dma_start3A_464, %dma_start3A_465] : memref<5120x64xf32, #tpu.memory_space<vmem_shared>> -> memref<5120x64xf32, #tpu.memory_space<vmem_shared>>
        tpu.enqueue_indirect_dma source(%arg14 : memref<128x64xf32, #tpu.memory_space<vmem>>) target(%dma_start3A_466 : memref<5120x64xf32, #tpu.memory_space<vmem_shared>>) offsets(%dma_start3A_463 : memref<128xi32, #tpu.memory_space<vmem>>) semaphore(%arg31 : memref<!tpu.dma_semaphore, #tpu.memory_space<semaphore_mem>>) {add = true}
      } else {
      }
      %add3A_48 = arith.constant 2 : i32
      %add3A_49 = arith.addi %add3A_37, %add3A_48 : i32
      %ge3A = arith.constant 40 : i32
      %ge3A_50 = arith.cmpi sge, %add3A_49, %ge3A : i32
      %convert_element_type3A_51 = arith.extui %ge3A_50 : i1 to i32
      %cond3A_52 = arith.constant 0 : i32
      %cond3A_53 = arith.cmpi ne, %convert_element_type3A_51, %cond3A_52 : i32
      scf.if %cond3A_53 {
        %run_scoped3A_460 = arith.constant 1 : i32
        "tpu.region"() ({
          %run_scoped3A_461 = tpu.sem_alloc : memref<!tpu.dma_semaphore, #tpu.memory_space<semaphore_mem>>
          %dma_start3A_462 = arith.constant 0 : i32
          %dma_start3A_463 = tpu.memref_slice %arg6[%run_scoped3A_460, %dma_start3A_462] : memref<2x128xi32, #tpu.memory_space<vmem>> -> memref<1x128xi32, #tpu.memory_space<vmem>>
          %dma_start3A_464 = tpu.memref_squeeze %dma_start3A_463 : memref<1x128xi32, #tpu.memory_space<vmem>> -> memref<128xi32, #tpu.memory_space<vmem>>
          %dma_start3A_465 = arith.constant 0 : i32
          %dma_start3A_466 = arith.constant 0 : i32
          %dma_start3A_467 = tpu.memref_slice %arg18[%dma_start3A_465, %dma_start3A_466] : memref<5120x64xf32, #tpu.memory_space<vmem_shared>> -> memref<5120x64xf32, #tpu.memory_space<vmem_shared>>
          tpu.enqueue_indirect_dma source(%arg14 : memref<128x64xf32, #tpu.memory_space<vmem>>) target(%dma_start3A_467 : memref<5120x64xf32, #tpu.memory_space<vmem_shared>>) offsets(%dma_start3A_464 : memref<128xi32, #tpu.memory_space<vmem>>) semaphore(%run_scoped3A_461 : memref<!tpu.dma_semaphore, #tpu.memory_space<semaphore_mem>>) {add = true}
          %dma_wait3A_468 = arith.constant 0 : i32
          %dma_wait3A_469 = tpu.memref_slice %arg6[%run_scoped3A_460, %dma_wait3A_468] : memref<2x128xi32, #tpu.memory_space<vmem>> -> memref<1x128xi32, #tpu.memory_space<vmem>>
          %dma_wait3A_470 = tpu.memref_squeeze %dma_wait3A_469 : memref<1x128xi32, #tpu.memory_space<vmem>> -> memref<128xi32, #tpu.memory_space<vmem>>
          %dma_wait3A_471 = arith.constant 0 : i32
          %dma_wait3A_472 = arith.constant 0 : i32
          %dma_wait3A_473 = tpu.memref_slice %arg18[%dma_wait3A_471, %dma_wait3A_472] : memref<5120x64xf32, #tpu.memory_space<vmem_shared>> -> memref<5120x64xf32, #tpu.memory_space<vmem_shared>>
          tpu.wait_indirect_dma semaphore(%run_scoped3A_461 : memref<!tpu.dma_semaphore, #tpu.memory_space<semaphore_mem>>) src(%arg14 : memref<128x64xf32, #tpu.memory_space<vmem>>) dst(%dma_wait3A_473 : memref<5120x64xf32, #tpu.memory_space<vmem_shared>>)
          tpu.yield
        }) : () -> ()
      } else {
      }
      %ge3A_54 = arith.constant 2 : i32
      %ge3A_55 = arith.cmpi sge, %add3A_37, %ge3A_54 : i32
      %convert_element_type3A_56 = arith.extui %ge3A_55 : i1 to i32
      %cond3A_57 = arith.constant 0 : i32
      %cond3A_58 = arith.cmpi ne, %convert_element_type3A_56, %cond3A_57 : i32
      scf.if %cond3A_58 {
        %dma_wait3A_460 = arith.constant 1 : i32
        %dma_wait3A_461 = arith.constant 0 : i32
        %dma_wait3A_462 = tpu.memref_slice %arg12[%dma_wait3A_460, %dma_wait3A_461] : memref<2x128xi32, #tpu.memory_space<vmem>> -> memref<1x128xi32, #tpu.memory_space<vmem>>
        %dma_wait3A_463 = tpu.memref_squeeze %dma_wait3A_462 : memref<1x128xi32, #tpu.memory_space<vmem>> -> memref<128xi32, #tpu.memory_space<vmem>>
        %dma_wait3A_464 = arith.constant 0 : i32
        %dma_wait3A_465 = arith.constant 0 : i32
        %dma_wait3A_466 = tpu.memref_slice %arg18[%dma_wait3A_464, %dma_wait3A_465] : memref<5120x64xf32, #tpu.memory_space<vmem_shared>> -> memref<5120x64xf32, #tpu.memory_space<vmem_shared>>
        tpu.wait_indirect_dma semaphore(%arg33 : memref<!tpu.dma_semaphore, #tpu.memory_space<semaphore_mem>>) src(%arg16 : memref<128x64xf32, #tpu.memory_space<vmem>>) dst(%dma_wait3A_466 : memref<5120x64xf32, #tpu.memory_space<vmem_shared>>)
      } else {
      }
      %add3A_59 = arith.constant 2 : i32
      %add3A_60 = arith.addi %add3A_37, %add3A_59 : i32
      %lt3A_61 = arith.constant 40 : i32
      %lt3A_62 = arith.cmpi slt, %add3A_60, %lt3A_61 : i32
      %ge3A_63 = arith.constant 4 : i32
      %ge3A_64 = arith.cmpi sge, %add3A_37, %ge3A_63 : i32
      %and3A = arith.andi %lt3A_62, %ge3A_64 : i1
      %convert_element_type3A_65 = arith.extui %and3A : i1 to i32
      %cond3A_66 = arith.constant 0 : i32
      %cond3A_67 = arith.cmpi ne, %convert_element_type3A_65, %cond3A_66 : i32
      scf.if %cond3A_67 {
        %add3A_460 = arith.constant 2 : i32
        %add3A_461 = arith.addi %add3A_37, %add3A_460 : i32
        %dma_wait3A_462 = arith.constant 0 : i32
        %dma_wait3A_463 = arith.constant 0 : i32
        %dma_wait3A_464 = tpu.memref_slice %arg3[%arg0, %arg1, %add3A_461, %dma_wait3A_462, %dma_wait3A_463] : memref<2x16x40x2x128xi32, #tpu.memory_space<hbm>> -> memref<1x1x1x2x128xi32, #tpu.memory_space<hbm>>
        %dma_wait3A_465 = tpu.memref_squeeze %dma_wait3A_464 : memref<1x1x1x2x128xi32, #tpu.memory_space<hbm>> -> memref<2x128xi32, #tpu.memory_space<hbm>>
        %dma_wait3A_466 = arith.constant 0 : i32
        %dma_wait3A_467 = arith.constant 0 : i32
        %dma_wait3A_468 = tpu.memref_slice %arg3[%arg0, %arg1, %add3A_461, %dma_wait3A_466, %dma_wait3A_467] : memref<2x16x40x2x128xi32, #tpu.memory_space<hbm>> -> memref<1x1x1x2x128xi32, #tpu.memory_space<hbm>>
        %dma_wait3A_469 = tpu.memref_squeeze %dma_wait3A_468 : memref<1x1x1x2x128xi32, #tpu.memory_space<hbm>> -> memref<2x128xi32, #tpu.memory_space<hbm>>
        tpu.wait_dma2 semaphore(%arg25 : memref<!tpu.dma_semaphore, #tpu.memory_space<semaphore_mem>>) src(%dma_wait3A_469 : memref<2x128xi32, #tpu.memory_space<hbm>>) dst(%arg8 : memref<2x128xi32, #tpu.memory_space<vmem>>)
      } else {
      }
      %add3A_68 = arith.constant 2 : i32
      %add3A_69 = arith.addi %add3A_37, %add3A_68 : i32
      %lt3A_70 = arith.constant 40 : i32
      %lt3A_71 = arith.cmpi slt, %add3A_69, %lt3A_70 : i32
      %convert_element_type3A_72 = arith.extui %lt3A_71 : i1 to i32
      %cond3A_73 = arith.constant 0 : i32
      %cond3A_74 = arith.cmpi ne, %convert_element_type3A_72, %cond3A_73 : i32
      scf.if %cond3A_74 {
        %dma_start3A_460 = arith.constant 0 : i32
        %dma_start3A_461 = arith.constant 0 : i32
        %dma_start3A_462 = tpu.memref_slice %arg8[%dma_start3A_460, %dma_start3A_461] : memref<2x128xi32, #tpu.memory_space<vmem>> -> memref<1x128xi32, #tpu.memory_space<vmem>>
        %dma_start3A_463 = tpu.memref_squeeze %dma_start3A_462 : memref<1x128xi32, #tpu.memory_space<vmem>> -> memref<128xi32, #tpu.memory_space<vmem>>
        %dma_start3A_464 = arith.constant 0 : i32
        %dma_start3A_465 = arith.constant 0 : i32
        %dma_start3A_466 = tpu.memref_slice %arg2[%dma_start3A_464, %dma_start3A_465] : memref<20000x64xf32, #tpu.memory_space<hbm>> -> memref<20000x64xf32, #tpu.memory_space<hbm>>
        tpu.enqueue_indirect_dma source(%dma_start3A_466 : memref<20000x64xf32, #tpu.memory_space<hbm>>) target(%arg16 : memref<128x64xf32, #tpu.memory_space<vmem>>) offsets(%dma_start3A_463 : memref<128xi32, #tpu.memory_space<vmem>>) semaphore(%arg21 : memref<!tpu.dma_semaphore, #tpu.memory_space<semaphore_mem>>)
      } else {
      }
      %add3A_75 = arith.constant 6 : i32
      %add3A_76 = arith.addi %add3A_37, %add3A_75 : i32
      %lt3A_77 = arith.constant 40 : i32
      %lt3A_78 = arith.cmpi slt, %add3A_76, %lt3A_77 : i32
      %convert_element_type3A_79 = arith.extui %lt3A_78 : i1 to i32
      %cond3A_80 = arith.constant 0 : i32
      %cond3A_81 = arith.cmpi ne, %convert_element_type3A_79, %cond3A_80 : i32
      scf.if %cond3A_81 {
        %add3A_460 = arith.constant 6 : i32
        %add3A_461 = arith.addi %add3A_37, %add3A_460 : i32
        %dma_start3A_462 = arith.constant 0 : i32
        %dma_start3A_463 = arith.constant 0 : i32
        %dma_start3A_464 = tpu.memref_slice %arg3[%arg0, %arg1, %add3A_461, %dma_start3A_462, %dma_start3A_463] : memref<2x16x40x2x128xi32, #tpu.memory_space<hbm>> -> memref<1x1x1x2x128xi32, #tpu.memory_space<hbm>>
        %dma_start3A_465 = tpu.memref_squeeze %dma_start3A_464 : memref<1x1x1x2x128xi32, #tpu.memory_space<hbm>> -> memref<2x128xi32, #tpu.memory_space<hbm>>
        %dma_start3A_466 = arith.constant 0 : i32
        %dma_start3A_467 = arith.constant 0 : i32
        %dma_start3A_468 = tpu.memref_slice %arg3[%arg0, %arg1, %add3A_461, %dma_start3A_466, %dma_start3A_467] : memref<2x16x40x2x128xi32, #tpu.memory_space<hbm>> -> memref<1x1x1x2x128xi32, #tpu.memory_space<hbm>>
        %dma_start3A_469 = tpu.memref_squeeze %dma_start3A_468 : memref<1x1x1x2x128xi32, #tpu.memory_space<hbm>> -> memref<2x128xi32, #tpu.memory_space<hbm>>
        tpu.enqueue_dma source(%dma_start3A_469 : memref<2x128xi32, #tpu.memory_space<hbm>>) target(%arg12 : memref<2x128xi32, #tpu.memory_space<vmem>>) target_semaphore(%arg29 : memref<!tpu.dma_semaphore, #tpu.memory_space<semaphore_mem>>)
      } else {
      }
      %mul3A_82 = arith.constant 8 : i32
      %mul3A_83 = arith.muli %mul3A_82, %scan3A_33 : i32
      %add3A_84 = arith.constant 1 : i32
      %add3A_85 = arith.addi %mul3A_83, %add3A_84 : i32
      %dma_wait3A_86 = arith.constant 0 : i32
      %dma_wait3A_87 = arith.constant 0 : i32
      %dma_wait3A_88 = tpu.memref_slice %arg7[%dma_wait3A_86, %dma_wait3A_87] : memref<2x128xi32, #tpu.memory_space<vmem>> -> memref<1x128xi32, #tpu.memory_space<vmem>>
      %dma_wait3A_89 = tpu.memref_squeeze %dma_wait3A_88 : memref<1x128xi32, #tpu.memory_space<vmem>> -> memref<128xi32, #tpu.memory_space<vmem>>
      %dma_wait3A_90 = arith.constant 0 : i32
      %dma_wait3A_91 = arith.constant 0 : i32
      %dma_wait3A_92 = tpu.memref_slice %arg2[%dma_wait3A_90, %dma_wait3A_91] : memref<20000x64xf32, #tpu.memory_space<hbm>> -> memref<20000x64xf32, #tpu.memory_space<hbm>>
      tpu.wait_indirect_dma semaphore(%arg20 : memref<!tpu.dma_semaphore, #tpu.memory_space<semaphore_mem>>) src(%dma_wait3A_92 : memref<20000x64xf32, #tpu.memory_space<hbm>>) dst(%arg15 : memref<128x64xf32, #tpu.memory_space<vmem>>)
      %add3A_93 = arith.constant 2 : i32
      %add3A_94 = arith.addi %add3A_85, %add3A_93 : i32
      %lt3A_95 = arith.constant 40 : i32
      %lt3A_96 = arith.cmpi slt, %add3A_94, %lt3A_95 : i32
      %convert_element_type3A_97 = arith.extui %lt3A_96 : i1 to i32
      %cond3A_98 = arith.constant 0 : i32
      %cond3A_99 = arith.cmpi ne, %convert_element_type3A_97, %cond3A_98 : i32
      scf.if %cond3A_99 {
        %dma_start3A_460 = arith.constant 1 : i32
        %dma_start3A_461 = arith.constant 0 : i32
        %dma_start3A_462 = tpu.memref_slice %arg7[%dma_start3A_460, %dma_start3A_461] : memref<2x128xi32, #tpu.memory_space<vmem>> -> memref<1x128xi32, #tpu.memory_space<vmem>>
        %dma_start3A_463 = tpu.memref_squeeze %dma_start3A_462 : memref<1x128xi32, #tpu.memory_space<vmem>> -> memref<128xi32, #tpu.memory_space<vmem>>
        %dma_start3A_464 = arith.constant 0 : i32
        %dma_start3A_465 = arith.constant 0 : i32
        %dma_start3A_466 = tpu.memref_slice %arg18[%dma_start3A_464, %dma_start3A_465] : memref<5120x64xf32, #tpu.memory_space<vmem_shared>> -> memref<5120x64xf32, #tpu.memory_space<vmem_shared>>
        tpu.enqueue_indirect_dma source(%arg15 : memref<128x64xf32, #tpu.memory_space<vmem>>) target(%dma_start3A_466 : memref<5120x64xf32, #tpu.memory_space<vmem_shared>>) offsets(%dma_start3A_463 : memref<128xi32, #tpu.memory_space<vmem>>) semaphore(%arg32 : memref<!tpu.dma_semaphore, #tpu.memory_space<semaphore_mem>>) {add = true}
      } else {
      }
      %add3A_100 = arith.constant 2 : i32
      %add3A_101 = arith.addi %add3A_85, %add3A_100 : i32
      %ge3A_102 = arith.constant 40 : i32
      %ge3A_103 = arith.cmpi sge, %add3A_101, %ge3A_102 : i32
      %convert_element_type3A_104 = arith.extui %ge3A_103 : i1 to i32
      %cond3A_105 = arith.constant 0 : i32
      %cond3A_106 = arith.cmpi ne, %convert_element_type3A_104, %cond3A_105 : i32
      scf.if %cond3A_106 {
        %run_scoped3A_460 = arith.constant 1 : i32
        "tpu.region"() ({
          %run_scoped3A_461 = tpu.sem_alloc : memref<!tpu.dma_semaphore, #tpu.memory_space<semaphore_mem>>
          %dma_start3A_462 = arith.constant 0 : i32
          %dma_start3A_463 = tpu.memref_slice %arg7[%run_scoped3A_460, %dma_start3A_462] : memref<2x128xi32, #tpu.memory_space<vmem>> -> memref<1x128xi32, #tpu.memory_space<vmem>>
          %dma_start3A_464 = tpu.memref_squeeze %dma_start3A_463 : memref<1x128xi32, #tpu.memory_space<vmem>> -> memref<128xi32, #tpu.memory_space<vmem>>
          %dma_start3A_465 = arith.constant 0 : i32
          %dma_start3A_466 = arith.constant 0 : i32
          %dma_start3A_467 = tpu.memref_slice %arg18[%dma_start3A_465, %dma_start3A_466] : memref<5120x64xf32, #tpu.memory_space<vmem_shared>> -> memref<5120x64xf32, #tpu.memory_space<vmem_shared>>
          tpu.enqueue_indirect_dma source(%arg15 : memref<128x64xf32, #tpu.memory_space<vmem>>) target(%dma_start3A_467 : memref<5120x64xf32, #tpu.memory_space<vmem_shared>>) offsets(%dma_start3A_464 : memref<128xi32, #tpu.memory_space<vmem>>) semaphore(%run_scoped3A_461 : memref<!tpu.dma_semaphore, #tpu.memory_space<semaphore_mem>>) {add = true}
          %dma_wait3A_468 = arith.constant 0 : i32
          %dma_wait3A_469 = tpu.memref_slice %arg7[%run_scoped3A_460, %dma_wait3A_468] : memref<2x128xi32, #tpu.memory_space<vmem>> -> memref<1x128xi32, #tpu.memory_space<vmem>>
          %dma_wait3A_470 = tpu.memref_squeeze %dma_wait3A_469 : memref<1x128xi32, #tpu.memory_space<vmem>> -> memref<128xi32, #tpu.memory_space<vmem>>
          %dma_wait3A_471 = arith.constant 0 : i32
          %dma_wait3A_472 = arith.constant 0 : i32
          %dma_wait3A_473 = tpu.memref_slice %arg18[%dma_wait3A_471, %dma_wait3A_472] : memref<5120x64xf32, #tpu.memory_space<vmem_shared>> -> memref<5120x64xf32, #tpu.memory_space<vmem_shared>>
          tpu.wait_indirect_dma semaphore(%run_scoped3A_461 : memref<!tpu.dma_semaphore, #tpu.memory_space<semaphore_mem>>) src(%arg15 : memref<128x64xf32, #tpu.memory_space<vmem>>) dst(%dma_wait3A_473 : memref<5120x64xf32, #tpu.memory_space<vmem_shared>>)
          tpu.yield
        }) : () -> ()
      } else {
      }
      %ge3A_107 = arith.constant 2 : i32
      %ge3A_108 = arith.cmpi sge, %add3A_85, %ge3A_107 : i32
      %convert_element_type3A_109 = arith.extui %ge3A_108 : i1 to i32
      %cond3A_110 = arith.constant 0 : i32
      %cond3A_111 = arith.cmpi ne, %convert_element_type3A_109, %cond3A_110 : i32
      scf.if %cond3A_111 {
        %dma_wait3A_460 = arith.constant 1 : i32
        %dma_wait3A_461 = arith.constant 0 : i32
        %dma_wait3A_462 = tpu.memref_slice %arg13[%dma_wait3A_460, %dma_wait3A_461] : memref<2x128xi32, #tpu.memory_space<vmem>> -> memref<1x128xi32, #tpu.memory_space<vmem>>
        %dma_wait3A_463 = tpu.memref_squeeze %dma_wait3A_462 : memref<1x128xi32, #tpu.memory_space<vmem>> -> memref<128xi32, #tpu.memory_space<vmem>>
        %dma_wait3A_464 = arith.constant 0 : i32
        %dma_wait3A_465 = arith.constant 0 : i32
        %dma_wait3A_466 = tpu.memref_slice %arg18[%dma_wait3A_464, %dma_wait3A_465] : memref<5120x64xf32, #tpu.memory_space<vmem_shared>> -> memref<5120x64xf32, #tpu.memory_space<vmem_shared>>
        tpu.wait_indirect_dma semaphore(%arg34 : memref<!tpu.dma_semaphore, #tpu.memory_space<semaphore_mem>>) src(%arg17 : memref<128x64xf32, #tpu.memory_space<vmem>>) dst(%dma_wait3A_466 : memref<5120x64xf32, #tpu.memory_space<vmem_shared>>)
      } else {
      }
      %add3A_112 = arith.constant 2 : i32
      %add3A_113 = arith.addi %add3A_85, %add3A_112 : i32
      %lt3A_114 = arith.constant 40 : i32
      %lt3A_115 = arith.cmpi slt, %add3A_113, %lt3A_114 : i32
      %ge3A_116 = arith.constant 4 : i32
      %ge3A_117 = arith.cmpi sge, %add3A_85, %ge3A_116 : i32
      %and3A_118 = arith.andi %lt3A_115, %ge3A_117 : i1
      %convert_element_type3A_119 = arith.extui %and3A_118 : i1 to i32
      %cond3A_120 = arith.constant 0 : i32
      %cond3A_121 = arith.cmpi ne, %convert_element_type3A_119, %cond3A_120 : i32
      scf.if %cond3A_121 {
        %add3A_460 = arith.constant 2 : i32
        %add3A_461 = arith.addi %add3A_85, %add3A_460 : i32
        %dma_wait3A_462 = arith.constant 0 : i32
        %dma_wait3A_463 = arith.constant 0 : i32
        %dma_wait3A_464 = tpu.memref_slice %arg3[%arg0, %arg1, %add3A_461, %dma_wait3A_462, %dma_wait3A_463] : memref<2x16x40x2x128xi32, #tpu.memory_space<hbm>> -> memref<1x1x1x2x128xi32, #tpu.memory_space<hbm>>
        %dma_wait3A_465 = tpu.memref_squeeze %dma_wait3A_464 : memref<1x1x1x2x128xi32, #tpu.memory_space<hbm>> -> memref<2x128xi32, #tpu.memory_space<hbm>>
        %dma_wait3A_466 = arith.constant 0 : i32
        %dma_wait3A_467 = arith.constant 0 : i32
        %dma_wait3A_468 = tpu.memref_slice %arg3[%arg0, %arg1, %add3A_461, %dma_wait3A_466, %dma_wait3A_467] : memref<2x16x40x2x128xi32, #tpu.memory_space<hbm>> -> memref<1x1x1x2x128xi32, #tpu.memory_space<hbm>>
        %dma_wait3A_469 = tpu.memref_squeeze %dma_wait3A_468 : memref<1x1x1x2x128xi32, #tpu.memory_space<hbm>> -> memref<2x128xi32, #tpu.memory_space<hbm>>
        tpu.wait_dma2 semaphore(%arg26 : memref<!tpu.dma_semaphore, #tpu.memory_space<semaphore_mem>>) src(%dma_wait3A_469 : memref<2x128xi32, #tpu.memory_space<hbm>>) dst(%arg9 : memref<2x128xi32, #tpu.memory_space<vmem>>)
      } else {
      }
      %add3A_122 = arith.constant 2 : i32
      %add3A_123 = arith.addi %add3A_85, %add3A_122 : i32
      %lt3A_124 = arith.constant 40 : i32
      %lt3A_125 = arith.cmpi slt, %add3A_123, %lt3A_124 : i32
      %convert_element_type3A_126 = arith.extui %lt3A_125 : i1 to i32
      %cond3A_127 = arith.constant 0 : i32
      %cond3A_128 = arith.cmpi ne, %convert_element_type3A_126, %cond3A_127 : i32
      scf.if %cond3A_128 {
        %dma_start3A_460 = arith.constant 0 : i32
        %dma_start3A_461 = arith.constant 0 : i32
        %dma_start3A_462 = tpu.memref_slice %arg9[%dma_start3A_460, %dma_start3A_461] : memref<2x128xi32, #tpu.memory_space<vmem>> -> memref<1x128xi32, #tpu.memory_space<vmem>>
        %dma_start3A_463 = tpu.memref_squeeze %dma_start3A_462 : memref<1x128xi32, #tpu.memory_space<vmem>> -> memref<128xi32, #tpu.memory_space<vmem>>
        %dma_start3A_464 = arith.constant 0 : i32
        %dma_start3A_465 = arith.constant 0 : i32
        %dma_start3A_466 = tpu.memref_slice %arg2[%dma_start3A_464, %dma_start3A_465] : memref<20000x64xf32, #tpu.memory_space<hbm>> -> memref<20000x64xf32, #tpu.memory_space<hbm>>
        tpu.enqueue_indirect_dma source(%dma_start3A_466 : memref<20000x64xf32, #tpu.memory_space<hbm>>) target(%arg17 : memref<128x64xf32, #tpu.memory_space<vmem>>) offsets(%dma_start3A_463 : memref<128xi32, #tpu.memory_space<vmem>>) semaphore(%arg22 : memref<!tpu.dma_semaphore, #tpu.memory_space<semaphore_mem>>)
      } else {
      }
      %add3A_129 = arith.constant 6 : i32
      %add3A_130 = arith.addi %add3A_85, %add3A_129 : i32
      %lt3A_131 = arith.constant 40 : i32
      %lt3A_132 = arith.cmpi slt, %add3A_130, %lt3A_131 : i32
      %convert_element_type3A_133 = arith.extui %lt3A_132 : i1 to i32
      %cond3A_134 = arith.constant 0 : i32
      %cond3A_135 = arith.cmpi ne, %convert_element_type3A_133, %cond3A_134 : i32
      scf.if %cond3A_135 {
        %add3A_460 = arith.constant 6 : i32
        %add3A_461 = arith.addi %add3A_85, %add3A_460 : i32
        %dma_start3A_462 = arith.constant 0 : i32
        %dma_start3A_463 = arith.constant 0 : i32
        %dma_start3A_464 = tpu.memref_slice %arg3[%arg0, %arg1, %add3A_461, %dma_start3A_462, %dma_start3A_463] : memref<2x16x40x2x128xi32, #tpu.memory_space<hbm>> -> memref<1x1x1x2x128xi32, #tpu.memory_space<hbm>>
        %dma_start3A_465 = tpu.memref_squeeze %dma_start3A_464 : memref<1x1x1x2x128xi32, #tpu.memory_space<hbm>> -> memref<2x128xi32, #tpu.memory_space<hbm>>
        %dma_start3A_466 = arith.constant 0 : i32
        %dma_start3A_467 = arith.constant 0 : i32
        %dma_start3A_468 = tpu.memref_slice %arg3[%arg0, %arg1, %add3A_461, %dma_start3A_466, %dma_start3A_467] : memref<2x16x40x2x128xi32, #tpu.memory_space<hbm>> -> memref<1x1x1x2x128xi32, #tpu.memory_space<hbm>>
        %dma_start3A_469 = tpu.memref_squeeze %dma_start3A_468 : memref<1x1x1x2x128xi32, #tpu.memory_space<hbm>> -> memref<2x128xi32, #tpu.memory_space<hbm>>
        tpu.enqueue_dma source(%dma_start3A_469 : memref<2x128xi32, #tpu.memory_space<hbm>>) target(%arg13 : memref<2x128xi32, #tpu.memory_space<vmem>>) target_semaphore(%arg30 : memref<!tpu.dma_semaphore, #tpu.memory_space<semaphore_mem>>)
      } else {
      }
      %mul3A_136 = arith.constant 8 : i32
      %mul3A_137 = arith.muli %mul3A_136, %scan3A_33 : i32
      %add3A_138 = arith.constant 2 : i32
      %add3A_139 = arith.addi %mul3A_137, %add3A_138 : i32
      %dma_wait3A_140 = arith.constant 0 : i32
      %dma_wait3A_141 = arith.constant 0 : i32
      %dma_wait3A_142 = tpu.memref_slice %arg8[%dma_wait3A_140, %dma_wait3A_141] : memref<2x128xi32, #tpu.memory_space<vmem>> -> memref<1x128xi32, #tpu.memory_space<vmem>>
      %dma_wait3A_143 = tpu.memref_squeeze %dma_wait3A_142 : memref<1x128xi32, #tpu.memory_space<vmem>> -> memref<128xi32, #tpu.memory_space<vmem>>
      %dma_wait3A_144 = arith.constant 0 : i32
      %dma_wait3A_145 = arith.constant 0 : i32
      %dma_wait3A_146 = tpu.memref_slice %arg2[%dma_wait3A_144, %dma_wait3A_145] : memref<20000x64xf32, #tpu.memory_space<hbm>> -> memref<20000x64xf32, #tpu.memory_space<hbm>>
      tpu.wait_indirect_dma semaphore(%arg21 : memref<!tpu.dma_semaphore, #tpu.memory_space<semaphore_mem>>) src(%dma_wait3A_146 : memref<20000x64xf32, #tpu.memory_space<hbm>>) dst(%arg16 : memref<128x64xf32, #tpu.memory_space<vmem>>)
      %add3A_147 = arith.constant 2 : i32
      %add3A_148 = arith.addi %add3A_139, %add3A_147 : i32
      %lt3A_149 = arith.constant 40 : i32
      %lt3A_150 = arith.cmpi slt, %add3A_148, %lt3A_149 : i32
      %convert_element_type3A_151 = arith.extui %lt3A_150 : i1 to i32
      %cond3A_152 = arith.constant 0 : i32
      %cond3A_153 = arith.cmpi ne, %convert_element_type3A_151, %cond3A_152 : i32
      scf.if %cond3A_153 {
        %dma_start3A_460 = arith.constant 1 : i32
        %dma_start3A_461 = arith.constant 0 : i32
        %dma_start3A_462 = tpu.memref_slice %arg8[%dma_start3A_460, %dma_start3A_461] : memref<2x128xi32, #tpu.memory_space<vmem>> -> memref<1x128xi32, #tpu.memory_space<vmem>>
        %dma_start3A_463 = tpu.memref_squeeze %dma_start3A_462 : memref<1x128xi32, #tpu.memory_space<vmem>> -> memref<128xi32, #tpu.memory_space<vmem>>
        %dma_start3A_464 = arith.constant 0 : i32
        %dma_start3A_465 = arith.constant 0 : i32
        %dma_start3A_466 = tpu.memref_slice %arg18[%dma_start3A_464, %dma_start3A_465] : memref<5120x64xf32, #tpu.memory_space<vmem_shared>> -> memref<5120x64xf32, #tpu.memory_space<vmem_shared>>
        tpu.enqueue_indirect_dma source(%arg16 : memref<128x64xf32, #tpu.memory_space<vmem>>) target(%dma_start3A_466 : memref<5120x64xf32, #tpu.memory_space<vmem_shared>>) offsets(%dma_start3A_463 : memref<128xi32, #tpu.memory_space<vmem>>) semaphore(%arg33 : memref<!tpu.dma_semaphore, #tpu.memory_space<semaphore_mem>>) {add = true}
      } else {
      }
      %add3A_154 = arith.constant 2 : i32
      %add3A_155 = arith.addi %add3A_139, %add3A_154 : i32
      %ge3A_156 = arith.constant 40 : i32
      %ge3A_157 = arith.cmpi sge, %add3A_155, %ge3A_156 : i32
      %convert_element_type3A_158 = arith.extui %ge3A_157 : i1 to i32
      %cond3A_159 = arith.constant 0 : i32
      %cond3A_160 = arith.cmpi ne, %convert_element_type3A_158, %cond3A_159 : i32
      scf.if %cond3A_160 {
        %run_scoped3A_460 = arith.constant 1 : i32
        "tpu.region"() ({
          %run_scoped3A_461 = tpu.sem_alloc : memref<!tpu.dma_semaphore, #tpu.memory_space<semaphore_mem>>
          %dma_start3A_462 = arith.constant 0 : i32
          %dma_start3A_463 = tpu.memref_slice %arg8[%run_scoped3A_460, %dma_start3A_462] : memref<2x128xi32, #tpu.memory_space<vmem>> -> memref<1x128xi32, #tpu.memory_space<vmem>>
          %dma_start3A_464 = tpu.memref_squeeze %dma_start3A_463 : memref<1x128xi32, #tpu.memory_space<vmem>> -> memref<128xi32, #tpu.memory_space<vmem>>
          %dma_start3A_465 = arith.constant 0 : i32
          %dma_start3A_466 = arith.constant 0 : i32
          %dma_start3A_467 = tpu.memref_slice %arg18[%dma_start3A_465, %dma_start3A_466] : memref<5120x64xf32, #tpu.memory_space<vmem_shared>> -> memref<5120x64xf32, #tpu.memory_space<vmem_shared>>
          tpu.enqueue_indirect_dma source(%arg16 : memref<128x64xf32, #tpu.memory_space<vmem>>) target(%dma_start3A_467 : memref<5120x64xf32, #tpu.memory_space<vmem_shared>>) offsets(%dma_start3A_464 : memref<128xi32, #tpu.memory_space<vmem>>) semaphore(%run_scoped3A_461 : memref<!tpu.dma_semaphore, #tpu.memory_space<semaphore_mem>>) {add = true}
          %dma_wait3A_468 = arith.constant 0 : i32
          %dma_wait3A_469 = tpu.memref_slice %arg8[%run_scoped3A_460, %dma_wait3A_468] : memref<2x128xi32, #tpu.memory_space<vmem>> -> memref<1x128xi32, #tpu.memory_space<vmem>>
          %dma_wait3A_470 = tpu.memref_squeeze %dma_wait3A_469 : memref<1x128xi32, #tpu.memory_space<vmem>> -> memref<128xi32, #tpu.memory_space<vmem>>
          %dma_wait3A_471 = arith.constant 0 : i32
          %dma_wait3A_472 = arith.constant 0 : i32
          %dma_wait3A_473 = tpu.memref_slice %arg18[%dma_wait3A_471, %dma_wait3A_472] : memref<5120x64xf32, #tpu.memory_space<vmem_shared>> -> memref<5120x64xf32, #tpu.memory_space<vmem_shared>>
          tpu.wait_indirect_dma semaphore(%run_scoped3A_461 : memref<!tpu.dma_semaphore, #tpu.memory_space<semaphore_mem>>) src(%arg16 : memref<128x64xf32, #tpu.memory_space<vmem>>) dst(%dma_wait3A_473 : memref<5120x64xf32, #tpu.memory_space<vmem_shared>>)
          tpu.yield
        }) : () -> ()
      } else {
      }
      %ge3A_161 = arith.constant 2 : i32
      %ge3A_162 = arith.cmpi sge, %add3A_139, %ge3A_161 : i32
      %convert_element_type3A_163 = arith.extui %ge3A_162 : i1 to i32
      %cond3A_164 = arith.constant 0 : i32
      %cond3A_165 = arith.cmpi ne, %convert_element_type3A_163, %cond3A_164 : i32
      scf.if %cond3A_165 {
        %dma_wait3A_460 = arith.constant 1 : i32
        %dma_wait3A_461 = arith.constant 0 : i32
        %dma_wait3A_462 = tpu.memref_slice %arg6[%dma_wait3A_460, %dma_wait3A_461] : memref<2x128xi32, #tpu.memory_space<vmem>> -> memref<1x128xi32, #tpu.memory_space<vmem>>
        %dma_wait3A_463 = tpu.memref_squeeze %dma_wait3A_462 : memref<1x128xi32, #tpu.memory_space<vmem>> -> memref<128xi32, #tpu.memory_space<vmem>>
        %dma_wait3A_464 = arith.constant 0 : i32
        %dma_wait3A_465 = arith.constant 0 : i32
        %dma_wait3A_466 = tpu.memref_slice %arg18[%dma_wait3A_464, %dma_wait3A_465] : memref<5120x64xf32, #tpu.memory_space<vmem_shared>> -> memref<5120x64xf32, #tpu.memory_space<vmem_shared>>
        tpu.wait_indirect_dma semaphore(%arg31 : memref<!tpu.dma_semaphore, #tpu.memory_space<semaphore_mem>>) src(%arg14 : memref<128x64xf32, #tpu.memory_space<vmem>>) dst(%dma_wait3A_466 : memref<5120x64xf32, #tpu.memory_space<vmem_shared>>)
      } else {
      }
      %add3A_166 = arith.constant 2 : i32
      %add3A_167 = arith.addi %add3A_139, %add3A_166 : i32
      %lt3A_168 = arith.constant 40 : i32
      %lt3A_169 = arith.cmpi slt, %add3A_167, %lt3A_168 : i32
      %ge3A_170 = arith.constant 4 : i32
      %ge3A_171 = arith.cmpi sge, %add3A_139, %ge3A_170 : i32
      %and3A_172 = arith.andi %lt3A_169, %ge3A_171 : i1
      %convert_element_type3A_173 = arith.extui %and3A_172 : i1 to i32
      %cond3A_174 = arith.constant 0 : i32
      %cond3A_175 = arith.cmpi ne, %convert_element_type3A_173, %cond3A_174 : i32
      scf.if %cond3A_175 {
        %add3A_460 = arith.constant 2 : i32
        %add3A_461 = arith.addi %add3A_139, %add3A_460 : i32
        %dma_wait3A_462 = arith.constant 0 : i32
        %dma_wait3A_463 = arith.constant 0 : i32
        %dma_wait3A_464 = tpu.memref_slice %arg3[%arg0, %arg1, %add3A_461, %dma_wait3A_462, %dma_wait3A_463] : memref<2x16x40x2x128xi32, #tpu.memory_space<hbm>> -> memref<1x1x1x2x128xi32, #tpu.memory_space<hbm>>
        %dma_wait3A_465 = tpu.memref_squeeze %dma_wait3A_464 : memref<1x1x1x2x128xi32, #tpu.memory_space<hbm>> -> memref<2x128xi32, #tpu.memory_space<hbm>>
        %dma_wait3A_466 = arith.constant 0 : i32
        %dma_wait3A_467 = arith.constant 0 : i32
        %dma_wait3A_468 = tpu.memref_slice %arg3[%arg0, %arg1, %add3A_461, %dma_wait3A_466, %dma_wait3A_467] : memref<2x16x40x2x128xi32, #tpu.memory_space<hbm>> -> memref<1x1x1x2x128xi32, #tpu.memory_space<hbm>>
        %dma_wait3A_469 = tpu.memref_squeeze %dma_wait3A_468 : memref<1x1x1x2x128xi32, #tpu.memory_space<hbm>> -> memref<2x128xi32, #tpu.memory_space<hbm>>
        tpu.wait_dma2 semaphore(%arg27 : memref<!tpu.dma_semaphore, #tpu.memory_space<semaphore_mem>>) src(%dma_wait3A_469 : memref<2x128xi32, #tpu.memory_space<hbm>>) dst(%arg10 : memref<2x128xi32, #tpu.memory_space<vmem>>)
      } else {
      }
      %add3A_176 = arith.constant 2 : i32
      %add3A_177 = arith.addi %add3A_139, %add3A_176 : i32
      %lt3A_178 = arith.constant 40 : i32
      %lt3A_179 = arith.cmpi slt, %add3A_177, %lt3A_178 : i32
      %convert_element_type3A_180 = arith.extui %lt3A_179 : i1 to i32
      %cond3A_181 = arith.constant 0 : i32
      %cond3A_182 = arith.cmpi ne, %convert_element_type3A_180, %cond3A_181 : i32
      scf.if %cond3A_182 {
        %dma_start3A_460 = arith.constant 0 : i32
        %dma_start3A_461 = arith.constant 0 : i32
        %dma_start3A_462 = tpu.memref_slice %arg10[%dma_start3A_460, %dma_start3A_461] : memref<2x128xi32, #tpu.memory_space<vmem>> -> memref<1x128xi32, #tpu.memory_space<vmem>>
        %dma_start3A_463 = tpu.memref_squeeze %dma_start3A_462 : memref<1x128xi32, #tpu.memory_space<vmem>> -> memref<128xi32, #tpu.memory_space<vmem>>
        %dma_start3A_464 = arith.constant 0 : i32
        %dma_start3A_465 = arith.constant 0 : i32
        %dma_start3A_466 = tpu.memref_slice %arg2[%dma_start3A_464, %dma_start3A_465] : memref<20000x64xf32, #tpu.memory_space<hbm>> -> memref<20000x64xf32, #tpu.memory_space<hbm>>
        tpu.enqueue_indirect_dma source(%dma_start3A_466 : memref<20000x64xf32, #tpu.memory_space<hbm>>) target(%arg14 : memref<128x64xf32, #tpu.memory_space<vmem>>) offsets(%dma_start3A_463 : memref<128xi32, #tpu.memory_space<vmem>>) semaphore(%arg19 : memref<!tpu.dma_semaphore, #tpu.memory_space<semaphore_mem>>)
      } else {
      }
      %add3A_183 = arith.constant 6 : i32
      %add3A_184 = arith.addi %add3A_139, %add3A_183 : i32
      %lt3A_185 = arith.constant 40 : i32
      %lt3A_186 = arith.cmpi slt, %add3A_184, %lt3A_185 : i32
      %convert_element_type3A_187 = arith.extui %lt3A_186 : i1 to i32
      %cond3A_188 = arith.constant 0 : i32
      %cond3A_189 = arith.cmpi ne, %convert_element_type3A_187, %cond3A_188 : i32
      scf.if %cond3A_189 {
        %add3A_460 = arith.constant 6 : i32
        %add3A_461 = arith.addi %add3A_139, %add3A_460 : i32
        %dma_start3A_462 = arith.constant 0 : i32
        %dma_start3A_463 = arith.constant 0 : i32
        %dma_start3A_464 = tpu.memref_slice %arg3[%arg0, %arg1, %add3A_461, %dma_start3A_462, %dma_start3A_463] : memref<2x16x40x2x128xi32, #tpu.memory_space<hbm>> -> memref<1x1x1x2x128xi32, #tpu.memory_space<hbm>>
        %dma_start3A_465 = tpu.memref_squeeze %dma_start3A_464 : memref<1x1x1x2x128xi32, #tpu.memory_space<hbm>> -> memref<2x128xi32, #tpu.memory_space<hbm>>
        %dma_start3A_466 = arith.constant 0 : i32
        %dma_start3A_467 = arith.constant 0 : i32
        %dma_start3A_468 = tpu.memref_slice %arg3[%arg0, %arg1, %add3A_461, %dma_start3A_466, %dma_start3A_467] : memref<2x16x40x2x128xi32, #tpu.memory_space<hbm>> -> memref<1x1x1x2x128xi32, #tpu.memory_space<hbm>>
        %dma_start3A_469 = tpu.memref_squeeze %dma_start3A_468 : memref<1x1x1x2x128xi32, #tpu.memory_space<hbm>> -> memref<2x128xi32, #tpu.memory_space<hbm>>
        tpu.enqueue_dma source(%dma_start3A_469 : memref<2x128xi32, #tpu.memory_space<hbm>>) target(%arg6 : memref<2x128xi32, #tpu.memory_space<vmem>>) target_semaphore(%arg23 : memref<!tpu.dma_semaphore, #tpu.memory_space<semaphore_mem>>)
      } else {
      }
      %mul3A_190 = arith.constant 8 : i32
      %mul3A_191 = arith.muli %mul3A_190, %scan3A_33 : i32
      %add3A_192 = arith.constant 3 : i32
      %add3A_193 = arith.addi %mul3A_191, %add3A_192 : i32
      %dma_wait3A_194 = arith.constant 0 : i32
      %dma_wait3A_195 = arith.constant 0 : i32
      %dma_wait3A_196 = tpu.memref_slice %arg9[%dma_wait3A_194, %dma_wait3A_195] : memref<2x128xi32, #tpu.memory_space<vmem>> -> memref<1x128xi32, #tpu.memory_space<vmem>>
      %dma_wait3A_197 = tpu.memref_squeeze %dma_wait3A_196 : memref<1x128xi32, #tpu.memory_space<vmem>> -> memref<128xi32, #tpu.memory_space<vmem>>
      %dma_wait3A_198 = arith.constant 0 : i32
      %dma_wait3A_199 = arith.constant 0 : i32
      %dma_wait3A_200 = tpu.memref_slice %arg2[%dma_wait3A_198, %dma_wait3A_199] : memref<20000x64xf32, #tpu.memory_space<hbm>> -> memref<20000x64xf32, #tpu.memory_space<hbm>>
      tpu.wait_indirect_dma semaphore(%arg22 : memref<!tpu.dma_semaphore, #tpu.memory_space<semaphore_mem>>) src(%dma_wait3A_200 : memref<20000x64xf32, #tpu.memory_space<hbm>>) dst(%arg17 : memref<128x64xf32, #tpu.memory_space<vmem>>)
      %add3A_201 = arith.constant 2 : i32
      %add3A_202 = arith.addi %add3A_193, %add3A_201 : i32
      %lt3A_203 = arith.constant 40 : i32
      %lt3A_204 = arith.cmpi slt, %add3A_202, %lt3A_203 : i32
      %convert_element_type3A_205 = arith.extui %lt3A_204 : i1 to i32
      %cond3A_206 = arith.constant 0 : i32
      %cond3A_207 = arith.cmpi ne, %convert_element_type3A_205, %cond3A_206 : i32
      scf.if %cond3A_207 {
        %dma_start3A_460 = arith.constant 1 : i32
        %dma_start3A_461 = arith.constant 0 : i32
        %dma_start3A_462 = tpu.memref_slice %arg9[%dma_start3A_460, %dma_start3A_461] : memref<2x128xi32, #tpu.memory_space<vmem>> -> memref<1x128xi32, #tpu.memory_space<vmem>>
        %dma_start3A_463 = tpu.memref_squeeze %dma_start3A_462 : memref<1x128xi32, #tpu.memory_space<vmem>> -> memref<128xi32, #tpu.memory_space<vmem>>
        %dma_start3A_464 = arith.constant 0 : i32
        %dma_start3A_465 = arith.constant 0 : i32
        %dma_start3A_466 = tpu.memref_slice %arg18[%dma_start3A_464, %dma_start3A_465] : memref<5120x64xf32, #tpu.memory_space<vmem_shared>> -> memref<5120x64xf32, #tpu.memory_space<vmem_shared>>
        tpu.enqueue_indirect_dma source(%arg17 : memref<128x64xf32, #tpu.memory_space<vmem>>) target(%dma_start3A_466 : memref<5120x64xf32, #tpu.memory_space<vmem_shared>>) offsets(%dma_start3A_463 : memref<128xi32, #tpu.memory_space<vmem>>) semaphore(%arg34 : memref<!tpu.dma_semaphore, #tpu.memory_space<semaphore_mem>>) {add = true}
      } else {
      }
      %add3A_208 = arith.constant 2 : i32
      %add3A_209 = arith.addi %add3A_193, %add3A_208 : i32
      %ge3A_210 = arith.constant 40 : i32
      %ge3A_211 = arith.cmpi sge, %add3A_209, %ge3A_210 : i32
      %convert_element_type3A_212 = arith.extui %ge3A_211 : i1 to i32
      %cond3A_213 = arith.constant 0 : i32
      %cond3A_214 = arith.cmpi ne, %convert_element_type3A_212, %cond3A_213 : i32
      scf.if %cond3A_214 {
        %run_scoped3A_460 = arith.constant 1 : i32
        "tpu.region"() ({
          %run_scoped3A_461 = tpu.sem_alloc : memref<!tpu.dma_semaphore, #tpu.memory_space<semaphore_mem>>
          %dma_start3A_462 = arith.constant 0 : i32
          %dma_start3A_463 = tpu.memref_slice %arg9[%run_scoped3A_460, %dma_start3A_462] : memref<2x128xi32, #tpu.memory_space<vmem>> -> memref<1x128xi32, #tpu.memory_space<vmem>>
          %dma_start3A_464 = tpu.memref_squeeze %dma_start3A_463 : memref<1x128xi32, #tpu.memory_space<vmem>> -> memref<128xi32, #tpu.memory_space<vmem>>
          %dma_start3A_465 = arith.constant 0 : i32
          %dma_start3A_466 = arith.constant 0 : i32
          %dma_start3A_467 = tpu.memref_slice %arg18[%dma_start3A_465, %dma_start3A_466] : memref<5120x64xf32, #tpu.memory_space<vmem_shared>> -> memref<5120x64xf32, #tpu.memory_space<vmem_shared>>
          tpu.enqueue_indirect_dma source(%arg17 : memref<128x64xf32, #tpu.memory_space<vmem>>) target(%dma_start3A_467 : memref<5120x64xf32, #tpu.memory_space<vmem_shared>>) offsets(%dma_start3A_464 : memref<128xi32, #tpu.memory_space<vmem>>) semaphore(%run_scoped3A_461 : memref<!tpu.dma_semaphore, #tpu.memory_space<semaphore_mem>>) {add = true}
          %dma_wait3A_468 = arith.constant 0 : i32
          %dma_wait3A_469 = tpu.memref_slice %arg9[%run_scoped3A_460, %dma_wait3A_468] : memref<2x128xi32, #tpu.memory_space<vmem>> -> memref<1x128xi32, #tpu.memory_space<vmem>>
          %dma_wait3A_470 = tpu.memref_squeeze %dma_wait3A_469 : memref<1x128xi32, #tpu.memory_space<vmem>> -> memref<128xi32, #tpu.memory_space<vmem>>
          %dma_wait3A_471 = arith.constant 0 : i32
          %dma_wait3A_472 = arith.constant 0 : i32
          %dma_wait3A_473 = tpu.memref_slice %arg18[%dma_wait3A_471, %dma_wait3A_472] : memref<5120x64xf32, #tpu.memory_space<vmem_shared>> -> memref<5120x64xf32, #tpu.memory_space<vmem_shared>>
          tpu.wait_indirect_dma semaphore(%run_scoped3A_461 : memref<!tpu.dma_semaphore, #tpu.memory_space<semaphore_mem>>) src(%arg17 : memref<128x64xf32, #tpu.memory_space<vmem>>) dst(%dma_wait3A_473 : memref<5120x64xf32, #tpu.memory_space<vmem_shared>>)
          tpu.yield
        }) : () -> ()
      } else {
      }
      %ge3A_215 = arith.constant 2 : i32
      %ge3A_216 = arith.cmpi sge, %add3A_193, %ge3A_215 : i32
      %convert_element_type3A_217 = arith.extui %ge3A_216 : i1 to i32
      %cond3A_218 = arith.constant 0 : i32
      %cond3A_219 = arith.cmpi ne, %convert_element_type3A_217, %cond3A_218 : i32
      scf.if %cond3A_219 {
        %dma_wait3A_460 = arith.constant 1 : i32
        %dma_wait3A_461 = arith.constant 0 : i32
        %dma_wait3A_462 = tpu.memref_slice %arg7[%dma_wait3A_460, %dma_wait3A_461] : memref<2x128xi32, #tpu.memory_space<vmem>> -> memref<1x128xi32, #tpu.memory_space<vmem>>
        %dma_wait3A_463 = tpu.memref_squeeze %dma_wait3A_462 : memref<1x128xi32, #tpu.memory_space<vmem>> -> memref<128xi32, #tpu.memory_space<vmem>>
        %dma_wait3A_464 = arith.constant 0 : i32
        %dma_wait3A_465 = arith.constant 0 : i32
        %dma_wait3A_466 = tpu.memref_slice %arg18[%dma_wait3A_464, %dma_wait3A_465] : memref<5120x64xf32, #tpu.memory_space<vmem_shared>> -> memref<5120x64xf32, #tpu.memory_space<vmem_shared>>
        tpu.wait_indirect_dma semaphore(%arg32 : memref<!tpu.dma_semaphore, #tpu.memory_space<semaphore_mem>>) src(%arg15 : memref<128x64xf32, #tpu.memory_space<vmem>>) dst(%dma_wait3A_466 : memref<5120x64xf32, #tpu.memory_space<vmem_shared>>)
      } else {
      }
      %add3A_220 = arith.constant 2 : i32
      %add3A_221 = arith.addi %add3A_193, %add3A_220 : i32
      %lt3A_222 = arith.constant 40 : i32
      %lt3A_223 = arith.cmpi slt, %add3A_221, %lt3A_222 : i32
      %ge3A_224 = arith.constant 4 : i32
      %ge3A_225 = arith.cmpi sge, %add3A_193, %ge3A_224 : i32
      %and3A_226 = arith.andi %lt3A_223, %ge3A_225 : i1
      %convert_element_type3A_227 = arith.extui %and3A_226 : i1 to i32
      %cond3A_228 = arith.constant 0 : i32
      %cond3A_229 = arith.cmpi ne, %convert_element_type3A_227, %cond3A_228 : i32
      scf.if %cond3A_229 {
        %add3A_460 = arith.constant 2 : i32
        %add3A_461 = arith.addi %add3A_193, %add3A_460 : i32
        %dma_wait3A_462 = arith.constant 0 : i32
        %dma_wait3A_463 = arith.constant 0 : i32
        %dma_wait3A_464 = tpu.memref_slice %arg3[%arg0, %arg1, %add3A_461, %dma_wait3A_462, %dma_wait3A_463] : memref<2x16x40x2x128xi32, #tpu.memory_space<hbm>> -> memref<1x1x1x2x128xi32, #tpu.memory_space<hbm>>
        %dma_wait3A_465 = tpu.memref_squeeze %dma_wait3A_464 : memref<1x1x1x2x128xi32, #tpu.memory_space<hbm>> -> memref<2x128xi32, #tpu.memory_space<hbm>>
        %dma_wait3A_466 = arith.constant 0 : i32
        %dma_wait3A_467 = arith.constant 0 : i32
        %dma_wait3A_468 = tpu.memref_slice %arg3[%arg0, %arg1, %add3A_461, %dma_wait3A_466, %dma_wait3A_467] : memref<2x16x40x2x128xi32, #tpu.memory_space<hbm>> -> memref<1x1x1x2x128xi32, #tpu.memory_space<hbm>>
        %dma_wait3A_469 = tpu.memref_squeeze %dma_wait3A_468 : memref<1x1x1x2x128xi32, #tpu.memory_space<hbm>> -> memref<2x128xi32, #tpu.memory_space<hbm>>
        tpu.wait_dma2 semaphore(%arg28 : memref<!tpu.dma_semaphore, #tpu.memory_space<semaphore_mem>>) src(%dma_wait3A_469 : memref<2x128xi32, #tpu.memory_space<hbm>>) dst(%arg11 : memref<2x128xi32, #tpu.memory_space<vmem>>)
      } else {
      }
      %add3A_230 = arith.constant 2 : i32
      %add3A_231 = arith.addi %add3A_193, %add3A_230 : i32
      %lt3A_232 = arith.constant 40 : i32
      %lt3A_233 = arith.cmpi slt, %add3A_231, %lt3A_232 : i32
      %convert_element_type3A_234 = arith.extui %lt3A_233 : i1 to i32
      %cond3A_235 = arith.constant 0 : i32
      %cond3A_236 = arith.cmpi ne, %convert_element_type3A_234, %cond3A_235 : i32
      scf.if %cond3A_236 {
        %dma_start3A_460 = arith.constant 0 : i32
        %dma_start3A_461 = arith.constant 0 : i32
        %dma_start3A_462 = tpu.memref_slice %arg11[%dma_start3A_460, %dma_start3A_461] : memref<2x128xi32, #tpu.memory_space<vmem>> -> memref<1x128xi32, #tpu.memory_space<vmem>>
        %dma_start3A_463 = tpu.memref_squeeze %dma_start3A_462 : memref<1x128xi32, #tpu.memory_space<vmem>> -> memref<128xi32, #tpu.memory_space<vmem>>
        %dma_start3A_464 = arith.constant 0 : i32
        %dma_start3A_465 = arith.constant 0 : i32
        %dma_start3A_466 = tpu.memref_slice %arg2[%dma_start3A_464, %dma_start3A_465] : memref<20000x64xf32, #tpu.memory_space<hbm>> -> memref<20000x64xf32, #tpu.memory_space<hbm>>
        tpu.enqueue_indirect_dma source(%dma_start3A_466 : memref<20000x64xf32, #tpu.memory_space<hbm>>) target(%arg15 : memref<128x64xf32, #tpu.memory_space<vmem>>) offsets(%dma_start3A_463 : memref<128xi32, #tpu.memory_space<vmem>>) semaphore(%arg20 : memref<!tpu.dma_semaphore, #tpu.memory_space<semaphore_mem>>)
      } else {
      }
      %add3A_237 = arith.constant 6 : i32
      %add3A_238 = arith.addi %add3A_193, %add3A_237 : i32
      %lt3A_239 = arith.constant 40 : i32
      %lt3A_240 = arith.cmpi slt, %add3A_238, %lt3A_239 : i32
      %convert_element_type3A_241 = arith.extui %lt3A_240 : i1 to i32
      %cond3A_242 = arith.constant 0 : i32
      %cond3A_243 = arith.cmpi ne, %convert_element_type3A_241, %cond3A_242 : i32
      scf.if %cond3A_243 {
        %add3A_460 = arith.constant 6 : i32
        %add3A_461 = arith.addi %add3A_193, %add3A_460 : i32
        %dma_start3A_462 = arith.constant 0 : i32
        %dma_start3A_463 = arith.constant 0 : i32
        %dma_start3A_464 = tpu.memref_slice %arg3[%arg0, %arg1, %add3A_461, %dma_start3A_462, %dma_start3A_463] : memref<2x16x40x2x128xi32, #tpu.memory_space<hbm>> -> memref<1x1x1x2x128xi32, #tpu.memory_space<hbm>>
        %dma_start3A_465 = tpu.memref_squeeze %dma_start3A_464 : memref<1x1x1x2x128xi32, #tpu.memory_space<hbm>> -> memref<2x128xi32, #tpu.memory_space<hbm>>
        %dma_start3A_466 = arith.constant 0 : i32
        %dma_start3A_467 = arith.constant 0 : i32
        %dma_start3A_468 = tpu.memref_slice %arg3[%arg0, %arg1, %add3A_461, %dma_start3A_466, %dma_start3A_467] : memref<2x16x40x2x128xi32, #tpu.memory_space<hbm>> -> memref<1x1x1x2x128xi32, #tpu.memory_space<hbm>>
        %dma_start3A_469 = tpu.memref_squeeze %dma_start3A_468 : memref<1x1x1x2x128xi32, #tpu.memory_space<hbm>> -> memref<2x128xi32, #tpu.memory_space<hbm>>
        tpu.enqueue_dma source(%dma_start3A_469 : memref<2x128xi32, #tpu.memory_space<hbm>>) target(%arg7 : memref<2x128xi32, #tpu.memory_space<vmem>>) target_semaphore(%arg24 : memref<!tpu.dma_semaphore, #tpu.memory_space<semaphore_mem>>)
      } else {
      }
      %mul3A_244 = arith.constant 8 : i32
      %mul3A_245 = arith.muli %mul3A_244, %scan3A_33 : i32
      %add3A_246 = arith.constant 4 : i32
      %add3A_247 = arith.addi %mul3A_245, %add3A_246 : i32
      %dma_wait3A_248 = arith.constant 0 : i32
      %dma_wait3A_249 = arith.constant 0 : i32
      %dma_wait3A_250 = tpu.memref_slice %arg10[%dma_wait3A_248, %dma_wait3A_249] : memref<2x128xi32, #tpu.memory_space<vmem>> -> memref<1x128xi32, #tpu.memory_space<vmem>>
      %dma_wait3A_251 = tpu.memref_squeeze %dma_wait3A_250 : memref<1x128xi32, #tpu.memory_space<vmem>> -> memref<128xi32, #tpu.memory_space<vmem>>
      %dma_wait3A_252 = arith.constant 0 : i32
      %dma_wait3A_253 = arith.constant 0 : i32
      %dma_wait3A_254 = tpu.memref_slice %arg2[%dma_wait3A_252, %dma_wait3A_253] : memref<20000x64xf32, #tpu.memory_space<hbm>> -> memref<20000x64xf32, #tpu.memory_space<hbm>>
      tpu.wait_indirect_dma semaphore(%arg19 : memref<!tpu.dma_semaphore, #tpu.memory_space<semaphore_mem>>) src(%dma_wait3A_254 : memref<20000x64xf32, #tpu.memory_space<hbm>>) dst(%arg14 : memref<128x64xf32, #tpu.memory_space<vmem>>)
      %add3A_255 = arith.constant 2 : i32
      %add3A_256 = arith.addi %add3A_247, %add3A_255 : i32
      %lt3A_257 = arith.constant 40 : i32
      %lt3A_258 = arith.cmpi slt, %add3A_256, %lt3A_257 : i32
      %convert_element_type3A_259 = arith.extui %lt3A_258 : i1 to i32
      %cond3A_260 = arith.constant 0 : i32
      %cond3A_261 = arith.cmpi ne, %convert_element_type3A_259, %cond3A_260 : i32
      scf.if %cond3A_261 {
        %dma_start3A_460 = arith.constant 1 : i32
        %dma_start3A_461 = arith.constant 0 : i32
        %dma_start3A_462 = tpu.memref_slice %arg10[%dma_start3A_460, %dma_start3A_461] : memref<2x128xi32, #tpu.memory_space<vmem>> -> memref<1x128xi32, #tpu.memory_space<vmem>>
        %dma_start3A_463 = tpu.memref_squeeze %dma_start3A_462 : memref<1x128xi32, #tpu.memory_space<vmem>> -> memref<128xi32, #tpu.memory_space<vmem>>
        %dma_start3A_464 = arith.constant 0 : i32
        %dma_start3A_465 = arith.constant 0 : i32
        %dma_start3A_466 = tpu.memref_slice %arg18[%dma_start3A_464, %dma_start3A_465] : memref<5120x64xf32, #tpu.memory_space<vmem_shared>> -> memref<5120x64xf32, #tpu.memory_space<vmem_shared>>
        tpu.enqueue_indirect_dma source(%arg14 : memref<128x64xf32, #tpu.memory_space<vmem>>) target(%dma_start3A_466 : memref<5120x64xf32, #tpu.memory_space<vmem_shared>>) offsets(%dma_start3A_463 : memref<128xi32, #tpu.memory_space<vmem>>) semaphore(%arg31 : memref<!tpu.dma_semaphore, #tpu.memory_space<semaphore_mem>>) {add = true}
      } else {
      }
      %add3A_262 = arith.constant 2 : i32
      %add3A_263 = arith.addi %add3A_247, %add3A_262 : i32
      %ge3A_264 = arith.constant 40 : i32
      %ge3A_265 = arith.cmpi sge, %add3A_263, %ge3A_264 : i32
      %convert_element_type3A_266 = arith.extui %ge3A_265 : i1 to i32
      %cond3A_267 = arith.constant 0 : i32
      %cond3A_268 = arith.cmpi ne, %convert_element_type3A_266, %cond3A_267 : i32
      scf.if %cond3A_268 {
        %run_scoped3A_460 = arith.constant 1 : i32
        "tpu.region"() ({
          %run_scoped3A_461 = tpu.sem_alloc : memref<!tpu.dma_semaphore, #tpu.memory_space<semaphore_mem>>
          %dma_start3A_462 = arith.constant 0 : i32
          %dma_start3A_463 = tpu.memref_slice %arg10[%run_scoped3A_460, %dma_start3A_462] : memref<2x128xi32, #tpu.memory_space<vmem>> -> memref<1x128xi32, #tpu.memory_space<vmem>>
          %dma_start3A_464 = tpu.memref_squeeze %dma_start3A_463 : memref<1x128xi32, #tpu.memory_space<vmem>> -> memref<128xi32, #tpu.memory_space<vmem>>
          %dma_start3A_465 = arith.constant 0 : i32
          %dma_start3A_466 = arith.constant 0 : i32
          %dma_start3A_467 = tpu.memref_slice %arg18[%dma_start3A_465, %dma_start3A_466] : memref<5120x64xf32, #tpu.memory_space<vmem_shared>> -> memref<5120x64xf32, #tpu.memory_space<vmem_shared>>
          tpu.enqueue_indirect_dma source(%arg14 : memref<128x64xf32, #tpu.memory_space<vmem>>) target(%dma_start3A_467 : memref<5120x64xf32, #tpu.memory_space<vmem_shared>>) offsets(%dma_start3A_464 : memref<128xi32, #tpu.memory_space<vmem>>) semaphore(%run_scoped3A_461 : memref<!tpu.dma_semaphore, #tpu.memory_space<semaphore_mem>>) {add = true}
          %dma_wait3A_468 = arith.constant 0 : i32
          %dma_wait3A_469 = tpu.memref_slice %arg10[%run_scoped3A_460, %dma_wait3A_468] : memref<2x128xi32, #tpu.memory_space<vmem>> -> memref<1x128xi32, #tpu.memory_space<vmem>>
          %dma_wait3A_470 = tpu.memref_squeeze %dma_wait3A_469 : memref<1x128xi32, #tpu.memory_space<vmem>> -> memref<128xi32, #tpu.memory_space<vmem>>
          %dma_wait3A_471 = arith.constant 0 : i32
          %dma_wait3A_472 = arith.constant 0 : i32
          %dma_wait3A_473 = tpu.memref_slice %arg18[%dma_wait3A_471, %dma_wait3A_472] : memref<5120x64xf32, #tpu.memory_space<vmem_shared>> -> memref<5120x64xf32, #tpu.memory_space<vmem_shared>>
          tpu.wait_indirect_dma semaphore(%run_scoped3A_461 : memref<!tpu.dma_semaphore, #tpu.memory_space<semaphore_mem>>) src(%arg14 : memref<128x64xf32, #tpu.memory_space<vmem>>) dst(%dma_wait3A_473 : memref<5120x64xf32, #tpu.memory_space<vmem_shared>>)
          tpu.yield
        }) : () -> ()
      } else {
      }
      %ge3A_269 = arith.constant 2 : i32
      %ge3A_270 = arith.cmpi sge, %add3A_247, %ge3A_269 : i32
      %convert_element_type3A_271 = arith.extui %ge3A_270 : i1 to i32
      %cond3A_272 = arith.constant 0 : i32
      %cond3A_273 = arith.cmpi ne, %convert_element_type3A_271, %cond3A_272 : i32
      scf.if %cond3A_273 {
        %dma_wait3A_460 = arith.constant 1 : i32
        %dma_wait3A_461 = arith.constant 0 : i32
        %dma_wait3A_462 = tpu.memref_slice %arg8[%dma_wait3A_460, %dma_wait3A_461] : memref<2x128xi32, #tpu.memory_space<vmem>> -> memref<1x128xi32, #tpu.memory_space<vmem>>
        %dma_wait3A_463 = tpu.memref_squeeze %dma_wait3A_462 : memref<1x128xi32, #tpu.memory_space<vmem>> -> memref<128xi32, #tpu.memory_space<vmem>>
        %dma_wait3A_464 = arith.constant 0 : i32
        %dma_wait3A_465 = arith.constant 0 : i32
        %dma_wait3A_466 = tpu.memref_slice %arg18[%dma_wait3A_464, %dma_wait3A_465] : memref<5120x64xf32, #tpu.memory_space<vmem_shared>> -> memref<5120x64xf32, #tpu.memory_space<vmem_shared>>
        tpu.wait_indirect_dma semaphore(%arg33 : memref<!tpu.dma_semaphore, #tpu.memory_space<semaphore_mem>>) src(%arg16 : memref<128x64xf32, #tpu.memory_space<vmem>>) dst(%dma_wait3A_466 : memref<5120x64xf32, #tpu.memory_space<vmem_shared>>)
      } else {
      }
      %add3A_274 = arith.constant 2 : i32
      %add3A_275 = arith.addi %add3A_247, %add3A_274 : i32
      %lt3A_276 = arith.constant 40 : i32
      %lt3A_277 = arith.cmpi slt, %add3A_275, %lt3A_276 : i32
      %ge3A_278 = arith.constant 4 : i32
      %ge3A_279 = arith.cmpi sge, %add3A_247, %ge3A_278 : i32
      %and3A_280 = arith.andi %lt3A_277, %ge3A_279 : i1
      %convert_element_type3A_281 = arith.extui %and3A_280 : i1 to i32
      %cond3A_282 = arith.constant 0 : i32
      %cond3A_283 = arith.cmpi ne, %convert_element_type3A_281, %cond3A_282 : i32
      scf.if %cond3A_283 {
        %add3A_460 = arith.constant 2 : i32
        %add3A_461 = arith.addi %add3A_247, %add3A_460 : i32
        %dma_wait3A_462 = arith.constant 0 : i32
        %dma_wait3A_463 = arith.constant 0 : i32
        %dma_wait3A_464 = tpu.memref_slice %arg3[%arg0, %arg1, %add3A_461, %dma_wait3A_462, %dma_wait3A_463] : memref<2x16x40x2x128xi32, #tpu.memory_space<hbm>> -> memref<1x1x1x2x128xi32, #tpu.memory_space<hbm>>
        %dma_wait3A_465 = tpu.memref_squeeze %dma_wait3A_464 : memref<1x1x1x2x128xi32, #tpu.memory_space<hbm>> -> memref<2x128xi32, #tpu.memory_space<hbm>>
        %dma_wait3A_466 = arith.constant 0 : i32
        %dma_wait3A_467 = arith.constant 0 : i32
        %dma_wait3A_468 = tpu.memref_slice %arg3[%arg0, %arg1, %add3A_461, %dma_wait3A_466, %dma_wait3A_467] : memref<2x16x40x2x128xi32, #tpu.memory_space<hbm>> -> memref<1x1x1x2x128xi32, #tpu.memory_space<hbm>>
        %dma_wait3A_469 = tpu.memref_squeeze %dma_wait3A_468 : memref<1x1x1x2x128xi32, #tpu.memory_space<hbm>> -> memref<2x128xi32, #tpu.memory_space<hbm>>
        tpu.wait_dma2 semaphore(%arg29 : memref<!tpu.dma_semaphore, #tpu.memory_space<semaphore_mem>>) src(%dma_wait3A_469 : memref<2x128xi32, #tpu.memory_space<hbm>>) dst(%arg12 : memref<2x128xi32, #tpu.memory_space<vmem>>)
      } else {
      }
      %add3A_284 = arith.constant 2 : i32
      %add3A_285 = arith.addi %add3A_247, %add3A_284 : i32
      %lt3A_286 = arith.constant 40 : i32
      %lt3A_287 = arith.cmpi slt, %add3A_285, %lt3A_286 : i32
      %convert_element_type3A_288 = arith.extui %lt3A_287 : i1 to i32
      %cond3A_289 = arith.constant 0 : i32
      %cond3A_290 = arith.cmpi ne, %convert_element_type3A_288, %cond3A_289 : i32
      scf.if %cond3A_290 {
        %dma_start3A_460 = arith.constant 0 : i32
        %dma_start3A_461 = arith.constant 0 : i32
        %dma_start3A_462 = tpu.memref_slice %arg12[%dma_start3A_460, %dma_start3A_461] : memref<2x128xi32, #tpu.memory_space<vmem>> -> memref<1x128xi32, #tpu.memory_space<vmem>>
        %dma_start3A_463 = tpu.memref_squeeze %dma_start3A_462 : memref<1x128xi32, #tpu.memory_space<vmem>> -> memref<128xi32, #tpu.memory_space<vmem>>
        %dma_start3A_464 = arith.constant 0 : i32
        %dma_start3A_465 = arith.constant 0 : i32
        %dma_start3A_466 = tpu.memref_slice %arg2[%dma_start3A_464, %dma_start3A_465] : memref<20000x64xf32, #tpu.memory_space<hbm>> -> memref<20000x64xf32, #tpu.memory_space<hbm>>
        tpu.enqueue_indirect_dma source(%dma_start3A_466 : memref<20000x64xf32, #tpu.memory_space<hbm>>) target(%arg16 : memref<128x64xf32, #tpu.memory_space<vmem>>) offsets(%dma_start3A_463 : memref<128xi32, #tpu.memory_space<vmem>>) semaphore(%arg21 : memref<!tpu.dma_semaphore, #tpu.memory_space<semaphore_mem>>)
      } else {
      }
      %add3A_291 = arith.constant 6 : i32
      %add3A_292 = arith.addi %add3A_247, %add3A_291 : i32
      %lt3A_293 = arith.constant 40 : i32
      %lt3A_294 = arith.cmpi slt, %add3A_292, %lt3A_293 : i32
      %convert_element_type3A_295 = arith.extui %lt3A_294 : i1 to i32
      %cond3A_296 = arith.constant 0 : i32
      %cond3A_297 = arith.cmpi ne, %convert_element_type3A_295, %cond3A_296 : i32
      scf.if %cond3A_297 {
        %add3A_460 = arith.constant 6 : i32
        %add3A_461 = arith.addi %add3A_247, %add3A_460 : i32
        %dma_start3A_462 = arith.constant 0 : i32
        %dma_start3A_463 = arith.constant 0 : i32
        %dma_start3A_464 = tpu.memref_slice %arg3[%arg0, %arg1, %add3A_461, %dma_start3A_462, %dma_start3A_463] : memref<2x16x40x2x128xi32, #tpu.memory_space<hbm>> -> memref<1x1x1x2x128xi32, #tpu.memory_space<hbm>>
        %dma_start3A_465 = tpu.memref_squeeze %dma_start3A_464 : memref<1x1x1x2x128xi32, #tpu.memory_space<hbm>> -> memref<2x128xi32, #tpu.memory_space<hbm>>
        %dma_start3A_466 = arith.constant 0 : i32
        %dma_start3A_467 = arith.constant 0 : i32
        %dma_start3A_468 = tpu.memref_slice %arg3[%arg0, %arg1, %add3A_461, %dma_start3A_466, %dma_start3A_467] : memref<2x16x40x2x128xi32, #tpu.memory_space<hbm>> -> memref<1x1x1x2x128xi32, #tpu.memory_space<hbm>>
        %dma_start3A_469 = tpu.memref_squeeze %dma_start3A_468 : memref<1x1x1x2x128xi32, #tpu.memory_space<hbm>> -> memref<2x128xi32, #tpu.memory_space<hbm>>
        tpu.enqueue_dma source(%dma_start3A_469 : memref<2x128xi32, #tpu.memory_space<hbm>>) target(%arg8 : memref<2x128xi32, #tpu.memory_space<vmem>>) target_semaphore(%arg25 : memref<!tpu.dma_semaphore, #tpu.memory_space<semaphore_mem>>)
      } else {
      }
      %mul3A_298 = arith.constant 8 : i32
      %mul3A_299 = arith.muli %mul3A_298, %scan3A_33 : i32
      %add3A_300 = arith.constant 5 : i32
      %add3A_301 = arith.addi %mul3A_299, %add3A_300 : i32
      %dma_wait3A_302 = arith.constant 0 : i32
      %dma_wait3A_303 = arith.constant 0 : i32
      %dma_wait3A_304 = tpu.memref_slice %arg11[%dma_wait3A_302, %dma_wait3A_303] : memref<2x128xi32, #tpu.memory_space<vmem>> -> memref<1x128xi32, #tpu.memory_space<vmem>>
      %dma_wait3A_305 = tpu.memref_squeeze %dma_wait3A_304 : memref<1x128xi32, #tpu.memory_space<vmem>> -> memref<128xi32, #tpu.memory_space<vmem>>
      %dma_wait3A_306 = arith.constant 0 : i32
      %dma_wait3A_307 = arith.constant 0 : i32
      %dma_wait3A_308 = tpu.memref_slice %arg2[%dma_wait3A_306, %dma_wait3A_307] : memref<20000x64xf32, #tpu.memory_space<hbm>> -> memref<20000x64xf32, #tpu.memory_space<hbm>>
      tpu.wait_indirect_dma semaphore(%arg20 : memref<!tpu.dma_semaphore, #tpu.memory_space<semaphore_mem>>) src(%dma_wait3A_308 : memref<20000x64xf32, #tpu.memory_space<hbm>>) dst(%arg15 : memref<128x64xf32, #tpu.memory_space<vmem>>)
      %add3A_309 = arith.constant 2 : i32
      %add3A_310 = arith.addi %add3A_301, %add3A_309 : i32
      %lt3A_311 = arith.constant 40 : i32
      %lt3A_312 = arith.cmpi slt, %add3A_310, %lt3A_311 : i32
      %convert_element_type3A_313 = arith.extui %lt3A_312 : i1 to i32
      %cond3A_314 = arith.constant 0 : i32
      %cond3A_315 = arith.cmpi ne, %convert_element_type3A_313, %cond3A_314 : i32
      scf.if %cond3A_315 {
        %dma_start3A_460 = arith.constant 1 : i32
        %dma_start3A_461 = arith.constant 0 : i32
        %dma_start3A_462 = tpu.memref_slice %arg11[%dma_start3A_460, %dma_start3A_461] : memref<2x128xi32, #tpu.memory_space<vmem>> -> memref<1x128xi32, #tpu.memory_space<vmem>>
        %dma_start3A_463 = tpu.memref_squeeze %dma_start3A_462 : memref<1x128xi32, #tpu.memory_space<vmem>> -> memref<128xi32, #tpu.memory_space<vmem>>
        %dma_start3A_464 = arith.constant 0 : i32
        %dma_start3A_465 = arith.constant 0 : i32
        %dma_start3A_466 = tpu.memref_slice %arg18[%dma_start3A_464, %dma_start3A_465] : memref<5120x64xf32, #tpu.memory_space<vmem_shared>> -> memref<5120x64xf32, #tpu.memory_space<vmem_shared>>
        tpu.enqueue_indirect_dma source(%arg15 : memref<128x64xf32, #tpu.memory_space<vmem>>) target(%dma_start3A_466 : memref<5120x64xf32, #tpu.memory_space<vmem_shared>>) offsets(%dma_start3A_463 : memref<128xi32, #tpu.memory_space<vmem>>) semaphore(%arg32 : memref<!tpu.dma_semaphore, #tpu.memory_space<semaphore_mem>>) {add = true}
      } else {
      }
      %add3A_316 = arith.constant 2 : i32
      %add3A_317 = arith.addi %add3A_301, %add3A_316 : i32
      %ge3A_318 = arith.constant 40 : i32
      %ge3A_319 = arith.cmpi sge, %add3A_317, %ge3A_318 : i32
      %convert_element_type3A_320 = arith.extui %ge3A_319 : i1 to i32
      %cond3A_321 = arith.constant 0 : i32
      %cond3A_322 = arith.cmpi ne, %convert_element_type3A_320, %cond3A_321 : i32
      scf.if %cond3A_322 {
        %run_scoped3A_460 = arith.constant 1 : i32
        "tpu.region"() ({
          %run_scoped3A_461 = tpu.sem_alloc : memref<!tpu.dma_semaphore, #tpu.memory_space<semaphore_mem>>
          %dma_start3A_462 = arith.constant 0 : i32
          %dma_start3A_463 = tpu.memref_slice %arg11[%run_scoped3A_460, %dma_start3A_462] : memref<2x128xi32, #tpu.memory_space<vmem>> -> memref<1x128xi32, #tpu.memory_space<vmem>>
          %dma_start3A_464 = tpu.memref_squeeze %dma_start3A_463 : memref<1x128xi32, #tpu.memory_space<vmem>> -> memref<128xi32, #tpu.memory_space<vmem>>
          %dma_start3A_465 = arith.constant 0 : i32
          %dma_start3A_466 = arith.constant 0 : i32
          %dma_start3A_467 = tpu.memref_slice %arg18[%dma_start3A_465, %dma_start3A_466] : memref<5120x64xf32, #tpu.memory_space<vmem_shared>> -> memref<5120x64xf32, #tpu.memory_space<vmem_shared>>
          tpu.enqueue_indirect_dma source(%arg15 : memref<128x64xf32, #tpu.memory_space<vmem>>) target(%dma_start3A_467 : memref<5120x64xf32, #tpu.memory_space<vmem_shared>>) offsets(%dma_start3A_464 : memref<128xi32, #tpu.memory_space<vmem>>) semaphore(%run_scoped3A_461 : memref<!tpu.dma_semaphore, #tpu.memory_space<semaphore_mem>>) {add = true}
          %dma_wait3A_468 = arith.constant 0 : i32
          %dma_wait3A_469 = tpu.memref_slice %arg11[%run_scoped3A_460, %dma_wait3A_468] : memref<2x128xi32, #tpu.memory_space<vmem>> -> memref<1x128xi32, #tpu.memory_space<vmem>>
          %dma_wait3A_470 = tpu.memref_squeeze %dma_wait3A_469 : memref<1x128xi32, #tpu.memory_space<vmem>> -> memref<128xi32, #tpu.memory_space<vmem>>
          %dma_wait3A_471 = arith.constant 0 : i32
          %dma_wait3A_472 = arith.constant 0 : i32
          %dma_wait3A_473 = tpu.memref_slice %arg18[%dma_wait3A_471, %dma_wait3A_472] : memref<5120x64xf32, #tpu.memory_space<vmem_shared>> -> memref<5120x64xf32, #tpu.memory_space<vmem_shared>>
          tpu.wait_indirect_dma semaphore(%run_scoped3A_461 : memref<!tpu.dma_semaphore, #tpu.memory_space<semaphore_mem>>) src(%arg15 : memref<128x64xf32, #tpu.memory_space<vmem>>) dst(%dma_wait3A_473 : memref<5120x64xf32, #tpu.memory_space<vmem_shared>>)
          tpu.yield
        }) : () -> ()
      } else {
      }
      %ge3A_323 = arith.constant 2 : i32
      %ge3A_324 = arith.cmpi sge, %add3A_301, %ge3A_323 : i32
      %convert_element_type3A_325 = arith.extui %ge3A_324 : i1 to i32
      %cond3A_326 = arith.constant 0 : i32
      %cond3A_327 = arith.cmpi ne, %convert_element_type3A_325, %cond3A_326 : i32
      scf.if %cond3A_327 {
        %dma_wait3A_460 = arith.constant 1 : i32
        %dma_wait3A_461 = arith.constant 0 : i32
        %dma_wait3A_462 = tpu.memref_slice %arg9[%dma_wait3A_460, %dma_wait3A_461] : memref<2x128xi32, #tpu.memory_space<vmem>> -> memref<1x128xi32, #tpu.memory_space<vmem>>
        %dma_wait3A_463 = tpu.memref_squeeze %dma_wait3A_462 : memref<1x128xi32, #tpu.memory_space<vmem>> -> memref<128xi32, #tpu.memory_space<vmem>>
        %dma_wait3A_464 = arith.constant 0 : i32
        %dma_wait3A_465 = arith.constant 0 : i32
        %dma_wait3A_466 = tpu.memref_slice %arg18[%dma_wait3A_464, %dma_wait3A_465] : memref<5120x64xf32, #tpu.memory_space<vmem_shared>> -> memref<5120x64xf32, #tpu.memory_space<vmem_shared>>
        tpu.wait_indirect_dma semaphore(%arg34 : memref<!tpu.dma_semaphore, #tpu.memory_space<semaphore_mem>>) src(%arg17 : memref<128x64xf32, #tpu.memory_space<vmem>>) dst(%dma_wait3A_466 : memref<5120x64xf32, #tpu.memory_space<vmem_shared>>)
      } else {
      }
      %add3A_328 = arith.constant 2 : i32
      %add3A_329 = arith.addi %add3A_301, %add3A_328 : i32
      %lt3A_330 = arith.constant 40 : i32
      %lt3A_331 = arith.cmpi slt, %add3A_329, %lt3A_330 : i32
      %ge3A_332 = arith.constant 4 : i32
      %ge3A_333 = arith.cmpi sge, %add3A_301, %ge3A_332 : i32
      %and3A_334 = arith.andi %lt3A_331, %ge3A_333 : i1
      %convert_element_type3A_335 = arith.extui %and3A_334 : i1 to i32
      %cond3A_336 = arith.constant 0 : i32
      %cond3A_337 = arith.cmpi ne, %convert_element_type3A_335, %cond3A_336 : i32
      scf.if %cond3A_337 {
        %add3A_460 = arith.constant 2 : i32
        %add3A_461 = arith.addi %add3A_301, %add3A_460 : i32
        %dma_wait3A_462 = arith.constant 0 : i32
        %dma_wait3A_463 = arith.constant 0 : i32
        %dma_wait3A_464 = tpu.memref_slice %arg3[%arg0, %arg1, %add3A_461, %dma_wait3A_462, %dma_wait3A_463] : memref<2x16x40x2x128xi32, #tpu.memory_space<hbm>> -> memref<1x1x1x2x128xi32, #tpu.memory_space<hbm>>
        %dma_wait3A_465 = tpu.memref_squeeze %dma_wait3A_464 : memref<1x1x1x2x128xi32, #tpu.memory_space<hbm>> -> memref<2x128xi32, #tpu.memory_space<hbm>>
        %dma_wait3A_466 = arith.constant 0 : i32
        %dma_wait3A_467 = arith.constant 0 : i32
        %dma_wait3A_468 = tpu.memref_slice %arg3[%arg0, %arg1, %add3A_461, %dma_wait3A_466, %dma_wait3A_467] : memref<2x16x40x2x128xi32, #tpu.memory_space<hbm>> -> memref<1x1x1x2x128xi32, #tpu.memory_space<hbm>>
        %dma_wait3A_469 = tpu.memref_squeeze %dma_wait3A_468 : memref<1x1x1x2x128xi32, #tpu.memory_space<hbm>> -> memref<2x128xi32, #tpu.memory_space<hbm>>
        tpu.wait_dma2 semaphore(%arg30 : memref<!tpu.dma_semaphore, #tpu.memory_space<semaphore_mem>>) src(%dma_wait3A_469 : memref<2x128xi32, #tpu.memory_space<hbm>>) dst(%arg13 : memref<2x128xi32, #tpu.memory_space<vmem>>)
      } else {
      }
      %add3A_338 = arith.constant 2 : i32
      %add3A_339 = arith.addi %add3A_301, %add3A_338 : i32
      %lt3A_340 = arith.constant 40 : i32
      %lt3A_341 = arith.cmpi slt, %add3A_339, %lt3A_340 : i32
      %convert_element_type3A_342 = arith.extui %lt3A_341 : i1 to i32
      %cond3A_343 = arith.constant 0 : i32
      %cond3A_344 = arith.cmpi ne, %convert_element_type3A_342, %cond3A_343 : i32
      scf.if %cond3A_344 {
        %dma_start3A_460 = arith.constant 0 : i32
        %dma_start3A_461 = arith.constant 0 : i32
        %dma_start3A_462 = tpu.memref_slice %arg13[%dma_start3A_460, %dma_start3A_461] : memref<2x128xi32, #tpu.memory_space<vmem>> -> memref<1x128xi32, #tpu.memory_space<vmem>>
        %dma_start3A_463 = tpu.memref_squeeze %dma_start3A_462 : memref<1x128xi32, #tpu.memory_space<vmem>> -> memref<128xi32, #tpu.memory_space<vmem>>
        %dma_start3A_464 = arith.constant 0 : i32
        %dma_start3A_465 = arith.constant 0 : i32
        %dma_start3A_466 = tpu.memref_slice %arg2[%dma_start3A_464, %dma_start3A_465] : memref<20000x64xf32, #tpu.memory_space<hbm>> -> memref<20000x64xf32, #tpu.memory_space<hbm>>
        tpu.enqueue_indirect_dma source(%dma_start3A_466 : memref<20000x64xf32, #tpu.memory_space<hbm>>) target(%arg17 : memref<128x64xf32, #tpu.memory_space<vmem>>) offsets(%dma_start3A_463 : memref<128xi32, #tpu.memory_space<vmem>>) semaphore(%arg22 : memref<!tpu.dma_semaphore, #tpu.memory_space<semaphore_mem>>)
      } else {
      }
      %add3A_345 = arith.constant 6 : i32
      %add3A_346 = arith.addi %add3A_301, %add3A_345 : i32
      %lt3A_347 = arith.constant 40 : i32
      %lt3A_348 = arith.cmpi slt, %add3A_346, %lt3A_347 : i32
      %convert_element_type3A_349 = arith.extui %lt3A_348 : i1 to i32
      %cond3A_350 = arith.constant 0 : i32
      %cond3A_351 = arith.cmpi ne, %convert_element_type3A_349, %cond3A_350 : i32
      scf.if %cond3A_351 {
        %add3A_460 = arith.constant 6 : i32
        %add3A_461 = arith.addi %add3A_301, %add3A_460 : i32
        %dma_start3A_462 = arith.constant 0 : i32
        %dma_start3A_463 = arith.constant 0 : i32
        %dma_start3A_464 = tpu.memref_slice %arg3[%arg0, %arg1, %add3A_461, %dma_start3A_462, %dma_start3A_463] : memref<2x16x40x2x128xi32, #tpu.memory_space<hbm>> -> memref<1x1x1x2x128xi32, #tpu.memory_space<hbm>>
        %dma_start3A_465 = tpu.memref_squeeze %dma_start3A_464 : memref<1x1x1x2x128xi32, #tpu.memory_space<hbm>> -> memref<2x128xi32, #tpu.memory_space<hbm>>
        %dma_start3A_466 = arith.constant 0 : i32
        %dma_start3A_467 = arith.constant 0 : i32
        %dma_start3A_468 = tpu.memref_slice %arg3[%arg0, %arg1, %add3A_461, %dma_start3A_466, %dma_start3A_467] : memref<2x16x40x2x128xi32, #tpu.memory_space<hbm>> -> memref<1x1x1x2x128xi32, #tpu.memory_space<hbm>>
        %dma_start3A_469 = tpu.memref_squeeze %dma_start3A_468 : memref<1x1x1x2x128xi32, #tpu.memory_space<hbm>> -> memref<2x128xi32, #tpu.memory_space<hbm>>
        tpu.enqueue_dma source(%dma_start3A_469 : memref<2x128xi32, #tpu.memory_space<hbm>>) target(%arg9 : memref<2x128xi32, #tpu.memory_space<vmem>>) target_semaphore(%arg26 : memref<!tpu.dma_semaphore, #tpu.memory_space<semaphore_mem>>)
      } else {
      }
      %mul3A_352 = arith.constant 8 : i32
      %mul3A_353 = arith.muli %mul3A_352, %scan3A_33 : i32
      %add3A_354 = arith.constant 6 : i32
      %add3A_355 = arith.addi %mul3A_353, %add3A_354 : i32
      %dma_wait3A_356 = arith.constant 0 : i32
      %dma_wait3A_357 = arith.constant 0 : i32
      %dma_wait3A_358 = tpu.memref_slice %arg12[%dma_wait3A_356, %dma_wait3A_357] : memref<2x128xi32, #tpu.memory_space<vmem>> -> memref<1x128xi32, #tpu.memory_space<vmem>>
      %dma_wait3A_359 = tpu.memref_squeeze %dma_wait3A_358 : memref<1x128xi32, #tpu.memory_space<vmem>> -> memref<128xi32, #tpu.memory_space<vmem>>
      %dma_wait3A_360 = arith.constant 0 : i32
      %dma_wait3A_361 = arith.constant 0 : i32
      %dma_wait3A_362 = tpu.memref_slice %arg2[%dma_wait3A_360, %dma_wait3A_361] : memref<20000x64xf32, #tpu.memory_space<hbm>> -> memref<20000x64xf32, #tpu.memory_space<hbm>>
      tpu.wait_indirect_dma semaphore(%arg21 : memref<!tpu.dma_semaphore, #tpu.memory_space<semaphore_mem>>) src(%dma_wait3A_362 : memref<20000x64xf32, #tpu.memory_space<hbm>>) dst(%arg16 : memref<128x64xf32, #tpu.memory_space<vmem>>)
      %add3A_363 = arith.constant 2 : i32
      %add3A_364 = arith.addi %add3A_355, %add3A_363 : i32
      %lt3A_365 = arith.constant 40 : i32
      %lt3A_366 = arith.cmpi slt, %add3A_364, %lt3A_365 : i32
      %convert_element_type3A_367 = arith.extui %lt3A_366 : i1 to i32
      %cond3A_368 = arith.constant 0 : i32
      %cond3A_369 = arith.cmpi ne, %convert_element_type3A_367, %cond3A_368 : i32
      scf.if %cond3A_369 {
        %dma_start3A_460 = arith.constant 1 : i32
        %dma_start3A_461 = arith.constant 0 : i32
        %dma_start3A_462 = tpu.memref_slice %arg12[%dma_start3A_460, %dma_start3A_461] : memref<2x128xi32, #tpu.memory_space<vmem>> -> memref<1x128xi32, #tpu.memory_space<vmem>>
        %dma_start3A_463 = tpu.memref_squeeze %dma_start3A_462 : memref<1x128xi32, #tpu.memory_space<vmem>> -> memref<128xi32, #tpu.memory_space<vmem>>
        %dma_start3A_464 = arith.constant 0 : i32
        %dma_start3A_465 = arith.constant 0 : i32
        %dma_start3A_466 = tpu.memref_slice %arg18[%dma_start3A_464, %dma_start3A_465] : memref<5120x64xf32, #tpu.memory_space<vmem_shared>> -> memref<5120x64xf32, #tpu.memory_space<vmem_shared>>
        tpu.enqueue_indirect_dma source(%arg16 : memref<128x64xf32, #tpu.memory_space<vmem>>) target(%dma_start3A_466 : memref<5120x64xf32, #tpu.memory_space<vmem_shared>>) offsets(%dma_start3A_463 : memref<128xi32, #tpu.memory_space<vmem>>) semaphore(%arg33 : memref<!tpu.dma_semaphore, #tpu.memory_space<semaphore_mem>>) {add = true}
      } else {
      }
      %add3A_370 = arith.constant 2 : i32
      %add3A_371 = arith.addi %add3A_355, %add3A_370 : i32
      %ge3A_372 = arith.constant 40 : i32
      %ge3A_373 = arith.cmpi sge, %add3A_371, %ge3A_372 : i32
      %convert_element_type3A_374 = arith.extui %ge3A_373 : i1 to i32
      %cond3A_375 = arith.constant 0 : i32
      %cond3A_376 = arith.cmpi ne, %convert_element_type3A_374, %cond3A_375 : i32
      scf.if %cond3A_376 {
        %run_scoped3A_460 = arith.constant 1 : i32
        "tpu.region"() ({
          %run_scoped3A_461 = tpu.sem_alloc : memref<!tpu.dma_semaphore, #tpu.memory_space<semaphore_mem>>
          %dma_start3A_462 = arith.constant 0 : i32
          %dma_start3A_463 = tpu.memref_slice %arg12[%run_scoped3A_460, %dma_start3A_462] : memref<2x128xi32, #tpu.memory_space<vmem>> -> memref<1x128xi32, #tpu.memory_space<vmem>>
          %dma_start3A_464 = tpu.memref_squeeze %dma_start3A_463 : memref<1x128xi32, #tpu.memory_space<vmem>> -> memref<128xi32, #tpu.memory_space<vmem>>
          %dma_start3A_465 = arith.constant 0 : i32
          %dma_start3A_466 = arith.constant 0 : i32
          %dma_start3A_467 = tpu.memref_slice %arg18[%dma_start3A_465, %dma_start3A_466] : memref<5120x64xf32, #tpu.memory_space<vmem_shared>> -> memref<5120x64xf32, #tpu.memory_space<vmem_shared>>
          tpu.enqueue_indirect_dma source(%arg16 : memref<128x64xf32, #tpu.memory_space<vmem>>) target(%dma_start3A_467 : memref<5120x64xf32, #tpu.memory_space<vmem_shared>>) offsets(%dma_start3A_464 : memref<128xi32, #tpu.memory_space<vmem>>) semaphore(%run_scoped3A_461 : memref<!tpu.dma_semaphore, #tpu.memory_space<semaphore_mem>>) {add = true}
          %dma_wait3A_468 = arith.constant 0 : i32
          %dma_wait3A_469 = tpu.memref_slice %arg12[%run_scoped3A_460, %dma_wait3A_468] : memref<2x128xi32, #tpu.memory_space<vmem>> -> memref<1x128xi32, #tpu.memory_space<vmem>>
          %dma_wait3A_470 = tpu.memref_squeeze %dma_wait3A_469 : memref<1x128xi32, #tpu.memory_space<vmem>> -> memref<128xi32, #tpu.memory_space<vmem>>
          %dma_wait3A_471 = arith.constant 0 : i32
          %dma_wait3A_472 = arith.constant 0 : i32
          %dma_wait3A_473 = tpu.memref_slice %arg18[%dma_wait3A_471, %dma_wait3A_472] : memref<5120x64xf32, #tpu.memory_space<vmem_shared>> -> memref<5120x64xf32, #tpu.memory_space<vmem_shared>>
          tpu.wait_indirect_dma semaphore(%run_scoped3A_461 : memref<!tpu.dma_semaphore, #tpu.memory_space<semaphore_mem>>) src(%arg16 : memref<128x64xf32, #tpu.memory_space<vmem>>) dst(%dma_wait3A_473 : memref<5120x64xf32, #tpu.memory_space<vmem_shared>>)
          tpu.yield
        }) : () -> ()
      } else {
      }
      %ge3A_377 = arith.constant 2 : i32
      %ge3A_378 = arith.cmpi sge, %add3A_355, %ge3A_377 : i32
      %convert_element_type3A_379 = arith.extui %ge3A_378 : i1 to i32
      %cond3A_380 = arith.constant 0 : i32
      %cond3A_381 = arith.cmpi ne, %convert_element_type3A_379, %cond3A_380 : i32
      scf.if %cond3A_381 {
        %dma_wait3A_460 = arith.constant 1 : i32
        %dma_wait3A_461 = arith.constant 0 : i32
        %dma_wait3A_462 = tpu.memref_slice %arg10[%dma_wait3A_460, %dma_wait3A_461] : memref<2x128xi32, #tpu.memory_space<vmem>> -> memref<1x128xi32, #tpu.memory_space<vmem>>
        %dma_wait3A_463 = tpu.memref_squeeze %dma_wait3A_462 : memref<1x128xi32, #tpu.memory_space<vmem>> -> memref<128xi32, #tpu.memory_space<vmem>>
        %dma_wait3A_464 = arith.constant 0 : i32
        %dma_wait3A_465 = arith.constant 0 : i32
        %dma_wait3A_466 = tpu.memref_slice %arg18[%dma_wait3A_464, %dma_wait3A_465] : memref<5120x64xf32, #tpu.memory_space<vmem_shared>> -> memref<5120x64xf32, #tpu.memory_space<vmem_shared>>
        tpu.wait_indirect_dma semaphore(%arg31 : memref<!tpu.dma_semaphore, #tpu.memory_space<semaphore_mem>>) src(%arg14 : memref<128x64xf32, #tpu.memory_space<vmem>>) dst(%dma_wait3A_466 : memref<5120x64xf32, #tpu.memory_space<vmem_shared>>)
      } else {
      }
      %add3A_382 = arith.constant 2 : i32
      %add3A_383 = arith.addi %add3A_355, %add3A_382 : i32
      %lt3A_384 = arith.constant 40 : i32
      %lt3A_385 = arith.cmpi slt, %add3A_383, %lt3A_384 : i32
      %ge3A_386 = arith.constant 4 : i32
      %ge3A_387 = arith.cmpi sge, %add3A_355, %ge3A_386 : i32
      %and3A_388 = arith.andi %lt3A_385, %ge3A_387 : i1
      %convert_element_type3A_389 = arith.extui %and3A_388 : i1 to i32
      %cond3A_390 = arith.constant 0 : i32
      %cond3A_391 = arith.cmpi ne, %convert_element_type3A_389, %cond3A_390 : i32
      scf.if %cond3A_391 {
        %add3A_460 = arith.constant 2 : i32
        %add3A_461 = arith.addi %add3A_355, %add3A_460 : i32
        %dma_wait3A_462 = arith.constant 0 : i32
        %dma_wait3A_463 = arith.constant 0 : i32
        %dma_wait3A_464 = tpu.memref_slice %arg3[%arg0, %arg1, %add3A_461, %dma_wait3A_462, %dma_wait3A_463] : memref<2x16x40x2x128xi32, #tpu.memory_space<hbm>> -> memref<1x1x1x2x128xi32, #tpu.memory_space<hbm>>
        %dma_wait3A_465 = tpu.memref_squeeze %dma_wait3A_464 : memref<1x1x1x2x128xi32, #tpu.memory_space<hbm>> -> memref<2x128xi32, #tpu.memory_space<hbm>>
        %dma_wait3A_466 = arith.constant 0 : i32
        %dma_wait3A_467 = arith.constant 0 : i32
        %dma_wait3A_468 = tpu.memref_slice %arg3[%arg0, %arg1, %add3A_461, %dma_wait3A_466, %dma_wait3A_467] : memref<2x16x40x2x128xi32, #tpu.memory_space<hbm>> -> memref<1x1x1x2x128xi32, #tpu.memory_space<hbm>>
        %dma_wait3A_469 = tpu.memref_squeeze %dma_wait3A_468 : memref<1x1x1x2x128xi32, #tpu.memory_space<hbm>> -> memref<2x128xi32, #tpu.memory_space<hbm>>
        tpu.wait_dma2 semaphore(%arg23 : memref<!tpu.dma_semaphore, #tpu.memory_space<semaphore_mem>>) src(%dma_wait3A_469 : memref<2x128xi32, #tpu.memory_space<hbm>>) dst(%arg6 : memref<2x128xi32, #tpu.memory_space<vmem>>)
      } else {
      }
      %add3A_392 = arith.constant 2 : i32
      %add3A_393 = arith.addi %add3A_355, %add3A_392 : i32
      %lt3A_394 = arith.constant 40 : i32
      %lt3A_395 = arith.cmpi slt, %add3A_393, %lt3A_394 : i32
      %convert_element_type3A_396 = arith.extui %lt3A_395 : i1 to i32
      %cond3A_397 = arith.constant 0 : i32
      %cond3A_398 = arith.cmpi ne, %convert_element_type3A_396, %cond3A_397 : i32
      scf.if %cond3A_398 {
        %dma_start3A_460 = arith.constant 0 : i32
        %dma_start3A_461 = arith.constant 0 : i32
        %dma_start3A_462 = tpu.memref_slice %arg6[%dma_start3A_460, %dma_start3A_461] : memref<2x128xi32, #tpu.memory_space<vmem>> -> memref<1x128xi32, #tpu.memory_space<vmem>>
        %dma_start3A_463 = tpu.memref_squeeze %dma_start3A_462 : memref<1x128xi32, #tpu.memory_space<vmem>> -> memref<128xi32, #tpu.memory_space<vmem>>
        %dma_start3A_464 = arith.constant 0 : i32
        %dma_start3A_465 = arith.constant 0 : i32
        %dma_start3A_466 = tpu.memref_slice %arg2[%dma_start3A_464, %dma_start3A_465] : memref<20000x64xf32, #tpu.memory_space<hbm>> -> memref<20000x64xf32, #tpu.memory_space<hbm>>
        tpu.enqueue_indirect_dma source(%dma_start3A_466 : memref<20000x64xf32, #tpu.memory_space<hbm>>) target(%arg14 : memref<128x64xf32, #tpu.memory_space<vmem>>) offsets(%dma_start3A_463 : memref<128xi32, #tpu.memory_space<vmem>>) semaphore(%arg19 : memref<!tpu.dma_semaphore, #tpu.memory_space<semaphore_mem>>)
      } else {
      }
      %add3A_399 = arith.constant 6 : i32
      %add3A_400 = arith.addi %add3A_355, %add3A_399 : i32
      %lt3A_401 = arith.constant 40 : i32
      %lt3A_402 = arith.cmpi slt, %add3A_400, %lt3A_401 : i32
      %convert_element_type3A_403 = arith.extui %lt3A_402 : i1 to i32
      %cond3A_404 = arith.constant 0 : i32
      %cond3A_405 = arith.cmpi ne, %convert_element_type3A_403, %cond3A_404 : i32
      scf.if %cond3A_405 {
        %add3A_460 = arith.constant 6 : i32
        %add3A_461 = arith.addi %add3A_355, %add3A_460 : i32
        %dma_start3A_462 = arith.constant 0 : i32
        %dma_start3A_463 = arith.constant 0 : i32
        %dma_start3A_464 = tpu.memref_slice %arg3[%arg0, %arg1, %add3A_461, %dma_start3A_462, %dma_start3A_463] : memref<2x16x40x2x128xi32, #tpu.memory_space<hbm>> -> memref<1x1x1x2x128xi32, #tpu.memory_space<hbm>>
        %dma_start3A_465 = tpu.memref_squeeze %dma_start3A_464 : memref<1x1x1x2x128xi32, #tpu.memory_space<hbm>> -> memref<2x128xi32, #tpu.memory_space<hbm>>
        %dma_start3A_466 = arith.constant 0 : i32
        %dma_start3A_467 = arith.constant 0 : i32
        %dma_start3A_468 = tpu.memref_slice %arg3[%arg0, %arg1, %add3A_461, %dma_start3A_466, %dma_start3A_467] : memref<2x16x40x2x128xi32, #tpu.memory_space<hbm>> -> memref<1x1x1x2x128xi32, #tpu.memory_space<hbm>>
        %dma_start3A_469 = tpu.memref_squeeze %dma_start3A_468 : memref<1x1x1x2x128xi32, #tpu.memory_space<hbm>> -> memref<2x128xi32, #tpu.memory_space<hbm>>
        tpu.enqueue_dma source(%dma_start3A_469 : memref<2x128xi32, #tpu.memory_space<hbm>>) target(%arg10 : memref<2x128xi32, #tpu.memory_space<vmem>>) target_semaphore(%arg27 : memref<!tpu.dma_semaphore, #tpu.memory_space<semaphore_mem>>)
      } else {
      }
      %mul3A_406 = arith.constant 8 : i32
      %mul3A_407 = arith.muli %mul3A_406, %scan3A_33 : i32
      %add3A_408 = arith.constant 7 : i32
      %add3A_409 = arith.addi %mul3A_407, %add3A_408 : i32
      %dma_wait3A_410 = arith.constant 0 : i32
      %dma_wait3A_411 = arith.constant 0 : i32
      %dma_wait3A_412 = tpu.memref_slice %arg13[%dma_wait3A_410, %dma_wait3A_411] : memref<2x128xi32, #tpu.memory_space<vmem>> -> memref<1x128xi32, #tpu.memory_space<vmem>>
      %dma_wait3A_413 = tpu.memref_squeeze %dma_wait3A_412 : memref<1x128xi32, #tpu.memory_space<vmem>> -> memref<128xi32, #tpu.memory_space<vmem>>
      %dma_wait3A_414 = arith.constant 0 : i32
      %dma_wait3A_415 = arith.constant 0 : i32
      %dma_wait3A_416 = tpu.memref_slice %arg2[%dma_wait3A_414, %dma_wait3A_415] : memref<20000x64xf32, #tpu.memory_space<hbm>> -> memref<20000x64xf32, #tpu.memory_space<hbm>>
      tpu.wait_indirect_dma semaphore(%arg22 : memref<!tpu.dma_semaphore, #tpu.memory_space<semaphore_mem>>) src(%dma_wait3A_416 : memref<20000x64xf32, #tpu.memory_space<hbm>>) dst(%arg17 : memref<128x64xf32, #tpu.memory_space<vmem>>)
      %add3A_417 = arith.constant 2 : i32
      %add3A_418 = arith.addi %add3A_409, %add3A_417 : i32
      %lt3A_419 = arith.constant 40 : i32
      %lt3A_420 = arith.cmpi slt, %add3A_418, %lt3A_419 : i32
      %convert_element_type3A_421 = arith.extui %lt3A_420 : i1 to i32
      %cond3A_422 = arith.constant 0 : i32
      %cond3A_423 = arith.cmpi ne, %convert_element_type3A_421, %cond3A_422 : i32
      scf.if %cond3A_423 {
        %dma_start3A_460 = arith.constant 1 : i32
        %dma_start3A_461 = arith.constant 0 : i32
        %dma_start3A_462 = tpu.memref_slice %arg13[%dma_start3A_460, %dma_start3A_461] : memref<2x128xi32, #tpu.memory_space<vmem>> -> memref<1x128xi32, #tpu.memory_space<vmem>>
        %dma_start3A_463 = tpu.memref_squeeze %dma_start3A_462 : memref<1x128xi32, #tpu.memory_space<vmem>> -> memref<128xi32, #tpu.memory_space<vmem>>
        %dma_start3A_464 = arith.constant 0 : i32
        %dma_start3A_465 = arith.constant 0 : i32
        %dma_start3A_466 = tpu.memref_slice %arg18[%dma_start3A_464, %dma_start3A_465] : memref<5120x64xf32, #tpu.memory_space<vmem_shared>> -> memref<5120x64xf32, #tpu.memory_space<vmem_shared>>
        tpu.enqueue_indirect_dma source(%arg17 : memref<128x64xf32, #tpu.memory_space<vmem>>) target(%dma_start3A_466 : memref<5120x64xf32, #tpu.memory_space<vmem_shared>>) offsets(%dma_start3A_463 : memref<128xi32, #tpu.memory_space<vmem>>) semaphore(%arg34 : memref<!tpu.dma_semaphore, #tpu.memory_space<semaphore_mem>>) {add = true}
      } else {
      }
      %add3A_424 = arith.constant 2 : i32
      %add3A_425 = arith.addi %add3A_409, %add3A_424 : i32
      %ge3A_426 = arith.constant 40 : i32
      %ge3A_427 = arith.cmpi sge, %add3A_425, %ge3A_426 : i32
      %convert_element_type3A_428 = arith.extui %ge3A_427 : i1 to i32
      %cond3A_429 = arith.constant 0 : i32
      %cond3A_430 = arith.cmpi ne, %convert_element_type3A_428, %cond3A_429 : i32
      scf.if %cond3A_430 {
        %run_scoped3A_460 = arith.constant 1 : i32
        "tpu.region"() ({
          %run_scoped3A_461 = tpu.sem_alloc : memref<!tpu.dma_semaphore, #tpu.memory_space<semaphore_mem>>
          %dma_start3A_462 = arith.constant 0 : i32
          %dma_start3A_463 = tpu.memref_slice %arg13[%run_scoped3A_460, %dma_start3A_462] : memref<2x128xi32, #tpu.memory_space<vmem>> -> memref<1x128xi32, #tpu.memory_space<vmem>>
          %dma_start3A_464 = tpu.memref_squeeze %dma_start3A_463 : memref<1x128xi32, #tpu.memory_space<vmem>> -> memref<128xi32, #tpu.memory_space<vmem>>
          %dma_start3A_465 = arith.constant 0 : i32
          %dma_start3A_466 = arith.constant 0 : i32
          %dma_start3A_467 = tpu.memref_slice %arg18[%dma_start3A_465, %dma_start3A_466] : memref<5120x64xf32, #tpu.memory_space<vmem_shared>> -> memref<5120x64xf32, #tpu.memory_space<vmem_shared>>
          tpu.enqueue_indirect_dma source(%arg17 : memref<128x64xf32, #tpu.memory_space<vmem>>) target(%dma_start3A_467 : memref<5120x64xf32, #tpu.memory_space<vmem_shared>>) offsets(%dma_start3A_464 : memref<128xi32, #tpu.memory_space<vmem>>) semaphore(%run_scoped3A_461 : memref<!tpu.dma_semaphore, #tpu.memory_space<semaphore_mem>>) {add = true}
          %dma_wait3A_468 = arith.constant 0 : i32
          %dma_wait3A_469 = tpu.memref_slice %arg13[%run_scoped3A_460, %dma_wait3A_468] : memref<2x128xi32, #tpu.memory_space<vmem>> -> memref<1x128xi32, #tpu.memory_space<vmem>>
          %dma_wait3A_470 = tpu.memref_squeeze %dma_wait3A_469 : memref<1x128xi32, #tpu.memory_space<vmem>> -> memref<128xi32, #tpu.memory_space<vmem>>
          %dma_wait3A_471 = arith.constant 0 : i32
          %dma_wait3A_472 = arith.constant 0 : i32
          %dma_wait3A_473 = tpu.memref_slice %arg18[%dma_wait3A_471, %dma_wait3A_472] : memref<5120x64xf32, #tpu.memory_space<vmem_shared>> -> memref<5120x64xf32, #tpu.memory_space<vmem_shared>>
          tpu.wait_indirect_dma semaphore(%run_scoped3A_461 : memref<!tpu.dma_semaphore, #tpu.memory_space<semaphore_mem>>) src(%arg17 : memref<128x64xf32, #tpu.memory_space<vmem>>) dst(%dma_wait3A_473 : memref<5120x64xf32, #tpu.memory_space<vmem_shared>>)
          tpu.yield
        }) : () -> ()
      } else {
      }
      %ge3A_431 = arith.constant 2 : i32
      %ge3A_432 = arith.cmpi sge, %add3A_409, %ge3A_431 : i32
      %convert_element_type3A_433 = arith.extui %ge3A_432 : i1 to i32
      %cond3A_434 = arith.constant 0 : i32
      %cond3A_435 = arith.cmpi ne, %convert_element_type3A_433, %cond3A_434 : i32
      scf.if %cond3A_435 {
        %dma_wait3A_460 = arith.constant 1 : i32
        %dma_wait3A_461 = arith.constant 0 : i32
        %dma_wait3A_462 = tpu.memref_slice %arg11[%dma_wait3A_460, %dma_wait3A_461] : memref<2x128xi32, #tpu.memory_space<vmem>> -> memref<1x128xi32, #tpu.memory_space<vmem>>
        %dma_wait3A_463 = tpu.memref_squeeze %dma_wait3A_462 : memref<1x128xi32, #tpu.memory_space<vmem>> -> memref<128xi32, #tpu.memory_space<vmem>>
        %dma_wait3A_464 = arith.constant 0 : i32
        %dma_wait3A_465 = arith.constant 0 : i32
        %dma_wait3A_466 = tpu.memref_slice %arg18[%dma_wait3A_464, %dma_wait3A_465] : memref<5120x64xf32, #tpu.memory_space<vmem_shared>> -> memref<5120x64xf32, #tpu.memory_space<vmem_shared>>
        tpu.wait_indirect_dma semaphore(%arg32 : memref<!tpu.dma_semaphore, #tpu.memory_space<semaphore_mem>>) src(%arg15 : memref<128x64xf32, #tpu.memory_space<vmem>>) dst(%dma_wait3A_466 : memref<5120x64xf32, #tpu.memory_space<vmem_shared>>)
      } else {
      }
      %add3A_436 = arith.constant 2 : i32
      %add3A_437 = arith.addi %add3A_409, %add3A_436 : i32
      %lt3A_438 = arith.constant 40 : i32
      %lt3A_439 = arith.cmpi slt, %add3A_437, %lt3A_438 : i32
      %ge3A_440 = arith.constant 4 : i32
      %ge3A_441 = arith.cmpi sge, %add3A_409, %ge3A_440 : i32
      %and3A_442 = arith.andi %lt3A_439, %ge3A_441 : i1
      %convert_element_type3A_443 = arith.extui %and3A_442 : i1 to i32
      %cond3A_444 = arith.constant 0 : i32
      %cond3A_445 = arith.cmpi ne, %convert_element_type3A_443, %cond3A_444 : i32
      scf.if %cond3A_445 {
        %add3A_460 = arith.constant 2 : i32
        %add3A_461 = arith.addi %add3A_409, %add3A_460 : i32
        %dma_wait3A_462 = arith.constant 0 : i32
        %dma_wait3A_463 = arith.constant 0 : i32
        %dma_wait3A_464 = tpu.memref_slice %arg3[%arg0, %arg1, %add3A_461, %dma_wait3A_462, %dma_wait3A_463] : memref<2x16x40x2x128xi32, #tpu.memory_space<hbm>> -> memref<1x1x1x2x128xi32, #tpu.memory_space<hbm>>
        %dma_wait3A_465 = tpu.memref_squeeze %dma_wait3A_464 : memref<1x1x1x2x128xi32, #tpu.memory_space<hbm>> -> memref<2x128xi32, #tpu.memory_space<hbm>>
        %dma_wait3A_466 = arith.constant 0 : i32
        %dma_wait3A_467 = arith.constant 0 : i32
        %dma_wait3A_468 = tpu.memref_slice %arg3[%arg0, %arg1, %add3A_461, %dma_wait3A_466, %dma_wait3A_467] : memref<2x16x40x2x128xi32, #tpu.memory_space<hbm>> -> memref<1x1x1x2x128xi32, #tpu.memory_space<hbm>>
        %dma_wait3A_469 = tpu.memref_squeeze %dma_wait3A_468 : memref<1x1x1x2x128xi32, #tpu.memory_space<hbm>> -> memref<2x128xi32, #tpu.memory_space<hbm>>
        tpu.wait_dma2 semaphore(%arg24 : memref<!tpu.dma_semaphore, #tpu.memory_space<semaphore_mem>>) src(%dma_wait3A_469 : memref<2x128xi32, #tpu.memory_space<hbm>>) dst(%arg7 : memref<2x128xi32, #tpu.memory_space<vmem>>)
      } else {
      }
      %add3A_446 = arith.constant 2 : i32
      %add3A_447 = arith.addi %add3A_409, %add3A_446 : i32
      %lt3A_448 = arith.constant 40 : i32
      %lt3A_449 = arith.cmpi slt, %add3A_447, %lt3A_448 : i32
      %convert_element_type3A_450 = arith.extui %lt3A_449 : i1 to i32
      %cond3A_451 = arith.constant 0 : i32
      %cond3A_452 = arith.cmpi ne, %convert_element_type3A_450, %cond3A_451 : i32
      scf.if %cond3A_452 {
        %dma_start3A_460 = arith.constant 0 : i32
        %dma_start3A_461 = arith.constant 0 : i32
        %dma_start3A_462 = tpu.memref_slice %arg7[%dma_start3A_460, %dma_start3A_461] : memref<2x128xi32, #tpu.memory_space<vmem>> -> memref<1x128xi32, #tpu.memory_space<vmem>>
        %dma_start3A_463 = tpu.memref_squeeze %dma_start3A_462 : memref<1x128xi32, #tpu.memory_space<vmem>> -> memref<128xi32, #tpu.memory_space<vmem>>
        %dma_start3A_464 = arith.constant 0 : i32
        %dma_start3A_465 = arith.constant 0 : i32
        %dma_start3A_466 = tpu.memref_slice %arg2[%dma_start3A_464, %dma_start3A_465] : memref<20000x64xf32, #tpu.memory_space<hbm>> -> memref<20000x64xf32, #tpu.memory_space<hbm>>
        tpu.enqueue_indirect_dma source(%dma_start3A_466 : memref<20000x64xf32, #tpu.memory_space<hbm>>) target(%arg15 : memref<128x64xf32, #tpu.memory_space<vmem>>) offsets(%dma_start3A_463 : memref<128xi32, #tpu.memory_space<vmem>>) semaphore(%arg20 : memref<!tpu.dma_semaphore, #tpu.memory_space<semaphore_mem>>)
      } else {
      }
      %add3A_453 = arith.constant 6 : i32
      %add3A_454 = arith.addi %add3A_409, %add3A_453 : i32
      %lt3A_455 = arith.constant 40 : i32
      %lt3A_456 = arith.cmpi slt, %add3A_454, %lt3A_455 : i32
      %convert_element_type3A_457 = arith.extui %lt3A_456 : i1 to i32
      %cond3A_458 = arith.constant 0 : i32
      %cond3A_459 = arith.cmpi ne, %convert_element_type3A_457, %cond3A_458 : i32
      scf.if %cond3A_459 {
        %add3A_460 = arith.constant 6 : i32
        %add3A_461 = arith.addi %add3A_409, %add3A_460 : i32
        %dma_start3A_462 = arith.constant 0 : i32
        %dma_start3A_463 = arith.constant 0 : i32
        %dma_start3A_464 = tpu.memref_slice %arg3[%arg0, %arg1, %add3A_461, %dma_start3A_462, %dma_start3A_463] : memref<2x16x40x2x128xi32, #tpu.memory_space<hbm>> -> memref<1x1x1x2x128xi32, #tpu.memory_space<hbm>>
        %dma_start3A_465 = tpu.memref_squeeze %dma_start3A_464 : memref<1x1x1x2x128xi32, #tpu.memory_space<hbm>> -> memref<2x128xi32, #tpu.memory_space<hbm>>
        %dma_start3A_466 = arith.constant 0 : i32
        %dma_start3A_467 = arith.constant 0 : i32
        %dma_start3A_468 = tpu.memref_slice %arg3[%arg0, %arg1, %add3A_461, %dma_start3A_466, %dma_start3A_467] : memref<2x16x40x2x128xi32, #tpu.memory_space<hbm>> -> memref<1x1x1x2x128xi32, #tpu.memory_space<hbm>>
        %dma_start3A_469 = tpu.memref_squeeze %dma_start3A_468 : memref<1x1x1x2x128xi32, #tpu.memory_space<hbm>> -> memref<2x128xi32, #tpu.memory_space<hbm>>
        tpu.enqueue_dma source(%dma_start3A_469 : memref<2x128xi32, #tpu.memory_space<hbm>>) target(%arg11 : memref<2x128xi32, #tpu.memory_space<vmem>>) target_semaphore(%arg28 : memref<!tpu.dma_semaphore, #tpu.memory_space<semaphore_mem>>)
      } else {
      }
    }
    %scan3A_25 = arith.constant 5 : i32
    %barrier3A_26 = arith.constant 0 : index
    tpu.barrier barrier_id(%barrier3A_26)
    %mul3A_27 = arith.constant 320 : i32
    %mul3A_28 = arith.muli %arg1, %mul3A_27 : i32
    %mul3A_29 = arith.constant 5120 : i32
    %mul3A_30 = arith.muli %arg0, %mul3A_29 : i32
    %mul3A_31 = arith.constant 320 : i32
    %mul3A_32 = arith.muli %arg1, %mul3A_31 : i32
    %add3A = arith.addi %mul3A_30, %mul3A_32 : i32
    "tpu.region"() ({
      %run_scoped3A_33 = tpu.sem_alloc : memref<!tpu.dma_semaphore, #tpu.memory_space<semaphore_mem>>
      %dma_start3A_34 = arith.constant 0 : i32
      %dma_start3A_35 = tpu.memref_slice %arg5[%add3A, %dma_start3A_34] : memref<10240x64xf32, #tpu.memory_space<hbm>> -> memref<320x64xf32, #tpu.memory_space<hbm>>
      %dma_start3A_36 = arith.constant 0 : i32
      %dma_start3A_37 = tpu.memref_slice %arg18[%mul3A_28, %dma_start3A_36] : memref<5120x64xf32, #tpu.memory_space<vmem_shared>> -> memref<320x64xf32, #tpu.memory_space<vmem_shared>>
      tpu.enqueue_dma source(%dma_start3A_37 : memref<320x64xf32, #tpu.memory_space<vmem_shared>>) target(%dma_start3A_35 : memref<320x64xf32, #tpu.memory_space<hbm>>) target_semaphore(%run_scoped3A_33 : memref<!tpu.dma_semaphore, #tpu.memory_space<semaphore_mem>>)
      %dma_wait3A = arith.constant 0 : i32
      %dma_wait3A_38 = tpu.memref_slice %arg5[%add3A, %dma_wait3A] : memref<10240x64xf32, #tpu.memory_space<hbm>> -> memref<320x64xf32, #tpu.memory_space<hbm>>
      %dma_wait3A_39 = arith.constant 0 : i32
      %dma_wait3A_40 = tpu.memref_slice %arg18[%mul3A_28, %dma_wait3A_39] : memref<5120x64xf32, #tpu.memory_space<vmem_shared>> -> memref<320x64xf32, #tpu.memory_space<vmem_shared>>
      tpu.wait_dma2 semaphore(%run_scoped3A_33 : memref<!tpu.dma_semaphore, #tpu.memory_space<semaphore_mem>>) src(%dma_wait3A_40 : memref<320x64xf32, #tpu.memory_space<vmem_shared>>) dst(%dma_wait3A_38 : memref<320x64xf32, #tpu.memory_space<hbm>>)
      tpu.yield
    }) : () -> ()
    return
  }
}

module attributes {stable_mosaic.version = 14 : i64} {
  func.func @body(%arg0: i32, %arg1: i32, %arg2: memref<2x1x1000x64xf32, #tpu.memory_space<vmem>>, %arg3: memref<1000x128xf32, #tpu.memory_space<vmem>>, %arg4: memref<2x64x128xf32, #tpu.memory_space<vmem>>, %arg5: memref<128x128xf32, #tpu.memory_space<vmem>>, %arg6: memref<1x128xf32, #tpu.memory_space<vmem>>, %arg7: memref<1x128xf32, #tpu.memory_space<vmem>>, %arg8: memref<1x128xf32, #tpu.memory_space<vmem>>, %arg9: memref<1000x128xf32, #tpu.memory_space<vmem>>, %arg10: memref<25000x128xf32, #tpu.memory_space<vmem>>, %arg11: memref<8x128xf32, #tpu.memory_space<vmem>>) attributes {dimension_semantics = [#tpu.dimension_semantics<arbitrary>, #tpu.dimension_semantics<arbitrary>], iteration_bounds = array<i64: 2, 25>, scalar_prefetch = 0 : i64, scratch_operands = 2 : i64, tpu.core_type = #tpu.core_type<tc>, window_params = [{transform_indices = @transform_0, window_bounds = array<i64: 2, 1, 1000, 64>}, {transform_indices = @transform_1, window_bounds = array<i64: 1000, 128>}, {pipeline_mode = #tpu.pipeline_mode<synchronous>, transform_indices = @transform_2, window_bounds = array<i64: 2, 64, 128>}, {pipeline_mode = #tpu.pipeline_mode<synchronous>, transform_indices = @transform_3, window_bounds = array<i64: 128, 128>}, {pipeline_mode = #tpu.pipeline_mode<synchronous>, transform_indices = @transform_4, window_bounds = array<i64: 1, 128>}, {pipeline_mode = #tpu.pipeline_mode<synchronous>, transform_indices = @transform_5, window_bounds = array<i64: 1, 128>}, {pipeline_mode = #tpu.pipeline_mode<synchronous>, transform_indices = @transform_6, window_bounds = array<i64: 1, 128>}, {transform_indices = @transform_7, window_bounds = array<i64: 1000, 128>}]} {
    %eq3A = arith.constant 0 : i32
    %eq3A_0 = arith.cmpi eq, %arg0, %eq3A : i32
    %convert_element_type3A = arith.extui %eq3A_0 : i1 to i32
    %cond3A = arith.constant 0 : i32
    %cond3A_1 = arith.cmpi ne, %convert_element_type3A, %cond3A : i32
    scf.if %cond3A_1 {
      %get3A = arith.constant 0 : index
      %get3A_7 = arith.constant 0 : index
      %get3A_8 = arith.constant 0 : index
      %get3A_9 = arith.constant 0 : index
      %get3A_10 = vector.load %arg2[%get3A, %get3A_7, %get3A_8, %get3A_9] : memref<2x1x1000x64xf32, #tpu.memory_space<vmem>>, vector<2x1x1000x64xf32>
      %slice3A = vector.extract_strided_slice %get3A_10 {offsets = [0, 0, 0, 0], sizes = [1, 1, 1000, 64], strides = [1, 1, 1, 1]} : vector<2x1x1000x64xf32> to vector<1x1x1000x64xf32>
      %squeeze3A = vector.shape_cast %slice3A : vector<1x1x1000x64xf32> to vector<1000x64xf32>
      %slice3A_11 = vector.extract_strided_slice %get3A_10 {offsets = [1, 0, 0, 0], sizes = [1, 1, 1000, 64], strides = [1, 1, 1, 1]} : vector<2x1x1000x64xf32> to vector<1x1x1000x64xf32>
      %squeeze3A_12 = vector.shape_cast %slice3A_11 : vector<1x1x1000x64xf32> to vector<1000x64xf32>
      %get3A_13 = arith.constant 0 : index
      %get3A_14 = arith.constant 0 : index
      %get3A_15 = arith.constant 0 : index
      %get3A_16 = vector.load %arg4[%get3A_13, %get3A_14, %get3A_15] : memref<2x64x128xf32, #tpu.memory_space<vmem>>, vector<1x64x128xf32>
      %get3A_17 = vector.shape_cast %get3A_16 : vector<1x64x128xf32> to vector<64x128xf32>
      %dot_general3A = arith.constant dense<0.000000e+00> : vector<1000x128xf32>
      %dot_general3A_18 = tpu.matmul %squeeze3A, %get3A_17, %dot_general3A {dimension_numbers = #tpu.dot_dimension_numbers<[1], [0], [0], [1], [0, 0, 1, 1], [], []>, transpose_lhs_hint = false} : vector<1000x64xf32>, vector<64x128xf32>, vector<1000x128xf32> -> vector<1000x128xf32>
      %get3A_19 = arith.constant 1 : index
      %get3A_20 = arith.constant 0 : index
      %get3A_21 = arith.constant 0 : index
      %get3A_22 = vector.load %arg4[%get3A_19, %get3A_20, %get3A_21] : memref<2x64x128xf32, #tpu.memory_space<vmem>>, vector<1x64x128xf32>
      %get3A_23 = vector.shape_cast %get3A_22 : vector<1x64x128xf32> to vector<64x128xf32>
      %dot_general3A_24 = arith.constant dense<0.000000e+00> : vector<1000x128xf32>
      %dot_general3A_25 = tpu.matmul %squeeze3A_12, %get3A_23, %dot_general3A_24 {dimension_numbers = #tpu.dot_dimension_numbers<[1], [0], [0], [1], [0, 0, 1, 1], [], []>, transpose_lhs_hint = false} : vector<1000x64xf32>, vector<64x128xf32>, vector<1000x128xf32> -> vector<1000x128xf32>
      %add3A = arith.addf %dot_general3A_18, %dot_general3A_25 : vector<1000x128xf32>
      %get3A_26 = arith.constant 0 : index
      %get3A_27 = arith.constant 0 : index
      %get3A_28 = vector.load %arg3[%get3A_26, %get3A_27] : memref<1000x128xf32, #tpu.memory_space<vmem>>, vector<1000x128xf32>
      %get3A_29 = arith.constant 0 : index
      %get3A_30 = arith.constant 0 : index
      %get3A_31 = vector.load %arg5[%get3A_29, %get3A_30] : memref<128x128xf32, #tpu.memory_space<vmem>>, vector<128x128xf32>
      %dot_general3A_32 = arith.constant dense<0.000000e+00> : vector<1000x128xf32>
      %dot_general3A_33 = tpu.matmul %get3A_28, %get3A_31, %dot_general3A_32 {dimension_numbers = #tpu.dot_dimension_numbers<[1], [0], [0], [1], [0, 0, 1, 1], [], []>, transpose_lhs_hint = false} : vector<1000x128xf32>, vector<128x128xf32>, vector<1000x128xf32> -> vector<1000x128xf32>
      %add3A_34 = arith.addf %add3A, %dot_general3A_33 : vector<1000x128xf32>
      %get3A_35 = arith.constant 0 : index
      %get3A_36 = arith.constant 0 : index
      %get3A_37 = vector.load %arg6[%get3A_35, %get3A_36] : memref<1x128xf32, #tpu.memory_space<vmem>>, vector<1x128xf32>
      %add3A_38 = vector.broadcast %get3A_37 : vector<1x128xf32> to vector<1000x128xf32>
      %add3A_39 = arith.addf %add3A_34, %add3A_38 : vector<1000x128xf32>
      %mul3A = arith.constant 1000 : i32
      %mul3A_40 = arith.muli %arg1, %mul3A : i32
      %swap3A = arith.index_cast %mul3A_40 : i32 to index
      %swap3A_41 = arith.constant 0 : index
      %swap3A_42 = vector.load %arg10[%swap3A, %swap3A_41] : memref<25000x128xf32, #tpu.memory_space<vmem>>, vector<1000x128xf32>
      tpu.vector_store %arg10[%swap3A, %swap3A_41], %add3A_39 {strides = array<i32>} : memref<25000x128xf32, #tpu.memory_space<vmem>>, vector<1000x128xf32>,
      %eq3A_43 = arith.constant 0 : i32
      %eq3A_44 = arith.cmpi eq, %arg1, %eq3A_43 : i32
      %convert_element_type3A_45 = arith.extui %eq3A_44 : i1 to i32
      %cond3A_46 = arith.constant 0 : i32
      %cond3A_47 = arith.cmpi ne, %convert_element_type3A_45, %cond3A_46 : i32
      scf.if %cond3A_47 {
        %broadcast_in_dim3A_67 = arith.constant 0.000000e+00 : f32
        %broadcast_in_dim3A_68 = vector.broadcast %broadcast_in_dim3A_67 : f32 to vector<8x128xf32>
        %swap3A_69 = arith.constant 0 : index
        %swap3A_70 = arith.constant 0 : index
        %swap3A_71 = vector.load %arg11[%swap3A_69, %swap3A_70] : memref<8x128xf32, #tpu.memory_space<vmem>>, vector<8x128xf32>
        tpu.vector_store %arg11[%swap3A_69, %swap3A_70], %broadcast_in_dim3A_68 {strides = array<i32>} : memref<8x128xf32, #tpu.memory_space<vmem>>, vector<8x128xf32>,
      } else {
      }
      %get3A_48 = arith.constant 0 : index
      %get3A_49 = arith.constant 0 : index
      %get3A_50 = vector.load %arg11[%get3A_48, %get3A_49] : memref<8x128xf32, #tpu.memory_space<vmem>>, vector<1x128xf32>
      %reduce_sum3A = arith.constant dense<0.000000e+00> : vector<128xf32>
      %reduce_sum3A_51 = vector.multi_reduction <add>, %add3A_39, %reduce_sum3A [0] : vector<1000x128xf32> to vector<128xf32>
      %broadcast_in_dim3A = vector.shape_cast %reduce_sum3A_51 : vector<128xf32> to vector<1x128xf32>
      %add3A_52 = arith.addf %get3A_50, %broadcast_in_dim3A : vector<1x128xf32>
      %swap3A_53 = arith.constant 0 : index
      %swap3A_54 = arith.constant 0 : index
      %swap3A_55 = vector.load %arg11[%swap3A_53, %swap3A_54] : memref<8x128xf32, #tpu.memory_space<vmem>>, vector<1x128xf32>
      tpu.vector_store %arg11[%swap3A_53, %swap3A_54], %add3A_52 {strides = array<i32>} : memref<8x128xf32, #tpu.memory_space<vmem>>, vector<1x128xf32>,
      %get3A_56 = arith.constant 1 : index
      %get3A_57 = arith.constant 0 : index
      %get3A_58 = vector.load %arg11[%get3A_56, %get3A_57] : memref<8x128xf32, #tpu.memory_space<vmem>>, vector<1x128xf32>
      %mul3A_59 = arith.mulf %add3A_39, %add3A_39 : vector<1000x128xf32>
      %reduce_sum3A_60 = arith.constant dense<0.000000e+00> : vector<128xf32>
      %reduce_sum3A_61 = vector.multi_reduction <add>, %mul3A_59, %reduce_sum3A_60 [0] : vector<1000x128xf32> to vector<128xf32>
      %broadcast_in_dim3A_62 = vector.shape_cast %reduce_sum3A_61 : vector<128xf32> to vector<1x128xf32>
      %add3A_63 = arith.addf %get3A_58, %broadcast_in_dim3A_62 : vector<1x128xf32>
      %swap3A_64 = arith.constant 1 : index
      %swap3A_65 = arith.constant 0 : index
      %swap3A_66 = vector.load %arg11[%swap3A_64, %swap3A_65] : memref<8x128xf32, #tpu.memory_space<vmem>>, vector<1x128xf32>
      tpu.vector_store %arg11[%swap3A_64, %swap3A_65], %add3A_63 {strides = array<i32>} : memref<8x128xf32, #tpu.memory_space<vmem>>, vector<1x128xf32>,
    } else {
    }
    %eq3A_2 = arith.constant 1 : i32
    %eq3A_3 = arith.cmpi eq, %arg0, %eq3A_2 : i32
    %convert_element_type3A_4 = arith.extui %eq3A_3 : i1 to i32
    %cond3A_5 = arith.constant 0 : i32
    %cond3A_6 = arith.cmpi ne, %convert_element_type3A_4, %cond3A_5 : i32
    scf.if %cond3A_6 {
      %get3A = arith.constant 0 : index
      %get3A_7 = arith.constant 0 : index
      %get3A_8 = vector.load %arg11[%get3A, %get3A_7] : memref<8x128xf32, #tpu.memory_space<vmem>>, vector<1x128xf32>
      %mul3A = arith.constant 4.000000e-05 : f32
      %mul3A_9 = vector.broadcast %mul3A : f32 to vector<1x128xf32>
      %mul3A_10 = arith.mulf %get3A_8, %mul3A_9 : vector<1x128xf32>
      %get3A_11 = arith.constant 1 : index
      %get3A_12 = arith.constant 0 : index
      %get3A_13 = vector.load %arg11[%get3A_11, %get3A_12] : memref<8x128xf32, #tpu.memory_space<vmem>>, vector<1x128xf32>
      %mul3A_14 = arith.constant 4.000000e-05 : f32
      %mul3A_15 = vector.broadcast %mul3A_14 : f32 to vector<1x128xf32>
      %mul3A_16 = arith.mulf %get3A_13, %mul3A_15 : vector<1x128xf32>
      %mul3A_17 = arith.mulf %mul3A_10, %mul3A_10 : vector<1x128xf32>
      %sub3A = arith.subf %mul3A_16, %mul3A_17 : vector<1x128xf32>
      %add3A = arith.constant 9.99999974E-6 : f32
      %add3A_18 = vector.broadcast %add3A : f32 to vector<1x128xf32>
      %add3A_19 = arith.addf %sub3A, %add3A_18 : vector<1x128xf32>
      %rsqrt3A = math.rsqrt %add3A_19 : vector<1x128xf32>
      %mul3A_20 = arith.constant 1000 : i32
      %mul3A_21 = arith.muli %arg1, %mul3A_20 : i32
      %get3A_22 = arith.index_cast %mul3A_21 : i32 to index
      %get3A_23 = arith.constant 0 : index
      %get3A_24 = vector.load %arg10[%get3A_22, %get3A_23] : memref<25000x128xf32, #tpu.memory_space<vmem>>, vector<1000x128xf32>
      %get3A_25 = arith.constant 0 : index
      %get3A_26 = arith.constant 0 : index
      %get3A_27 = vector.load %arg7[%get3A_25, %get3A_26] : memref<1x128xf32, #tpu.memory_space<vmem>>, vector<1x128xf32>
      %sub3A_28 = vector.broadcast %mul3A_10 : vector<1x128xf32> to vector<1000x128xf32>
      %sub3A_29 = arith.subf %get3A_24, %sub3A_28 : vector<1000x128xf32>
      %mul3A_30 = vector.broadcast %get3A_27 : vector<1x128xf32> to vector<1000x128xf32>
      %mul3A_31 = arith.mulf %mul3A_30, %sub3A_29 : vector<1000x128xf32>
      %mul3A_32 = vector.broadcast %rsqrt3A : vector<1x128xf32> to vector<1000x128xf32>
      %mul3A_33 = arith.mulf %mul3A_31, %mul3A_32 : vector<1000x128xf32>
      %get3A_34 = arith.constant 0 : index
      %get3A_35 = arith.constant 0 : index
      %get3A_36 = vector.load %arg8[%get3A_34, %get3A_35] : memref<1x128xf32, #tpu.memory_space<vmem>>, vector<1x128xf32>
      %add3A_37 = vector.broadcast %get3A_36 : vector<1x128xf32> to vector<1000x128xf32>
      %add3A_38 = arith.addf %mul3A_33, %add3A_37 : vector<1000x128xf32>
      %max3A = arith.constant 0.000000e+00 : f32
      %max3A_39 = vector.broadcast %max3A : f32 to vector<1000x128xf32>
      %max3A_40 = arith.maximumf %add3A_38, %max3A_39 : vector<1000x128xf32>
      %swap3A = arith.constant 0 : index
      %swap3A_41 = arith.constant 0 : index
      %swap3A_42 = vector.load %arg9[%swap3A, %swap3A_41] : memref<1000x128xf32, #tpu.memory_space<vmem>>, vector<1000x128xf32>
      tpu.vector_store %arg9[%swap3A, %swap3A_41], %max3A_40 {strides = array<i32>} : memref<1000x128xf32, #tpu.memory_space<vmem>>, vector<1000x128xf32>,
    } else {
    }
    return
  }
  func.func @transform_0(%arg0: i32, %arg1: i32) -> (i32, i32, i32, i32) {
    %sub3A = arith.constant 1 : i32
    %sub3A_0 = arith.subi %sub3A, %arg0 : i32
    %mul3A = arith.muli %arg1, %sub3A_0 : i32
    %c0_i32 = arith.constant 0 : i32
    %c0_i32_1 = arith.constant 0 : i32
    %c0_i32_2 = arith.constant 0 : i32
    %c0_i32_3 = arith.constant 0 : i32
    return %c0_i32, %c0_i32_1, %mul3A, %c0_i32_2 : i32, i32, i32, i32
  }
  func.func @transform_1(%arg0: i32, %arg1: i32) -> (i32, i32) {
    %sub3A = arith.constant 1 : i32
    %sub3A_0 = arith.subi %sub3A, %arg0 : i32
    %mul3A = arith.muli %arg1, %sub3A_0 : i32
    %c0_i32 = arith.constant 0 : i32
    %c0_i32_1 = arith.constant 0 : i32
    return %mul3A, %c0_i32 : i32, i32
  }
  func.func @transform_2(%arg0: i32, %arg1: i32) -> (i32, i32, i32) {
    %c0_i32 = arith.constant 0 : i32
    %c0_i32_0 = arith.constant 0 : i32
    %c0_i32_1 = arith.constant 0 : i32
    %c0_i32_2 = arith.constant 0 : i32
    return %c0_i32, %c0_i32_0, %c0_i32_1 : i32, i32, i32
  }
  func.func @transform_3(%arg0: i32, %arg1: i32) -> (i32, i32) {
    %c0_i32 = arith.constant 0 : i32
    %c0_i32_0 = arith.constant 0 : i32
    %c0_i32_1 = arith.constant 0 : i32
    return %c0_i32, %c0_i32_0 : i32, i32
  }
  func.func @transform_4(%arg0: i32, %arg1: i32) -> (i32, i32) {
    %c0_i32 = arith.constant 0 : i32
    %c0_i32_0 = arith.constant 0 : i32
    %c0_i32_1 = arith.constant 0 : i32
    return %c0_i32, %c0_i32_0 : i32, i32
  }
  func.func @transform_5(%arg0: i32, %arg1: i32) -> (i32, i32) {
    %c0_i32 = arith.constant 0 : i32
    %c0_i32_0 = arith.constant 0 : i32
    %c0_i32_1 = arith.constant 0 : i32
    return %c0_i32, %c0_i32_0 : i32, i32
  }
  func.func @transform_6(%arg0: i32, %arg1: i32) -> (i32, i32) {
    %c0_i32 = arith.constant 0 : i32
    %c0_i32_0 = arith.constant 0 : i32
    %c0_i32_1 = arith.constant 0 : i32
    return %c0_i32, %c0_i32_0 : i32, i32
  }
  func.func @transform_7(%arg0: i32, %arg1: i32) -> (i32, i32) {
    %mul3A = arith.muli %arg1, %arg0 : i32
    %c0_i32 = arith.constant 0 : i32
    %c0_i32_0 = arith.constant 0 : i32
    return %mul3A, %c0_i32 : i32, i32
  }
}

module attributes {stable_mosaic.version = 14 : i64} {
  func.func @body(%arg0: i32, %arg1: i32, %arg2: memref<2x1x1000x64xf32, #tpu.memory_space<vmem>>, %arg3: memref<1000x128xf32, #tpu.memory_space<vmem>>, %arg4: memref<2x64x128xf32, #tpu.memory_space<vmem>>, %arg5: memref<128x128xf32, #tpu.memory_space<vmem>>, %arg6: memref<1x128xf32, #tpu.memory_space<vmem>>, %arg7: memref<1x128xf32, #tpu.memory_space<vmem>>, %arg8: memref<1x128xf32, #tpu.memory_space<vmem>>, %arg9: memref<1000x128xf32, #tpu.memory_space<vmem>>, %arg10: memref<10000x128xf32, #tpu.memory_space<vmem>>, %arg11: memref<8x128xf32, #tpu.memory_space<vmem>>) attributes {dimension_semantics = [#tpu.dimension_semantics<arbitrary>, #tpu.dimension_semantics<arbitrary>], iteration_bounds = array<i64: 2, 10>, scalar_prefetch = 0 : i64, scratch_operands = 2 : i64, tpu.core_type = #tpu.core_type<tc>, window_params = [{transform_indices = @transform_0, window_bounds = array<i64: 2, 1, 1000, 64>}, {transform_indices = @transform_1, window_bounds = array<i64: 1000, 128>}, {pipeline_mode = #tpu.pipeline_mode<synchronous>, transform_indices = @transform_2, window_bounds = array<i64: 2, 64, 128>}, {pipeline_mode = #tpu.pipeline_mode<synchronous>, transform_indices = @transform_3, window_bounds = array<i64: 128, 128>}, {pipeline_mode = #tpu.pipeline_mode<synchronous>, transform_indices = @transform_4, window_bounds = array<i64: 1, 128>}, {pipeline_mode = #tpu.pipeline_mode<synchronous>, transform_indices = @transform_5, window_bounds = array<i64: 1, 128>}, {pipeline_mode = #tpu.pipeline_mode<synchronous>, transform_indices = @transform_6, window_bounds = array<i64: 1, 128>}, {transform_indices = @transform_7, window_bounds = array<i64: 1000, 128>}]} {
    %eq3A = arith.constant 0 : i32
    %eq3A_0 = arith.cmpi eq, %arg0, %eq3A : i32
    %convert_element_type3A = arith.extui %eq3A_0 : i1 to i32
    %cond3A = arith.constant 0 : i32
    %cond3A_1 = arith.cmpi ne, %convert_element_type3A, %cond3A : i32
    scf.if %cond3A_1 {
      %get3A = arith.constant 0 : index
      %get3A_7 = arith.constant 0 : index
      %get3A_8 = arith.constant 0 : index
      %get3A_9 = arith.constant 0 : index
      %get3A_10 = vector.load %arg2[%get3A, %get3A_7, %get3A_8, %get3A_9] : memref<2x1x1000x64xf32, #tpu.memory_space<vmem>>, vector<2x1x1000x64xf32>
      %slice3A = vector.extract_strided_slice %get3A_10 {offsets = [0, 0, 0, 0], sizes = [1, 1, 1000, 64], strides = [1, 1, 1, 1]} : vector<2x1x1000x64xf32> to vector<1x1x1000x64xf32>
      %squeeze3A = vector.shape_cast %slice3A : vector<1x1x1000x64xf32> to vector<1000x64xf32>
      %slice3A_11 = vector.extract_strided_slice %get3A_10 {offsets = [1, 0, 0, 0], sizes = [1, 1, 1000, 64], strides = [1, 1, 1, 1]} : vector<2x1x1000x64xf32> to vector<1x1x1000x64xf32>
      %squeeze3A_12 = vector.shape_cast %slice3A_11 : vector<1x1x1000x64xf32> to vector<1000x64xf32>
      %get3A_13 = arith.constant 0 : index
      %get3A_14 = arith.constant 0 : index
      %get3A_15 = arith.constant 0 : index
      %get3A_16 = vector.load %arg4[%get3A_13, %get3A_14, %get3A_15] : memref<2x64x128xf32, #tpu.memory_space<vmem>>, vector<1x64x128xf32>
      %get3A_17 = vector.shape_cast %get3A_16 : vector<1x64x128xf32> to vector<64x128xf32>
      %dot_general3A = arith.constant dense<0.000000e+00> : vector<1000x128xf32>
      %dot_general3A_18 = tpu.matmul %squeeze3A, %get3A_17, %dot_general3A {dimension_numbers = #tpu.dot_dimension_numbers<[1], [0], [0], [1], [0, 0, 1, 1], [], []>, transpose_lhs_hint = false} : vector<1000x64xf32>, vector<64x128xf32>, vector<1000x128xf32> -> vector<1000x128xf32>
      %get3A_19 = arith.constant 1 : index
      %get3A_20 = arith.constant 0 : index
      %get3A_21 = arith.constant 0 : index
      %get3A_22 = vector.load %arg4[%get3A_19, %get3A_20, %get3A_21] : memref<2x64x128xf32, #tpu.memory_space<vmem>>, vector<1x64x128xf32>
      %get3A_23 = vector.shape_cast %get3A_22 : vector<1x64x128xf32> to vector<64x128xf32>
      %dot_general3A_24 = arith.constant dense<0.000000e+00> : vector<1000x128xf32>
      %dot_general3A_25 = tpu.matmul %squeeze3A_12, %get3A_23, %dot_general3A_24 {dimension_numbers = #tpu.dot_dimension_numbers<[1], [0], [0], [1], [0, 0, 1, 1], [], []>, transpose_lhs_hint = false} : vector<1000x64xf32>, vector<64x128xf32>, vector<1000x128xf32> -> vector<1000x128xf32>
      %add3A = arith.addf %dot_general3A_18, %dot_general3A_25 : vector<1000x128xf32>
      %get3A_26 = arith.constant 0 : index
      %get3A_27 = arith.constant 0 : index
      %get3A_28 = vector.load %arg3[%get3A_26, %get3A_27] : memref<1000x128xf32, #tpu.memory_space<vmem>>, vector<1000x128xf32>
      %get3A_29 = arith.constant 0 : index
      %get3A_30 = arith.constant 0 : index
      %get3A_31 = vector.load %arg5[%get3A_29, %get3A_30] : memref<128x128xf32, #tpu.memory_space<vmem>>, vector<128x128xf32>
      %dot_general3A_32 = arith.constant dense<0.000000e+00> : vector<1000x128xf32>
      %dot_general3A_33 = tpu.matmul %get3A_28, %get3A_31, %dot_general3A_32 {dimension_numbers = #tpu.dot_dimension_numbers<[1], [0], [0], [1], [0, 0, 1, 1], [], []>, transpose_lhs_hint = false} : vector<1000x128xf32>, vector<128x128xf32>, vector<1000x128xf32> -> vector<1000x128xf32>
      %add3A_34 = arith.addf %add3A, %dot_general3A_33 : vector<1000x128xf32>
      %get3A_35 = arith.constant 0 : index
      %get3A_36 = arith.constant 0 : index
      %get3A_37 = vector.load %arg6[%get3A_35, %get3A_36] : memref<1x128xf32, #tpu.memory_space<vmem>>, vector<1x128xf32>
      %add3A_38 = vector.broadcast %get3A_37 : vector<1x128xf32> to vector<1000x128xf32>
      %add3A_39 = arith.addf %add3A_34, %add3A_38 : vector<1000x128xf32>
      %mul3A = arith.constant 1000 : i32
      %mul3A_40 = arith.muli %arg1, %mul3A : i32
      %swap3A = arith.index_cast %mul3A_40 : i32 to index
      %swap3A_41 = arith.constant 0 : index
      %swap3A_42 = vector.load %arg10[%swap3A, %swap3A_41] : memref<10000x128xf32, #tpu.memory_space<vmem>>, vector<1000x128xf32>
      tpu.vector_store %arg10[%swap3A, %swap3A_41], %add3A_39 {strides = array<i32>} : memref<10000x128xf32, #tpu.memory_space<vmem>>, vector<1000x128xf32>,
      %eq3A_43 = arith.constant 0 : i32
      %eq3A_44 = arith.cmpi eq, %arg1, %eq3A_43 : i32
      %convert_element_type3A_45 = arith.extui %eq3A_44 : i1 to i32
      %cond3A_46 = arith.constant 0 : i32
      %cond3A_47 = arith.cmpi ne, %convert_element_type3A_45, %cond3A_46 : i32
      scf.if %cond3A_47 {
        %broadcast_in_dim3A_67 = arith.constant 0.000000e+00 : f32
        %broadcast_in_dim3A_68 = vector.broadcast %broadcast_in_dim3A_67 : f32 to vector<8x128xf32>
        %swap3A_69 = arith.constant 0 : index
        %swap3A_70 = arith.constant 0 : index
        %swap3A_71 = vector.load %arg11[%swap3A_69, %swap3A_70] : memref<8x128xf32, #tpu.memory_space<vmem>>, vector<8x128xf32>
        tpu.vector_store %arg11[%swap3A_69, %swap3A_70], %broadcast_in_dim3A_68 {strides = array<i32>} : memref<8x128xf32, #tpu.memory_space<vmem>>, vector<8x128xf32>,
      } else {
      }
      %get3A_48 = arith.constant 0 : index
      %get3A_49 = arith.constant 0 : index
      %get3A_50 = vector.load %arg11[%get3A_48, %get3A_49] : memref<8x128xf32, #tpu.memory_space<vmem>>, vector<1x128xf32>
      %reduce_sum3A = arith.constant dense<0.000000e+00> : vector<128xf32>
      %reduce_sum3A_51 = vector.multi_reduction <add>, %add3A_39, %reduce_sum3A [0] : vector<1000x128xf32> to vector<128xf32>
      %broadcast_in_dim3A = vector.shape_cast %reduce_sum3A_51 : vector<128xf32> to vector<1x128xf32>
      %add3A_52 = arith.addf %get3A_50, %broadcast_in_dim3A : vector<1x128xf32>
      %swap3A_53 = arith.constant 0 : index
      %swap3A_54 = arith.constant 0 : index
      %swap3A_55 = vector.load %arg11[%swap3A_53, %swap3A_54] : memref<8x128xf32, #tpu.memory_space<vmem>>, vector<1x128xf32>
      tpu.vector_store %arg11[%swap3A_53, %swap3A_54], %add3A_52 {strides = array<i32>} : memref<8x128xf32, #tpu.memory_space<vmem>>, vector<1x128xf32>,
      %get3A_56 = arith.constant 1 : index
      %get3A_57 = arith.constant 0 : index
      %get3A_58 = vector.load %arg11[%get3A_56, %get3A_57] : memref<8x128xf32, #tpu.memory_space<vmem>>, vector<1x128xf32>
      %mul3A_59 = arith.mulf %add3A_39, %add3A_39 : vector<1000x128xf32>
      %reduce_sum3A_60 = arith.constant dense<0.000000e+00> : vector<128xf32>
      %reduce_sum3A_61 = vector.multi_reduction <add>, %mul3A_59, %reduce_sum3A_60 [0] : vector<1000x128xf32> to vector<128xf32>
      %broadcast_in_dim3A_62 = vector.shape_cast %reduce_sum3A_61 : vector<128xf32> to vector<1x128xf32>
      %add3A_63 = arith.addf %get3A_58, %broadcast_in_dim3A_62 : vector<1x128xf32>
      %swap3A_64 = arith.constant 1 : index
      %swap3A_65 = arith.constant 0 : index
      %swap3A_66 = vector.load %arg11[%swap3A_64, %swap3A_65] : memref<8x128xf32, #tpu.memory_space<vmem>>, vector<1x128xf32>
      tpu.vector_store %arg11[%swap3A_64, %swap3A_65], %add3A_63 {strides = array<i32>} : memref<8x128xf32, #tpu.memory_space<vmem>>, vector<1x128xf32>,
    } else {
    }
    %eq3A_2 = arith.constant 1 : i32
    %eq3A_3 = arith.cmpi eq, %arg0, %eq3A_2 : i32
    %convert_element_type3A_4 = arith.extui %eq3A_3 : i1 to i32
    %cond3A_5 = arith.constant 0 : i32
    %cond3A_6 = arith.cmpi ne, %convert_element_type3A_4, %cond3A_5 : i32
    scf.if %cond3A_6 {
      %get3A = arith.constant 0 : index
      %get3A_7 = arith.constant 0 : index
      %get3A_8 = vector.load %arg11[%get3A, %get3A_7] : memref<8x128xf32, #tpu.memory_space<vmem>>, vector<1x128xf32>
      %mul3A = arith.constant 9.99999974E-5 : f32
      %mul3A_9 = vector.broadcast %mul3A : f32 to vector<1x128xf32>
      %mul3A_10 = arith.mulf %get3A_8, %mul3A_9 : vector<1x128xf32>
      %get3A_11 = arith.constant 1 : index
      %get3A_12 = arith.constant 0 : index
      %get3A_13 = vector.load %arg11[%get3A_11, %get3A_12] : memref<8x128xf32, #tpu.memory_space<vmem>>, vector<1x128xf32>
      %mul3A_14 = arith.constant 9.99999974E-5 : f32
      %mul3A_15 = vector.broadcast %mul3A_14 : f32 to vector<1x128xf32>
      %mul3A_16 = arith.mulf %get3A_13, %mul3A_15 : vector<1x128xf32>
      %mul3A_17 = arith.mulf %mul3A_10, %mul3A_10 : vector<1x128xf32>
      %sub3A = arith.subf %mul3A_16, %mul3A_17 : vector<1x128xf32>
      %add3A = arith.constant 9.99999974E-6 : f32
      %add3A_18 = vector.broadcast %add3A : f32 to vector<1x128xf32>
      %add3A_19 = arith.addf %sub3A, %add3A_18 : vector<1x128xf32>
      %rsqrt3A = math.rsqrt %add3A_19 : vector<1x128xf32>
      %mul3A_20 = arith.constant 1000 : i32
      %mul3A_21 = arith.muli %arg1, %mul3A_20 : i32
      %get3A_22 = arith.index_cast %mul3A_21 : i32 to index
      %get3A_23 = arith.constant 0 : index
      %get3A_24 = vector.load %arg10[%get3A_22, %get3A_23] : memref<10000x128xf32, #tpu.memory_space<vmem>>, vector<1000x128xf32>
      %get3A_25 = arith.constant 0 : index
      %get3A_26 = arith.constant 0 : index
      %get3A_27 = vector.load %arg7[%get3A_25, %get3A_26] : memref<1x128xf32, #tpu.memory_space<vmem>>, vector<1x128xf32>
      %sub3A_28 = vector.broadcast %mul3A_10 : vector<1x128xf32> to vector<1000x128xf32>
      %sub3A_29 = arith.subf %get3A_24, %sub3A_28 : vector<1000x128xf32>
      %mul3A_30 = vector.broadcast %get3A_27 : vector<1x128xf32> to vector<1000x128xf32>
      %mul3A_31 = arith.mulf %mul3A_30, %sub3A_29 : vector<1000x128xf32>
      %mul3A_32 = vector.broadcast %rsqrt3A : vector<1x128xf32> to vector<1000x128xf32>
      %mul3A_33 = arith.mulf %mul3A_31, %mul3A_32 : vector<1000x128xf32>
      %get3A_34 = arith.constant 0 : index
      %get3A_35 = arith.constant 0 : index
      %get3A_36 = vector.load %arg8[%get3A_34, %get3A_35] : memref<1x128xf32, #tpu.memory_space<vmem>>, vector<1x128xf32>
      %add3A_37 = vector.broadcast %get3A_36 : vector<1x128xf32> to vector<1000x128xf32>
      %add3A_38 = arith.addf %mul3A_33, %add3A_37 : vector<1000x128xf32>
      %max3A = arith.constant 0.000000e+00 : f32
      %max3A_39 = vector.broadcast %max3A : f32 to vector<1000x128xf32>
      %max3A_40 = arith.maximumf %add3A_38, %max3A_39 : vector<1000x128xf32>
      %swap3A = arith.constant 0 : index
      %swap3A_41 = arith.constant 0 : index
      %swap3A_42 = vector.load %arg9[%swap3A, %swap3A_41] : memref<1000x128xf32, #tpu.memory_space<vmem>>, vector<1000x128xf32>
      tpu.vector_store %arg9[%swap3A, %swap3A_41], %max3A_40 {strides = array<i32>} : memref<1000x128xf32, #tpu.memory_space<vmem>>, vector<1000x128xf32>,
    } else {
    }
    return
  }
  func.func @transform_0(%arg0: i32, %arg1: i32) -> (i32, i32, i32, i32) {
    %sub3A = arith.constant 1 : i32
    %sub3A_0 = arith.subi %sub3A, %arg0 : i32
    %mul3A = arith.muli %arg1, %sub3A_0 : i32
    %c0_i32 = arith.constant 0 : i32
    %c0_i32_1 = arith.constant 0 : i32
    %c0_i32_2 = arith.constant 0 : i32
    %c0_i32_3 = arith.constant 0 : i32
    return %c0_i32, %c0_i32_1, %mul3A, %c0_i32_2 : i32, i32, i32, i32
  }
  func.func @transform_1(%arg0: i32, %arg1: i32) -> (i32, i32) {
    %sub3A = arith.constant 1 : i32
    %sub3A_0 = arith.subi %sub3A, %arg0 : i32
    %mul3A = arith.muli %arg1, %sub3A_0 : i32
    %c0_i32 = arith.constant 0 : i32
    %c0_i32_1 = arith.constant 0 : i32
    return %mul3A, %c0_i32 : i32, i32
  }
  func.func @transform_2(%arg0: i32, %arg1: i32) -> (i32, i32, i32) {
    %c0_i32 = arith.constant 0 : i32
    %c0_i32_0 = arith.constant 0 : i32
    %c0_i32_1 = arith.constant 0 : i32
    %c0_i32_2 = arith.constant 0 : i32
    return %c0_i32, %c0_i32_0, %c0_i32_1 : i32, i32, i32
  }
  func.func @transform_3(%arg0: i32, %arg1: i32) -> (i32, i32) {
    %c0_i32 = arith.constant 0 : i32
    %c0_i32_0 = arith.constant 0 : i32
    %c0_i32_1 = arith.constant 0 : i32
    return %c0_i32, %c0_i32_0 : i32, i32
  }
  func.func @transform_4(%arg0: i32, %arg1: i32) -> (i32, i32) {
    %c0_i32 = arith.constant 0 : i32
    %c0_i32_0 = arith.constant 0 : i32
    %c0_i32_1 = arith.constant 0 : i32
    return %c0_i32, %c0_i32_0 : i32, i32
  }
  func.func @transform_5(%arg0: i32, %arg1: i32) -> (i32, i32) {
    %c0_i32 = arith.constant 0 : i32
    %c0_i32_0 = arith.constant 0 : i32
    %c0_i32_1 = arith.constant 0 : i32
    return %c0_i32, %c0_i32_0 : i32, i32
  }
  func.func @transform_6(%arg0: i32, %arg1: i32) -> (i32, i32) {
    %c0_i32 = arith.constant 0 : i32
    %c0_i32_0 = arith.constant 0 : i32
    %c0_i32_1 = arith.constant 0 : i32
    return %c0_i32, %c0_i32_0 : i32, i32
  }
  func.func @transform_7(%arg0: i32, %arg1: i32) -> (i32, i32) {
    %mul3A = arith.muli %arg1, %arg0 : i32
    %c0_i32 = arith.constant 0 : i32
    %c0_i32_0 = arith.constant 0 : i32
    return %mul3A, %c0_i32 : i32, i32
  }
}

module attributes {stable_mosaic.version = 14 : i64} {
  func.func @body(%arg0: i32, %arg1: i32, %arg2: memref<2x1x1000x64xf32, #tpu.memory_space<vmem>>, %arg3: memref<1000x128xf32, #tpu.memory_space<vmem>>, %arg4: memref<2x64x128xf32, #tpu.memory_space<vmem>>, %arg5: memref<128x128xf32, #tpu.memory_space<vmem>>, %arg6: memref<1x128xf32, #tpu.memory_space<vmem>>, %arg7: memref<1x128xf32, #tpu.memory_space<vmem>>, %arg8: memref<1x128xf32, #tpu.memory_space<vmem>>, %arg9: memref<128x64xf32, #tpu.memory_space<vmem>>, %arg10: memref<1x64xf32, #tpu.memory_space<vmem>>, %arg11: memref<64x40xf32, #tpu.memory_space<vmem>>, %arg12: memref<1x40xf32, #tpu.memory_space<vmem>>, %arg13: memref<1000x40xf32, #tpu.memory_space<vmem>>, %arg14: memref<5000x128xf32, #tpu.memory_space<vmem>>, %arg15: memref<8x128xf32, #tpu.memory_space<vmem>>) attributes {dimension_semantics = [#tpu.dimension_semantics<arbitrary>, #tpu.dimension_semantics<arbitrary>], iteration_bounds = array<i64: 2, 5>, scalar_prefetch = 0 : i64, scratch_operands = 2 : i64, tpu.core_type = #tpu.core_type<tc>, window_params = [{transform_indices = @transform_0, window_bounds = array<i64: 2, 1, 1000, 64>}, {transform_indices = @transform_1, window_bounds = array<i64: 1000, 128>}, {pipeline_mode = #tpu.pipeline_mode<synchronous>, transform_indices = @transform_2, window_bounds = array<i64: 2, 64, 128>}, {pipeline_mode = #tpu.pipeline_mode<synchronous>, transform_indices = @transform_3, window_bounds = array<i64: 128, 128>}, {pipeline_mode = #tpu.pipeline_mode<synchronous>, transform_indices = @transform_4, window_bounds = array<i64: 1, 128>}, {pipeline_mode = #tpu.pipeline_mode<synchronous>, transform_indices = @transform_5, window_bounds = array<i64: 1, 128>}, {pipeline_mode = #tpu.pipeline_mode<synchronous>, transform_indices = @transform_6, window_bounds = array<i64: 1, 128>}, {pipeline_mode = #tpu.pipeline_mode<synchronous>, transform_indices = @transform_7, window_bounds = array<i64: 128, 64>}, {pipeline_mode = #tpu.pipeline_mode<synchronous>, transform_indices = @transform_8, window_bounds = array<i64: 1, 64>}, {pipeline_mode = #tpu.pipeline_mode<synchronous>, transform_indices = @transform_9, window_bounds = array<i64: 64, 40>}, {pipeline_mode = #tpu.pipeline_mode<synchronous>, transform_indices = @transform_10, window_bounds = array<i64: 1, 40>}, {transform_indices = @transform_11, window_bounds = array<i64: 1000, 40>}]} {
    %eq3A = arith.constant 0 : i32
    %eq3A_0 = arith.cmpi eq, %arg0, %eq3A : i32
    %convert_element_type3A = arith.extui %eq3A_0 : i1 to i32
    %cond3A = arith.constant 0 : i32
    %cond3A_1 = arith.cmpi ne, %convert_element_type3A, %cond3A : i32
    scf.if %cond3A_1 {
      %get3A = arith.constant 0 : index
      %get3A_7 = arith.constant 0 : index
      %get3A_8 = arith.constant 0 : index
      %get3A_9 = arith.constant 0 : index
      %get3A_10 = vector.load %arg2[%get3A, %get3A_7, %get3A_8, %get3A_9] : memref<2x1x1000x64xf32, #tpu.memory_space<vmem>>, vector<2x1x1000x64xf32>
      %slice3A = vector.extract_strided_slice %get3A_10 {offsets = [0, 0, 0, 0], sizes = [1, 1, 1000, 64], strides = [1, 1, 1, 1]} : vector<2x1x1000x64xf32> to vector<1x1x1000x64xf32>
      %squeeze3A = vector.shape_cast %slice3A : vector<1x1x1000x64xf32> to vector<1000x64xf32>
      %slice3A_11 = vector.extract_strided_slice %get3A_10 {offsets = [1, 0, 0, 0], sizes = [1, 1, 1000, 64], strides = [1, 1, 1, 1]} : vector<2x1x1000x64xf32> to vector<1x1x1000x64xf32>
      %squeeze3A_12 = vector.shape_cast %slice3A_11 : vector<1x1x1000x64xf32> to vector<1000x64xf32>
      %get3A_13 = arith.constant 0 : index
      %get3A_14 = arith.constant 0 : index
      %get3A_15 = arith.constant 0 : index
      %get3A_16 = vector.load %arg4[%get3A_13, %get3A_14, %get3A_15] : memref<2x64x128xf32, #tpu.memory_space<vmem>>, vector<1x64x128xf32>
      %get3A_17 = vector.shape_cast %get3A_16 : vector<1x64x128xf32> to vector<64x128xf32>
      %dot_general3A = arith.constant dense<0.000000e+00> : vector<1000x128xf32>
      %dot_general3A_18 = tpu.matmul %squeeze3A, %get3A_17, %dot_general3A {dimension_numbers = #tpu.dot_dimension_numbers<[1], [0], [0], [1], [0, 0, 1, 1], [], []>, transpose_lhs_hint = false} : vector<1000x64xf32>, vector<64x128xf32>, vector<1000x128xf32> -> vector<1000x128xf32>
      %get3A_19 = arith.constant 1 : index
      %get3A_20 = arith.constant 0 : index
      %get3A_21 = arith.constant 0 : index
      %get3A_22 = vector.load %arg4[%get3A_19, %get3A_20, %get3A_21] : memref<2x64x128xf32, #tpu.memory_space<vmem>>, vector<1x64x128xf32>
      %get3A_23 = vector.shape_cast %get3A_22 : vector<1x64x128xf32> to vector<64x128xf32>
      %dot_general3A_24 = arith.constant dense<0.000000e+00> : vector<1000x128xf32>
      %dot_general3A_25 = tpu.matmul %squeeze3A_12, %get3A_23, %dot_general3A_24 {dimension_numbers = #tpu.dot_dimension_numbers<[1], [0], [0], [1], [0, 0, 1, 1], [], []>, transpose_lhs_hint = false} : vector<1000x64xf32>, vector<64x128xf32>, vector<1000x128xf32> -> vector<1000x128xf32>
      %add3A = arith.addf %dot_general3A_18, %dot_general3A_25 : vector<1000x128xf32>
      %get3A_26 = arith.constant 0 : index
      %get3A_27 = arith.constant 0 : index
      %get3A_28 = vector.load %arg3[%get3A_26, %get3A_27] : memref<1000x128xf32, #tpu.memory_space<vmem>>, vector<1000x128xf32>
      %get3A_29 = arith.constant 0 : index
      %get3A_30 = arith.constant 0 : index
      %get3A_31 = vector.load %arg5[%get3A_29, %get3A_30] : memref<128x128xf32, #tpu.memory_space<vmem>>, vector<128x128xf32>
      %dot_general3A_32 = arith.constant dense<0.000000e+00> : vector<1000x128xf32>
      %dot_general3A_33 = tpu.matmul %get3A_28, %get3A_31, %dot_general3A_32 {dimension_numbers = #tpu.dot_dimension_numbers<[1], [0], [0], [1], [0, 0, 1, 1], [], []>, transpose_lhs_hint = false} : vector<1000x128xf32>, vector<128x128xf32>, vector<1000x128xf32> -> vector<1000x128xf32>
      %add3A_34 = arith.addf %add3A, %dot_general3A_33 : vector<1000x128xf32>
      %get3A_35 = arith.constant 0 : index
      %get3A_36 = arith.constant 0 : index
      %get3A_37 = vector.load %arg6[%get3A_35, %get3A_36] : memref<1x128xf32, #tpu.memory_space<vmem>>, vector<1x128xf32>
      %add3A_38 = vector.broadcast %get3A_37 : vector<1x128xf32> to vector<1000x128xf32>
      %add3A_39 = arith.addf %add3A_34, %add3A_38 : vector<1000x128xf32>
      %mul3A = arith.constant 1000 : i32
      %mul3A_40 = arith.muli %arg1, %mul3A : i32
      %swap3A = arith.index_cast %mul3A_40 : i32 to index
      %swap3A_41 = arith.constant 0 : index
      %swap3A_42 = vector.load %arg14[%swap3A, %swap3A_41] : memref<5000x128xf32, #tpu.memory_space<vmem>>, vector<1000x128xf32>
      tpu.vector_store %arg14[%swap3A, %swap3A_41], %add3A_39 {strides = array<i32>} : memref<5000x128xf32, #tpu.memory_space<vmem>>, vector<1000x128xf32>,
      %eq3A_43 = arith.constant 0 : i32
      %eq3A_44 = arith.cmpi eq, %arg1, %eq3A_43 : i32
      %convert_element_type3A_45 = arith.extui %eq3A_44 : i1 to i32
      %cond3A_46 = arith.constant 0 : i32
      %cond3A_47 = arith.cmpi ne, %convert_element_type3A_45, %cond3A_46 : i32
      scf.if %cond3A_47 {
        %broadcast_in_dim3A_67 = arith.constant 0.000000e+00 : f32
        %broadcast_in_dim3A_68 = vector.broadcast %broadcast_in_dim3A_67 : f32 to vector<8x128xf32>
        %swap3A_69 = arith.constant 0 : index
        %swap3A_70 = arith.constant 0 : index
        %swap3A_71 = vector.load %arg15[%swap3A_69, %swap3A_70] : memref<8x128xf32, #tpu.memory_space<vmem>>, vector<8x128xf32>
        tpu.vector_store %arg15[%swap3A_69, %swap3A_70], %broadcast_in_dim3A_68 {strides = array<i32>} : memref<8x128xf32, #tpu.memory_space<vmem>>, vector<8x128xf32>,
      } else {
      }
      %get3A_48 = arith.constant 0 : index
      %get3A_49 = arith.constant 0 : index
      %get3A_50 = vector.load %arg15[%get3A_48, %get3A_49] : memref<8x128xf32, #tpu.memory_space<vmem>>, vector<1x128xf32>
      %reduce_sum3A = arith.constant dense<0.000000e+00> : vector<128xf32>
      %reduce_sum3A_51 = vector.multi_reduction <add>, %add3A_39, %reduce_sum3A [0] : vector<1000x128xf32> to vector<128xf32>
      %broadcast_in_dim3A = vector.shape_cast %reduce_sum3A_51 : vector<128xf32> to vector<1x128xf32>
      %add3A_52 = arith.addf %get3A_50, %broadcast_in_dim3A : vector<1x128xf32>
      %swap3A_53 = arith.constant 0 : index
      %swap3A_54 = arith.constant 0 : index
      %swap3A_55 = vector.load %arg15[%swap3A_53, %swap3A_54] : memref<8x128xf32, #tpu.memory_space<vmem>>, vector<1x128xf32>
      tpu.vector_store %arg15[%swap3A_53, %swap3A_54], %add3A_52 {strides = array<i32>} : memref<8x128xf32, #tpu.memory_space<vmem>>, vector<1x128xf32>,
      %get3A_56 = arith.constant 1 : index
      %get3A_57 = arith.constant 0 : index
      %get3A_58 = vector.load %arg15[%get3A_56, %get3A_57] : memref<8x128xf32, #tpu.memory_space<vmem>>, vector<1x128xf32>
      %mul3A_59 = arith.mulf %add3A_39, %add3A_39 : vector<1000x128xf32>
      %reduce_sum3A_60 = arith.constant dense<0.000000e+00> : vector<128xf32>
      %reduce_sum3A_61 = vector.multi_reduction <add>, %mul3A_59, %reduce_sum3A_60 [0] : vector<1000x128xf32> to vector<128xf32>
      %broadcast_in_dim3A_62 = vector.shape_cast %reduce_sum3A_61 : vector<128xf32> to vector<1x128xf32>
      %add3A_63 = arith.addf %get3A_58, %broadcast_in_dim3A_62 : vector<1x128xf32>
      %swap3A_64 = arith.constant 1 : index
      %swap3A_65 = arith.constant 0 : index
      %swap3A_66 = vector.load %arg15[%swap3A_64, %swap3A_65] : memref<8x128xf32, #tpu.memory_space<vmem>>, vector<1x128xf32>
      tpu.vector_store %arg15[%swap3A_64, %swap3A_65], %add3A_63 {strides = array<i32>} : memref<8x128xf32, #tpu.memory_space<vmem>>, vector<1x128xf32>,
    } else {
    }
    %eq3A_2 = arith.constant 1 : i32
    %eq3A_3 = arith.cmpi eq, %arg0, %eq3A_2 : i32
    %convert_element_type3A_4 = arith.extui %eq3A_3 : i1 to i32
    %cond3A_5 = arith.constant 0 : i32
    %cond3A_6 = arith.cmpi ne, %convert_element_type3A_4, %cond3A_5 : i32
    scf.if %cond3A_6 {
      %get3A = arith.constant 0 : index
      %get3A_7 = arith.constant 0 : index
      %get3A_8 = vector.load %arg15[%get3A, %get3A_7] : memref<8x128xf32, #tpu.memory_space<vmem>>, vector<1x128xf32>
      %mul3A = arith.constant 2.000000e-04 : f32
      %mul3A_9 = vector.broadcast %mul3A : f32 to vector<1x128xf32>
      %mul3A_10 = arith.mulf %get3A_8, %mul3A_9 : vector<1x128xf32>
      %get3A_11 = arith.constant 1 : index
      %get3A_12 = arith.constant 0 : index
      %get3A_13 = vector.load %arg15[%get3A_11, %get3A_12] : memref<8x128xf32, #tpu.memory_space<vmem>>, vector<1x128xf32>
      %mul3A_14 = arith.constant 2.000000e-04 : f32
      %mul3A_15 = vector.broadcast %mul3A_14 : f32 to vector<1x128xf32>
      %mul3A_16 = arith.mulf %get3A_13, %mul3A_15 : vector<1x128xf32>
      %mul3A_17 = arith.mulf %mul3A_10, %mul3A_10 : vector<1x128xf32>
      %sub3A = arith.subf %mul3A_16, %mul3A_17 : vector<1x128xf32>
      %add3A = arith.constant 9.99999974E-6 : f32
      %add3A_18 = vector.broadcast %add3A : f32 to vector<1x128xf32>
      %add3A_19 = arith.addf %sub3A, %add3A_18 : vector<1x128xf32>
      %rsqrt3A = math.rsqrt %add3A_19 : vector<1x128xf32>
      %mul3A_20 = arith.constant 1000 : i32
      %mul3A_21 = arith.muli %arg1, %mul3A_20 : i32
      %get3A_22 = arith.index_cast %mul3A_21 : i32 to index
      %get3A_23 = arith.constant 0 : index
      %get3A_24 = vector.load %arg14[%get3A_22, %get3A_23] : memref<5000x128xf32, #tpu.memory_space<vmem>>, vector<1000x128xf32>
      %get3A_25 = arith.constant 0 : index
      %get3A_26 = arith.constant 0 : index
      %get3A_27 = vector.load %arg7[%get3A_25, %get3A_26] : memref<1x128xf32, #tpu.memory_space<vmem>>, vector<1x128xf32>
      %sub3A_28 = vector.broadcast %mul3A_10 : vector<1x128xf32> to vector<1000x128xf32>
      %sub3A_29 = arith.subf %get3A_24, %sub3A_28 : vector<1000x128xf32>
      %mul3A_30 = vector.broadcast %get3A_27 : vector<1x128xf32> to vector<1000x128xf32>
      %mul3A_31 = arith.mulf %mul3A_30, %sub3A_29 : vector<1000x128xf32>
      %mul3A_32 = vector.broadcast %rsqrt3A : vector<1x128xf32> to vector<1000x128xf32>
      %mul3A_33 = arith.mulf %mul3A_31, %mul3A_32 : vector<1000x128xf32>
      %get3A_34 = arith.constant 0 : index
      %get3A_35 = arith.constant 0 : index
      %get3A_36 = vector.load %arg8[%get3A_34, %get3A_35] : memref<1x128xf32, #tpu.memory_space<vmem>>, vector<1x128xf32>
      %add3A_37 = vector.broadcast %get3A_36 : vector<1x128xf32> to vector<1000x128xf32>
      %add3A_38 = arith.addf %mul3A_33, %add3A_37 : vector<1000x128xf32>
      %max3A = arith.constant 0.000000e+00 : f32
      %max3A_39 = vector.broadcast %max3A : f32 to vector<1000x128xf32>
      %max3A_40 = arith.maximumf %add3A_38, %max3A_39 : vector<1000x128xf32>
      %get3A_41 = arith.constant 0 : index
      %get3A_42 = arith.constant 0 : index
      %get3A_43 = vector.load %arg9[%get3A_41, %get3A_42] : memref<128x64xf32, #tpu.memory_space<vmem>>, vector<128x64xf32>
      %dot_general3A = arith.constant dense<0.000000e+00> : vector<1000x64xf32>
      %dot_general3A_44 = tpu.matmul %max3A_40, %get3A_43, %dot_general3A {dimension_numbers = #tpu.dot_dimension_numbers<[1], [0], [0], [1], [0, 0, 1, 1], [], []>, transpose_lhs_hint = false} : vector<1000x128xf32>, vector<128x64xf32>, vector<1000x64xf32> -> vector<1000x64xf32>
      %get3A_45 = arith.constant 0 : index
      %get3A_46 = arith.constant 0 : index
      %get3A_47 = vector.load %arg10[%get3A_45, %get3A_46] : memref<1x64xf32, #tpu.memory_space<vmem>>, vector<1x64xf32>
      %add3A_48 = vector.broadcast %get3A_47 : vector<1x64xf32> to vector<1000x64xf32>
      %add3A_49 = arith.addf %dot_general3A_44, %add3A_48 : vector<1000x64xf32>
      %max3A_50 = arith.constant 0.000000e+00 : f32
      %max3A_51 = vector.broadcast %max3A_50 : f32 to vector<1000x64xf32>
      %max3A_52 = arith.maximumf %add3A_49, %max3A_51 : vector<1000x64xf32>
      %get3A_53 = arith.constant 0 : index
      %get3A_54 = arith.constant 0 : index
      %get3A_55 = vector.load %arg11[%get3A_53, %get3A_54] : memref<64x40xf32, #tpu.memory_space<vmem>>, vector<64x40xf32>
      %dot_general3A_56 = arith.constant dense<0.000000e+00> : vector<1000x40xf32>
      %dot_general3A_57 = tpu.matmul %max3A_52, %get3A_55, %dot_general3A_56 {dimension_numbers = #tpu.dot_dimension_numbers<[1], [0], [0], [1], [0, 0, 1, 1], [], []>, transpose_lhs_hint = false} : vector<1000x64xf32>, vector<64x40xf32>, vector<1000x40xf32> -> vector<1000x40xf32>
      %get3A_58 = arith.constant 0 : index
      %get3A_59 = arith.constant 0 : index
      %get3A_60 = vector.load %arg12[%get3A_58, %get3A_59] : memref<1x40xf32, #tpu.memory_space<vmem>>, vector<1x40xf32>
      %add3A_61 = vector.broadcast %get3A_60 : vector<1x40xf32> to vector<1000x40xf32>
      %add3A_62 = arith.addf %dot_general3A_57, %add3A_61 : vector<1000x40xf32>
      %swap3A = arith.constant 0 : index
      %swap3A_63 = arith.constant 0 : index
      %swap3A_64 = vector.load %arg13[%swap3A, %swap3A_63] : memref<1000x40xf32, #tpu.memory_space<vmem>>, vector<1000x40xf32>
      tpu.vector_store %arg13[%swap3A, %swap3A_63], %add3A_62 {strides = array<i32>} : memref<1000x40xf32, #tpu.memory_space<vmem>>, vector<1000x40xf32>,
    } else {
    }
    return
  }
  func.func @transform_0(%arg0: i32, %arg1: i32) -> (i32, i32, i32, i32) {
    %sub3A = arith.constant 1 : i32
    %sub3A_0 = arith.subi %sub3A, %arg0 : i32
    %mul3A = arith.muli %arg1, %sub3A_0 : i32
    %c0_i32 = arith.constant 0 : i32
    %c0_i32_1 = arith.constant 0 : i32
    %c0_i32_2 = arith.constant 0 : i32
    %c0_i32_3 = arith.constant 0 : i32
    return %c0_i32, %c0_i32_1, %mul3A, %c0_i32_2 : i32, i32, i32, i32
  }
  func.func @transform_1(%arg0: i32, %arg1: i32) -> (i32, i32) {
    %sub3A = arith.constant 1 : i32
    %sub3A_0 = arith.subi %sub3A, %arg0 : i32
    %mul3A = arith.muli %arg1, %sub3A_0 : i32
    %c0_i32 = arith.constant 0 : i32
    %c0_i32_1 = arith.constant 0 : i32
    return %mul3A, %c0_i32 : i32, i32
  }
  func.func @transform_2(%arg0: i32, %arg1: i32) -> (i32, i32, i32) {
    %c0_i32 = arith.constant 0 : i32
    %c0_i32_0 = arith.constant 0 : i32
    %c0_i32_1 = arith.constant 0 : i32
    %c0_i32_2 = arith.constant 0 : i32
    return %c0_i32, %c0_i32_0, %c0_i32_1 : i32, i32, i32
  }
  func.func @transform_3(%arg0: i32, %arg1: i32) -> (i32, i32) {
    %c0_i32 = arith.constant 0 : i32
    %c0_i32_0 = arith.constant 0 : i32
    %c0_i32_1 = arith.constant 0 : i32
    return %c0_i32, %c0_i32_0 : i32, i32
  }
  func.func @transform_4(%arg0: i32, %arg1: i32) -> (i32, i32) {
    %c0_i32 = arith.constant 0 : i32
    %c0_i32_0 = arith.constant 0 : i32
    %c0_i32_1 = arith.constant 0 : i32
    return %c0_i32, %c0_i32_0 : i32, i32
  }
  func.func @transform_5(%arg0: i32, %arg1: i32) -> (i32, i32) {
    %c0_i32 = arith.constant 0 : i32
    %c0_i32_0 = arith.constant 0 : i32
    %c0_i32_1 = arith.constant 0 : i32
    return %c0_i32, %c0_i32_0 : i32, i32
  }
  func.func @transform_6(%arg0: i32, %arg1: i32) -> (i32, i32) {
    %c0_i32 = arith.constant 0 : i32
    %c0_i32_0 = arith.constant 0 : i32
    %c0_i32_1 = arith.constant 0 : i32
    return %c0_i32, %c0_i32_0 : i32, i32
  }
  func.func @transform_7(%arg0: i32, %arg1: i32) -> (i32, i32) {
    %c0_i32 = arith.constant 0 : i32
    %c0_i32_0 = arith.constant 0 : i32
    %c0_i32_1 = arith.constant 0 : i32
    return %c0_i32, %c0_i32_0 : i32, i32
  }
  func.func @transform_8(%arg0: i32, %arg1: i32) -> (i32, i32) {
    %c0_i32 = arith.constant 0 : i32
    %c0_i32_0 = arith.constant 0 : i32
    %c0_i32_1 = arith.constant 0 : i32
    return %c0_i32, %c0_i32_0 : i32, i32
  }
  func.func @transform_9(%arg0: i32, %arg1: i32) -> (i32, i32) {
    %c0_i32 = arith.constant 0 : i32
    %c0_i32_0 = arith.constant 0 : i32
    %c0_i32_1 = arith.constant 0 : i32
    return %c0_i32, %c0_i32_0 : i32, i32
  }
  func.func @transform_10(%arg0: i32, %arg1: i32) -> (i32, i32) {
    %c0_i32 = arith.constant 0 : i32
    %c0_i32_0 = arith.constant 0 : i32
    %c0_i32_1 = arith.constant 0 : i32
    return %c0_i32, %c0_i32_0 : i32, i32
  }
  func.func @transform_11(%arg0: i32, %arg1: i32) -> (i32, i32) {
    %mul3A = arith.muli %arg1, %arg0 : i32
    %c0_i32 = arith.constant 0 : i32
    %c0_i32_0 = arith.constant 0 : i32
    return %mul3A, %c0_i32 : i32, i32
  }
}

</mosaic_0001>

<sc_bundles>
// kernel: kernel.11.cloned.1.call-start
scs
__scs_entry_jumppad:
0x0: {  	(pc) =	sbr.rel $0x88, $3  }
0x1: {  	(tag) =	ssettag $0x0;
	lr =	simm.s32 $0x1  }
0x2: {  	[smem:$0x3F8A] =	sst lr;
	_ =	strace $0xD0000000  }
0x3: {  	_ = 	snop  }
0x4: {  	_ = 	snop  }
0x5: {  	_ = 	snop  }
0x6: {  	_ = 	snop  }
0x7: {  	_ = 	snop  }
__scs_overlays_trampoline_lowered:
0x8: {  	[smem:$0x3F99] =	sst s0  }
0x9: {  	[smem:$0x3F9A] =	sst s1  }
0xa: {  	[smem:$0x3F9B] =	sst s2  }
0xb: {  	[smem:$0x3F9C] =	sst s3  }
0xc: {  	[smem:$0x3F9D] =	sst s4  }
0xd: {  	[smem:$0x3F9E] =	sst s5  }
0xe: {  	[smem:$0x3F9F] =	sst s6  }
0xf: {  	[smem:$0x3FA0] =	sst s7  }
0x10: {  	[smem:$0x3FA1] =	sst s8  }
0x11: {  	[smem:$0x3FA2] =	sst s9;
	s0 =	simm.s32 @!p0 $0x0  }
0x12: {  	s1 =	sld [smem:$0x3F88];
	s0 =	simm.s32 @p0 $0x1  }
0x13: {  	[smem:$0x3FA3] =	sst s0;
	s0 =	simm.s32 @!p1 $0x0  }
0x14: {  	s2 =	sld [smem:$0x3F87];
	s0 =	simm.s32 @p1 $0x1  }
0x15: {  	[smem:$0x3FA4] =	sst s0;
	s0 =	simm.s32 @!p2 $0x0  }
0x16: {  	s3 =	sld [smem:$0x3FDB];
	s0 =	simm.s32 @p2 $0x1  }
0x17: {  	s4 =	simm.s32 $0x1BF5;
	[smem:$0x3FA6] =	sst s0  }
0x18: {  	s0 =	sld [smem:$0x3F89];
	_ =	swait.ge [sflag:s4], $0x0  }
0x19: {  	s7 =	sld [smem:$0x3F8A]  }
0x1a: {  	s8 =	sadd.s32 $0xFFFFE003, lr  }
0x1b: {  	s9 =	sadd.s32 $0xFFFFFEF7, lr;
	s5 =	simm.s32 $0xFFFFFFFF;
	p2 =	slt.u32 s8, $0xFFFFF086  }
0x1c: {  	p1 =	slt.u32 s9, $0xF7A;
	s5 =	simm.s32 @!p2 $0x0  }
0x1d: {  	s5 =	simm.s32 @p1 $0x1;
	p0 =	seq.s32 s7, s2  }
0x1e: {  	s7 =	smul.u32 @!p0 $0xF7A, s2;
	p2 =	seq.s32 @!p0 s5, $0x0  }
0x1f: {  	s9 =	smul.u32 $0xF7A, s1;
	s8 =	simm.s32 @!p0 $0x1BF5;
	p2 =	por !p2, p0  }
0x20: {  	[sflag:s8] =	ssyncset.s32 @!p0 $0xFFFFF086;
	s6 =	sadd.s32 @!p0 s3, s7;
	s7 =	simm.s32 @!p0 $0x108  }
0x21: {  	s3 =	sadd.s32 s3, s9;
	s6 =	sadd.s32 @!p0 $0x88, s6;
	s7 =	simm.s32 @p2 $0x1082  }
0x22: {  	[simem:s7], [sflag:s8] =	dma.local @!p0 [hbm:s6], $0xF7A  }
0x23: {  	s9 =	sor.u32 $0xD0000000, s2;
	s6 =	simm.s32 $0x108;
	_ =	swait.ge @!p0 [sflag:s8], $0x0  }
0x24: {  	s3 =	sadd.s32 $0x88, s3;
	s6 =	simm.s32 @!p1 $0x1082;
	[sflag:s4] =	ssyncset.s32 $0xFFFFF086  }
0x25: {  	[simem:s6], [sflag:s4] =	dma.local [hbm:s3], $0xF7A  }
0x26: {  	[smem:$0x3F8A] =	sst s1;
	(tag) =	ssettag s2;
	_ =	strace s9  }
0x27: {  	s1 =	sld [smem:$0x3F9A]  }
0x28: {  	s2 =	sld [smem:$0x3F9B]  }
0x29: {  	s4 =	sld [smem:$0x3F9D]  }
0x2a: {  	p0 =	seq.s32 s5, $0x0;
	s5 =	sld [smem:$0x3F9E]  }
0x2b: {  	s6 =	sld [smem:$0x3F9F]  }
0x2c: {  	s7 =	sld [smem:$0x3FA0]  }
0x2d: {  	s3 =	simm.s32 $0x108;
	s8 =	sld [smem:$0x3FA1]  }
0x2e: {  	s3 =	simm.s32 @!p0 $0x1082;
	s9 =	sld [smem:$0x3FA2]  }
0x2f: {  	lr =	sadd.s32 s0, s3;
	s0 =	sld [smem:$0x3F99]  }
0x30: {  	s3 =	sld [smem:$0x3F9C]  }
0x31: {  	[smem:$0x3FA5] =	sst s10  }
0x32: {  	s10 =	sld [smem:$0x3FA3];
	_ =	sdelay $0x3  }
0x33: {  	p0 =	seq.s32 s10, $0x1;
	s10 =	sld [smem:$0x3FA5];
	_ =	sdelay $0x3  }
0x34: {  	[smem:$0x3FA5] =	sst s10  }
0x35: {  	s10 =	sld [smem:$0x3FA4];
	_ =	sdelay $0x3  }
0x36: {  	p1 =	seq.s32 s10, $0x1;
	s10 =	sld [smem:$0x3FA5];
	_ =	sdelay $0x3  }
0x37: {  	[smem:$0x3FA5] =	sst s10  }
0x38: {  	s10 =	sld [smem:$0x3FA6]  }
0x39: {  	_ = 	snop;
	(pc) =	sbr.ind lr, $3  }
0x3a: {  	_ = 	snop  }
0x3b: {  	_ = 	snop  }
0x3c: {  	p2 =	seq.s32 s10, $0x1;
	s10 =	sld [smem:$0x3FA5]  }
0x3d: {  	_ =	shalt  }
0x3e: {  	_ =	shalt  }
0x3f: {  	_ =	shalt  }
0x40: {  	_ =	shalt  }
0x41: {  	_ =	shalt  }
0x42: {  	_ =	shalt  }
0x43: {  	_ =	shalt  }
0x44: {  	_ =	shalt  }
0x45: {  	_ =	shalt  }
0x46: {  	_ =	shalt  }
0x47: {  	_ =	shalt  }
0x48: {  	_ =	shalt  }
0x49: {  	_ =	shalt  }
0x4a: {  	_ =	shalt  }
0x4b: {  	_ =	shalt  }
0x4c: {  	_ =	shalt  }
0x4d: {  	_ =	shalt  }
0x4e: {  	_ =	shalt  }
0x4f: {  	_ =	shalt  }
0x50: {  	_ =	shalt  }
0x51: {  	_ =	shalt  }
0x52: {  	_ =	shalt  }
0x53: {  	_ =	shalt  }
0x54: {  	_ =	shalt  }
0x55: {  	_ =	shalt  }
0x56: {  	_ =	shalt  }
0x57: {  	_ =	shalt  }
0x58: {  	_ =	shalt  }
0x59: {  	_ =	shalt  }
0x5a: {  	_ =	shalt  }
0x5b: {  	_ =	shalt  }
0x5c: {  	_ =	shalt  }
0x5d: {  	_ =	shalt  }
0x5e: {  	_ =	shalt  }
0x5f: {  	_ =	shalt  }
0x60: {  	_ =	shalt  }
0x61: {  	_ =	shalt  }
0x62: {  	_ =	shalt  }
0x63: {  	_ =	shalt  }
0x64: {  	_ =	shalt  }
0x65: {  	_ =	shalt  }
0x66: {  	_ =	shalt  }
0x67: {  	_ =	shalt  }
0x68: {  	_ =	shalt  }
0x69: {  	_ =	shalt  }
0x6a: {  	_ =	shalt  }
0x6b: {  	_ =	shalt  }
0x6c: {  	_ =	shalt  }
0x6d: {  	_ =	shalt  }
0x6e: {  	_ =	shalt  }
0x6f: {  	_ =	shalt  }
0x70: {  	_ =	shalt  }
0x71: {  	_ =	shalt  }
0x72: {  	_ =	shalt  }
0x73: {  	_ =	shalt  }
0x74: {  	_ =	shalt  }
0x75: {  	_ =	shalt  }
0x76: {  	_ =	shalt  }
0x77: {  	_ =	shalt  }
0x78: {  	_ =	shalt  }
0x79: {  	_ =	shalt  }
0x7a: {  	_ =	shalt  }
0x7b: {  	_ =	shalt  }
0x7c: {  	_ =	shalt  }
0x7d: {  	_ =	shalt  }
0x7e: {  	_ =	shalt  }
0x7f: {  	_ =	shalt  }
0x80: {  	_ =	shalt  }
0x81: {  	_ =	shalt  }
0x82: {  	_ =	shalt  }
0x83: {  	_ =	shalt  }
0x84: {  	_ =	shalt  }
0x85: {  	_ =	shalt  }
0x86: {  	_ =	shalt  }
0x87: {  	_ =	shalt  }
.Lfunc_end0:
.L_simem_size_0:
called_computation.1_lowered:
.L_overlay_start_0:
0x88: {  	s2 =	sld [smem:$0x3FD9]  }
0x89: {  	s3 =	sld [smem:$0x3FFE];
	_ =	sdelay $0x1  }
0x8a: {  	s1 =	srdreg.scid  }
0x8b: {  	s0 =	sand.u32 $0x1, s1  }
0x8c: {  	s16 =	sshll.u32 s0, $0xA;
	s2 =	sadd.s32 s3, s2  }
0x8d: {  	s2 =	sadd.s32 s2, s16  }
0x8e: {  	[smem:$0x3FB1] =	sst s2  }
0x8f: {  	_ = 	snop  }
0x90: {  	(tm) =	ssettm $0x1  }
0x91: {  	s17 =	sld [smem:$0x3FFB];
	_ =	sdelay $0x3  }
0x92: {  	_ =	strace s17  }
0x93: {  	s2 =	sld [smem:$0x3FFC];
	_ =	sdelay $0x3  }
0x94: {  	_ =	strace s2  }
0x95: {  	s2 =	sld [smem:$0x3FFD];
	_ =	sdelay $0x3  }
0x96: {  	_ =	strace s2  }
0x97: {  	_ =	strace $0x8FFFFFFF  }
0x98: {  	s18 =	sld [smem:$0x3FDB];
	_ =	sdelay $0x1  }
0x99: {  	s19 =	simm.s32 $_scs_section_size  }
0x9a: {  	s4 =	simm.s32 $_size__tile_overlayer_lowered;
	s5 =	simm.s32 $_tile_overlayer_lowered  }
0x9b: {  	s22 =	simm.s32 $0x1BFF;
	s21 =	sshll.u32 s5, $0x1;
	s2 =	sadd.s32 s19, s18  }
0x9c: {  	s6 =	simm.s32 $0x0;
	s20 =	sshll.u32 s4, $0x1;
	s4 =	sadd.s32 s21, s2  }
0x9d: {  	[timem:s6], [sflag:s22] =	dma.local [hbm:s4], s20  }
0x9e: {  	_ =	swait.ge [sflag:s22], s20  }
0x9f: {  	s3 =	ssub.s32 $0x0, s20;
	[sflag:s22] =	ssyncset.done $0x0  }
0xa0: {  	[sflag:s22] =	ssyncadd.s32 s3;
	_ =	sdelay $0x1  }
0xa1: {  	s23 =	simm.s32 $0x1B8B  }
0xa2: {  	_ =	swait.ge [sflag:s23], $0x1  }
0xa3: {  	[sflag:s23] =	ssyncset.done $0x0  }
0xa4: {  	s25 =	simm.s32 $0x1B8E;
	s24 =	sld [smem:$0x3FFE];
	[sflag:s23] =	ssyncadd.s32 $0xFFFFFFFF  }
0xa5: {  	s26 =	simm.s32 $execute0_lowered;
	[smem:$0x3FD2] =	sst s25  }
0xa6: {  	s4 =	sshll.u32 s26, $0x1;
	_ =	strace $0x80000049;
	[dreg:$0x1] =	wrdreg $0xFFFFFFFF  }
0xa7: {  	s28 =	simm.s32 $_size_execute0_lowered;
	s2 =	sadd.s32 s2, s4;
	[dreg:$0x0] =	wrdreg $0x0  }
0xa8: {  	s4 =	sshll.u32 s28, $0x1;
	[dreg:$0x2] =	wrdreg s2  }
0xa9: {  	[dreg:$0x3] =	wrdreg s4  }
0xaa: {  	[dreg:$0x4] =	wrdreg $0xC0  }
0xab: {  	_ =	task [dreg:s6], $0x5FFFF  }
0xac: {  	[dreg:$0x1] =	wrdreg $0xFFFFFFFF  }
0xad: {  	[dreg:$0x0] =	wrdreg $0x60  }
0xae: {  	[dreg:$0x2] =	wrdreg s24  }
0xaf: {  	[dreg:$0x3] =	wrdreg $0x88000  }
0xb0: {  	[dreg:$0x4] =	wrdreg $0x9  }
0xb1: {  	_ =	task.clear_ibuf [dreg:s6], $0x5FFFF;
	_ =	strace $0x90000049  }
0xb2: {  	s29 =	simm.s32 $0x9;
	_ =	strace $0x8000004B  }
0xb3: {  	_ =	swait.ge [sflag:s29], $0x1  }
0xb4: {  	[sflag:s29] =	ssyncadd.s32 $0xFFFFFFFF  }
0xb5: {  	_ =	strace $0x9000004B  }
0xb6: {  	_ =	sfence  }
0xb7: {  	s30 =	sld [smem:$0x0];
	_ =	sdelay $0x2  }
0xb8: {  	s31 =	sshll.u32 s1, $0xD;
	s1 =	sshrl.u32 s1, $0x2  }
0xb9: {  	s3 =	sand.u32 $0x4000, s31;
	s1 =	sadd.s32 s1, s30  }
0xba: {  	s0 =	sor.u32 s3, s0;
	s1 =	sshll.u32 s1, $0x11  }
0xbb: {  	s0 =	sor.u32 s1, s0  }
0xbc: {  	s0 =	sadd.s32 $0x8F2B, s0  }
0xbd: {  	[sflag:s0] =	ssyncadd.remote.s32 $0x1  }
0xbe: {  	_ =	sfence.sel $0xFFFF  }
0xbf: {  	[dreg:$0x0] =	wrdreg $0xFFFFFFFF;
	(pc) =	sbr.abs _section_cstart, $3  }
0xc0: {  	[dreg:$0x1] =	wrdreg $0xFFFFFFFF  }
0xc1: {  	_ =	task.clear_ibuf [dreg:s6], $0x2FFFF;
	_ =	strace $0x9FFFFFFF  }
0xc2: {  	(tm) =	ssettm $0x7FFFFFFF  }
0xc3: {  	_ =	shalt  }
tec
execute0_lowered:
.L_overlay_start_1:
0x0: {  	(tag) =	ssettag $0x1  }
0x1: {  	s0 =	rddreg [dreg:$0x0]  }
0x2: {  	s2 =	rddreg [dreg:$0x1];
	s8 =	stileid.u32  }
0x3: {  	s4 =	srdreg.scid;
	s3 =	simm.s32 $0x0;
	s30 =	simm.s32 $0x80  }
0x4: {  	s31 =	simm.s32 $0x800;
	s28 =	simm.s32 $0xB;
	s1 =	smul.u32 $0xA000, s8  }
0x5: {  	s29 =	simm.s32 $0x10;
	s5 =	sand.u32 $0x1, s4;
	s6 =	smul.u32 $0x1400, s8  }
0x6: {  	[smem:$0x7FF] =	sst s3;
	s4 =	sadd.s32 $0x2C00, s0;
	s8 =	smul.u32 $0x5000, s8  }
0x7: {  	s9 =	sadd.s32 $0xC6C00, s0;
	s7 =	smul.u32 $0x50000, s5;
	_ =	strace $0x8000004A  }
0x8: {  	s11 =	smul.u32 $0x14000, s5;
	s5 =	ssub.s32 $0x2, s5;
	s10 =	sshrl.u32 s1, $0x3  }
0x9: {  	s24 =	sshrl.u32 s5, $0x1;
	s1 =	sadd.s32 s1, s2;
	s10 =	sadd.s32 s10, s0  }
0xa: {  	s7 =	sadd.s32 s8, s7;
	s6 =	sadd.s32 s6, s11;
	s5 =	ssub.s32 s5, s24  }
0xb: {  	[dreg:$0x9] =	wrdreg s1;
	s8 =	simm.s32 $0x2;
	s25 =	sshrl.u32 s7, $0x3  }
0xc: {  	s0 =	sadd.s32 s6, s0;
	s15 =	sadd.s32 $0x64800, s10;
	s16 =	sor.u32 $0xD00, s7  }
0xd: {  	s17 =	sor.u32 $0xC00, s7;
	s5 =	smax.u32 s5, $0x1;
	s21 =	sor.u32 $0xB00, s7  }
0xe: {  	s22 =	sor.u32 $0xA00, s7;
	s23 =	sor.u32 $0x900, s7;
	s24 =	sor.u32 $0x800, s7  }
0xf: {  	s10 =	simm.s32 $0x6800;
	s26 =	sadd.s32 s9, s25;
	[dreg:$0xa] =	wrdreg s15  }
0x10: {  	s0 =	sadd.s32 $0x78800, s0;
	s18 =	sshrl.u32 s16, $0x3;
	s19 =	sshrl.u32 s17, $0x3  }
0x11: {  	[dreg:$0xc] =	wrdreg s5;
	s1 =	sshrl.u32 s22, $0x3;
	s5 =	sshrl.u32 s23, $0x3  }
0x12: {  	s25 =	sor.u32 $0x700, s7;
	s15 =	simm.s32 $0x11;
	[dreg:$0x3] =	wrdreg s26  }
0x13: {  	s23 =	simm.s32 $0xE;
	s11 =	sadd.s32 $0x20, s26;
	[dreg:$0xb] =	wrdreg s0  }
0x14: {  	s16 =	simm.s32 $0x0;
	s12 =	sadd.s32 $0x40, s26;
	[dreg:$0x4] =	wrdreg s11  }
0x15: {  	s13 =	sadd.s32 $0x60, s26;
	s14 =	sadd.s32 $0x80, s26;
	[dreg:$0x5] =	wrdreg s12  }
0x16: {  	s6 =	sadd.s32 $0xA0, s26;
	s0 =	sadd.s32 s18, s9;
	[dreg:$0x6] =	wrdreg s13  }
0x17: {  	s20 =	sadd.s32 s19, s9;
	s18 =	sadd.s32 s1, s9;
	[dreg:$0x7] =	wrdreg s14  }
0x18: {  	s19 =	sadd.s32 s5, s9;
	s26 =	sor.u32 $0x600, s7;
	[dreg:$0x8] =	wrdreg s6  }
0x19: {  	s1 =	sshrl.u32 s25, $0x3;
	s7 =	simm.s32 $0x600;
	[dreg:$0xd] =	wrdreg s0  }
0x1a: {  	[dreg:$0xe] =	wrdreg s20;
	s0 =	sshrl.u32 s21, $0x3;
	s5 =	sshrl.u32 s26, $0x3  }
0x1b: {  	s21 =	sadd.s32 s1, s9;
	s1 =	simm.s32 $0x1;
	s6 =	simm.s32 $0x4800  }
.Ltmp0:
0x1c: {  	s11 =	simm.s32 $0x700;
	s12 =	simm.s32 $0x3;
	(pc) =	sbr.rel .LBB2_1-.Ltmp0, $4  }
0x1d: {  	s14 =	simm.s32 $0xD;
	s26 =	simm.s32 $0xF;
	s0 =	sadd.s32 s0, s9  }
0x1e: {  	s13 =	simm.s32 $0xC;
	[dreg:$0xf] =	wrdreg s0;
	s0 =	sshrl.u32 s24, $0x3  }
0x1f: {  	s22 =	sadd.s32 s5, s9;
	s5 =	simm.s32 $0x9;
	s0 =	sadd.s32 s0, s9  }
0x20: {  	s24 =	simm.s32 $0x4;
	[dreg:$0x10] =	wrdreg s0;
	s0 =	simm.s32 $0x2800  }
.LBB2_7:
0x21: {  	[bflag:$0x0] =	sbarrier.arrive $0xFFFF  }
0x22: {  	s9 =	rddreg [dreg:$0xb]  }
0x23: {  	s15 =	rddreg [dreg:$0x12]  }
0x24: {  	s16 =	rddreg [dreg:$0x13]  }
0x25: {  	[hbm:s9], [sflag:s15] =	dma.local [spmem:s16], $0x1400  }
0x26: {  	s15 =	simm.s32 $0x11  }
0x27: {  	_ =	swait.ge [sflag:s15], $0x1400  }
0x28: {  	s20 =	rddreg [dreg:$0x11]  }
0x29: {  	s25 =	rddreg [dreg:$0xc];
	s16 =	sadd.s32 $0x1, s20  }
0x2a: {  	p0 =	sne.s32 s16, s25  }
.Ltmp1:
0x2b: {  	_ = 	snop;
	(pc) =	sbr.rel @!p0 .LBB2_8-.Ltmp1, $3  }
0x2c: {  	_ =	sdelay $0x1  }
0x2d: {  	[sflag:s15] =	ssyncset.done $0x0  }
0x2e: {  	[sflag:s15] =	ssyncadd.s32 $0xFFFFEC00  }
.LBB2_1:
0x2f: {  	[dreg:$0x11] =	wrdreg s16  }
0x30: {  	s9 =	rddreg [dreg:$0x3]  }
0x31: {  	[tilespmem:s3], [sflag:$0x11] =	stream.linear.gather [hbm4b:s9+s3], $0x100, $0x38;
	[tilespmem:$0x12800] =	vst v63  }
0x32: {  	_ =	swait.ge [sflag:s15], $0x100  }
0x33: {  	[sflag:s15] =	ssyncset.done $0x0  }
0x34: {  	s16 =	simm.s32 $0x100;
	s20 =	rddreg [dreg:$0x4];
	[sflag:s15] =	ssyncadd.s32 $0xFFFFFF00  }
0x35: {  	[tilespmem:s16], [sflag:$0x11] =	stream.linear.gather [hbm4b:s20+s3], $0x100, $0x38;
	[tilespmem:$0x12800] =	vst v63  }
0x36: {  	_ =	swait.ge [sflag:s15], $0x100  }
0x37: {  	[sflag:s15] =	ssyncset.done $0x0  }
0x38: {  	s17 =	simm.s32 $0x200;
	s25 =	rddreg [dreg:$0x5];
	[sflag:s15] =	ssyncadd.s32 $0xFFFFFF00  }
0x39: {  	[tilespmem:s17], [sflag:$0x11] =	stream.linear.gather [hbm4b:s25+s3], $0x100, $0x38;
	[tilespmem:$0x12800] =	vst v63  }
0x3a: {  	_ =	swait.ge [sflag:s15], $0x100  }
0x3b: {  	[sflag:s15] =	ssyncset.done $0x0  }
0x3c: {  	s25 =	simm.s32 $0x300;
	s20 =	rddreg [dreg:$0x6];
	[sflag:s15] =	ssyncadd.s32 $0xFFFFFF00  }
0x3d: {  	[tilespmem:s25], [sflag:$0x11] =	stream.linear.gather [hbm4b:s20+s3], $0x100, $0x38;
	[tilespmem:$0x12800] =	vst v63  }
0x3e: {  	_ =	swait.ge [sflag:s15], $0x100  }
0x3f: {  	s17 =	stileid.u32;
	[sflag:s15] =	ssyncset.done $0x0  }
0x40: {  	s25 =	simm.s32 $0x400;
	s20 =	rddreg [dreg:$0x7];
	[sflag:s15] =	ssyncadd.s32 $0xFFFFFF00  }
0x41: {  	[tilespmem:s25], [sflag:$0x11] =	stream.linear.gather [hbm4b:s20+s3], $0x100, $0x38;
	[tilespmem:$0x12800] =	vst v63  }
0x42: {  	s9 =	sshll.u32 s17, $0x6;
	_ =	swait.ge [sflag:s15], $0x100  }
0x43: {  	s17 =	sor.u32 $0x1C11, s9;
	[sflag:s15] =	ssyncset.done $0x0  }
0x44: {  	s25 =	simm.s32 $0x500;
	s20 =	rddreg [dreg:$0x8];
	[sflag:s15] =	ssyncadd.s32 $0xFFFFFF00  }
0x45: {  	[tilespmem:s25], [sflag:$0x11] =	stream.linear.gather [hbm4b:s20+s3], $0x100, $0x38;
	[tilespmem:$0x12800] =	vst v63  }
0x46: {  	_ =	swait.ge [sflag:s15], $0x100;
	[dreg:$0x12] =	wrdreg s17  }
0x47: {  	s20 =	rddreg [dreg:$0x9]  }
0x48: {  	[sflag:s15] =	ssyncset.done $0x0;
	s25 =	rddreg [dreg:$0xa];
	s20 =	sshrl.u32 s20, $0x3  }
0x49: {  	[sflag:s15] =	ssyncadd.s32 $0xFFFFFF00;
	[dreg:$0x13] =	wrdreg s20  }
0x4a: {  	[spmem:s20], [sflag:s17] =	dma.local [hbm:s25], $0x1400  }
0x4b: {  	_ =	swait.ge [sflag:s15], $0x1400  }
0x4c: {  	[sflag:s15] =	ssyncset.done $0x0  }
.Ltmp2:
0x4d: {  	[sflag:s15] =	ssyncadd.s32 $0xFFFFEC00;
	(pc) =	sbr.rel .LBB2_2-.Ltmp2, $4  }
0x4e: {  	[bflag:$0x0] =	sbarrier.arrive $0xFFFF  }
0x4f: {  	[tilespmem:s31], [sflag:$0x1] =	stream.indirect.gather [hbm4b:s4+s30], $0x40, s3, s30, $0xb8;
	[tilespmem:$0x12800] =	vst v63  }
0x50: {  	s25 =	simm.s32 $0x0  }
0x51: {  	[tilespmem:s0], [sflag:$0x2] =	stream.indirect.gather [hbm4b:s4+s30], $0x40, s16, s30, $0xb8;
	[tilespmem:$0x12800] =	vst v63  }
.LBB2_3:
0x52: {  	s9 =	simm.s32 $0x400  }
0x53: {  	[tilespmem:s31], [sflag:$0x1] =	stream.indirect.gather [hbm4b:s4+s30], $0x40, s9, s30, $0xb8;
	[tilespmem:$0x12800] =	vst v63  }
.LBB2_5:
0x54: {  	s9 =	rddreg [dreg:$0x10]  }
0x55: {  	p0 =	por $0x0, $0x0;
	s9 =	sadd.s32 s25, s9  }
0x56: {  	[tilespmem:s3], [sflag:$0x5] =	stream.linear.gather [hbm4b:s9+s3], $0x100, $0x38;
	[tilespmem:$0x12800] =	vst v63  }
.LBB2_6:
0x57: {  	_ =	swait.ge [sflag:s24], $0x2000  }
0x58: {  	[sflag:s24] =	ssyncset.done $0x0  }
0x59: {  	s9 =	simm.s32 $0x380;
	[sflag:s24] =	ssyncadd.s32 $0xFFFFE000  }
0x5a: {  	[spmem:s2] =	stream.indirect.scatter.add.f32 [tilespmem:s10], [sflag:$0x10], $0x40, s9, s30, $0xb8;
	[tilespmem:$0x12800] =	vst v63  }
0x5b: {  	_ =	swait.ge [sflag:s23], $0x2000  }
0x5c: {  	[sflag:s23] =	ssyncset.done $0x0  }
0x5d: {  	s9 =	simm.s32 @!p1 $0xA;
	[sflag:s23] =	ssyncadd.s32 $0xFFFFE000  }
0x5e: {  	_ =	swait.ge @!p1 [sflag:s9], $0x100  }
0x5f: {  	[sflag:s9] =	ssyncset.done @!p1 $0x0  }
0x60: {  	s15 =	simm.s32 $0x500;
	[sflag:s9] =	ssyncadd.s32 @!p1 $0xFFFFFF00  }
0x61: {  	[tilespmem:s0], [sflag:$0x2] =	stream.indirect.gather [hbm4b:s4+s30], $0x40, s15, s30, $0xb8;
	[tilespmem:$0x12800] =	vst v63  }
0x62: {  	s20 =	simm.s32 @!p0 $0x100;
	s9 =	simm.s32 @!p0 $0x0;
	s15 =	sadd.s32 @!p0 s25, s19  }
0x63: {  	[tilespmem:s20], [sflag:$0x6] =	stream.linear.gather @!p0 [hbm4b:s15+s9], $0x100, $0x38;
	[tilespmem:$0x12800] =	vst v63  }
0x64: {  	_ =	swait.ge [sflag:s1], $0x2000  }
0x65: {  	[sflag:s1] =	ssyncset.done $0x0  }
0x66: {  	s16 =	simm.s32 $0x480;
	[sflag:s1] =	ssyncadd.s32 $0xFFFFE000  }
0x67: {  	[spmem:s2] =	stream.indirect.scatter.add.f32 [tilespmem:s31], [sflag:$0xD], $0x40, s16, s30, $0xb8;
	[tilespmem:$0x12800] =	vst v63  }
0x68: {  	_ =	swait.ge [sflag:s26], $0x2000  }
0x69: {  	[sflag:s26] =	ssyncset.done $0x0  }
0x6a: {  	[sflag:s26] =	ssyncadd.s32 $0xFFFFE000  }
0x6b: {  	_ =	swait.ge [sflag:s28], $0x100  }
0x6c: {  	[sflag:s28] =	ssyncset.done $0x0  }
0x6d: {  	[sflag:s28] =	ssyncadd.s32 $0xFFFFFF00  }
0x6e: {  	[tilespmem:s6], [sflag:$0x3] =	stream.indirect.gather [hbm4b:s4+s30], $0x40, s7, s30, $0xb8;
	[tilespmem:$0x12800] =	vst v63  }
0x6f: {  	s15 =	sadd.s32 @!p0 s25, s18;
	s16 =	simm.s32 @!p0 $0x200  }
0x70: {  	[tilespmem:s16], [sflag:$0x7] =	stream.linear.gather @!p0 [hbm4b:s15+s9], $0x100, $0x38;
	[tilespmem:$0x12800] =	vst v63  }
0x71: {  	_ =	swait.ge [sflag:s8], $0x2000  }
0x72: {  	[sflag:s8] =	ssyncset.done $0x0  }
0x73: {  	s17 =	simm.s32 $0x580;
	[sflag:s8] =	ssyncadd.s32 $0xFFFFE000  }
0x74: {  	[spmem:s2] =	stream.indirect.scatter.add.f32 [tilespmem:s0], [sflag:$0xE], $0x40, s17, s30, $0xb8;
	[tilespmem:$0x12800] =	vst v63  }
0x75: {  	_ =	swait.ge [sflag:s29], $0x2000  }
0x76: {  	[sflag:s29] =	ssyncset.done $0x0  }
0x77: {  	[sflag:s29] =	ssyncadd.s32 $0xFFFFE000  }
0x78: {  	_ =	swait.ge [sflag:s13], $0x100  }
0x79: {  	[sflag:s13] =	ssyncset.done $0x0  }
0x7a: {  	s15 =	rddreg [dreg:$0xf];
	[sflag:s13] =	ssyncadd.s32 $0xFFFFFF00  }
0x7b: {  	[tilespmem:s10], [sflag:$0x4] =	stream.indirect.gather [hbm4b:s4+s30], $0x40, s11, s30, $0xb8;
	[tilespmem:$0x12800] =	vst v63  }
0x7c: {  	s16 =	simm.s32 @!p0 $0x300;
	s15 =	sadd.s32 @!p0 s25, s15  }
0x7d: {  	[tilespmem:s16], [sflag:$0x8] =	stream.linear.gather @!p0 [hbm4b:s15+s9], $0x100, $0x38;
	[tilespmem:$0x12800] =	vst v63  }
0x7e: {  	s15 =	simm.s32 @!p0 $0x3  }
0x7f: {  	_ =	swait.ge @!p0 [sflag:s15], $0x2000  }
0x80: {  	s17 =	simm.s32 @!p0 $0x4800;
	[sflag:s15] =	ssyncset.done @!p0 $0x0  }
0x81: {  	s16 =	simm.s32 @!p0 $0x680;
	[sflag:s15] =	ssyncadd.s32 @!p0 $0xFFFFE000;
	s15 =	simm.s32 @!p0 $0x80  }
0x82: {  	[spmem:s2] =	stream.indirect.scatter.add.f32 @!p0 [tilespmem:s17], [sflag:$0xF], $0x40, s16, s15, $0xb8;
	[tilespmem:$0x12800] =	vst v63  }
0x83: {  	s16 =	simm.s32 @!p0 $0xD  }
0x84: {  	_ =	swait.ge @!p0 [sflag:s16], $0x2000  }
0x85: {  	[sflag:s16] =	ssyncset.done @!p0 $0x0  }
0x86: {  	[sflag:s16] =	ssyncadd.s32 @!p0 $0xFFFFE000;
	s16 =	simm.s32 @!p0 $0x5  }
0x87: {  	_ =	swait.ge @!p0 [sflag:s16], $0x100  }
0x88: {  	[sflag:s16] =	ssyncset.done @!p0 $0x0  }
0x89: {  	[sflag:s16] =	ssyncadd.s32 @!p0 $0xFFFFFF00;
	s16 =	simm.s32 @!p0 $0x800  }
0x8a: {  	[tilespmem:s16], [sflag:$0x1] =	stream.indirect.gather @!p0 [hbm4b:s4+s15], $0x40, s9, s15, $0xb8;
	[tilespmem:$0x12800] =	vst v63  }
0x8b: {  	s16 =	rddreg [dreg:$0xe]  }
0x8c: {  	s17 =	simm.s32 @!p0 $0x400;
	s16 =	sadd.s32 @!p0 s25, s16  }
0x8d: {  	[tilespmem:s17], [sflag:$0x9] =	stream.linear.gather @!p0 [hbm4b:s16+s9], $0x100, $0x38;
	[tilespmem:$0x12800] =	vst v63  }
0x8e: {  	s16 =	simm.s32 @!p0 $0x4  }
0x8f: {  	_ =	swait.ge @!p0 [sflag:s16], $0x2000  }
0x90: {  	[sflag:s16] =	ssyncset.done @!p0 $0x0  }
0x91: {  	s17 =	simm.s32 @!p0 $0x6800;
	[sflag:s16] =	ssyncadd.s32 @!p0 $0xFFFFE000;
	s16 =	simm.s32 @!p0 $0x780  }
0x92: {  	[spmem:s2] =	stream.indirect.scatter.add.f32 @!p0 [tilespmem:s17], [sflag:$0x10], $0x40, s16, s15, $0xb8;
	[tilespmem:$0x12800] =	vst v63  }
0x93: {  	s16 =	simm.s32 @!p0 $0xE  }
0x94: {  	_ =	swait.ge @!p0 [sflag:s16], $0x2000  }
0x95: {  	[sflag:s16] =	ssyncset.done @!p0 $0x0  }
0x96: {  	[sflag:s16] =	ssyncadd.s32 @!p0 $0xFFFFE000;
	s16 =	simm.s32 @!p0 $0x6  }
0x97: {  	_ =	swait.ge @!p0 [sflag:s16], $0x100  }
0x98: {  	[sflag:s16] =	ssyncset.done @!p0 $0x0  }
0x99: {  	[sflag:s16] =	ssyncadd.s32 @!p0 $0xFFFFFF00;
	s16 =	simm.s32 @!p0 $0x2800  }
0x9a: {  	[tilespmem:s16], [sflag:$0x2] =	stream.indirect.gather @!p0 [hbm4b:s4+s15], $0x40, s20, s15, $0xb8;
	[tilespmem:$0x12800] =	vst v63  }
0x9b: {  	s15 =	rddreg [dreg:$0xd]  }
0x9c: {  	s16 =	simm.s32 @!p0 $0x500;
	s15 =	sadd.s32 @!p0 s25, s15  }
0x9d: {  	[tilespmem:s16], [sflag:$0xA] =	stream.linear.gather @!p0 [hbm4b:s15+s9], $0x100, $0x38;
	[tilespmem:$0x12800] =	vst v63  }
0x9e: {  	s9 =	simm.s32 @p0 $0x3  }
0x9f: {  	_ =	swait.ge @p0 [sflag:s9], $0x2000  }
0xa0: {  	s15 =	simm.s32 @p0 $0x680;
	[sflag:s9] =	ssyncset.done @p0 $0x0  }
0xa1: {  	s16 =	simm.s32 @p0 $0x4800;
	[sflag:s9] =	ssyncadd.s32 @p0 $0xFFFFE000;
	s9 =	simm.s32 @p0 $0x80  }
0xa2: {  	[spmem:s2] =	stream.indirect.scatter.add.f32 @p0 [tilespmem:s16], [sflag:$0x11], $0x40, s15, s9, $0xb8;
	[tilespmem:$0x12800] =	vst v63  }
0xa3: {  	s15 =	simm.s32 @p0 $0x11  }
0xa4: {  	_ =	swait.ge @p0 [sflag:s15], $0x2000  }
0xa5: {  	[sflag:s15] =	ssyncset.done @p0 $0x0  }
0xa6: {  	s16 =	simm.s32 @p0 $0xD;
	[sflag:s15] =	ssyncadd.s32 @p0 $0xFFFFE000  }
0xa7: {  	_ =	swait.ge @p0 [sflag:s16], $0x2000  }
0xa8: {  	[sflag:s16] =	ssyncset.done @p0 $0x0  }
0xa9: {  	[sflag:s16] =	ssyncadd.s32 @p0 $0xFFFFE000;
	s16 =	simm.s32 @p0 $0x4  }
0xaa: {  	_ =	swait.ge @p0 [sflag:s16], $0x2000  }
0xab: {  	s17 =	simm.s32 @p0 $0x6800;
	[sflag:s16] =	ssyncset.done @p0 $0x0  }
0xac: {  	s25 =	sadd.s32 $0x100, s25;
	[sflag:s16] =	ssyncadd.s32 @p0 $0xFFFFE000;
	s16 =	simm.s32 @p0 $0x780  }
0xad: {  	[spmem:s2] =	stream.indirect.scatter.add.f32 @p0 [tilespmem:s17], [sflag:$0x11], $0x40, s16, s9, $0xb8;
	[tilespmem:$0x12800] =	vst v63  }
0xae: {  	p1 =	sne.s32 s25, $0xA00;
	_ =	swait.ge @p0 [sflag:s15], $0x2000  }
.Ltmp3:
0xaf: {  	[sflag:s15] =	ssyncset.done @p0 $0x0;
	(pc) =	sbr.rel @!p1 .LBB2_7-.Ltmp3, $4  }
0xb0: {  	s9 =	simm.s32 @p0 $0xE;
	[sflag:s15] =	ssyncadd.s32 @p0 $0xFFFFE000  }
0xb1: {  	_ =	swait.ge @p0 [sflag:s9], $0x2000  }
0xb2: {  	[sflag:s9] =	ssyncset.done @p0 $0x0  }
0xb3: {  	[sflag:s9] =	ssyncadd.s32 @p0 $0xFFFFE000  }
.LBB2_2:
0xb4: {  	_ =	swait.ge [sflag:s1], $0x2000  }
0xb5: {  	p1 =	seq.s32 s25, $0x0;
	[sflag:s1] =	ssyncset.done $0x0  }
0xb6: {  	s9 =	simm.s32 @!p1 $0xF;
	[sflag:s1] =	ssyncadd.s32 $0xFFFFE000  }
0xb7: {  	[spmem:s2] =	stream.indirect.scatter.add.f32 [tilespmem:s31], [sflag:$0xD], $0x40, s30, s30, $0xb8;
	[tilespmem:$0x12800] =	vst v63  }
0xb8: {  	_ =	swait.ge @!p1 [sflag:s9], $0x2000  }
0xb9: {  	[sflag:s9] =	ssyncset.done @!p1 $0x0  }
0xba: {  	[sflag:s9] =	ssyncadd.s32 @!p1 $0xFFFFE000;
	s9 =	simm.s32 @!p1 $0x7  }
0xbb: {  	_ =	swait.ge @!p1 [sflag:s9], $0x100  }
0xbc: {  	[sflag:s9] =	ssyncset.done @!p1 $0x0  }
0xbd: {  	s17 =	simm.s32 $0x200;
	[sflag:s9] =	ssyncadd.s32 @!p1 $0xFFFFFF00  }
0xbe: {  	[tilespmem:s6], [sflag:$0x3] =	stream.indirect.gather [hbm4b:s4+s30], $0x40, s17, s30, $0xb8;
	[tilespmem:$0x12800] =	vst v63  }
0xbf: {  	s20 =	sadd.s32 s25, s22  }
0xc0: {  	[tilespmem:s7], [sflag:$0xB] =	stream.linear.gather [hbm4b:s20+s3], $0x100, $0x38;
	[tilespmem:$0x12800] =	vst v63  }
0xc1: {  	_ =	swait.ge [sflag:s8], $0x2000  }
0xc2: {  	[sflag:s8] =	ssyncset.done $0x0  }
0xc3: {  	s15 =	simm.s32 $0x180;
	s9 =	simm.s32 @!p1 $0x10;
	[sflag:s8] =	ssyncadd.s32 $0xFFFFE000  }
0xc4: {  	[spmem:s2] =	stream.indirect.scatter.add.f32 [tilespmem:s0], [sflag:$0xE], $0x40, s15, s30, $0xb8;
	[tilespmem:$0x12800] =	vst v63  }
0xc5: {  	_ =	swait.ge @!p1 [sflag:s9], $0x2000  }
0xc6: {  	[sflag:s9] =	ssyncset.done @!p1 $0x0  }
0xc7: {  	[sflag:s9] =	ssyncadd.s32 @!p1 $0xFFFFE000;
	s9 =	simm.s32 @!p1 $0x8  }
0xc8: {  	_ =	swait.ge @!p1 [sflag:s9], $0x100  }
0xc9: {  	[sflag:s9] =	ssyncset.done @!p1 $0x0  }
0xca: {  	s16 =	simm.s32 $0x300;
	[sflag:s9] =	ssyncadd.s32 @!p1 $0xFFFFFF00  }
0xcb: {  	[tilespmem:s10], [sflag:$0x4] =	stream.indirect.gather [hbm4b:s4+s30], $0x40, s16, s30, $0xb8;
	[tilespmem:$0x12800] =	vst v63  }
0xcc: {  	s17 =	sadd.s32 s25, s21  }
0xcd: {  	[tilespmem:s11], [sflag:$0xC] =	stream.linear.gather [hbm4b:s17+s3], $0x100, $0x38;
	[tilespmem:$0x12800] =	vst v63  }
0xce: {  	_ =	swait.ge [sflag:s12], $0x2000  }
0xcf: {  	p0 =	sne.s32 s25, $0x0;
	[sflag:s12] =	ssyncset.done $0x0  }
.Ltmp4:
0xd0: {  	s20 =	simm.s32 $0x280;
	[sflag:s12] =	ssyncadd.s32 $0xFFFFE000;
	(pc) =	sbr.rel @!p0 .LBB2_3-.Ltmp4, $4  }
0xd1: {  	[spmem:s2] =	stream.indirect.scatter.add.f32 [tilespmem:s6], [sflag:$0xF], $0x40, s20, s30, $0xb8;
	[tilespmem:$0x12800] =	vst v63  }
0xd2: {  	_ =	swait.ge [sflag:s14], $0x2000  }
0xd3: {  	[sflag:s14] =	ssyncset.done $0x0  }
0xd4: {  	[sflag:s14] =	ssyncadd.s32 $0xFFFFE000  }
0xd5: {  	p2 =	seq.s32 s25, $0x900  }
.Ltmp5:
0xd6: {  	_ = 	snop;
	(pc) =	sbr.rel @p2 .LBB2_6-.Ltmp5, $4  }
.Ltmp6:
0xd7: {  	_ =	swait.ge [sflag:s5], $0x100;
	(pc) =	sbr.rel @!p2 .LBB2_5-.Ltmp6, $4  }
0xd8: {  	[sflag:s5] =	ssyncset.done $0x0  }
0xd9: {  	s9 =	simm.s32 $0x400;
	p0 =	por $0x1, $0x1;
	[sflag:s5] =	ssyncadd.s32 $0xFFFFFF00  }
0xda: {  	[tilespmem:s31], [sflag:$0x1] =	stream.indirect.gather [hbm4b:s4+s30], $0x40, s9, s30, $0xb8;
	[tilespmem:$0x12800] =	vst v63  }
0xdb: {  	_ = 	snop  }
.LBB2_8:
0xdc: {  	_ =	sfence.sel $0x180000  }
0xdd: {  	[bflag:$0x0] =	sbarrier.arrive $0xFFFF  }
0xde: {  	_ =	strace $0x9000004A  }
0xdf: {  	s0 =	stileid.u32;
	[bflag:$0x2] =	sbarrier.arrive $0xFFFF  }
0xe0: {  	p0 =	sne.s32 s0, $0x0;
	s0 =	rddreg [dreg:$0x2]  }
0xe1: {  	s0 =	sadd.s32 @!p0 $0x100000, s0  }
0xe2: {  	[sflag:s0] =	ssyncadd.tile.s32 @!p0 $0x1;
	_ =	shalt  }
.Lfunc_end2:
_tile_overlayer_lowered:
.L_overlay_start_2:
0xe3: {  	(tag) =	ssettag $0x2  }
0xe4: {  	s0 =	rddreg [dreg:$0x0];
	s2 =	stileid.u32  }
0xe5: {  	s1 =	rddreg [dreg:$0x1];
	p0 =	sne.s32 s2, $0x0  }
0xe6: {  	s3 =	rddreg [dreg:$0x2];
	[bflag:$0x3] =	sbarrier.arrive $0xFFFF;
	s2 =	simm.s32 @!p0 $0x1C11  }
0xe7: {  	[timem:s3], [sflag:s2] =	dma.local @!p0 [hbm:s0], s1  }
0xe8: {  	s0 =	simm.s32 @!p0 $0x11  }
0xe9: {  	_ =	swait.ge @!p0 [sflag:s0], s1  }
0xea: {  	s1 =	ssub.s32 @!p0 $0x0, s1;
	[sflag:s0] =	ssyncset.done @!p0 $0x0  }
0xeb: {  	[sflag:s0] =	ssyncadd.s32 @!p0 s1  }
0xec: {  	[bflag:$0x3] =	sbarrier.arrive $0xFFFF  }
0xed: {  	_ =	shalt  }

// kernel: kernel.14.cloned.1.call-start
scs
__scs_entry_jumppad:
0x0: {  	(pc) =	sbr.rel $0x88, $3  }
0x1: {  	(tag) =	ssettag $0x0;
	lr =	simm.s32 $0x1  }
0x2: {  	[smem:$0x3F8A] =	sst lr;
	_ =	strace $0xD0000000  }
0x3: {  	_ = 	snop  }
0x4: {  	_ = 	snop  }
0x5: {  	_ = 	snop  }
0x6: {  	_ = 	snop  }
0x7: {  	_ = 	snop  }
__scs_overlays_trampoline_lowered:
0x8: {  	[smem:$0x3F99] =	sst s0  }
0x9: {  	[smem:$0x3F9A] =	sst s1  }
0xa: {  	[smem:$0x3F9B] =	sst s2  }
0xb: {  	[smem:$0x3F9C] =	sst s3  }
0xc: {  	[smem:$0x3F9D] =	sst s4  }
0xd: {  	[smem:$0x3F9E] =	sst s5  }
0xe: {  	[smem:$0x3F9F] =	sst s6  }
0xf: {  	[smem:$0x3FA0] =	sst s7  }
0x10: {  	[smem:$0x3FA1] =	sst s8  }
0x11: {  	[smem:$0x3FA2] =	sst s9;
	s0 =	simm.s32 @!p0 $0x0  }
0x12: {  	s1 =	sld [smem:$0x3F88];
	s0 =	simm.s32 @p0 $0x1  }
0x13: {  	[smem:$0x3FA3] =	sst s0;
	s0 =	simm.s32 @!p1 $0x0  }
0x14: {  	s2 =	sld [smem:$0x3F87];
	s0 =	simm.s32 @p1 $0x1  }
0x15: {  	[smem:$0x3FA4] =	sst s0;
	s0 =	simm.s32 @!p2 $0x0  }
0x16: {  	s3 =	sld [smem:$0x3FDB];
	s0 =	simm.s32 @p2 $0x1  }
0x17: {  	s4 =	simm.s32 $0x1BF5;
	[smem:$0x3FA6] =	sst s0  }
0x18: {  	s0 =	sld [smem:$0x3F89];
	_ =	swait.ge [sflag:s4], $0x0  }
0x19: {  	s7 =	sld [smem:$0x3F8A]  }
0x1a: {  	s8 =	sadd.s32 $0xFFFFE003, lr  }
0x1b: {  	s9 =	sadd.s32 $0xFFFFFEF7, lr;
	s5 =	simm.s32 $0xFFFFFFFF;
	p2 =	slt.u32 s8, $0xFFFFF086  }
0x1c: {  	p1 =	slt.u32 s9, $0xF7A;
	s5 =	simm.s32 @!p2 $0x0  }
0x1d: {  	s5 =	simm.s32 @p1 $0x1;
	p0 =	seq.s32 s7, s2  }
0x1e: {  	s7 =	smul.u32 @!p0 $0xF7A, s2;
	p2 =	seq.s32 @!p0 s5, $0x0  }
0x1f: {  	s9 =	smul.u32 $0xF7A, s1;
	s8 =	simm.s32 @!p0 $0x1BF5;
	p2 =	por !p2, p0  }
0x20: {  	[sflag:s8] =	ssyncset.s32 @!p0 $0xFFFFF086;
	s6 =	sadd.s32 @!p0 s3, s7;
	s7 =	simm.s32 @!p0 $0x108  }
0x21: {  	s3 =	sadd.s32 s3, s9;
	s6 =	sadd.s32 @!p0 $0x88, s6;
	s7 =	simm.s32 @p2 $0x1082  }
0x22: {  	[simem:s7], [sflag:s8] =	dma.local @!p0 [hbm:s6], $0xF7A  }
0x23: {  	s9 =	sor.u32 $0xD0000000, s2;
	s6 =	simm.s32 $0x108;
	_ =	swait.ge @!p0 [sflag:s8], $0x0  }
0x24: {  	s3 =	sadd.s32 $0x88, s3;
	s6 =	simm.s32 @!p1 $0x1082;
	[sflag:s4] =	ssyncset.s32 $0xFFFFF086  }
0x25: {  	[simem:s6], [sflag:s4] =	dma.local [hbm:s3], $0xF7A  }
0x26: {  	[smem:$0x3F8A] =	sst s1;
	(tag) =	ssettag s2;
	_ =	strace s9  }
0x27: {  	s1 =	sld [smem:$0x3F9A]  }
0x28: {  	s2 =	sld [smem:$0x3F9B]  }
0x29: {  	s4 =	sld [smem:$0x3F9D]  }
0x2a: {  	p0 =	seq.s32 s5, $0x0;
	s5 =	sld [smem:$0x3F9E]  }
0x2b: {  	s6 =	sld [smem:$0x3F9F]  }
0x2c: {  	s7 =	sld [smem:$0x3FA0]  }
0x2d: {  	s3 =	simm.s32 $0x108;
	s8 =	sld [smem:$0x3FA1]  }
0x2e: {  	s3 =	simm.s32 @!p0 $0x1082;
	s9 =	sld [smem:$0x3FA2]  }
0x2f: {  	lr =	sadd.s32 s0, s3;
	s0 =	sld [smem:$0x3F99]  }
0x30: {  	s3 =	sld [smem:$0x3F9C]  }
0x31: {  	[smem:$0x3FA5] =	sst s10  }
0x32: {  	s10 =	sld [smem:$0x3FA3];
	_ =	sdelay $0x3  }
0x33: {  	p0 =	seq.s32 s10, $0x1;
	s10 =	sld [smem:$0x3FA5];
	_ =	sdelay $0x3  }
0x34: {  	[smem:$0x3FA5] =	sst s10  }
0x35: {  	s10 =	sld [smem:$0x3FA4];
	_ =	sdelay $0x3  }
0x36: {  	p1 =	seq.s32 s10, $0x1;
	s10 =	sld [smem:$0x3FA5];
	_ =	sdelay $0x3  }
0x37: {  	[smem:$0x3FA5] =	sst s10  }
0x38: {  	s10 =	sld [smem:$0x3FA6]  }
0x39: {  	_ = 	snop;
	(pc) =	sbr.ind lr, $3  }
0x3a: {  	_ = 	snop  }
0x3b: {  	_ = 	snop  }
0x3c: {  	p2 =	seq.s32 s10, $0x1;
	s10 =	sld [smem:$0x3FA5]  }
0x3d: {  	_ =	shalt  }
0x3e: {  	_ =	shalt  }
0x3f: {  	_ =	shalt  }
0x40: {  	_ =	shalt  }
0x41: {  	_ =	shalt  }
0x42: {  	_ =	shalt  }
0x43: {  	_ =	shalt  }
0x44: {  	_ =	shalt  }
0x45: {  	_ =	shalt  }
0x46: {  	_ =	shalt  }
0x47: {  	_ =	shalt  }
0x48: {  	_ =	shalt  }
0x49: {  	_ =	shalt  }
0x4a: {  	_ =	shalt  }
0x4b: {  	_ =	shalt  }
0x4c: {  	_ =	shalt  }
0x4d: {  	_ =	shalt  }
0x4e: {  	_ =	shalt  }
0x4f: {  	_ =	shalt  }
0x50: {  	_ =	shalt  }
0x51: {  	_ =	shalt  }
0x52: {  	_ =	shalt  }
0x53: {  	_ =	shalt  }
0x54: {  	_ =	shalt  }
0x55: {  	_ =	shalt  }
0x56: {  	_ =	shalt  }
0x57: {  	_ =	shalt  }
0x58: {  	_ =	shalt  }
0x59: {  	_ =	shalt  }
0x5a: {  	_ =	shalt  }
0x5b: {  	_ =	shalt  }
0x5c: {  	_ =	shalt  }
0x5d: {  	_ =	shalt  }
0x5e: {  	_ =	shalt  }
0x5f: {  	_ =	shalt  }
0x60: {  	_ =	shalt  }
0x61: {  	_ =	shalt  }
0x62: {  	_ =	shalt  }
0x63: {  	_ =	shalt  }
0x64: {  	_ =	shalt  }
0x65: {  	_ =	shalt  }
0x66: {  	_ =	shalt  }
0x67: {  	_ =	shalt  }
0x68: {  	_ =	shalt  }
0x69: {  	_ =	shalt  }
0x6a: {  	_ =	shalt  }
0x6b: {  	_ =	shalt  }
0x6c: {  	_ =	shalt  }
0x6d: {  	_ =	shalt  }
0x6e: {  	_ =	shalt  }
0x6f: {  	_ =	shalt  }
0x70: {  	_ =	shalt  }
0x71: {  	_ =	shalt  }
0x72: {  	_ =	shalt  }
0x73: {  	_ =	shalt  }
0x74: {  	_ =	shalt  }
0x75: {  	_ =	shalt  }
0x76: {  	_ =	shalt  }
0x77: {  	_ =	shalt  }
0x78: {  	_ =	shalt  }
0x79: {  	_ =	shalt  }
0x7a: {  	_ =	shalt  }
0x7b: {  	_ =	shalt  }
0x7c: {  	_ =	shalt  }
0x7d: {  	_ =	shalt  }
0x7e: {  	_ =	shalt  }
0x7f: {  	_ =	shalt  }
0x80: {  	_ =	shalt  }
0x81: {  	_ =	shalt  }
0x82: {  	_ =	shalt  }
0x83: {  	_ =	shalt  }
0x84: {  	_ =	shalt  }
0x85: {  	_ =	shalt  }
0x86: {  	_ =	shalt  }
0x87: {  	_ =	shalt  }
.Lfunc_end0:
.L_simem_size_0:
called_computation.2_lowered:
.L_overlay_start_0:
0x88: {  	s2 =	sld [smem:$0x3FD9]  }
0x89: {  	s3 =	sld [smem:$0x3FFE];
	_ =	sdelay $0x1  }
0x8a: {  	s1 =	srdreg.scid  }
0x8b: {  	s0 =	sand.u32 $0x1, s1  }
0x8c: {  	s16 =	sshll.u32 s0, $0xA;
	s2 =	sadd.s32 s3, s2  }
0x8d: {  	s2 =	sadd.s32 s2, s16  }
0x8e: {  	[smem:$0x3FB1] =	sst s2  }
0x8f: {  	_ = 	snop  }
0x90: {  	(tm) =	ssettm $0x1  }
0x91: {  	s17 =	sld [smem:$0x3FFB];
	_ =	sdelay $0x3  }
0x92: {  	_ =	strace s17  }
0x93: {  	s2 =	sld [smem:$0x3FFC];
	_ =	sdelay $0x3  }
0x94: {  	_ =	strace s2  }
0x95: {  	s2 =	sld [smem:$0x3FFD];
	_ =	sdelay $0x3  }
0x96: {  	_ =	strace s2  }
0x97: {  	_ =	strace $0x8FFFFFFF  }
0x98: {  	s18 =	sld [smem:$0x3FDB];
	_ =	sdelay $0x1  }
0x99: {  	s19 =	simm.s32 $_scs_section_size  }
0x9a: {  	s4 =	simm.s32 $_size__tile_overlayer_lowered;
	s5 =	simm.s32 $_tile_overlayer_lowered  }
0x9b: {  	s22 =	simm.s32 $0x1BFF;
	s21 =	sshll.u32 s5, $0x1;
	s2 =	sadd.s32 s19, s18  }
0x9c: {  	s6 =	simm.s32 $0x0;
	s20 =	sshll.u32 s4, $0x1;
	s4 =	sadd.s32 s21, s2  }
0x9d: {  	[timem:s6], [sflag:s22] =	dma.local [hbm:s4], s20  }
0x9e: {  	_ =	swait.ge [sflag:s22], s20  }
0x9f: {  	s3 =	ssub.s32 $0x0, s20;
	[sflag:s22] =	ssyncset.done $0x0  }
0xa0: {  	[sflag:s22] =	ssyncadd.s32 s3;
	_ =	sdelay $0x1  }
0xa1: {  	s23 =	simm.s32 $0x1B8B  }
0xa2: {  	_ =	swait.ge [sflag:s23], $0x1  }
0xa3: {  	[sflag:s23] =	ssyncset.done $0x0  }
0xa4: {  	s25 =	simm.s32 $0x1B8E;
	s24 =	sld [smem:$0x3FFE];
	[sflag:s23] =	ssyncadd.s32 $0xFFFFFFFF  }
0xa5: {  	s26 =	simm.s32 $execute0_lowered;
	[smem:$0x3FD2] =	sst s25  }
0xa6: {  	s4 =	sshll.u32 s26, $0x1;
	_ =	strace $0x8000004C;
	[dreg:$0x1] =	wrdreg $0xFFFFFFFF  }
0xa7: {  	s28 =	simm.s32 $_size_execute0_lowered;
	s2 =	sadd.s32 s2, s4;
	[dreg:$0x0] =	wrdreg $0x0  }
0xa8: {  	s4 =	sshll.u32 s28, $0x1;
	[dreg:$0x2] =	wrdreg s2  }
0xa9: {  	[dreg:$0x3] =	wrdreg s4  }
0xaa: {  	[dreg:$0x4] =	wrdreg $0xC0  }
0xab: {  	_ =	task [dreg:s6], $0x5FFFF  }
0xac: {  	[dreg:$0x1] =	wrdreg $0xFFFFFFFF  }
0xad: {  	[dreg:$0x0] =	wrdreg $0x60  }
0xae: {  	[dreg:$0x2] =	wrdreg s24  }
0xaf: {  	[dreg:$0x3] =	wrdreg $0x88000  }
0xb0: {  	[dreg:$0x4] =	wrdreg $0x9  }
0xb1: {  	_ =	task.clear_ibuf [dreg:s6], $0x5FFFF;
	_ =	strace $0x9000004C  }
0xb2: {  	s29 =	simm.s32 $0x9;
	_ =	strace $0x8000004E  }
0xb3: {  	_ =	swait.ge [sflag:s29], $0x1  }
0xb4: {  	[sflag:s29] =	ssyncadd.s32 $0xFFFFFFFF  }
0xb5: {  	_ =	strace $0x9000004E  }
0xb6: {  	_ =	sfence  }
0xb7: {  	s30 =	sld [smem:$0x0];
	_ =	sdelay $0x2  }
0xb8: {  	s31 =	sshll.u32 s1, $0xD;
	s1 =	sshrl.u32 s1, $0x2  }
0xb9: {  	s3 =	sand.u32 $0x4000, s31;
	s1 =	sadd.s32 s1, s30  }
0xba: {  	s0 =	sor.u32 s3, s0;
	s1 =	sshll.u32 s1, $0x11  }
0xbb: {  	s0 =	sor.u32 s1, s0  }
0xbc: {  	s0 =	sadd.s32 $0x8F2B, s0  }
0xbd: {  	[sflag:s0] =	ssyncadd.remote.s32 $0x1  }
0xbe: {  	_ =	sfence.sel $0xFFFF  }
0xbf: {  	[dreg:$0x0] =	wrdreg $0xFFFFFFFF;
	(pc) =	sbr.abs _section_cstart, $3  }
0xc0: {  	[dreg:$0x1] =	wrdreg $0xFFFFFFFF  }
0xc1: {  	_ =	task.clear_ibuf [dreg:s6], $0x2FFFF;
	_ =	strace $0x9FFFFFFF  }
0xc2: {  	(tm) =	ssettm $0x7FFFFFFF  }
0xc3: {  	_ =	shalt  }
tec
execute0_lowered:
.L_overlay_start_1:
0x0: {  	(tag) =	ssettag $0x1  }
0x1: {  	s0 =	rddreg [dreg:$0x0]  }
0x2: {  	s2 =	rddreg [dreg:$0x1];
	s8 =	stileid.u32  }
0x3: {  	s1 =	srdreg.scid;
	s3 =	simm.s32 $0x0;
	s31 =	simm.s32 $0x80  }
0x4: {  	s28 =	simm.s32 $0xF;
	s29 =	simm.s32 $0xB;
	s5 =	smul.u32 $0x5000, s8  }
0x5: {  	s30 =	simm.s32 $0x10;
	s1 =	sand.u32 $0x1, s1;
	s7 =	smul.u32 $0x2800, s8  }
0x6: {  	[smem:$0x7FF] =	sst s3;
	s4 =	sadd.s32 $0x2C00, s0;
	s8 =	smul.u32 $0xA00, s8  }
0x7: {  	s11 =	sadd.s32 $0xA0800, s0;
	s6 =	smul.u32 $0x28000, s1;
	_ =	strace $0x8000004D  }
0x8: {  	s10 =	smul.u32 $0xA000, s1;
	s1 =	ssub.s32 $0x2, s1;
	[dreg:$0x3] =	wrdreg s11  }
0x9: {  	s9 =	sshrl.u32 s5, $0x3;
	s23 =	sshrl.u32 s1, $0x1;
	s5 =	sadd.s32 s5, s2  }
0xa: {  	s6 =	sadd.s32 s7, s6;
	s21 =	sadd.s32 s9, s0;
	s8 =	sadd.s32 s8, s10  }
0xb: {  	s1 =	ssub.s32 s1, s23;
	[dreg:$0xa] =	wrdreg s5;
	s22 =	sshrl.u32 s6, $0x3  }
0xc: {  	s0 =	sadd.s32 s8, s0;
	s13 =	sadd.s32 $0xD00, s6;
	s7 =	sadd.s32 $0x29E00, s21  }
0xd: {  	s1 =	smax.u32 s1, $0x1;
	s15 =	sadd.s32 $0xC00, s6;
	s16 =	sadd.s32 $0xB00, s6  }
0xe: {  	s17 =	sadd.s32 $0xA00, s6;
	s21 =	sadd.s32 $0x900, s6;
	s23 =	sor.u32 $0x600, s6  }
0xf: {  	s8 =	simm.s32 $0x4800;
	s9 =	sadd.s32 s11, s22;
	[dreg:$0xb] =	wrdreg s7  }
0x10: {  	s0 =	sadd.s32 $0x33E00, s0;
	s14 =	sshrl.u32 s13, $0x3;
	[dreg:$0xd] =	wrdreg s1  }
0x11: {  	s18 =	sshrl.u32 s16, $0x3;
	s19 =	sshrl.u32 s17, $0x3;
	[dreg:$0x4] =	wrdreg s9  }
0x12: {  	s22 =	sor.u32 $0x700, s6;
	s24 =	sadd.s32 $0x20, s9;
	[dreg:$0xc] =	wrdreg s0  }
0x13: {  	s1 =	simm.s32 $0x2800;
	s25 =	sadd.s32 $0x40, s9;
	[dreg:$0x5] =	wrdreg s24  }
0x14: {  	s7 =	simm.s32 $0x1;
	s26 =	sadd.s32 $0x60, s9;
	[dreg:$0x6] =	wrdreg s25  }
0x15: {  	s13 =	simm.s32 $0x700;
	s10 =	sadd.s32 $0x80, s9;
	[dreg:$0x7] =	wrdreg s26  }
0x16: {  	s16 =	simm.s32 $0x0;
	s12 =	sadd.s32 $0xA0, s9;
	[dreg:$0x8] =	wrdreg s10  }
0x17: {  	s0 =	sadd.s32 s14, s11;
	s20 =	sadd.s32 s19, s11;
	[dreg:$0x9] =	wrdreg s12  }
0x18: {  	s9 =	simm.s32 $0x600;
	s14 =	simm.s32 $0x3;
	[dreg:$0xe] =	wrdreg s0  }
0x19: {  	s0 =	sshrl.u32 s15, $0x3;
	[dreg:$0x11] =	wrdreg s20;
	s24 =	sshrl.u32 s22, $0x3  }
0x1a: {  	s25 =	sshrl.u32 s23, $0x3;
	s26 =	sadd.s32 $0x800, s6;
	s10 =	simm.s32 $0x2  }
0x1b: {  	s12 =	simm.s32 $0x6800;
	s15 =	simm.s32 $0xC;
	s6 =	simm.s32 $0x9  }
.Ltmp0:
0x1c: {  	s0 =	sadd.s32 s0, s11;
	[dreg:$0x12] =	wrdreg s26;
	(pc) =	sbr.rel .LBB2_1-.Ltmp0, $4  }
0x1d: {  	s22 =	sadd.s32 s24, s11;
	s23 =	sadd.s32 s25, s11;
	s25 =	simm.s32 $0xD  }
0x1e: {  	s24 =	simm.s32 $0xE;
	[dreg:$0xf] =	wrdreg s0;
	s0 =	sadd.s32 s18, s11  }
0x1f: {  	[dreg:$0x10] =	wrdreg s0;
	s0 =	sshrl.u32 s21, $0x3;
	s21 =	simm.s32 $0x4  }
0x20: {  	s20 =	sadd.s32 s0, s11;
	s11 =	simm.s32 $0x11;
	s0 =	simm.s32 $0x800  }
.LBB2_7:
0x21: {  	[bflag:$0x0] =	sbarrier.arrive $0xFFFF  }
0x22: {  	s5 =	rddreg [dreg:$0xc]  }
0x23: {  	s11 =	rddreg [dreg:$0x14]  }
0x24: {  	s16 =	rddreg [dreg:$0x15]  }
0x25: {  	[hbm:s5], [sflag:s11] =	dma.local [spmem:s16], $0xA00  }
0x26: {  	s11 =	simm.s32 $0x11  }
0x27: {  	_ =	swait.ge [sflag:s11], $0xA00  }
0x28: {  	s19 =	rddreg [dreg:$0x13]  }
0x29: {  	s26 =	rddreg [dreg:$0xd];
	s16 =	sadd.s32 $0x1, s19  }
0x2a: {  	p0 =	sne.s32 s16, s26  }
.Ltmp1:
0x2b: {  	_ = 	snop;
	(pc) =	sbr.rel @!p0 .LBB2_8-.Ltmp1, $3  }
0x2c: {  	_ =	sdelay $0x1  }
0x2d: {  	[sflag:s11] =	ssyncset.done $0x0  }
0x2e: {  	[sflag:s11] =	ssyncadd.s32 $0xFFFFF600  }
.LBB2_1:
0x2f: {  	[dreg:$0x13] =	wrdreg s16  }
0x30: {  	s5 =	rddreg [dreg:$0x4]  }
0x31: {  	[tilespmem:s3], [sflag:$0x11] =	stream.linear.gather [hbm4b:s5+s3], $0x100, $0x38;
	[tilespmem:$0xD800] =	vst v63  }
0x32: {  	_ =	swait.ge [sflag:s11], $0x100  }
0x33: {  	[sflag:s11] =	ssyncset.done $0x0  }
0x34: {  	s16 =	simm.s32 $0x100;
	s17 =	rddreg [dreg:$0x5];
	[sflag:s11] =	ssyncadd.s32 $0xFFFFFF00  }
0x35: {  	[tilespmem:s16], [sflag:$0x11] =	stream.linear.gather [hbm4b:s17+s3], $0x100, $0x38;
	[tilespmem:$0xD800] =	vst v63  }
0x36: {  	_ =	swait.ge [sflag:s11], $0x100  }
0x37: {  	[sflag:s11] =	ssyncset.done $0x0  }
0x38: {  	s17 =	simm.s32 $0x200;
	s18 =	rddreg [dreg:$0x6];
	[sflag:s11] =	ssyncadd.s32 $0xFFFFFF00  }
0x39: {  	[tilespmem:s17], [sflag:$0x11] =	stream.linear.gather [hbm4b:s18+s3], $0x100, $0x38;
	[tilespmem:$0xD800] =	vst v63  }
0x3a: {  	_ =	swait.ge [sflag:s11], $0x100  }
0x3b: {  	[sflag:s11] =	ssyncset.done $0x0  }
0x3c: {  	s26 =	simm.s32 $0x300;
	s19 =	rddreg [dreg:$0x7];
	[sflag:s11] =	ssyncadd.s32 $0xFFFFFF00  }
0x3d: {  	[tilespmem:s26], [sflag:$0x11] =	stream.linear.gather [hbm4b:s19+s3], $0x100, $0x38;
	[tilespmem:$0xD800] =	vst v63  }
0x3e: {  	_ =	swait.ge [sflag:s11], $0x100  }
0x3f: {  	[sflag:s11] =	ssyncset.done $0x0  }
0x40: {  	s18 =	simm.s32 $0x400;
	s17 =	rddreg [dreg:$0x8];
	[sflag:s11] =	ssyncadd.s32 $0xFFFFFF00  }
0x41: {  	[tilespmem:s18], [sflag:$0x11] =	stream.linear.gather [hbm4b:s17+s3], $0x100, $0x38;
	[tilespmem:$0xD800] =	vst v63  }
0x42: {  	s18 =	stileid.u32;
	_ =	swait.ge [sflag:s11], $0x100  }
0x43: {  	s26 =	simm.s32 $0x500;
	s5 =	sshll.u32 s18, $0x6;
	[sflag:s11] =	ssyncset.done $0x0  }
0x44: {  	s19 =	rddreg [dreg:$0x9];
	s17 =	sor.u32 $0x1C11, s5;
	[sflag:s11] =	ssyncadd.s32 $0xFFFFFF00  }
0x45: {  	[tilespmem:s26], [sflag:$0x11] =	stream.linear.gather [hbm4b:s19+s3], $0x100, $0x38;
	[tilespmem:$0xD800] =	vst v63  }
0x46: {  	_ =	swait.ge [sflag:s11], $0x100;
	[dreg:$0x14] =	wrdreg s17  }
0x47: {  	s19 =	rddreg [dreg:$0xa]  }
0x48: {  	[sflag:s11] =	ssyncset.done $0x0;
	s26 =	rddreg [dreg:$0xb];
	s18 =	sshrl.u32 s19, $0x3  }
0x49: {  	[sflag:s11] =	ssyncadd.s32 $0xFFFFFF00;
	[dreg:$0x15] =	wrdreg s18  }
0x4a: {  	[spmem:s18], [sflag:s17] =	dma.local [hbm:s26], $0xA00  }
0x4b: {  	_ =	swait.ge [sflag:s11], $0xA00  }
0x4c: {  	[sflag:s11] =	ssyncset.done $0x0  }
.Ltmp2:
0x4d: {  	[sflag:s11] =	ssyncadd.s32 $0xFFFFF600;
	(pc) =	sbr.rel .LBB2_2-.Ltmp2, $4  }
0x4e: {  	[bflag:$0x0] =	sbarrier.arrive $0xFFFF  }
0x4f: {  	[tilespmem:s0], [sflag:$0x1] =	stream.indirect.gather [hbm4b:s4+s31], $0x40, s3, s31, $0xb8;
	[tilespmem:$0xD800] =	vst v63  }
0x50: {  	s11 =	simm.s32 $0x0;
	s26 =	rddreg [dreg:$0x12]  }
0x51: {  	[tilespmem:s1], [sflag:$0x2] =	stream.indirect.gather [hbm4b:s4+s31], $0x40, s16, s31, $0xb8;
	[tilespmem:$0xD800] =	vst v63  }
.LBB2_3:
0x52: {  	s5 =	simm.s32 $0x400  }
0x53: {  	[tilespmem:s0], [sflag:$0x1] =	stream.indirect.gather [hbm4b:s4+s31], $0x40, s5, s31, $0xb8;
	[tilespmem:$0xD800] =	vst v63  }
.LBB2_5:
0x54: {  	s5 =	sshrl.u32 s26, $0x3;
	s16 =	rddreg [dreg:$0x3]  }
0x55: {  	p0 =	por $0x0, $0x0;
	s5 =	sadd.s32 s16, s5  }
0x56: {  	[tilespmem:s3], [sflag:$0x5] =	stream.linear.gather [hbm4b:s5+s3], $0x100, $0x38;
	[tilespmem:$0xD800] =	vst v63  }
.LBB2_6:
0x57: {  	_ =	swait.ge [sflag:s21], $0x2000  }
0x58: {  	[sflag:s21] =	ssyncset.done $0x0  }
0x59: {  	s5 =	simm.s32 $0x380;
	[sflag:s21] =	ssyncadd.s32 $0xFFFFE000  }
0x5a: {  	[spmem:s2] =	stream.indirect.scatter.add.f32 [tilespmem:s12], [sflag:$0x10], $0x40, s5, s31, $0xb8;
	[tilespmem:$0xD800] =	vst v63  }
0x5b: {  	_ =	swait.ge [sflag:s24], $0x2000  }
0x5c: {  	[sflag:s24] =	ssyncset.done $0x0  }
0x5d: {  	s5 =	simm.s32 @!p1 $0xA;
	[sflag:s24] =	ssyncadd.s32 $0xFFFFE000  }
0x5e: {  	_ =	swait.ge @!p1 [sflag:s5], $0x100  }
0x5f: {  	[sflag:s5] =	ssyncset.done @!p1 $0x0  }
0x60: {  	s17 =	simm.s32 $0x500;
	[sflag:s5] =	ssyncadd.s32 @!p1 $0xFFFFFF00  }
0x61: {  	[tilespmem:s1], [sflag:$0x2] =	stream.indirect.gather [hbm4b:s4+s31], $0x40, s17, s31, $0xb8;
	[tilespmem:$0xD800] =	vst v63  }
0x62: {  	s16 =	simm.s32 @!p0 $0x100;
	s5 =	simm.s32 @!p0 $0x0;
	s17 =	sadd.s32 @!p0 s11, s20  }
0x63: {  	[tilespmem:s16], [sflag:$0x6] =	stream.linear.gather @!p0 [hbm4b:s17+s5], $0x100, $0x38;
	[tilespmem:$0xD800] =	vst v63  }
0x64: {  	_ =	swait.ge [sflag:s7], $0x2000  }
0x65: {  	[sflag:s7] =	ssyncset.done $0x0  }
0x66: {  	s18 =	simm.s32 $0x480;
	[sflag:s7] =	ssyncadd.s32 $0xFFFFE000  }
0x67: {  	[spmem:s2] =	stream.indirect.scatter.add.f32 [tilespmem:s0], [sflag:$0xD], $0x40, s18, s31, $0xb8;
	[tilespmem:$0xD800] =	vst v63  }
0x68: {  	_ =	swait.ge [sflag:s28], $0x2000  }
0x69: {  	[sflag:s28] =	ssyncset.done $0x0  }
0x6a: {  	[sflag:s28] =	ssyncadd.s32 $0xFFFFE000  }
0x6b: {  	_ =	swait.ge [sflag:s29], $0x100  }
0x6c: {  	[sflag:s29] =	ssyncset.done $0x0  }
0x6d: {  	s17 =	rddreg [dreg:$0x11];
	[sflag:s29] =	ssyncadd.s32 $0xFFFFFF00  }
0x6e: {  	[tilespmem:s8], [sflag:$0x3] =	stream.indirect.gather [hbm4b:s4+s31], $0x40, s9, s31, $0xb8;
	[tilespmem:$0xD800] =	vst v63  }
0x6f: {  	s18 =	simm.s32 @!p0 $0x200;
	s17 =	sadd.s32 @!p0 s11, s17  }
0x70: {  	[tilespmem:s18], [sflag:$0x7] =	stream.linear.gather @!p0 [hbm4b:s17+s5], $0x100, $0x38;
	[tilespmem:$0xD800] =	vst v63  }
0x71: {  	_ =	swait.ge [sflag:s10], $0x2000  }
0x72: {  	[sflag:s10] =	ssyncset.done $0x0  }
0x73: {  	s19 =	simm.s32 $0x580;
	[sflag:s10] =	ssyncadd.s32 $0xFFFFE000  }
0x74: {  	[spmem:s2] =	stream.indirect.scatter.add.f32 [tilespmem:s1], [sflag:$0xE], $0x40, s19, s31, $0xb8;
	[tilespmem:$0xD800] =	vst v63  }
0x75: {  	_ =	swait.ge [sflag:s30], $0x2000  }
0x76: {  	[sflag:s30] =	ssyncset.done $0x0  }
0x77: {  	[sflag:s30] =	ssyncadd.s32 $0xFFFFE000  }
0x78: {  	_ =	swait.ge [sflag:s15], $0x100  }
0x79: {  	[sflag:s15] =	ssyncset.done $0x0  }
0x7a: {  	s17 =	rddreg [dreg:$0x10];
	[sflag:s15] =	ssyncadd.s32 $0xFFFFFF00  }
0x7b: {  	[tilespmem:s12], [sflag:$0x4] =	stream.indirect.gather [hbm4b:s4+s31], $0x40, s13, s31, $0xb8;
	[tilespmem:$0xD800] =	vst v63  }
0x7c: {  	s18 =	simm.s32 @!p0 $0x300;
	s17 =	sadd.s32 @!p0 s11, s17  }
0x7d: {  	[tilespmem:s18], [sflag:$0x8] =	stream.linear.gather @!p0 [hbm4b:s17+s5], $0x100, $0x38;
	[tilespmem:$0xD800] =	vst v63  }
0x7e: {  	s17 =	simm.s32 @!p0 $0x3  }
0x7f: {  	_ =	swait.ge @!p0 [sflag:s17], $0x2000  }
0x80: {  	s19 =	simm.s32 @!p0 $0x4800;
	[sflag:s17] =	ssyncset.done @!p0 $0x0  }
0x81: {  	s18 =	simm.s32 @!p0 $0x680;
	[sflag:s17] =	ssyncadd.s32 @!p0 $0xFFFFE000;
	s17 =	simm.s32 @!p0 $0x80  }
0x82: {  	[spmem:s2] =	stream.indirect.scatter.add.f32 @!p0 [tilespmem:s19], [sflag:$0xF], $0x40, s18, s17, $0xb8;
	[tilespmem:$0xD800] =	vst v63  }
0x83: {  	s18 =	simm.s32 @!p0 $0xD  }
0x84: {  	_ =	swait.ge @!p0 [sflag:s18], $0x2000  }
0x85: {  	[sflag:s18] =	ssyncset.done @!p0 $0x0  }
0x86: {  	[sflag:s18] =	ssyncadd.s32 @!p0 $0xFFFFE000;
	s18 =	simm.s32 @!p0 $0x5  }
0x87: {  	_ =	swait.ge @!p0 [sflag:s18], $0x100  }
0x88: {  	[sflag:s18] =	ssyncset.done @!p0 $0x0  }
0x89: {  	[sflag:s18] =	ssyncadd.s32 @!p0 $0xFFFFFF00;
	s18 =	simm.s32 @!p0 $0x800  }
0x8a: {  	[tilespmem:s18], [sflag:$0x1] =	stream.indirect.gather @!p0 [hbm4b:s4+s17], $0x40, s5, s17, $0xb8;
	[tilespmem:$0xD800] =	vst v63  }
0x8b: {  	s18 =	rddreg [dreg:$0xf]  }
0x8c: {  	s19 =	simm.s32 @!p0 $0x400;
	s18 =	sadd.s32 @!p0 s11, s18  }
0x8d: {  	[tilespmem:s19], [sflag:$0x9] =	stream.linear.gather @!p0 [hbm4b:s18+s5], $0x100, $0x38;
	[tilespmem:$0xD800] =	vst v63  }
0x8e: {  	s18 =	simm.s32 @!p0 $0x4  }
0x8f: {  	_ =	swait.ge @!p0 [sflag:s18], $0x2000  }
0x90: {  	[sflag:s18] =	ssyncset.done @!p0 $0x0  }
0x91: {  	s19 =	simm.s32 @!p0 $0x6800;
	[sflag:s18] =	ssyncadd.s32 @!p0 $0xFFFFE000;
	s18 =	simm.s32 @!p0 $0x780  }
0x92: {  	[spmem:s2] =	stream.indirect.scatter.add.f32 @!p0 [tilespmem:s19], [sflag:$0x10], $0x40, s18, s17, $0xb8;
	[tilespmem:$0xD800] =	vst v63  }
0x93: {  	s18 =	simm.s32 @!p0 $0xE  }
0x94: {  	_ =	swait.ge @!p0 [sflag:s18], $0x2000  }
0x95: {  	[sflag:s18] =	ssyncset.done @!p0 $0x0  }
0x96: {  	[sflag:s18] =	ssyncadd.s32 @!p0 $0xFFFFE000;
	s18 =	simm.s32 @!p0 $0x6  }
0x97: {  	_ =	swait.ge @!p0 [sflag:s18], $0x100  }
0x98: {  	[sflag:s18] =	ssyncset.done @!p0 $0x0  }
0x99: {  	[sflag:s18] =	ssyncadd.s32 @!p0 $0xFFFFFF00;
	s18 =	simm.s32 @!p0 $0x2800  }
0x9a: {  	[tilespmem:s18], [sflag:$0x2] =	stream.indirect.gather @!p0 [hbm4b:s4+s17], $0x40, s16, s17, $0xb8;
	[tilespmem:$0xD800] =	vst v63  }
0x9b: {  	s16 =	rddreg [dreg:$0xe]  }
0x9c: {  	s17 =	simm.s32 @!p0 $0x500;
	s16 =	sadd.s32 @!p0 s11, s16  }
0x9d: {  	[tilespmem:s17], [sflag:$0xA] =	stream.linear.gather @!p0 [hbm4b:s16+s5], $0x100, $0x38;
	[tilespmem:$0xD800] =	vst v63  }
0x9e: {  	s5 =	simm.s32 @p0 $0x3  }
0x9f: {  	_ =	swait.ge @p0 [sflag:s5], $0x2000  }
0xa0: {  	s16 =	simm.s32 @p0 $0x680;
	[sflag:s5] =	ssyncset.done @p0 $0x0  }
0xa1: {  	s17 =	simm.s32 @p0 $0x4800;
	[sflag:s5] =	ssyncadd.s32 @p0 $0xFFFFE000;
	s5 =	simm.s32 @p0 $0x80  }
0xa2: {  	[spmem:s2] =	stream.indirect.scatter.add.f32 @p0 [tilespmem:s17], [sflag:$0x11], $0x40, s16, s5, $0xb8;
	[tilespmem:$0xD800] =	vst v63  }
0xa3: {  	s16 =	simm.s32 @p0 $0x11  }
0xa4: {  	_ =	swait.ge @p0 [sflag:s16], $0x2000  }
0xa5: {  	[sflag:s16] =	ssyncset.done @p0 $0x0  }
0xa6: {  	s17 =	simm.s32 @p0 $0xD;
	[sflag:s16] =	ssyncadd.s32 @p0 $0xFFFFE000  }
0xa7: {  	_ =	swait.ge @p0 [sflag:s17], $0x2000  }
0xa8: {  	[sflag:s17] =	ssyncset.done @p0 $0x0  }
0xa9: {  	[sflag:s17] =	ssyncadd.s32 @p0 $0xFFFFE000;
	s17 =	simm.s32 @p0 $0x4  }
0xaa: {  	_ =	swait.ge @p0 [sflag:s17], $0x2000  }
0xab: {  	s18 =	simm.s32 @p0 $0x6800;
	[sflag:s17] =	ssyncset.done @p0 $0x0  }
0xac: {  	s11 =	sadd.s32 $0x100, s11;
	[sflag:s17] =	ssyncadd.s32 @p0 $0xFFFFE000;
	s17 =	simm.s32 @p0 $0x780  }
0xad: {  	[spmem:s2] =	stream.indirect.scatter.add.f32 @p0 [tilespmem:s18], [sflag:$0x11], $0x40, s17, s5, $0xb8;
	[tilespmem:$0xD800] =	vst v63  }
0xae: {  	p1 =	sne.s32 s11, $0x500;
	_ =	swait.ge @p0 [sflag:s16], $0x2000  }
.Ltmp3:
0xaf: {  	[sflag:s16] =	ssyncset.done @p0 $0x0;
	(pc) =	sbr.rel @!p1 .LBB2_7-.Ltmp3, $4  }
0xb0: {  	s5 =	simm.s32 @p0 $0xE;
	[sflag:s16] =	ssyncadd.s32 @p0 $0xFFFFE000  }
0xb1: {  	_ =	swait.ge @p0 [sflag:s5], $0x2000  }
0xb2: {  	[sflag:s5] =	ssyncset.done @p0 $0x0  }
0xb3: {  	s26 =	sadd.s32 $0x800, s26;
	[sflag:s5] =	ssyncadd.s32 @p0 $0xFFFFE000  }
.LBB2_2:
0xb4: {  	_ =	swait.ge [sflag:s7], $0x2000  }
0xb5: {  	p1 =	seq.s32 s11, $0x0;
	[sflag:s7] =	ssyncset.done $0x0  }
0xb6: {  	s5 =	simm.s32 @!p1 $0xF;
	[sflag:s7] =	ssyncadd.s32 $0xFFFFE000  }
0xb7: {  	[spmem:s2] =	stream.indirect.scatter.add.f32 [tilespmem:s0], [sflag:$0xD], $0x40, s31, s31, $0xb8;
	[tilespmem:$0xD800] =	vst v63  }
0xb8: {  	_ =	swait.ge @!p1 [sflag:s5], $0x2000  }
0xb9: {  	[sflag:s5] =	ssyncset.done @!p1 $0x0  }
0xba: {  	[sflag:s5] =	ssyncadd.s32 @!p1 $0xFFFFE000;
	s5 =	simm.s32 @!p1 $0x7  }
0xbb: {  	_ =	swait.ge @!p1 [sflag:s5], $0x100  }
0xbc: {  	[sflag:s5] =	ssyncset.done @!p1 $0x0  }
0xbd: {  	s18 =	simm.s32 $0x200;
	[sflag:s5] =	ssyncadd.s32 @!p1 $0xFFFFFF00  }
0xbe: {  	[tilespmem:s8], [sflag:$0x3] =	stream.indirect.gather [hbm4b:s4+s31], $0x40, s18, s31, $0xb8;
	[tilespmem:$0xD800] =	vst v63  }
0xbf: {  	s19 =	sadd.s32 s11, s23  }
0xc0: {  	[tilespmem:s9], [sflag:$0xB] =	stream.linear.gather [hbm4b:s19+s3], $0x100, $0x38;
	[tilespmem:$0xD800] =	vst v63  }
0xc1: {  	_ =	swait.ge [sflag:s10], $0x2000  }
0xc2: {  	[sflag:s10] =	ssyncset.done $0x0  }
0xc3: {  	s16 =	simm.s32 $0x180;
	s5 =	simm.s32 @!p1 $0x10;
	[sflag:s10] =	ssyncadd.s32 $0xFFFFE000  }
0xc4: {  	[spmem:s2] =	stream.indirect.scatter.add.f32 [tilespmem:s1], [sflag:$0xE], $0x40, s16, s31, $0xb8;
	[tilespmem:$0xD800] =	vst v63  }
0xc5: {  	_ =	swait.ge @!p1 [sflag:s5], $0x2000  }
0xc6: {  	[sflag:s5] =	ssyncset.done @!p1 $0x0  }
0xc7: {  	[sflag:s5] =	ssyncadd.s32 @!p1 $0xFFFFE000;
	s5 =	simm.s32 @!p1 $0x8  }
0xc8: {  	_ =	swait.ge @!p1 [sflag:s5], $0x100  }
0xc9: {  	[sflag:s5] =	ssyncset.done @!p1 $0x0  }
0xca: {  	s17 =	simm.s32 $0x300;
	[sflag:s5] =	ssyncadd.s32 @!p1 $0xFFFFFF00  }
0xcb: {  	[tilespmem:s12], [sflag:$0x4] =	stream.indirect.gather [hbm4b:s4+s31], $0x40, s17, s31, $0xb8;
	[tilespmem:$0xD800] =	vst v63  }
0xcc: {  	s18 =	sadd.s32 s11, s22  }
0xcd: {  	[tilespmem:s13], [sflag:$0xC] =	stream.linear.gather [hbm4b:s18+s3], $0x100, $0x38;
	[tilespmem:$0xD800] =	vst v63  }
0xce: {  	_ =	swait.ge [sflag:s14], $0x2000  }
0xcf: {  	p0 =	sne.s32 s11, $0x0;
	[sflag:s14] =	ssyncset.done $0x0  }
.Ltmp4:
0xd0: {  	s19 =	simm.s32 $0x280;
	[sflag:s14] =	ssyncadd.s32 $0xFFFFE000;
	(pc) =	sbr.rel @!p0 .LBB2_3-.Ltmp4, $4  }
0xd1: {  	[spmem:s2] =	stream.indirect.scatter.add.f32 [tilespmem:s8], [sflag:$0xF], $0x40, s19, s31, $0xb8;
	[tilespmem:$0xD800] =	vst v63  }
0xd2: {  	_ =	swait.ge [sflag:s25], $0x2000  }
0xd3: {  	[sflag:s25] =	ssyncset.done $0x0  }
0xd4: {  	[sflag:s25] =	ssyncadd.s32 $0xFFFFE000  }
0xd5: {  	p2 =	seq.s32 s11, $0x400  }
.Ltmp5:
0xd6: {  	_ = 	snop;
	(pc) =	sbr.rel @p2 .LBB2_6-.Ltmp5, $4  }
.Ltmp6:
0xd7: {  	_ =	swait.ge [sflag:s6], $0x100;
	(pc) =	sbr.rel @!p2 .LBB2_5-.Ltmp6, $4  }
0xd8: {  	[sflag:s6] =	ssyncset.done $0x0  }
0xd9: {  	s5 =	simm.s32 $0x400;
	p0 =	por $0x1, $0x1;
	[sflag:s6] =	ssyncadd.s32 $0xFFFFFF00  }
0xda: {  	[tilespmem:s0], [sflag:$0x1] =	stream.indirect.gather [hbm4b:s4+s31], $0x40, s5, s31, $0xb8;
	[tilespmem:$0xD800] =	vst v63  }
0xdb: {  	_ = 	snop  }
.LBB2_8:
0xdc: {  	_ =	sfence.sel $0x180000  }
0xdd: {  	[bflag:$0x0] =	sbarrier.arrive $0xFFFF  }
0xde: {  	_ =	strace $0x9000004D  }
0xdf: {  	s0 =	stileid.u32;
	[bflag:$0x2] =	sbarrier.arrive $0xFFFF  }
0xe0: {  	p0 =	sne.s32 s0, $0x0;
	s0 =	rddreg [dreg:$0x2]  }
0xe1: {  	s0 =	sadd.s32 @!p0 $0x100000, s0  }
0xe2: {  	[sflag:s0] =	ssyncadd.tile.s32 @!p0 $0x1;
	_ =	shalt  }
.Lfunc_end2:
_tile_overlayer_lowered:
.L_overlay_start_2:
0xe3: {  	(tag) =	ssettag $0x2  }
0xe4: {  	s0 =	rddreg [dreg:$0x0];
	s2 =	stileid.u32  }
0xe5: {  	s1 =	rddreg [dreg:$0x1];
	p0 =	sne.s32 s2, $0x0  }
0xe6: {  	s3 =	rddreg [dreg:$0x2];
	[bflag:$0x3] =	sbarrier.arrive $0xFFFF;
	s2 =	simm.s32 @!p0 $0x1C11  }
0xe7: {  	[timem:s3], [sflag:s2] =	dma.local @!p0 [hbm:s0], s1  }
0xe8: {  	s0 =	simm.s32 @!p0 $0x11  }
0xe9: {  	_ =	swait.ge @!p0 [sflag:s0], s1  }
0xea: {  	s1 =	ssub.s32 @!p0 $0x0, s1;
	[sflag:s0] =	ssyncset.done @!p0 $0x0  }
0xeb: {  	[sflag:s0] =	ssyncadd.s32 @!p0 s1  }
0xec: {  	[bflag:$0x3] =	sbarrier.arrive $0xFFFF  }
0xed: {  	_ =	shalt  }

// kernel: kernel.8.cloned.1.call-start
scs
__scs_entry_jumppad:
0x0: {  	(pc) =	sbr.rel $0x88, $3  }
0x1: {  	(tag) =	ssettag $0x0;
	lr =	simm.s32 $0x1  }
0x2: {  	[smem:$0x3F8A] =	sst lr;
	_ =	strace $0xD0000000  }
0x3: {  	_ = 	snop  }
0x4: {  	_ = 	snop  }
0x5: {  	_ = 	snop  }
0x6: {  	_ = 	snop  }
0x7: {  	_ = 	snop  }
__scs_overlays_trampoline_lowered:
0x8: {  	[smem:$0x3F99] =	sst s0  }
0x9: {  	[smem:$0x3F9A] =	sst s1  }
0xa: {  	[smem:$0x3F9B] =	sst s2  }
0xb: {  	[smem:$0x3F9C] =	sst s3  }
0xc: {  	[smem:$0x3F9D] =	sst s4  }
0xd: {  	[smem:$0x3F9E] =	sst s5  }
0xe: {  	[smem:$0x3F9F] =	sst s6  }
0xf: {  	[smem:$0x3FA0] =	sst s7  }
0x10: {  	[smem:$0x3FA1] =	sst s8  }
0x11: {  	[smem:$0x3FA2] =	sst s9;
	s0 =	simm.s32 @!p0 $0x0  }
0x12: {  	s1 =	sld [smem:$0x3F88];
	s0 =	simm.s32 @p0 $0x1  }
0x13: {  	[smem:$0x3FA3] =	sst s0;
	s0 =	simm.s32 @!p1 $0x0  }
0x14: {  	s2 =	sld [smem:$0x3F87];
	s0 =	simm.s32 @p1 $0x1  }
0x15: {  	[smem:$0x3FA4] =	sst s0;
	s0 =	simm.s32 @!p2 $0x0  }
0x16: {  	s3 =	sld [smem:$0x3FDB];
	s0 =	simm.s32 @p2 $0x1  }
0x17: {  	s4 =	simm.s32 $0x1BF5;
	[smem:$0x3FA6] =	sst s0  }
0x18: {  	s0 =	sld [smem:$0x3F89];
	_ =	swait.ge [sflag:s4], $0x0  }
0x19: {  	s7 =	sld [smem:$0x3F8A]  }
0x1a: {  	s8 =	sadd.s32 $0xFFFFE003, lr  }
0x1b: {  	s9 =	sadd.s32 $0xFFFFFEF7, lr;
	s5 =	simm.s32 $0xFFFFFFFF;
	p2 =	slt.u32 s8, $0xFFFFF086  }
0x1c: {  	p1 =	slt.u32 s9, $0xF7A;
	s5 =	simm.s32 @!p2 $0x0  }
0x1d: {  	s5 =	simm.s32 @p1 $0x1;
	p0 =	seq.s32 s7, s2  }
0x1e: {  	s7 =	smul.u32 @!p0 $0xF7A, s2;
	p2 =	seq.s32 @!p0 s5, $0x0  }
0x1f: {  	s9 =	smul.u32 $0xF7A, s1;
	s8 =	simm.s32 @!p0 $0x1BF5;
	p2 =	por !p2, p0  }
0x20: {  	[sflag:s8] =	ssyncset.s32 @!p0 $0xFFFFF086;
	s6 =	sadd.s32 @!p0 s3, s7;
	s7 =	simm.s32 @!p0 $0x108  }
0x21: {  	s3 =	sadd.s32 s3, s9;
	s6 =	sadd.s32 @!p0 $0x88, s6;
	s7 =	simm.s32 @p2 $0x1082  }
0x22: {  	[simem:s7], [sflag:s8] =	dma.local @!p0 [hbm:s6], $0xF7A  }
0x23: {  	s9 =	sor.u32 $0xD0000000, s2;
	s6 =	simm.s32 $0x108;
	_ =	swait.ge @!p0 [sflag:s8], $0x0  }
0x24: {  	s3 =	sadd.s32 $0x88, s3;
	s6 =	simm.s32 @!p1 $0x1082;
	[sflag:s4] =	ssyncset.s32 $0xFFFFF086  }
0x25: {  	[simem:s6], [sflag:s4] =	dma.local [hbm:s3], $0xF7A  }
0x26: {  	[smem:$0x3F8A] =	sst s1;
	(tag) =	ssettag s2;
	_ =	strace s9  }
0x27: {  	s1 =	sld [smem:$0x3F9A]  }
0x28: {  	s2 =	sld [smem:$0x3F9B]  }
0x29: {  	s4 =	sld [smem:$0x3F9D]  }
0x2a: {  	p0 =	seq.s32 s5, $0x0;
	s5 =	sld [smem:$0x3F9E]  }
0x2b: {  	s6 =	sld [smem:$0x3F9F]  }
0x2c: {  	s7 =	sld [smem:$0x3FA0]  }
0x2d: {  	s3 =	simm.s32 $0x108;
	s8 =	sld [smem:$0x3FA1]  }
0x2e: {  	s3 =	simm.s32 @!p0 $0x1082;
	s9 =	sld [smem:$0x3FA2]  }
0x2f: {  	lr =	sadd.s32 s0, s3;
	s0 =	sld [smem:$0x3F99]  }
0x30: {  	s3 =	sld [smem:$0x3F9C]  }
0x31: {  	[smem:$0x3FA5] =	sst s10  }
0x32: {  	s10 =	sld [smem:$0x3FA3];
	_ =	sdelay $0x3  }
0x33: {  	p0 =	seq.s32 s10, $0x1;
	s10 =	sld [smem:$0x3FA5];
	_ =	sdelay $0x3  }
0x34: {  	[smem:$0x3FA5] =	sst s10  }
0x35: {  	s10 =	sld [smem:$0x3FA4];
	_ =	sdelay $0x3  }
0x36: {  	p1 =	seq.s32 s10, $0x1;
	s10 =	sld [smem:$0x3FA5];
	_ =	sdelay $0x3  }
0x37: {  	[smem:$0x3FA5] =	sst s10  }
0x38: {  	s10 =	sld [smem:$0x3FA6]  }
0x39: {  	_ = 	snop;
	(pc) =	sbr.ind lr, $3  }
0x3a: {  	_ = 	snop  }
0x3b: {  	_ = 	snop  }
0x3c: {  	p2 =	seq.s32 s10, $0x1;
	s10 =	sld [smem:$0x3FA5]  }
0x3d: {  	_ =	shalt  }
0x3e: {  	_ =	shalt  }
0x3f: {  	_ =	shalt  }
0x40: {  	_ =	shalt  }
0x41: {  	_ =	shalt  }
0x42: {  	_ =	shalt  }
0x43: {  	_ =	shalt  }
0x44: {  	_ =	shalt  }
0x45: {  	_ =	shalt  }
0x46: {  	_ =	shalt  }
0x47: {  	_ =	shalt  }
0x48: {  	_ =	shalt  }
0x49: {  	_ =	shalt  }
0x4a: {  	_ =	shalt  }
0x4b: {  	_ =	shalt  }
0x4c: {  	_ =	shalt  }
0x4d: {  	_ =	shalt  }
0x4e: {  	_ =	shalt  }
0x4f: {  	_ =	shalt  }
0x50: {  	_ =	shalt  }
0x51: {  	_ =	shalt  }
0x52: {  	_ =	shalt  }
0x53: {  	_ =	shalt  }
0x54: {  	_ =	shalt  }
0x55: {  	_ =	shalt  }
0x56: {  	_ =	shalt  }
0x57: {  	_ =	shalt  }
0x58: {  	_ =	shalt  }
0x59: {  	_ =	shalt  }
0x5a: {  	_ =	shalt  }
0x5b: {  	_ =	shalt  }
0x5c: {  	_ =	shalt  }
0x5d: {  	_ =	shalt  }
0x5e: {  	_ =	shalt  }
0x5f: {  	_ =	shalt  }
0x60: {  	_ =	shalt  }
0x61: {  	_ =	shalt  }
0x62: {  	_ =	shalt  }
0x63: {  	_ =	shalt  }
0x64: {  	_ =	shalt  }
0x65: {  	_ =	shalt  }
0x66: {  	_ =	shalt  }
0x67: {  	_ =	shalt  }
0x68: {  	_ =	shalt  }
0x69: {  	_ =	shalt  }
0x6a: {  	_ =	shalt  }
0x6b: {  	_ =	shalt  }
0x6c: {  	_ =	shalt  }
0x6d: {  	_ =	shalt  }
0x6e: {  	_ =	shalt  }
0x6f: {  	_ =	shalt  }
0x70: {  	_ =	shalt  }
0x71: {  	_ =	shalt  }
0x72: {  	_ =	shalt  }
0x73: {  	_ =	shalt  }
0x74: {  	_ =	shalt  }
0x75: {  	_ =	shalt  }
0x76: {  	_ =	shalt  }
0x77: {  	_ =	shalt  }
0x78: {  	_ =	shalt  }
0x79: {  	_ =	shalt  }
0x7a: {  	_ =	shalt  }
0x7b: {  	_ =	shalt  }
0x7c: {  	_ =	shalt  }
0x7d: {  	_ =	shalt  }
0x7e: {  	_ =	shalt  }
0x7f: {  	_ =	shalt  }
0x80: {  	_ =	shalt  }
0x81: {  	_ =	shalt  }
0x82: {  	_ =	shalt  }
0x83: {  	_ =	shalt  }
0x84: {  	_ =	shalt  }
0x85: {  	_ =	shalt  }
0x86: {  	_ =	shalt  }
0x87: {  	_ =	shalt  }
.Lfunc_end0:
.L_simem_size_0:
called_computation_lowered:
.L_overlay_start_0:
0x88: {  	s2 =	sld [smem:$0x3FD9]  }
0x89: {  	s3 =	sld [smem:$0x3FFE];
	_ =	sdelay $0x1  }
0x8a: {  	s1 =	srdreg.scid  }
0x8b: {  	s0 =	sand.u32 $0x1, s1  }
0x8c: {  	s17 =	sshll.u32 s0, $0xA;
	s2 =	sadd.s32 s3, s2  }
0x8d: {  	s2 =	sadd.s32 s2, s17  }
0x8e: {  	[smem:$0x3FB1] =	sst s2  }
0x8f: {  	_ = 	snop  }
0x90: {  	s2 =	sld [smem:$0x3FC9];
	(tm) =	ssettm $0x1  }
0x91: {  	s18 =	sld [smem:$0x3FFB];
	_ =	sdelay $0x3  }
0x92: {  	_ =	strace s18  }
0x93: {  	s3 =	sld [smem:$0x3FFC];
	_ =	sdelay $0x3  }
0x94: {  	_ =	strace s3  }
0x95: {  	s3 =	sld [smem:$0x3FFD];
	_ =	sdelay $0x3  }
0x96: {  	_ =	strace s3  }
0x97: {  	_ =	strace $0x8FFFFFFF  }
0x98: {  	s19 =	sld [smem:$0x3FDB];
	_ =	sdelay $0x1  }
0x99: {  	s4 =	simm.s32 $_scs_section_size  }
0x9a: {  	s5 =	simm.s32 $_size__tile_overlayer_lowered;
	s6 =	simm.s32 $_tile_overlayer_lowered  }
0x9b: {  	s22 =	simm.s32 $0x1BFF;
	s21 =	sshll.u32 s6, $0x1;
	s3 =	sadd.s32 s4, s19  }
0x9c: {  	s7 =	simm.s32 $0x0;
	s20 =	sshll.u32 s5, $0x1;
	s5 =	sadd.s32 s21, s3  }
0x9d: {  	[timem:s7], [sflag:s22] =	dma.local [hbm:s5], s20  }
0x9e: {  	_ =	swait.ge [sflag:s22], s20  }
0x9f: {  	s4 =	ssub.s32 $0x0, s20;
	[sflag:s22] =	ssyncset.done $0x0  }
0xa0: {  	[sflag:s22] =	ssyncadd.s32 s4;
	_ =	sdelay $0x1  }
0xa1: {  	s23 =	simm.s32 $0x1B8B  }
0xa2: {  	_ =	swait.ge [sflag:s23], $0x1  }
0xa3: {  	[sflag:s23] =	ssyncset.done $0x0  }
0xa4: {  	s25 =	simm.s32 $0x1B8E;
	s24 =	sld [smem:$0x3FFE];
	[sflag:s23] =	ssyncadd.s32 $0xFFFFFFFF  }
0xa5: {  	s26 =	simm.s32 $execute0_lowered;
	[smem:$0x3FD2] =	sst s25  }
0xa6: {  	s5 =	sshll.u32 s26, $0x1;
	_ =	strace $0x80000046;
	[dreg:$0x1] =	wrdreg $0xFFFFFFFF  }
0xa7: {  	s28 =	simm.s32 $_size_execute0_lowered;
	s3 =	sadd.s32 s3, s5;
	[dreg:$0x0] =	wrdreg $0x0  }
0xa8: {  	s5 =	sshll.u32 s28, $0x1;
	[dreg:$0x2] =	wrdreg s3  }
0xa9: {  	[dreg:$0x3] =	wrdreg s5  }
0xaa: {  	[dreg:$0x4] =	wrdreg $0xC0  }
0xab: {  	_ =	task [dreg:s7], $0x5FFFF  }
0xac: {  	[dreg:$0x1] =	wrdreg $0xFFFFFFFF  }
0xad: {  	[dreg:$0x0] =	wrdreg $0x60  }
0xae: {  	[dreg:$0x2] =	wrdreg s2  }
0xaf: {  	[dreg:$0x3] =	wrdreg s24  }
0xb0: {  	[dreg:$0x4] =	wrdreg $0x44000  }
0xb1: {  	[dreg:$0x5] =	wrdreg $0x9  }
0xb2: {  	_ =	task.clear_ibuf [dreg:s7], $0x6FFFF;
	_ =	strace $0x90000046  }
0xb3: {  	s29 =	simm.s32 $0x9;
	_ =	strace $0x80000048  }
0xb4: {  	_ =	swait.ge [sflag:s29], $0x1  }
0xb5: {  	[sflag:s29] =	ssyncadd.s32 $0xFFFFFFFF  }
0xb6: {  	_ =	strace $0x90000048  }
0xb7: {  	_ =	sfence  }
0xb8: {  	s30 =	sld [smem:$0x0];
	_ =	sdelay $0x2  }
0xb9: {  	s31 =	sshll.u32 s1, $0xD;
	s1 =	sshrl.u32 s1, $0x2  }
0xba: {  	s3 =	sand.u32 $0x4000, s31;
	s1 =	sadd.s32 s1, s30  }
0xbb: {  	s0 =	sor.u32 s3, s0;
	s1 =	sshll.u32 s1, $0x11  }
0xbc: {  	s0 =	sor.u32 s1, s0  }
0xbd: {  	s0 =	sadd.s32 $0x8F2B, s0  }
0xbe: {  	[sflag:s0] =	ssyncadd.remote.s32 $0x1  }
0xbf: {  	_ =	sfence.sel $0xFFFF  }
0xc0: {  	[dreg:$0x0] =	wrdreg $0xFFFFFFFF;
	(pc) =	sbr.abs _section_cstart, $3  }
0xc1: {  	[dreg:$0x1] =	wrdreg $0xFFFFFFFF  }
0xc2: {  	_ =	task.clear_ibuf [dreg:s7], $0x2FFFF;
	_ =	strace $0x9FFFFFFF  }
0xc3: {  	(tm) =	ssettm $0x7FFFFFFF  }
tec
execute0_lowered:
.L_overlay_start_1:
0x0: {  	(tag) =	ssettag $0x1  }
0x1: {  	s2 =	rddreg [dreg:$0x0]  }
0x2: {  	s0 =	rddreg [dreg:$0x1]  }
0x3: {  	s3 =	rddreg [dreg:$0x2]  }
0x4: {  	s12 =	stileid.u32;
	s5 =	srdreg.scid;
	s4 =	simm.s32 $0x0  }
0x5: {  	s28 =	simm.s32 $0x2;
	s29 =	simm.s32 $0x180;
	s1 =	smul.u32 $0x18800, s12  }
0x6: {  	s30 =	simm.s32 $0x280;
	s31 =	simm.s32 $0x380;
	s7 =	smul.u32 $0x3100, s12  }
0x7: {  	s6 =	sand.u32 $0x1, s5;
	[smem:$0x7FF] =	sst s4;
	s9 =	smul.u32 $0xC400, s12  }
0x8: {  	s5 =	sadd.s32 $0x2C00, s0;
	s26 =	sshll.u32 s12, $0x6;
	s8 =	smul.u32 $0xC4000, s6  }
0x9: {  	_ =	strace $0x80000047;
	s11 =	smul.u32 $0x31000, s6;
	s6 =	ssub.s32 $0x2, s6  }
0xa: {  	s10 =	sshrl.u32 s1, $0x3;
	s14 =	sshrl.u32 s6, $0x1;
	s1 =	sadd.s32 s1, s3  }
0xb: {  	s10 =	sadd.s32 s10, s0;
	s8 =	sadd.s32 s9, s8;
	s7 =	sadd.s32 s7, s11  }
0xc: {  	s16 =	ssub.s32 s6, s14;
	s15 =	sshrl.u32 s8, $0x3;
	s0 =	sadd.s32 s7, s0  }
0xd: {  	s20 =	sadd.s32 $0x33C00, s10;
	s21 =	smax.u32 s16, $0x1;
	s22 =	sadd.s32 $0x700, s8  }
0xe: {  	s23 =	sadd.s32 $0x600, s8;
	s24 =	sadd.s32 $0x500, s8;
	s9 =	sadd.s32 $0x400, s8  }
0xf: {  	s8 =	simm.s32 $0x0;
	s17 =	sadd.s32 s5, s15;
	[dreg:$0x8] =	wrdreg s20  }
0x10: {  	s0 =	sadd.s32 $0x64C00, s0;
	[dreg:$0xa] =	wrdreg s21;
	s7 =	sshrl.u32 s23, $0x3  }
0x11: {  	s25 =	sshrl.u32 s24, $0x3;
	s20 =	simm.s32 $0x300;
	s21 =	sor.u32 $0x1C07, s26  }
0x12: {  	s23 =	simm.s32 $0x80;
	s24 =	simm.s32 $0x400;
	s26 =	simm.s32 $0x1  }
0x13: {  	s18 =	sadd.s32 $0x20, s17;
	s19 =	sadd.s32 $0x40, s17;
	[dreg:$0x4] =	wrdreg s17  }
0x14: {  	s6 =	sadd.s32 $0x60, s17;
	[dreg:$0x9] =	wrdreg s0;
	s0 =	sshrl.u32 s22, $0x3  }
.Ltmp0:
0x15: {  	s14 =	sadd.s32 s7, s5;
	s15 =	sadd.s32 s25, s5;
	(pc) =	sbr.rel .LBB2_1-.Ltmp0, $4  }
0x16: {  	s17 =	simm.s32 $0x7;
	s22 =	sshrl.u32 s1, $0x3;
	[dreg:$0x5] =	wrdreg s18  }
0x17: {  	s25 =	simm.s32 $0x2400;
	s1 =	simm.s32 $0x4;
	[dreg:$0x6] =	wrdreg s19  }
0x18: {  	s7 =	simm.s32 $0x5;
	[dreg:$0x7] =	wrdreg s6;
	s13 =	sadd.s32 s0, s5  }
0x19: {  	s18 =	simm.s32 $0x100;
	s19 =	simm.s32 $0x200;
	s0 =	simm.s32 $0x3  }
.LBB2_7:
0x1a: {  	_ =	swait.ge [sflag:s28], $0x2000  }
0x1b: {  	[sflag:s28] =	ssyncset.done $0x0  }
0x1c: {  	[sflag:s28] =	ssyncadd.s32 $0xFFFFE000  }
0x1d: {  	[spmem:s3] =	stream.indirect.scatter.add.f32 [tilespmem:s25], [sflag:$0x7], $0x40, s31, s23, $0xb8;
	[tilespmem:$0x1CC00] =	vst v63  }
0x1e: {  	_ =	swait.ge [sflag:s17], $0x2000  }
0x1f: {  	[sflag:s17] =	ssyncset.done $0x0  }
0x20: {  	[sflag:s17] =	ssyncadd.s32 $0xFFFFE000  }
0x21: {  	[bflag:$0x0] =	sbarrier.arrive $0xFFFF  }
0x22: {  	s6 =	rddreg [dreg:$0x9]  }
0x23: {  	[hbm:s6], [sflag:s21] =	dma.local [spmem:s22], $0x3100  }
0x24: {  	_ =	swait.ge [sflag:s17], $0x3100  }
0x25: {  	s8 =	sadd.s32 $0x1, s8;
	s16 =	rddreg [dreg:$0xa]  }
0x26: {  	p0 =	sne.s32 s8, s16  }
.Ltmp1:
0x27: {  	_ = 	snop;
	(pc) =	sbr.rel @!p0 .LBB2_8-.Ltmp1, $3  }
0x28: {  	_ =	sdelay $0x1  }
0x29: {  	[sflag:s17] =	ssyncset.done $0x0  }
0x2a: {  	[sflag:s17] =	ssyncadd.s32 $0xFFFFCF00  }
.LBB2_1:
0x2b: {  	s6 =	rddreg [dreg:$0x4]  }
0x2c: {  	[tilespmem:s4], [sflag:$0x7] =	stream.linear.gather [hbm4b:s6+s4], $0x100, $0x38;
	[tilespmem:$0x1CC00] =	vst v63  }
0x2d: {  	_ =	swait.ge [sflag:s17], $0x100  }
0x2e: {  	[sflag:s17] =	ssyncset.done $0x0  }
0x2f: {  	s10 =	rddreg [dreg:$0x5];
	[sflag:s17] =	ssyncadd.s32 $0xFFFFFF00  }
0x30: {  	[tilespmem:s18], [sflag:$0x7] =	stream.linear.gather [hbm4b:s10+s4], $0x100, $0x38;
	[tilespmem:$0x1CC00] =	vst v63  }
0x31: {  	_ =	swait.ge [sflag:s17], $0x100  }
0x32: {  	[sflag:s17] =	ssyncset.done $0x0  }
0x33: {  	s11 =	rddreg [dreg:$0x6];
	[sflag:s17] =	ssyncadd.s32 $0xFFFFFF00  }
0x34: {  	[tilespmem:s19], [sflag:$0x7] =	stream.linear.gather [hbm4b:s11+s4], $0x100, $0x38;
	[tilespmem:$0x1CC00] =	vst v63  }
0x35: {  	_ =	swait.ge [sflag:s17], $0x100  }
0x36: {  	[sflag:s17] =	ssyncset.done $0x0  }
0x37: {  	s12 =	rddreg [dreg:$0x7];
	[sflag:s17] =	ssyncadd.s32 $0xFFFFFF00  }
0x38: {  	[tilespmem:s20], [sflag:$0x7] =	stream.linear.gather [hbm4b:s12+s4], $0x100, $0x38;
	[tilespmem:$0x1CC00] =	vst v63  }
0x39: {  	_ =	swait.ge [sflag:s17], $0x100  }
0x3a: {  	[sflag:s17] =	ssyncset.done $0x0  }
0x3b: {  	s16 =	rddreg [dreg:$0x8];
	[sflag:s17] =	ssyncadd.s32 $0xFFFFFF00  }
0x3c: {  	[spmem:s22], [sflag:s21] =	dma.local [hbm:s16], $0x3100  }
0x3d: {  	_ =	swait.ge [sflag:s17], $0x3100  }
0x3e: {  	[sflag:s17] =	ssyncset.done $0x0  }
0x3f: {  	[sflag:s17] =	ssyncadd.s32 $0xFFFFCF00  }
0x40: {  	[bflag:$0x0] =	sbarrier.arrive $0xFFFF  }
0x41: {  	[tilespmem:s24], [sflag:$0x1] =	stream.indirect.gather [hbm4b:s2+s23], $0x40, s4, s23, $0xb8;
	[tilespmem:$0x1CC00] =	vst v63  }
0x42: {  	s10 =	simm.s32 $0x0;
	s16 =	smov.u32 s9  }
0x43: {  	[tilespmem:s25], [sflag:$0x2] =	stream.indirect.gather [hbm4b:s2+s23], $0x40, s18, s23, $0xb8;
	[tilespmem:$0x1CC00] =	vst v63  }
.LBB2_2:
0x44: {  	_ =	swait.ge [sflag:s26], $0x2000;
	p0 =	seq.s32 s10, $0x1800  }
0x45: {  	[sflag:s26] =	ssyncset.done $0x0;
	p1 =	seq.s32 @!p0 s10, $0x0  }
0x46: {  	[sflag:s26] =	ssyncadd.s32 $0xFFFFE000;
	p1 =	por p0, !p1  }
0x47: {  	[spmem:s3] =	stream.indirect.scatter.add.f32 [tilespmem:s24], [sflag:$0x7], $0x40, s23, s23, $0xb8;
	[tilespmem:$0x1CC00] =	vst v63  }
.Ltmp2:
0x48: {  	_ = 	snop;
	(pc) =	sbr.rel @!p1 .LBB2_3-.Ltmp2, $4  }
0x49: {  	_ =	swait.ge [sflag:s17], $0x2000  }
0x4a: {  	s11 =	sshrl.u32 @!p0 s16, $0x3;
	[sflag:s17] =	ssyncset.done $0x0  }
0x4b: {  	s12 =	sadd.s32 @!p0 s5, s11;
	s11 =	simm.s32 @!p0 $0x0;
	[sflag:s17] =	ssyncadd.s32 $0xFFFFE000  }
0x4c: {  	[tilespmem:s11], [sflag:$0x3] =	stream.linear.gather @!p0 [hbm4b:s12+s11], $0x100, $0x38;
	[tilespmem:$0x1CC00] =	vst v63  }
.Ltmp3:
0x4d: {  	(pc) =	sbr.rel .LBB2_5-.Ltmp3, $4  }
0x4e: {  	_ = 	snop  }
0x4f: {  	_ =	swait.ge [sflag:s7], $0x100  }
0x50: {  	[sflag:s7] =	ssyncset.done $0x0  }
0x51: {  	p1 =	por $0x0, $0x0;
	[sflag:s7] =	ssyncadd.s32 $0xFFFFFF00  }
.LBB2_3:
0x52: {  	p1 =	por @!p0 $0x1, $0x1  }
.LBB2_5:
0x53: {  	[tilespmem:s24], [sflag:$0x1] =	stream.indirect.gather [hbm4b:s2+s23], $0x40, s19, s23, $0xb8;
	[tilespmem:$0x1CC00] =	vst v63  }
0x54: {  	_ =	swait.ge [sflag:s28], $0x2000  }
0x55: {  	[sflag:s28] =	ssyncset.done $0x0  }
0x56: {  	[sflag:s28] =	ssyncadd.s32 $0xFFFFE000  }
0x57: {  	[spmem:s3] =	stream.indirect.scatter.add.f32 [tilespmem:s25], [sflag:$0x7], $0x40, s29, s23, $0xb8;
	[tilespmem:$0x1CC00] =	vst v63  }
0x58: {  	_ =	swait.ge [sflag:s17], $0x2000  }
0x59: {  	[sflag:s17] =	ssyncset.done $0x0  }
0x5a: {  	s12 =	sadd.s32 @!p0 s10, s15;
	s6 =	simm.s32 @!p0 $0x100;
	[sflag:s17] =	ssyncadd.s32 $0xFFFFE000  }
0x5b: {  	[tilespmem:s6], [sflag:$0x4] =	stream.linear.gather @!p0 [hbm4b:s12+s11], $0x100, $0x38;
	[tilespmem:$0x1CC00] =	vst v63  }
0x5c: {  	s6 =	simm.s32 @!p1 $0x6  }
0x5d: {  	_ =	swait.ge @!p1 [sflag:s6], $0x100  }
0x5e: {  	[sflag:s6] =	ssyncset.done @!p1 $0x0  }
0x5f: {  	[sflag:s6] =	ssyncadd.s32 @!p1 $0xFFFFFF00  }
0x60: {  	[tilespmem:s25], [sflag:$0x2] =	stream.indirect.gather [hbm4b:s2+s23], $0x40, s20, s23, $0xb8;
	[tilespmem:$0x1CC00] =	vst v63  }
0x61: {  	_ =	swait.ge [sflag:s26], $0x2000  }
0x62: {  	[sflag:s26] =	ssyncset.done $0x0  }
.Ltmp4:
0x63: {  	[sflag:s26] =	ssyncadd.s32 $0xFFFFE000;
	(pc) =	sbr.rel @p0 .LBB2_7-.Ltmp4, $4  }
0x64: {  	[spmem:s3] =	stream.indirect.scatter.add.f32 [tilespmem:s24], [sflag:$0x7], $0x40, s30, s23, $0xb8;
	[tilespmem:$0x1CC00] =	vst v63  }
0x65: {  	_ =	swait.ge [sflag:s17], $0x2000  }
0x66: {  	[sflag:s17] =	ssyncset.done $0x0  }
0x67: {  	[sflag:s17] =	ssyncadd.s32 $0xFFFFE000  }
0x68: {  	s6 =	sadd.s32 s10, s14  }
0x69: {  	[tilespmem:s19], [sflag:$0x5] =	stream.linear.gather [hbm4b:s6+s4], $0x100, $0x38;
	[tilespmem:$0x1CC00] =	vst v63  }
0x6a: {  	_ =	swait.ge [sflag:s0], $0x100  }
0x6b: {  	[sflag:s0] =	ssyncset.done $0x0  }
0x6c: {  	[sflag:s0] =	ssyncadd.s32 $0xFFFFFF00  }
0x6d: {  	[tilespmem:s24], [sflag:$0x1] =	stream.indirect.gather [hbm4b:s2+s23], $0x40, s4, s23, $0xb8;
	[tilespmem:$0x1CC00] =	vst v63  }
0x6e: {  	_ =	swait.ge [sflag:s28], $0x2000  }
0x6f: {  	[sflag:s28] =	ssyncset.done $0x0  }
0x70: {  	[sflag:s28] =	ssyncadd.s32 $0xFFFFE000  }
0x71: {  	[spmem:s3] =	stream.indirect.scatter.add.f32 [tilespmem:s25], [sflag:$0x7], $0x40, s31, s23, $0xb8;
	[tilespmem:$0x1CC00] =	vst v63  }
0x72: {  	_ =	swait.ge [sflag:s17], $0x2000  }
0x73: {  	[sflag:s17] =	ssyncset.done $0x0  }
0x74: {  	s12 =	sadd.s32 s10, s13;
	[sflag:s17] =	ssyncadd.s32 $0xFFFFE000  }
0x75: {  	[tilespmem:s20], [sflag:$0x6] =	stream.linear.gather [hbm4b:s12+s4], $0x100, $0x38;
	[tilespmem:$0x1CC00] =	vst v63  }
.Ltmp5:
0x76: {  	_ = 	snop;
	(pc) =	sbr.rel .LBB2_2-.Ltmp5, $4  }
0x77: {  	_ =	swait.ge [sflag:s1], $0x100  }
0x78: {  	[sflag:s1] =	ssyncset.done $0x0  }
0x79: {  	s10 =	sadd.s32 $0x80, s10;
	s16 =	sadd.s32 $0x400, s16;
	[sflag:s1] =	ssyncadd.s32 $0xFFFFFF00  }
0x7a: {  	[tilespmem:s25], [sflag:$0x2] =	stream.indirect.gather [hbm4b:s2+s23], $0x40, s18, s23, $0xb8;
	[tilespmem:$0x1CC00] =	vst v63  }
.LBB2_8:
0x7b: {  	_ =	sfence.sel $0x180000  }
0x7c: {  	[bflag:$0x0] =	sbarrier.arrive $0xFFFF  }
0x7d: {  	_ =	strace $0x90000047  }
0x7e: {  	s0 =	stileid.u32;
	[bflag:$0x2] =	sbarrier.arrive $0xFFFF  }
0x7f: {  	p0 =	sne.s32 s0, $0x0;
	s0 =	rddreg [dreg:$0x3]  }
0x80: {  	s0 =	sadd.s32 @!p0 $0x100000, s0  }
0x81: {  	[sflag:s0] =	ssyncadd.tile.s32 @!p0 $0x1;
	_ =	shalt  }
.Lfunc_end2:
_tile_overlayer_lowered:
.L_overlay_start_2:
0x82: {  	(tag) =	ssettag $0x2  }
0x83: {  	s0 =	rddreg [dreg:$0x0];
	s2 =	stileid.u32  }
0x84: {  	s1 =	rddreg [dreg:$0x1];
	p0 =	sne.s32 s2, $0x0  }
0x85: {  	s3 =	rddreg [dreg:$0x2];
	[bflag:$0x3] =	sbarrier.arrive $0xFFFF;
	s2 =	simm.s32 @!p0 $0x1C07  }
0x86: {  	[timem:s3], [sflag:s2] =	dma.local @!p0 [hbm:s0], s1  }
0x87: {  	s0 =	simm.s32 @!p0 $0x7  }
0x88: {  	_ =	swait.ge @!p0 [sflag:s0], s1  }
0x89: {  	s1 =	ssub.s32 @!p0 $0x0, s1;
	[sflag:s0] =	ssyncset.done @!p0 $0x0  }
0x8a: {  	[sflag:s0] =	ssyncadd.s32 @!p0 s1  }
0x8b: {  	[bflag:$0x3] =	sbarrier.arrive $0xFFFF  }
0x8c: {  	_ =	shalt  }

</sc_bundles>
